<compile_context>
chip_gen: v7x
topology: tpu7x:2x2x1
jax: 0.10.2.dev20260603
libtpu: 0.0.44.dev20260713+nightly
codegen_flags: <defaults>
</compile_context>

<pallas_src>
import functools

import jax
import jax.numpy as jnp
from jax import lax
from jax.experimental import pallas as pl
from jax.experimental.pallas import tpu as pltpu
from jax.experimental.pallas import tpu_sc as plsc

_N = 10000
_C = 256
_E = 160000
_NC = 2
_NS = 16
_K = 128
_CH = 80
_EPAD = _NS * _CH * _K
_NPAD = 10112
_RPT = _NPAD // _NS
_H = _C // 2
_BN = 1000
_PSH = 14

_mesh = plsc.VectorSubcoreMesh(core_axis_name="c", subcore_axis_name="s")


def _fill_f32(buf, nrows, value):
    v = jnp.full((16,), value, jnp.float32)

    def body(i, carry):
        buf[i // 8, pl.ds((i % 8) * 16, 16)] = v
        return carry

    lax.fori_loop(0, nrows * 8, body, 0)


def _zero_own_rows(buf, acc_sh, r0):
    _fill_f32(buf, _K, 0.0)
    for off in range(0, _RPT - 120, _K):
        pltpu.sync_copy(buf, acc_sh.at[pl.ds(r0 + off, _K)])
    pltpu.sync_copy(buf.at[pl.ds(0, 120)],
                    acc_sh.at[pl.ds(r0 + _RPT - 120, 120)])


@functools.partial(
    pl.kernel, mesh=_mesh,
    out_type=jax.ShapeDtypeStruct((_NC, _NPAD, _H), jnp.float32),
    scratch_types=[
        pltpu.VMEM((_CH, _K), jnp.int32),
        pltpu.VMEM((1, _K), jnp.int32),
        pltpu.VMEM((_K, _H), jnp.float32),
        pltpu.VMEM_SHARED((_NPAD, _H), jnp.float32),
    ],
)
def _deg_kernel(pk_hbm, out_hbm, pk_v, di_v, ones_v, acc_sh):
    c = lax.axis_index("c")
    s = lax.axis_index("s")
    pltpu.sync_copy(pk_hbm.at[c, s], pk_v)
    r0 = s * _RPT
    _zero_own_rows(ones_v, acc_sh, r0)
    _fill_f32(ones_v, _K, 1.0)
    plsc.subcore_barrier()

    def body(j, carry):
        for u in range(8):
            sl = pl.ds(u * 16, 16)
            di_v[0, sl] = pk_v[j, sl] & ((1 << _PSH) - 1)
        pltpu.sync_copy(ones_v, acc_sh.at[di_v.at[0]], add=True)
        return carry

    lax.fori_loop(0, _CH, body, 0)
    plsc.subcore_barrier()
    pltpu.sync_copy(acc_sh.at[pl.ds(r0, _RPT)], out_hbm.at[c, pl.ds(r0, _RPT)])


@functools.partial(
    pl.kernel, mesh=_mesh,
    out_type=jax.ShapeDtypeStruct((_NC, _NPAD, _H), jnp.float32),
    scratch_types=[
        pltpu.VMEM((_CH, _K), jnp.int32),
        pltpu.VMEM((2, _K), jnp.int32),
        pltpu.VMEM((2, _K), jnp.int32),
        pltpu.VMEM((_K, _H), jnp.float32),
        pltpu.VMEM((_K, _H), jnp.float32),
        pltpu.VMEM_SHARED((_NPAD, _H), jnp.float32),
        pltpu.SemaphoreType.DMA,
        pltpu.SemaphoreType.DMA,
    ],
)
def _agg_kernel(h_hbm, pk_hbm, out_hbm,
                pk_v, si_v, di_v, buf, buf1, acc_sh, sem, sem1):
    c = lax.axis_index("c")
    s = lax.axis_index("s")
    pltpu.sync_copy(pk_hbm.at[s], pk_v)
    r0 = s * _RPT
    hh = h_hbm.at[c]
    _zero_own_rows(buf, acc_sh, r0)
    plsc.subcore_barrier()

    def unpack(j, slot):
        for u in range(8):
            sl = pl.ds(u * 16, 16)
            pk = pk_v[j, sl]
            si_v[slot, sl] = lax.shift_right_logical(pk, _PSH)
            di_v[slot, sl] = pk & ((1 << _PSH) - 1)

    unpack(0, 0)
    pltpu.async_copy(hh.at[si_v.at[0]], buf, sem)

    def body(t, carry):
        g = 2 * t
        unpack(g + 1, 1)
        pltpu.async_copy(hh.at[si_v.at[1]], buf1, sem1)
        pltpu.make_async_copy(hh.at[si_v.at[0]], buf, sem).wait()
        pltpu.sync_copy(buf, acc_sh.at[di_v.at[0]], add=True)

        @pl.when(g + 2 < _CH)
        def _():
            unpack(g + 2, 0)
            pltpu.async_copy(hh.at[si_v.at[0]], buf, sem)

        pltpu.make_async_copy(hh.at[si_v.at[1]], buf1, sem1).wait()
        pltpu.sync_copy(buf1, acc_sh.at[di_v.at[1]], add=True)
        return carry

    lax.fori_loop(0, _CH // 2, body, 0)
    plsc.subcore_barrier()
    pltpu.sync_copy(acc_sh.at[pl.ds(r0, _RPT)],
                    out_hbm.at[c, pl.ds(r0, _RPT)])


def _dinv(deg):
    return jnp.where(deg > 0.0, lax.rsqrt(jnp.where(deg > 0.0, deg, 1.0)), 0.0)


def _mm_first_body(x_ref, w_ref, dego_ref, o_ref):
    y = jnp.dot(x_ref[...], w_ref[...], preferred_element_type=jnp.float32)
    y = y * _dinv(dego_ref[...])
    o_ref[0] = y[:, :_H]
    o_ref[1] = y[:, _H:]


def _mm_first(x, w, dego):
    return pl.pallas_call(
        _mm_first_body,
        grid=(_N // _BN,),
        in_specs=[
            pl.BlockSpec((_BN, _C), lambda i: (i, 0)),
            pl.BlockSpec((_C, _C), lambda i: (0, 0)),
            pl.BlockSpec((_BN, 1), lambda i: (i, 0)),
        ],
        out_specs=pl.BlockSpec((_NC, _BN, _H), lambda i: (0, i, 0)),
        out_shape=jax.ShapeDtypeStruct((_NC, _N, _H), jnp.float32),
    )(x, w, dego)


def _mm_mid_body(acc_ref, degi_ref, b_ref, w_ref, dego_ref, o_ref):
    x = jnp.concatenate([acc_ref[0], acc_ref[1]], axis=1)
    x = jnp.maximum(x * _dinv(degi_ref[...]) + b_ref[...], 0.0)
    y = jnp.dot(x, w_ref[...], preferred_element_type=jnp.float32)
    y = y * _dinv(dego_ref[...])
    o_ref[0] = y[:, :_H]
    o_ref[1] = y[:, _H:]


def _mm_mid(acc, degi, b, w, dego):
    return pl.pallas_call(
        _mm_mid_body,
        grid=(_N // _BN,),
        in_specs=[
            pl.BlockSpec((_NC, _BN, _H), lambda i: (0, i, 0)),
            pl.BlockSpec((_BN, 1), lambda i: (i, 0)),
            pl.BlockSpec((1, _C), lambda i: (0, 0)),
            pl.BlockSpec((_C, _C), lambda i: (0, 0)),
            pl.BlockSpec((_BN, 1), lambda i: (i, 0)),
        ],
        out_specs=pl.BlockSpec((_NC, _BN, _H), lambda i: (0, i, 0)),
        out_shape=jax.ShapeDtypeStruct((_NC, _N, _H), jnp.float32),
    )(acc, degi, b, w, dego)


def _post_body(acc_ref, deg_ref, b_ref, o_ref):
    x = jnp.concatenate([acc_ref[0], acc_ref[1]], axis=1)
    o_ref[...] = x * _dinv(deg_ref[...]) + b_ref[...]


def _post(acc, deg, b):
    return pl.pallas_call(
        _post_body,
        grid=(_N // _BN,),
        in_specs=[
            pl.BlockSpec((_NC, _BN, _H), lambda i: (0, i, 0)),
            pl.BlockSpec((_BN, 1), lambda i: (i, 0)),
            pl.BlockSpec((1, _C), lambda i: (0, 0)),
        ],
        out_specs=pl.BlockSpec((_BN, _C), lambda i: (i, 0)),
        out_shape=jax.ShapeDtypeStruct((_N, _C), jnp.float32),
    )(acc, deg, b)


def _prep_packed(ei):
    src, dst = ei[0], ei[1]
    r = jnp.arange(_EPAD - _E, dtype=jnp.int32)
    psrc = r % _N
    pdst = _N + r % (_NPAD - _N)
    packed = jnp.concatenate([
        jnp.left_shift(src, _PSH) | dst,
        jnp.left_shift(psrc, _PSH) | pdst,
    ])
    return packed.reshape(_NS, _CH, _K)


def kernel(edge_index_user_to_item, edge_index_item_rev_user,
           emb_user, emb_item,
           W1_u2i, b1_u2i, W1_i2u, b1_i2u,
           W2_u2i, b2_u2i, W2_i2u, b2_i2u):
    pk_a = _prep_packed(edge_index_user_to_item)
    pk_b = _prep_packed(edge_index_item_rev_user)
    pk_both = jnp.stack([pk_a, pk_b])

    deg_out = _deg_kernel(pk_both)
    deg_a = deg_out[0, :_N, 0:1]
    deg_b = deg_out[1, :_N, 0:1]

    b1u = b1_u2i.reshape(1, _C)
    b1i = b1_i2u.reshape(1, _C)
    b2u = b2_u2i.reshape(1, _C)
    b2i = b2_i2u.reshape(1, _C)

    h1a = _mm_first(emb_user, W1_u2i, deg_a)
    acc1a = _agg_kernel(h1a, pk_a)
    h1b = _mm_first(emb_item, W1_i2u, deg_b)
    acc1b = _agg_kernel(h1b, pk_b)
    h2a = _mm_mid(acc1b, deg_b, b1i, W2_u2i, deg_a)
    acc2a = _agg_kernel(h2a, pk_a)
    h2b = _mm_mid(acc1a, deg_a, b1u, W2_i2u, deg_b)
    acc2b = _agg_kernel(h2b, pk_b)

    z_item2 = _post(acc2a, deg_a, b2u)
    z_user2 = _post(acc2b, deg_b, b2i)
    return (z_user2, z_item2)

# --- scband reference (transcript-rebuilt; emitter-appended) ---
"""Pipeline reference for scband-hetero-gnn-41162966564893 (READ-ONLY COPY).

The authoritative reference and input builder live on the scoring server;
editing this copy changes nothing except your own understanding.
"""

import jax, jax.numpy as jnp
import numpy as np

N = 10000   # nodes per node type
C = 256     # hidden_channels
E = 160000  # edges per edge type


def setup_inputs(seed: int = 0) -> dict:
    key = jax.random.key(seed)
    ks = jax.random.split(key, 12)
    s = 1.0 / np.sqrt(C)
    inp = {}
    inp['edge_index_user_to_item'] = jax.random.randint(ks[0], (2, E), 0, N, dtype=jnp.int32)
    inp['edge_index_item_rev_user'] = jax.random.randint(ks[1], (2, E), 0, N, dtype=jnp.int32)
    # learned parameters
    inp['emb_user'] = jax.random.normal(ks[2], (N, C), dtype=jnp.float32)
    inp['emb_item'] = jax.random.normal(ks[3], (N, C), dtype=jnp.float32)
    inp['W1_u2i'] = jax.random.normal(ks[4], (C, C), dtype=jnp.float32) * s
    inp['b1_u2i'] = jnp.zeros((C,), dtype=jnp.float32)
    inp['W1_i2u'] = jax.random.normal(ks[5], (C, C), dtype=jnp.float32) * s
    inp['b1_i2u'] = jnp.zeros((C,), dtype=jnp.float32)
    inp['W2_u2i'] = jax.random.normal(ks[6], (C, C), dtype=jnp.float32) * s
    inp['b2_u2i'] = jnp.zeros((C,), dtype=jnp.float32)
    inp['W2_i2u'] = jax.random.normal(ks[7], (C, C), dtype=jnp.float32) * s
    inp['b2_i2u'] = jnp.zeros((C,), dtype=jnp.float32)
    return inp


def _gcn_conv(x_src, edge_index, W, b):
    # GCNConv with add_self_loops=False, normalize=True (PyG gcn_norm)
    src = edge_index[0]
    dst = edge_index[1]
    h = x_src @ W
    deg = jnp.zeros((N,), dtype=h.dtype).at[dst].add(1.0)
    dinv = jnp.where(deg > 0, 1.0 / jnp.sqrt(jnp.where(deg > 0, deg, 1.0)), 0.0)
    norm = dinv[src] * dinv[dst]
    msg = norm[:, None] * jnp.take(h, src, axis=0)
    out = jnp.zeros((N, h.shape[1]), dtype=h.dtype).at[dst].add(msg)
    return out + b


def reference(edge_index_user_to_item, edge_index_item_rev_user,
              emb_user, emb_item,
              W1_u2i, b1_u2i, W1_i2u, b1_i2u,
              W2_u2i, b2_u2i, W2_i2u, b2_i2u):
    # layer 1 (HeteroConv aggr='sum'; each dst type receives from one edge type here)
    z_item = _gcn_conv(emb_user, edge_index_user_to_item, W1_u2i, b1_u2i)
    z_user = _gcn_conv(emb_item, edge_index_item_rev_user, W1_i2u, b1_i2u)
    z_item = jax.nn.relu(z_item)
    z_user = jax.nn.relu(z_user)
    # layer 2
    z_item2 = _gcn_conv(z_user, edge_index_user_to_item, W2_u2i, b2_u2i)
    z_user2 = _gcn_conv(z_item, edge_index_item_rev_user, W2_i2u, b2_i2u)
    return (z_user2, z_item2)

if __name__ == "__main__":
    import jax
    _d = setup_inputs()
    print(jax.jit(kernel)(*tuple(_d.values())))

</pallas_src>

<mosaic_0001>
#map = affine_map<(d0, d1) -> (0, 0, 0, 0)>
#map1 = affine_map<(d0, d1) -> (0, 0, 0)>
module attributes {stable_mosaic.version = 14 : i64} {
  func.func @_deg_kernel(%arg0: i32, %arg1: i32, %arg2: memref<2x16x80x128xi32, #tpu.memory_space<hbm>>, %arg3: memref<2x10112x128xf32, #tpu.memory_space<hbm>>, %arg4: memref<80x128xi32, #tpu.memory_space<vmem>>, %arg5: memref<1x128xi32, #tpu.memory_space<vmem>>, %arg6: memref<128x128xf32, #tpu.memory_space<vmem>>, %arg7: memref<10112x128xf32, #tpu.memory_space<vmem_shared>>) attributes {dimension_semantics = [#tpu.dimension_semantics<core_parallel>, #tpu.dimension_semantics<subcore_parallel>], iteration_bounds = array<i64: 2, 16>, scalar_prefetch = 0 : i64, scratch_operands = 4 : i64, tpu.core_type = #tpu.core_type<sc_vector_subcore>, window_params = [{transform_indices = #map}, {transform_indices = #map1}]} {
    "tpu.region"() ({
      %run_scoped3A = tpu.sem_alloc : memref<!tpu.dma_semaphore, #tpu.memory_space<semaphore_mem>>
      %dma_start3A = arith.constant 0 : i32
      %dma_start3A_32 = arith.constant 0 : i32
      %dma_start3A_33 = tpu.memref_slice %arg2[%arg0, %arg1, %dma_start3A, %dma_start3A_32] : memref<2x16x80x128xi32, #tpu.memory_space<hbm>> -> memref<1x1x80x128xi32, #tpu.memory_space<hbm>>
      %dma_start3A_34 = tpu.memref_squeeze %dma_start3A_33 : memref<1x1x80x128xi32, #tpu.memory_space<hbm>> -> memref<80x128xi32, #tpu.memory_space<hbm>>
      %dma_start3A_35 = arith.constant 0 : i32
      %dma_start3A_36 = arith.constant 0 : i32
      %dma_start3A_37 = tpu.memref_slice %arg2[%arg0, %arg1, %dma_start3A_35, %dma_start3A_36] : memref<2x16x80x128xi32, #tpu.memory_space<hbm>> -> memref<1x1x80x128xi32, #tpu.memory_space<hbm>>
      %dma_start3A_38 = tpu.memref_squeeze %dma_start3A_37 : memref<1x1x80x128xi32, #tpu.memory_space<hbm>> -> memref<80x128xi32, #tpu.memory_space<hbm>>
      tpu.enqueue_dma source(%dma_start3A_38 : memref<80x128xi32, #tpu.memory_space<hbm>>) target(%arg4 : memref<80x128xi32, #tpu.memory_space<vmem>>) target_semaphore(%run_scoped3A : memref<!tpu.dma_semaphore, #tpu.memory_space<semaphore_mem>>)
      %dma_wait3A = arith.constant 0 : i32
      %dma_wait3A_39 = arith.constant 0 : i32
      %dma_wait3A_40 = tpu.memref_slice %arg2[%arg0, %arg1, %dma_wait3A, %dma_wait3A_39] : memref<2x16x80x128xi32, #tpu.memory_space<hbm>> -> memref<1x1x80x128xi32, #tpu.memory_space<hbm>>
      %dma_wait3A_41 = tpu.memref_squeeze %dma_wait3A_40 : memref<1x1x80x128xi32, #tpu.memory_space<hbm>> -> memref<80x128xi32, #tpu.memory_space<hbm>>
      %dma_wait3A_42 = arith.constant 0 : i32
      %dma_wait3A_43 = arith.constant 0 : i32
      %dma_wait3A_44 = tpu.memref_slice %arg2[%arg0, %arg1, %dma_wait3A_42, %dma_wait3A_43] : memref<2x16x80x128xi32, #tpu.memory_space<hbm>> -> memref<1x1x80x128xi32, #tpu.memory_space<hbm>>
      %dma_wait3A_45 = tpu.memref_squeeze %dma_wait3A_44 : memref<1x1x80x128xi32, #tpu.memory_space<hbm>> -> memref<80x128xi32, #tpu.memory_space<hbm>>
      tpu.wait_dma2 semaphore(%run_scoped3A : memref<!tpu.dma_semaphore, #tpu.memory_space<semaphore_mem>>) src(%dma_wait3A_45 : memref<80x128xi32, #tpu.memory_space<hbm>>) dst(%arg4 : memref<80x128xi32, #tpu.memory_space<vmem>>)
      tpu.yield
    }) : () -> ()
    %mul3A = arith.constant 632 : i32
    %mul3A_0 = arith.muli %arg1, %mul3A : i32
    %broadcast_in_dim3A = arith.constant 0.000000e+00 : f32
    %broadcast_in_dim3A_1 = vector.broadcast %broadcast_in_dim3A : f32 to vector<16xf32>
    %scan3A = arith.constant 0 : i32
    %scan3A_2 = arith.constant 0 : i32
    %scan3A_3 = arith.constant 1024 : i32
    %scan3A_4 = arith.addi %scan3A_2, %scan3A_3 : i32
    %scan3A_5 = arith.constant 1 : i32
    scf.for %scan3A_32 = %scan3A_2 to %scan3A_4 step %scan3A_5  : i32 {
      %jit3A = arith.constant 8 : i32
      %div3A = arith.divsi %scan3A_32, %jit3A : i32
      %sign3A = arith.constant 0 : i32
      %sign3A_33 = arith.cmpi sgt, %scan3A_32, %sign3A : i32
      %sign3A_34 = arith.extui %sign3A_33 : i1 to i32
      %sign3A_35 = arith.constant 0 : i32
      %sign3A_36 = arith.cmpi slt, %scan3A_32, %sign3A_35 : i32
      %sign3A_37 = arith.extui %sign3A_36 : i1 to i32
      %sign3A_38 = arith.subi %sign3A_34, %sign3A_37 : i32
      %sign3A_39 = arith.constant 0 : i32
      %sign3A_40 = arith.cmpi sgt, %jit3A, %sign3A_39 : i32
      %sign3A_41 = arith.extui %sign3A_40 : i1 to i32
      %sign3A_42 = arith.constant 0 : i32
      %sign3A_43 = arith.cmpi slt, %jit3A, %sign3A_42 : i32
      %sign3A_44 = arith.extui %sign3A_43 : i1 to i32
      %sign3A_45 = arith.subi %sign3A_41, %sign3A_44 : i32
      %ne3A = arith.cmpi ne, %sign3A_38, %sign3A_45 : i32
      %rem3A = arith.remsi %scan3A_32, %jit3A : i32
      %ne3A_46 = arith.constant 0 : i32
      %ne3A_47 = arith.cmpi ne, %rem3A, %ne3A_46 : i32
      %and3A = arith.andi %ne3A, %ne3A_47 : i1
      %sub3A_48 = arith.constant 1 : i32
      %sub3A_49 = arith.subi %div3A, %sub3A_48 : i32
      %select_n3A = arith.select %and3A, %sub3A_49, %div3A : i32
      %jit3A_50 = arith.constant 8 : i32
      %eq3A = arith.constant 0 : i32
      %eq3A_51 = arith.cmpi eq, %jit3A_50, %eq3A : i32
      %jit3A_52 = arith.constant 1 : i32
      %select_n3A_53 = arith.select %eq3A_51, %jit3A_52, %jit3A_50 : i32
      %rem3A_54 = arith.remsi %scan3A_32, %select_n3A_53 : i32
      %ne3A_55 = arith.constant 0 : i32
      %ne3A_56 = arith.cmpi ne, %rem3A_54, %ne3A_55 : i32
      %lt3A = arith.constant 0 : i32
      %lt3A_57 = arith.cmpi slt, %rem3A_54, %lt3A : i32
      %lt3A_58 = arith.constant 0 : i32
      %lt3A_59 = arith.cmpi slt, %select_n3A_53, %lt3A_58 : i32
      %ne3A_60 = arith.xori %lt3A_57, %lt3A_59 : i1
      %and3A_61 = arith.andi %ne3A_60, %ne3A_56 : i1
      %add3A_62 = arith.addi %rem3A_54, %select_n3A_53 : i32
      %select_n3A_63 = arith.select %and3A_61, %add3A_62, %rem3A_54 : i32
      %mul3A_64 = arith.constant 16 : i32
      %mul3A_65 = arith.muli %select_n3A_63, %mul3A_64 : i32
      %swap3A = arith.index_cast %select_n3A : i32 to index
      %swap3A_66 = arith.index_cast %mul3A_65 : i32 to index
      %swap3A_67 = tpu.vector_load %arg6[%swap3A, %swap3A_66] {strides = array<i32>} : memref<128x128xf32, #tpu.memory_space<vmem>>, vector<1x16xf32>,
      %swap3A_68 = vector.shape_cast %swap3A_67 : vector<1x16xf32> to vector<16xf32>
      %swap3A_69 = vector.shape_cast %broadcast_in_dim3A_1 : vector<16xf32> to vector<1x16xf32>
      tpu.vector_store %arg6[%swap3A, %swap3A_66], %swap3A_69 {strides = array<i32>} : memref<128x128xf32, #tpu.memory_space<vmem>>, vector<1x16xf32>,
    }
    %scan3A_6 = arith.constant 1024 : i32
    %add3A = arith.constant 0 : i32
    %add3A_7 = arith.addi %mul3A_0, %add3A : i32
    "tpu.region"() ({
      %run_scoped3A = tpu.sem_alloc : memref<!tpu.dma_semaphore, #tpu.memory_space<semaphore_mem>>
      %dma_start3A = arith.constant 0 : i32
      %dma_start3A_32 = tpu.memref_slice %arg7[%add3A_7, %dma_start3A] : memref<10112x128xf32, #tpu.memory_space<vmem_shared>> -> memref<128x128xf32, #tpu.memory_space<vmem_shared>>
      %dma_start3A_33 = arith.constant 0 : i32
      %dma_start3A_34 = tpu.memref_slice %arg7[%add3A_7, %dma_start3A_33] : memref<10112x128xf32, #tpu.memory_space<vmem_shared>> -> memref<128x128xf32, #tpu.memory_space<vmem_shared>>
      tpu.enqueue_dma source(%arg6 : memref<128x128xf32, #tpu.memory_space<vmem>>) target(%dma_start3A_34 : memref<128x128xf32, #tpu.memory_space<vmem_shared>>) target_semaphore(%run_scoped3A : memref<!tpu.dma_semaphore, #tpu.memory_space<semaphore_mem>>)
      %dma_wait3A = arith.constant 0 : i32
      %dma_wait3A_35 = tpu.memref_slice %arg7[%add3A_7, %dma_wait3A] : memref<10112x128xf32, #tpu.memory_space<vmem_shared>> -> memref<128x128xf32, #tpu.memory_space<vmem_shared>>
      %dma_wait3A_36 = arith.constant 0 : i32
      %dma_wait3A_37 = tpu.memref_slice %arg7[%add3A_7, %dma_wait3A_36] : memref<10112x128xf32, #tpu.memory_space<vmem_shared>> -> memref<128x128xf32, #tpu.memory_space<vmem_shared>>
      tpu.wait_dma2 semaphore(%run_scoped3A : memref<!tpu.dma_semaphore, #tpu.memory_space<semaphore_mem>>) src(%arg6 : memref<128x128xf32, #tpu.memory_space<vmem>>) dst(%dma_wait3A_37 : memref<128x128xf32, #tpu.memory_space<vmem_shared>>)
      tpu.yield
    }) : () -> ()
    %add3A_8 = arith.constant 128 : i32
    %add3A_9 = arith.addi %mul3A_0, %add3A_8 : i32
    "tpu.region"() ({
      %run_scoped3A = tpu.sem_alloc : memref<!tpu.dma_semaphore, #tpu.memory_space<semaphore_mem>>
      %dma_start3A = arith.constant 0 : i32
      %dma_start3A_32 = tpu.memref_slice %arg7[%add3A_9, %dma_start3A] : memref<10112x128xf32, #tpu.memory_space<vmem_shared>> -> memref<128x128xf32, #tpu.memory_space<vmem_shared>>
      %dma_start3A_33 = arith.constant 0 : i32
      %dma_start3A_34 = tpu.memref_slice %arg7[%add3A_9, %dma_start3A_33] : memref<10112x128xf32, #tpu.memory_space<vmem_shared>> -> memref<128x128xf32, #tpu.memory_space<vmem_shared>>
      tpu.enqueue_dma source(%arg6 : memref<128x128xf32, #tpu.memory_space<vmem>>) target(%dma_start3A_34 : memref<128x128xf32, #tpu.memory_space<vmem_shared>>) target_semaphore(%run_scoped3A : memref<!tpu.dma_semaphore, #tpu.memory_space<semaphore_mem>>)
      %dma_wait3A = arith.constant 0 : i32
      %dma_wait3A_35 = tpu.memref_slice %arg7[%add3A_9, %dma_wait3A] : memref<10112x128xf32, #tpu.memory_space<vmem_shared>> -> memref<128x128xf32, #tpu.memory_space<vmem_shared>>
      %dma_wait3A_36 = arith.constant 0 : i32
      %dma_wait3A_37 = tpu.memref_slice %arg7[%add3A_9, %dma_wait3A_36] : memref<10112x128xf32, #tpu.memory_space<vmem_shared>> -> memref<128x128xf32, #tpu.memory_space<vmem_shared>>
      tpu.wait_dma2 semaphore(%run_scoped3A : memref<!tpu.dma_semaphore, #tpu.memory_space<semaphore_mem>>) src(%arg6 : memref<128x128xf32, #tpu.memory_space<vmem>>) dst(%dma_wait3A_37 : memref<128x128xf32, #tpu.memory_space<vmem_shared>>)
      tpu.yield
    }) : () -> ()
    %add3A_10 = arith.constant 256 : i32
    %add3A_11 = arith.addi %mul3A_0, %add3A_10 : i32
    "tpu.region"() ({
      %run_scoped3A = tpu.sem_alloc : memref<!tpu.dma_semaphore, #tpu.memory_space<semaphore_mem>>
      %dma_start3A = arith.constant 0 : i32
      %dma_start3A_32 = tpu.memref_slice %arg7[%add3A_11, %dma_start3A] : memref<10112x128xf32, #tpu.memory_space<vmem_shared>> -> memref<128x128xf32, #tpu.memory_space<vmem_shared>>
      %dma_start3A_33 = arith.constant 0 : i32
      %dma_start3A_34 = tpu.memref_slice %arg7[%add3A_11, %dma_start3A_33] : memref<10112x128xf32, #tpu.memory_space<vmem_shared>> -> memref<128x128xf32, #tpu.memory_space<vmem_shared>>
      tpu.enqueue_dma source(%arg6 : memref<128x128xf32, #tpu.memory_space<vmem>>) target(%dma_start3A_34 : memref<128x128xf32, #tpu.memory_space<vmem_shared>>) target_semaphore(%run_scoped3A : memref<!tpu.dma_semaphore, #tpu.memory_space<semaphore_mem>>)
      %dma_wait3A = arith.constant 0 : i32
      %dma_wait3A_35 = tpu.memref_slice %arg7[%add3A_11, %dma_wait3A] : memref<10112x128xf32, #tpu.memory_space<vmem_shared>> -> memref<128x128xf32, #tpu.memory_space<vmem_shared>>
      %dma_wait3A_36 = arith.constant 0 : i32
      %dma_wait3A_37 = tpu.memref_slice %arg7[%add3A_11, %dma_wait3A_36] : memref<10112x128xf32, #tpu.memory_space<vmem_shared>> -> memref<128x128xf32, #tpu.memory_space<vmem_shared>>
      tpu.wait_dma2 semaphore(%run_scoped3A : memref<!tpu.dma_semaphore, #tpu.memory_space<semaphore_mem>>) src(%arg6 : memref<128x128xf32, #tpu.memory_space<vmem>>) dst(%dma_wait3A_37 : memref<128x128xf32, #tpu.memory_space<vmem_shared>>)
      tpu.yield
    }) : () -> ()
    %add3A_12 = arith.constant 384 : i32
    %add3A_13 = arith.addi %mul3A_0, %add3A_12 : i32
    "tpu.region"() ({
      %run_scoped3A = tpu.sem_alloc : memref<!tpu.dma_semaphore, #tpu.memory_space<semaphore_mem>>
      %dma_start3A = arith.constant 0 : i32
      %dma_start3A_32 = tpu.memref_slice %arg7[%add3A_13, %dma_start3A] : memref<10112x128xf32, #tpu.memory_space<vmem_shared>> -> memref<128x128xf32, #tpu.memory_space<vmem_shared>>
      %dma_start3A_33 = arith.constant 0 : i32
      %dma_start3A_34 = tpu.memref_slice %arg7[%add3A_13, %dma_start3A_33] : memref<10112x128xf32, #tpu.memory_space<vmem_shared>> -> memref<128x128xf32, #tpu.memory_space<vmem_shared>>
      tpu.enqueue_dma source(%arg6 : memref<128x128xf32, #tpu.memory_space<vmem>>) target(%dma_start3A_34 : memref<128x128xf32, #tpu.memory_space<vmem_shared>>) target_semaphore(%run_scoped3A : memref<!tpu.dma_semaphore, #tpu.memory_space<semaphore_mem>>)
      %dma_wait3A = arith.constant 0 : i32
      %dma_wait3A_35 = tpu.memref_slice %arg7[%add3A_13, %dma_wait3A] : memref<10112x128xf32, #tpu.memory_space<vmem_shared>> -> memref<128x128xf32, #tpu.memory_space<vmem_shared>>
      %dma_wait3A_36 = arith.constant 0 : i32
      %dma_wait3A_37 = tpu.memref_slice %arg7[%add3A_13, %dma_wait3A_36] : memref<10112x128xf32, #tpu.memory_space<vmem_shared>> -> memref<128x128xf32, #tpu.memory_space<vmem_shared>>
      tpu.wait_dma2 semaphore(%run_scoped3A : memref<!tpu.dma_semaphore, #tpu.memory_space<semaphore_mem>>) src(%arg6 : memref<128x128xf32, #tpu.memory_space<vmem>>) dst(%dma_wait3A_37 : memref<128x128xf32, #tpu.memory_space<vmem_shared>>)
      tpu.yield
    }) : () -> ()
    %add3A_14 = arith.constant 632 : i32
    %add3A_15 = arith.addi %mul3A_0, %add3A_14 : i32
    %sub3A = arith.constant 120 : i32
    %sub3A_16 = arith.subi %add3A_15, %sub3A : i32
    "tpu.region"() ({
      %run_scoped3A = tpu.sem_alloc : memref<!tpu.dma_semaphore, #tpu.memory_space<semaphore_mem>>
      %dma_start3A = arith.constant 0 : i32
      %dma_start3A_32 = arith.constant 0 : i32
      %dma_start3A_33 = tpu.memref_slice %arg6[%dma_start3A, %dma_start3A_32] : memref<128x128xf32, #tpu.memory_space<vmem>> -> memref<120x128xf32, #tpu.memory_space<vmem>>
      %dma_start3A_34 = arith.constant 0 : i32
      %dma_start3A_35 = tpu.memref_slice %arg7[%sub3A_16, %dma_start3A_34] : memref<10112x128xf32, #tpu.memory_space<vmem_shared>> -> memref<120x128xf32, #tpu.memory_space<vmem_shared>>
      %dma_start3A_36 = arith.constant 0 : i32
      %dma_start3A_37 = tpu.memref_slice %arg7[%sub3A_16, %dma_start3A_36] : memref<10112x128xf32, #tpu.memory_space<vmem_shared>> -> memref<120x128xf32, #tpu.memory_space<vmem_shared>>
      %dma_start3A_38 = arith.constant 0 : i32
      %dma_start3A_39 = arith.constant 0 : i32
      %dma_start3A_40 = tpu.memref_slice %arg6[%dma_start3A_38, %dma_start3A_39] : memref<128x128xf32, #tpu.memory_space<vmem>> -> memref<120x128xf32, #tpu.memory_space<vmem>>
      tpu.enqueue_dma source(%dma_start3A_40 : memref<120x128xf32, #tpu.memory_space<vmem>>) target(%dma_start3A_37 : memref<120x128xf32, #tpu.memory_space<vmem_shared>>) target_semaphore(%run_scoped3A : memref<!tpu.dma_semaphore, #tpu.memory_space<semaphore_mem>>)
      %dma_wait3A = arith.constant 0 : i32
      %dma_wait3A_41 = arith.constant 0 : i32
      %dma_wait3A_42 = tpu.memref_slice %arg6[%dma_wait3A, %dma_wait3A_41] : memref<128x128xf32, #tpu.memory_space<vmem>> -> memref<120x128xf32, #tpu.memory_space<vmem>>
      %dma_wait3A_43 = arith.constant 0 : i32
      %dma_wait3A_44 = tpu.memref_slice %arg7[%sub3A_16, %dma_wait3A_43] : memref<10112x128xf32, #tpu.memory_space<vmem_shared>> -> memref<120x128xf32, #tpu.memory_space<vmem_shared>>
      %dma_wait3A_45 = arith.constant 0 : i32
      %dma_wait3A_46 = tpu.memref_slice %arg7[%sub3A_16, %dma_wait3A_45] : memref<10112x128xf32, #tpu.memory_space<vmem_shared>> -> memref<120x128xf32, #tpu.memory_space<vmem_shared>>
      %dma_wait3A_47 = arith.constant 0 : i32
      %dma_wait3A_48 = arith.constant 0 : i32
      %dma_wait3A_49 = tpu.memref_slice %arg6[%dma_wait3A_47, %dma_wait3A_48] : memref<128x128xf32, #tpu.memory_space<vmem>> -> memref<120x128xf32, #tpu.memory_space<vmem>>
      tpu.wait_dma2 semaphore(%run_scoped3A : memref<!tpu.dma_semaphore, #tpu.memory_space<semaphore_mem>>) src(%dma_wait3A_49 : memref<120x128xf32, #tpu.memory_space<vmem>>) dst(%dma_wait3A_46 : memref<120x128xf32, #tpu.memory_space<vmem_shared>>)
      tpu.yield
    }) : () -> ()
    %broadcast_in_dim3A_17 = arith.constant 1.000000e+00 : f32
    %broadcast_in_dim3A_18 = vector.broadcast %broadcast_in_dim3A_17 : f32 to vector<16xf32>
    %scan3A_19 = arith.constant 0 : i32
    %scan3A_20 = arith.constant 0 : i32
    %scan3A_21 = arith.constant 1024 : i32
    %scan3A_22 = arith.addi %scan3A_20, %scan3A_21 : i32
    %scan3A_23 = arith.constant 1 : i32
    scf.for %scan3A_32 = %scan3A_20 to %scan3A_22 step %scan3A_23  : i32 {
      %jit3A = arith.constant 8 : i32
      %div3A = arith.divsi %scan3A_32, %jit3A : i32
      %sign3A = arith.constant 0 : i32
      %sign3A_33 = arith.cmpi sgt, %scan3A_32, %sign3A : i32
      %sign3A_34 = arith.extui %sign3A_33 : i1 to i32
      %sign3A_35 = arith.constant 0 : i32
      %sign3A_36 = arith.cmpi slt, %scan3A_32, %sign3A_35 : i32
      %sign3A_37 = arith.extui %sign3A_36 : i1 to i32
      %sign3A_38 = arith.subi %sign3A_34, %sign3A_37 : i32
      %sign3A_39 = arith.constant 0 : i32
      %sign3A_40 = arith.cmpi sgt, %jit3A, %sign3A_39 : i32
      %sign3A_41 = arith.extui %sign3A_40 : i1 to i32
      %sign3A_42 = arith.constant 0 : i32
      %sign3A_43 = arith.cmpi slt, %jit3A, %sign3A_42 : i32
      %sign3A_44 = arith.extui %sign3A_43 : i1 to i32
      %sign3A_45 = arith.subi %sign3A_41, %sign3A_44 : i32
      %ne3A = arith.cmpi ne, %sign3A_38, %sign3A_45 : i32
      %rem3A = arith.remsi %scan3A_32, %jit3A : i32
      %ne3A_46 = arith.constant 0 : i32
      %ne3A_47 = arith.cmpi ne, %rem3A, %ne3A_46 : i32
      %and3A = arith.andi %ne3A, %ne3A_47 : i1
      %sub3A_48 = arith.constant 1 : i32
      %sub3A_49 = arith.subi %div3A, %sub3A_48 : i32
      %select_n3A = arith.select %and3A, %sub3A_49, %div3A : i32
      %jit3A_50 = arith.constant 8 : i32
      %eq3A = arith.constant 0 : i32
      %eq3A_51 = arith.cmpi eq, %jit3A_50, %eq3A : i32
      %jit3A_52 = arith.constant 1 : i32
      %select_n3A_53 = arith.select %eq3A_51, %jit3A_52, %jit3A_50 : i32
      %rem3A_54 = arith.remsi %scan3A_32, %select_n3A_53 : i32
      %ne3A_55 = arith.constant 0 : i32
      %ne3A_56 = arith.cmpi ne, %rem3A_54, %ne3A_55 : i32
      %lt3A = arith.constant 0 : i32
      %lt3A_57 = arith.cmpi slt, %rem3A_54, %lt3A : i32
      %lt3A_58 = arith.constant 0 : i32
      %lt3A_59 = arith.cmpi slt, %select_n3A_53, %lt3A_58 : i32
      %ne3A_60 = arith.xori %lt3A_57, %lt3A_59 : i1
      %and3A_61 = arith.andi %ne3A_60, %ne3A_56 : i1
      %add3A_62 = arith.addi %rem3A_54, %select_n3A_53 : i32
      %select_n3A_63 = arith.select %and3A_61, %add3A_62, %rem3A_54 : i32
      %mul3A_64 = arith.constant 16 : i32
      %mul3A_65 = arith.muli %select_n3A_63, %mul3A_64 : i32
      %swap3A = arith.index_cast %select_n3A : i32 to index
      %swap3A_66 = arith.index_cast %mul3A_65 : i32 to index
      %swap3A_67 = tpu.vector_load %arg6[%swap3A, %swap3A_66] {strides = array<i32>} : memref<128x128xf32, #tpu.memory_space<vmem>>, vector<1x16xf32>,
      %swap3A_68 = vector.shape_cast %swap3A_67 : vector<1x16xf32> to vector<16xf32>
      %swap3A_69 = vector.shape_cast %broadcast_in_dim3A_18 : vector<16xf32> to vector<1x16xf32>
      tpu.vector_store %arg6[%swap3A, %swap3A_66], %swap3A_69 {strides = array<i32>} : memref<128x128xf32, #tpu.memory_space<vmem>>, vector<1x16xf32>,
    }
    %scan3A_24 = arith.constant 1024 : i32
    %barrier3A = arith.constant 0 : index
    tpu.barrier barrier_id(%barrier3A)
    %scan3A_25 = arith.constant 0 : i32
    %scan3A_26 = arith.constant 0 : i32
    %scan3A_27 = arith.constant 80 : i32
    %scan3A_28 = arith.addi %scan3A_26, %scan3A_27 : i32
    %scan3A_29 = arith.constant 1 : i32
    scf.for %scan3A_32 = %scan3A_26 to %scan3A_28 step %scan3A_29  : i32 {
      %get3A = arith.index_cast %scan3A_32 : i32 to index
      %get3A_33 = arith.constant 0 : index
      %get3A_34 = tpu.vector_load %arg4[%get3A, %get3A_33] {strides = array<i32>} : memref<80x128xi32, #tpu.memory_space<vmem>>, vector<1x16xi32>,
      %get3A_35 = vector.shape_cast %get3A_34 : vector<1x16xi32> to vector<16xi32>
      %and3A = arith.constant 16383 : i32
      %and3A_36 = vector.broadcast %and3A : i32 to vector<16xi32>
      %and3A_37 = arith.andi %get3A_35, %and3A_36 : vector<16xi32>
      %swap3A = arith.constant 0 : i32
      %swap3A_38 = arith.index_cast %swap3A : i32 to index
      %swap3A_39 = arith.constant 0 : index
      %swap3A_40 = tpu.vector_load %arg5[%swap3A_38, %swap3A_39] {strides = array<i32>} : memref<1x128xi32, #tpu.memory_space<vmem>>, vector<1x16xi32>,
      %swap3A_41 = vector.shape_cast %swap3A_40 : vector<1x16xi32> to vector<16xi32>
      %swap3A_42 = vector.shape_cast %and3A_37 : vector<16xi32> to vector<1x16xi32>
      tpu.vector_store %arg5[%swap3A_38, %swap3A_39], %swap3A_42 {strides = array<i32>} : memref<1x128xi32, #tpu.memory_space<vmem>>, vector<1x16xi32>,
      %get3A_43 = arith.index_cast %scan3A_32 : i32 to index
      %get3A_44 = arith.constant 16 : index
      %get3A_45 = tpu.vector_load %arg4[%get3A_43, %get3A_44] {strides = array<i32>} : memref<80x128xi32, #tpu.memory_space<vmem>>, vector<1x16xi32>,
      %get3A_46 = vector.shape_cast %get3A_45 : vector<1x16xi32> to vector<16xi32>
      %and3A_47 = arith.constant 16383 : i32
      %and3A_48 = vector.broadcast %and3A_47 : i32 to vector<16xi32>
      %and3A_49 = arith.andi %get3A_46, %and3A_48 : vector<16xi32>
      %swap3A_50 = arith.constant 0 : i32
      %swap3A_51 = arith.index_cast %swap3A_50 : i32 to index
      %swap3A_52 = arith.constant 16 : index
      %swap3A_53 = tpu.vector_load %arg5[%swap3A_51, %swap3A_52] {strides = array<i32>} : memref<1x128xi32, #tpu.memory_space<vmem>>, vector<1x16xi32>,
      %swap3A_54 = vector.shape_cast %swap3A_53 : vector<1x16xi32> to vector<16xi32>
      %swap3A_55 = vector.shape_cast %and3A_49 : vector<16xi32> to vector<1x16xi32>
      tpu.vector_store %arg5[%swap3A_51, %swap3A_52], %swap3A_55 {strides = array<i32>} : memref<1x128xi32, #tpu.memory_space<vmem>>, vector<1x16xi32>,
      %get3A_56 = arith.index_cast %scan3A_32 : i32 to index
      %get3A_57 = arith.constant 32 : index
      %get3A_58 = tpu.vector_load %arg4[%get3A_56, %get3A_57] {strides = array<i32>} : memref<80x128xi32, #tpu.memory_space<vmem>>, vector<1x16xi32>,
      %get3A_59 = vector.shape_cast %get3A_58 : vector<1x16xi32> to vector<16xi32>
      %and3A_60 = arith.constant 16383 : i32
      %and3A_61 = vector.broadcast %and3A_60 : i32 to vector<16xi32>
      %and3A_62 = arith.andi %get3A_59, %and3A_61 : vector<16xi32>
      %swap3A_63 = arith.constant 0 : i32
      %swap3A_64 = arith.index_cast %swap3A_63 : i32 to index
      %swap3A_65 = arith.constant 32 : index
      %swap3A_66 = tpu.vector_load %arg5[%swap3A_64, %swap3A_65] {strides = array<i32>} : memref<1x128xi32, #tpu.memory_space<vmem>>, vector<1x16xi32>,
      %swap3A_67 = vector.shape_cast %swap3A_66 : vector<1x16xi32> to vector<16xi32>
      %swap3A_68 = vector.shape_cast %and3A_62 : vector<16xi32> to vector<1x16xi32>
      tpu.vector_store %arg5[%swap3A_64, %swap3A_65], %swap3A_68 {strides = array<i32>} : memref<1x128xi32, #tpu.memory_space<vmem>>, vector<1x16xi32>,
      %get3A_69 = arith.index_cast %scan3A_32 : i32 to index
      %get3A_70 = arith.constant 48 : index
      %get3A_71 = tpu.vector_load %arg4[%get3A_69, %get3A_70] {strides = array<i32>} : memref<80x128xi32, #tpu.memory_space<vmem>>, vector<1x16xi32>,
      %get3A_72 = vector.shape_cast %get3A_71 : vector<1x16xi32> to vector<16xi32>
      %and3A_73 = arith.constant 16383 : i32
      %and3A_74 = vector.broadcast %and3A_73 : i32 to vector<16xi32>
      %and3A_75 = arith.andi %get3A_72, %and3A_74 : vector<16xi32>
      %swap3A_76 = arith.constant 0 : i32
      %swap3A_77 = arith.index_cast %swap3A_76 : i32 to index
      %swap3A_78 = arith.constant 48 : index
      %swap3A_79 = tpu.vector_load %arg5[%swap3A_77, %swap3A_78] {strides = array<i32>} : memref<1x128xi32, #tpu.memory_space<vmem>>, vector<1x16xi32>,
      %swap3A_80 = vector.shape_cast %swap3A_79 : vector<1x16xi32> to vector<16xi32>
      %swap3A_81 = vector.shape_cast %and3A_75 : vector<16xi32> to vector<1x16xi32>
      tpu.vector_store %arg5[%swap3A_77, %swap3A_78], %swap3A_81 {strides = array<i32>} : memref<1x128xi32, #tpu.memory_space<vmem>>, vector<1x16xi32>,
      %get3A_82 = arith.index_cast %scan3A_32 : i32 to index
      %get3A_83 = arith.constant 64 : index
      %get3A_84 = tpu.vector_load %arg4[%get3A_82, %get3A_83] {strides = array<i32>} : memref<80x128xi32, #tpu.memory_space<vmem>>, vector<1x16xi32>,
      %get3A_85 = vector.shape_cast %get3A_84 : vector<1x16xi32> to vector<16xi32>
      %and3A_86 = arith.constant 16383 : i32
      %and3A_87 = vector.broadcast %and3A_86 : i32 to vector<16xi32>
      %and3A_88 = arith.andi %get3A_85, %and3A_87 : vector<16xi32>
      %swap3A_89 = arith.constant 0 : i32
      %swap3A_90 = arith.index_cast %swap3A_89 : i32 to index
      %swap3A_91 = arith.constant 64 : index
      %swap3A_92 = tpu.vector_load %arg5[%swap3A_90, %swap3A_91] {strides = array<i32>} : memref<1x128xi32, #tpu.memory_space<vmem>>, vector<1x16xi32>,
      %swap3A_93 = vector.shape_cast %swap3A_92 : vector<1x16xi32> to vector<16xi32>
      %swap3A_94 = vector.shape_cast %and3A_88 : vector<16xi32> to vector<1x16xi32>
      tpu.vector_store %arg5[%swap3A_90, %swap3A_91], %swap3A_94 {strides = array<i32>} : memref<1x128xi32, #tpu.memory_space<vmem>>, vector<1x16xi32>,
      %get3A_95 = arith.index_cast %scan3A_32 : i32 to index
      %get3A_96 = arith.constant 80 : index
      %get3A_97 = tpu.vector_load %arg4[%get3A_95, %get3A_96] {strides = array<i32>} : memref<80x128xi32, #tpu.memory_space<vmem>>, vector<1x16xi32>,
      %get3A_98 = vector.shape_cast %get3A_97 : vector<1x16xi32> to vector<16xi32>
      %and3A_99 = arith.constant 16383 : i32
      %and3A_100 = vector.broadcast %and3A_99 : i32 to vector<16xi32>
      %and3A_101 = arith.andi %get3A_98, %and3A_100 : vector<16xi32>
      %swap3A_102 = arith.constant 0 : i32
      %swap3A_103 = arith.index_cast %swap3A_102 : i32 to index
      %swap3A_104 = arith.constant 80 : index
      %swap3A_105 = tpu.vector_load %arg5[%swap3A_103, %swap3A_104] {strides = array<i32>} : memref<1x128xi32, #tpu.memory_space<vmem>>, vector<1x16xi32>,
      %swap3A_106 = vector.shape_cast %swap3A_105 : vector<1x16xi32> to vector<16xi32>
      %swap3A_107 = vector.shape_cast %and3A_101 : vector<16xi32> to vector<1x16xi32>
      tpu.vector_store %arg5[%swap3A_103, %swap3A_104], %swap3A_107 {strides = array<i32>} : memref<1x128xi32, #tpu.memory_space<vmem>>, vector<1x16xi32>,
      %get3A_108 = arith.index_cast %scan3A_32 : i32 to index
      %get3A_109 = arith.constant 96 : index
      %get3A_110 = tpu.vector_load %arg4[%get3A_108, %get3A_109] {strides = array<i32>} : memref<80x128xi32, #tpu.memory_space<vmem>>, vector<1x16xi32>,
      %get3A_111 = vector.shape_cast %get3A_110 : vector<1x16xi32> to vector<16xi32>
      %and3A_112 = arith.constant 16383 : i32
      %and3A_113 = vector.broadcast %and3A_112 : i32 to vector<16xi32>
      %and3A_114 = arith.andi %get3A_111, %and3A_113 : vector<16xi32>
      %swap3A_115 = arith.constant 0 : i32
      %swap3A_116 = arith.index_cast %swap3A_115 : i32 to index
      %swap3A_117 = arith.constant 96 : index
      %swap3A_118 = tpu.vector_load %arg5[%swap3A_116, %swap3A_117] {strides = array<i32>} : memref<1x128xi32, #tpu.memory_space<vmem>>, vector<1x16xi32>,
      %swap3A_119 = vector.shape_cast %swap3A_118 : vector<1x16xi32> to vector<16xi32>
      %swap3A_120 = vector.shape_cast %and3A_114 : vector<16xi32> to vector<1x16xi32>
      tpu.vector_store %arg5[%swap3A_116, %swap3A_117], %swap3A_120 {strides = array<i32>} : memref<1x128xi32, #tpu.memory_space<vmem>>, vector<1x16xi32>,
      %get3A_121 = arith.index_cast %scan3A_32 : i32 to index
      %get3A_122 = arith.constant 112 : index
      %get3A_123 = tpu.vector_load %arg4[%get3A_121, %get3A_122] {strides = array<i32>} : memref<80x128xi32, #tpu.memory_space<vmem>>, vector<1x16xi32>,
      %get3A_124 = vector.shape_cast %get3A_123 : vector<1x16xi32> to vector<16xi32>
      %and3A_125 = arith.constant 16383 : i32
      %and3A_126 = vector.broadcast %and3A_125 : i32 to vector<16xi32>
      %and3A_127 = arith.andi %get3A_124, %and3A_126 : vector<16xi32>
      %swap3A_128 = arith.constant 0 : i32
      %swap3A_129 = arith.index_cast %swap3A_128 : i32 to index
      %swap3A_130 = arith.constant 112 : index
      %swap3A_131 = tpu.vector_load %arg5[%swap3A_129, %swap3A_130] {strides = array<i32>} : memref<1x128xi32, #tpu.memory_space<vmem>>, vector<1x16xi32>,
      %swap3A_132 = vector.shape_cast %swap3A_131 : vector<1x16xi32> to vector<16xi32>
      %swap3A_133 = vector.shape_cast %and3A_127 : vector<16xi32> to vector<1x16xi32>
      tpu.vector_store %arg5[%swap3A_129, %swap3A_130], %swap3A_133 {strides = array<i32>} : memref<1x128xi32, #tpu.memory_space<vmem>>, vector<1x16xi32>,
      %run_scoped3A = arith.constant 0 : i32
      "tpu.region"() ({
        %run_scoped3A_134 = tpu.sem_alloc : memref<!tpu.dma_semaphore, #tpu.memory_space<semaphore_mem>>
        %dma_start3A = arith.constant 0 : i32
        %dma_start3A_135 = tpu.memref_slice %arg5[%run_scoped3A, %dma_start3A] : memref<1x128xi32, #tpu.memory_space<vmem>> -> memref<1x128xi32, #tpu.memory_space<vmem>>
        %dma_start3A_136 = tpu.memref_squeeze %dma_start3A_135 : memref<1x128xi32, #tpu.memory_space<vmem>> -> memref<128xi32, #tpu.memory_space<vmem>>
        %dma_start3A_137 = arith.constant 0 : i32
        %dma_start3A_138 = arith.constant 0 : i32
        %dma_start3A_139 = tpu.memref_slice %arg7[%dma_start3A_137, %dma_start3A_138] : memref<10112x128xf32, #tpu.memory_space<vmem_shared>> -> memref<10112x128xf32, #tpu.memory_space<vmem_shared>>
        tpu.enqueue_indirect_dma source(%arg6 : memref<128x128xf32, #tpu.memory_space<vmem>>) target(%dma_start3A_139 : memref<10112x128xf32, #tpu.memory_space<vmem_shared>>) offsets(%dma_start3A_136 : memref<128xi32, #tpu.memory_space<vmem>>) semaphore(%run_scoped3A_134 : memref<!tpu.dma_semaphore, #tpu.memory_space<semaphore_mem>>) {add = true}
        %dma_wait3A = arith.constant 0 : i32
        %dma_wait3A_140 = tpu.memref_slice %arg5[%run_scoped3A, %dma_wait3A] : memref<1x128xi32, #tpu.memory_space<vmem>> -> memref<1x128xi32, #tpu.memory_space<vmem>>
        %dma_wait3A_141 = tpu.memref_squeeze %dma_wait3A_140 : memref<1x128xi32, #tpu.memory_space<vmem>> -> memref<128xi32, #tpu.memory_space<vmem>>
        %dma_wait3A_142 = arith.constant 0 : i32
        %dma_wait3A_143 = arith.constant 0 : i32
        %dma_wait3A_144 = tpu.memref_slice %arg7[%dma_wait3A_142, %dma_wait3A_143] : memref<10112x128xf32, #tpu.memory_space<vmem_shared>> -> memref<10112x128xf32, #tpu.memory_space<vmem_shared>>
        tpu.wait_indirect_dma semaphore(%run_scoped3A_134 : memref<!tpu.dma_semaphore, #tpu.memory_space<semaphore_mem>>) src(%arg6 : memref<128x128xf32, #tpu.memory_space<vmem>>) dst(%dma_wait3A_144 : memref<10112x128xf32, #tpu.memory_space<vmem_shared>>)
        tpu.yield
      }) : () -> ()
    }
    %scan3A_30 = arith.constant 80 : i32
    %barrier3A_31 = arith.constant 0 : index
    tpu.barrier barrier_id(%barrier3A_31)
    "tpu.region"() ({
      %run_scoped3A = tpu.sem_alloc : memref<!tpu.dma_semaphore, #tpu.memory_space<semaphore_mem>>
      %dma_start3A = arith.constant 0 : i32
      %dma_start3A_32 = tpu.memref_slice %arg3[%arg0, %mul3A_0, %dma_start3A] : memref<2x10112x128xf32, #tpu.memory_space<hbm>> -> memref<1x632x128xf32, #tpu.memory_space<hbm>>
      %dma_start3A_33 = tpu.memref_squeeze %dma_start3A_32 : memref<1x632x128xf32, #tpu.memory_space<hbm>> -> memref<632x128xf32, #tpu.memory_space<hbm>>
      %dma_start3A_34 = arith.constant 0 : i32
      %dma_start3A_35 = tpu.memref_slice %arg7[%mul3A_0, %dma_start3A_34] : memref<10112x128xf32, #tpu.memory_space<vmem_shared>> -> memref<632x128xf32, #tpu.memory_space<vmem_shared>>
      tpu.enqueue_dma source(%dma_start3A_35 : memref<632x128xf32, #tpu.memory_space<vmem_shared>>) target(%dma_start3A_33 : memref<632x128xf32, #tpu.memory_space<hbm>>) target_semaphore(%run_scoped3A : memref<!tpu.dma_semaphore, #tpu.memory_space<semaphore_mem>>)
      %dma_wait3A = arith.constant 0 : i32
      %dma_wait3A_36 = tpu.memref_slice %arg3[%arg0, %mul3A_0, %dma_wait3A] : memref<2x10112x128xf32, #tpu.memory_space<hbm>> -> memref<1x632x128xf32, #tpu.memory_space<hbm>>
      %dma_wait3A_37 = tpu.memref_squeeze %dma_wait3A_36 : memref<1x632x128xf32, #tpu.memory_space<hbm>> -> memref<632x128xf32, #tpu.memory_space<hbm>>
      %dma_wait3A_38 = arith.constant 0 : i32
      %dma_wait3A_39 = tpu.memref_slice %arg7[%mul3A_0, %dma_wait3A_38] : memref<10112x128xf32, #tpu.memory_space<vmem_shared>> -> memref<632x128xf32, #tpu.memory_space<vmem_shared>>
      tpu.wait_dma2 semaphore(%run_scoped3A : memref<!tpu.dma_semaphore, #tpu.memory_space<semaphore_mem>>) src(%dma_wait3A_39 : memref<632x128xf32, #tpu.memory_space<vmem_shared>>) dst(%dma_wait3A_37 : memref<632x128xf32, #tpu.memory_space<hbm>>)
      tpu.yield
    }) : () -> ()
    return
  }
}

#map = affine_map<(d0, d1) -> (0, 0, 0)>
module attributes {stable_mosaic.version = 14 : i64} {
  func.func @_agg_kernel(%arg0: i32, %arg1: i32, %arg2: memref<2x10000x128xf32, #tpu.memory_space<hbm>>, %arg3: memref<16x80x128xi32, #tpu.memory_space<hbm>>, %arg4: memref<2x10112x128xf32, #tpu.memory_space<hbm>>, %arg5: memref<80x128xi32, #tpu.memory_space<vmem>>, %arg6: memref<2x128xi32, #tpu.memory_space<vmem>>, %arg7: memref<2x128xi32, #tpu.memory_space<vmem>>, %arg8: memref<128x128xf32, #tpu.memory_space<vmem>>, %arg9: memref<128x128xf32, #tpu.memory_space<vmem>>, %arg10: memref<10112x128xf32, #tpu.memory_space<vmem_shared>>, %arg11: memref<!tpu.dma_semaphore, #tpu.memory_space<semaphore_mem>>, %arg12: memref<!tpu.dma_semaphore, #tpu.memory_space<semaphore_mem>>) attributes {dimension_semantics = [#tpu.dimension_semantics<core_parallel>, #tpu.dimension_semantics<subcore_parallel>], iteration_bounds = array<i64: 2, 16>, scalar_prefetch = 0 : i64, scratch_operands = 8 : i64, tpu.core_type = #tpu.core_type<sc_vector_subcore>, window_params = [{transform_indices = #map}, {transform_indices = #map}, {transform_indices = #map}]} {
    "tpu.region"() ({
      %run_scoped3A = tpu.sem_alloc : memref<!tpu.dma_semaphore, #tpu.memory_space<semaphore_mem>>
      %dma_start3A_214 = arith.constant 0 : i32
      %dma_start3A_215 = arith.constant 0 : i32
      %dma_start3A_216 = tpu.memref_slice %arg3[%arg1, %dma_start3A_214, %dma_start3A_215] : memref<16x80x128xi32, #tpu.memory_space<hbm>> -> memref<1x80x128xi32, #tpu.memory_space<hbm>>
      %dma_start3A_217 = tpu.memref_squeeze %dma_start3A_216 : memref<1x80x128xi32, #tpu.memory_space<hbm>> -> memref<80x128xi32, #tpu.memory_space<hbm>>
      %dma_start3A_218 = arith.constant 0 : i32
      %dma_start3A_219 = arith.constant 0 : i32
      %dma_start3A_220 = tpu.memref_slice %arg3[%arg1, %dma_start3A_218, %dma_start3A_219] : memref<16x80x128xi32, #tpu.memory_space<hbm>> -> memref<1x80x128xi32, #tpu.memory_space<hbm>>
      %dma_start3A_221 = tpu.memref_squeeze %dma_start3A_220 : memref<1x80x128xi32, #tpu.memory_space<hbm>> -> memref<80x128xi32, #tpu.memory_space<hbm>>
      tpu.enqueue_dma source(%dma_start3A_221 : memref<80x128xi32, #tpu.memory_space<hbm>>) target(%arg5 : memref<80x128xi32, #tpu.memory_space<vmem>>) target_semaphore(%run_scoped3A : memref<!tpu.dma_semaphore, #tpu.memory_space<semaphore_mem>>)
      %dma_wait3A = arith.constant 0 : i32
      %dma_wait3A_222 = arith.constant 0 : i32
      %dma_wait3A_223 = tpu.memref_slice %arg3[%arg1, %dma_wait3A, %dma_wait3A_222] : memref<16x80x128xi32, #tpu.memory_space<hbm>> -> memref<1x80x128xi32, #tpu.memory_space<hbm>>
      %dma_wait3A_224 = tpu.memref_squeeze %dma_wait3A_223 : memref<1x80x128xi32, #tpu.memory_space<hbm>> -> memref<80x128xi32, #tpu.memory_space<hbm>>
      %dma_wait3A_225 = arith.constant 0 : i32
      %dma_wait3A_226 = arith.constant 0 : i32
      %dma_wait3A_227 = tpu.memref_slice %arg3[%arg1, %dma_wait3A_225, %dma_wait3A_226] : memref<16x80x128xi32, #tpu.memory_space<hbm>> -> memref<1x80x128xi32, #tpu.memory_space<hbm>>
      %dma_wait3A_228 = tpu.memref_squeeze %dma_wait3A_227 : memref<1x80x128xi32, #tpu.memory_space<hbm>> -> memref<80x128xi32, #tpu.memory_space<hbm>>
      tpu.wait_dma2 semaphore(%run_scoped3A : memref<!tpu.dma_semaphore, #tpu.memory_space<semaphore_mem>>) src(%dma_wait3A_228 : memref<80x128xi32, #tpu.memory_space<hbm>>) dst(%arg5 : memref<80x128xi32, #tpu.memory_space<vmem>>)
      tpu.yield
    }) : () -> ()
    %mul3A = arith.constant 632 : i32
    %mul3A_0 = arith.muli %arg1, %mul3A : i32
    %broadcast_in_dim3A = arith.constant 0.000000e+00 : f32
    %broadcast_in_dim3A_1 = vector.broadcast %broadcast_in_dim3A : f32 to vector<16xf32>
    %scan3A = arith.constant 0 : i32
    %scan3A_2 = arith.constant 0 : i32
    %scan3A_3 = arith.constant 1024 : i32
    %scan3A_4 = arith.addi %scan3A_2, %scan3A_3 : i32
    %scan3A_5 = arith.constant 1 : i32
    scf.for %scan3A_214 = %scan3A_2 to %scan3A_4 step %scan3A_5  : i32 {
      %jit3A = arith.constant 8 : i32
      %div3A = arith.divsi %scan3A_214, %jit3A : i32
      %sign3A = arith.constant 0 : i32
      %sign3A_215 = arith.cmpi sgt, %scan3A_214, %sign3A : i32
      %sign3A_216 = arith.extui %sign3A_215 : i1 to i32
      %sign3A_217 = arith.constant 0 : i32
      %sign3A_218 = arith.cmpi slt, %scan3A_214, %sign3A_217 : i32
      %sign3A_219 = arith.extui %sign3A_218 : i1 to i32
      %sign3A_220 = arith.subi %sign3A_216, %sign3A_219 : i32
      %sign3A_221 = arith.constant 0 : i32
      %sign3A_222 = arith.cmpi sgt, %jit3A, %sign3A_221 : i32
      %sign3A_223 = arith.extui %sign3A_222 : i1 to i32
      %sign3A_224 = arith.constant 0 : i32
      %sign3A_225 = arith.cmpi slt, %jit3A, %sign3A_224 : i32
      %sign3A_226 = arith.extui %sign3A_225 : i1 to i32
      %sign3A_227 = arith.subi %sign3A_223, %sign3A_226 : i32
      %ne3A = arith.cmpi ne, %sign3A_220, %sign3A_227 : i32
      %rem3A = arith.remsi %scan3A_214, %jit3A : i32
      %ne3A_228 = arith.constant 0 : i32
      %ne3A_229 = arith.cmpi ne, %rem3A, %ne3A_228 : i32
      %and3A_230 = arith.andi %ne3A, %ne3A_229 : i1
      %sub3A_231 = arith.constant 1 : i32
      %sub3A_232 = arith.subi %div3A, %sub3A_231 : i32
      %select_n3A = arith.select %and3A_230, %sub3A_232, %div3A : i32
      %jit3A_233 = arith.constant 8 : i32
      %eq3A = arith.constant 0 : i32
      %eq3A_234 = arith.cmpi eq, %jit3A_233, %eq3A : i32
      %jit3A_235 = arith.constant 1 : i32
      %select_n3A_236 = arith.select %eq3A_234, %jit3A_235, %jit3A_233 : i32
      %rem3A_237 = arith.remsi %scan3A_214, %select_n3A_236 : i32
      %ne3A_238 = arith.constant 0 : i32
      %ne3A_239 = arith.cmpi ne, %rem3A_237, %ne3A_238 : i32
      %lt3A = arith.constant 0 : i32
      %lt3A_240 = arith.cmpi slt, %rem3A_237, %lt3A : i32
      %lt3A_241 = arith.constant 0 : i32
      %lt3A_242 = arith.cmpi slt, %select_n3A_236, %lt3A_241 : i32
      %ne3A_243 = arith.xori %lt3A_240, %lt3A_242 : i1
      %and3A_244 = arith.andi %ne3A_243, %ne3A_239 : i1
      %add3A_245 = arith.addi %rem3A_237, %select_n3A_236 : i32
      %select_n3A_246 = arith.select %and3A_244, %add3A_245, %rem3A_237 : i32
      %mul3A_247 = arith.constant 16 : i32
      %mul3A_248 = arith.muli %select_n3A_246, %mul3A_247 : i32
      %swap3A_249 = arith.index_cast %select_n3A : i32 to index
      %swap3A_250 = arith.index_cast %mul3A_248 : i32 to index
      %swap3A_251 = tpu.vector_load %arg8[%swap3A_249, %swap3A_250] {strides = array<i32>} : memref<128x128xf32, #tpu.memory_space<vmem>>, vector<1x16xf32>,
      %swap3A_252 = vector.shape_cast %swap3A_251 : vector<1x16xf32> to vector<16xf32>
      %swap3A_253 = vector.shape_cast %broadcast_in_dim3A_1 : vector<16xf32> to vector<1x16xf32>
      tpu.vector_store %arg8[%swap3A_249, %swap3A_250], %swap3A_253 {strides = array<i32>} : memref<128x128xf32, #tpu.memory_space<vmem>>, vector<1x16xf32>,
    }
    %scan3A_6 = arith.constant 1024 : i32
    %add3A = arith.constant 0 : i32
    %add3A_7 = arith.addi %mul3A_0, %add3A : i32
    "tpu.region"() ({
      %run_scoped3A = tpu.sem_alloc : memref<!tpu.dma_semaphore, #tpu.memory_space<semaphore_mem>>
      %dma_start3A_214 = arith.constant 0 : i32
      %dma_start3A_215 = tpu.memref_slice %arg10[%add3A_7, %dma_start3A_214] : memref<10112x128xf32, #tpu.memory_space<vmem_shared>> -> memref<128x128xf32, #tpu.memory_space<vmem_shared>>
      %dma_start3A_216 = arith.constant 0 : i32
      %dma_start3A_217 = tpu.memref_slice %arg10[%add3A_7, %dma_start3A_216] : memref<10112x128xf32, #tpu.memory_space<vmem_shared>> -> memref<128x128xf32, #tpu.memory_space<vmem_shared>>
      tpu.enqueue_dma source(%arg8 : memref<128x128xf32, #tpu.memory_space<vmem>>) target(%dma_start3A_217 : memref<128x128xf32, #tpu.memory_space<vmem_shared>>) target_semaphore(%run_scoped3A : memref<!tpu.dma_semaphore, #tpu.memory_space<semaphore_mem>>)
      %dma_wait3A = arith.constant 0 : i32
      %dma_wait3A_218 = tpu.memref_slice %arg10[%add3A_7, %dma_wait3A] : memref<10112x128xf32, #tpu.memory_space<vmem_shared>> -> memref<128x128xf32, #tpu.memory_space<vmem_shared>>
      %dma_wait3A_219 = arith.constant 0 : i32
      %dma_wait3A_220 = tpu.memref_slice %arg10[%add3A_7, %dma_wait3A_219] : memref<10112x128xf32, #tpu.memory_space<vmem_shared>> -> memref<128x128xf32, #tpu.memory_space<vmem_shared>>
      tpu.wait_dma2 semaphore(%run_scoped3A : memref<!tpu.dma_semaphore, #tpu.memory_space<semaphore_mem>>) src(%arg8 : memref<128x128xf32, #tpu.memory_space<vmem>>) dst(%dma_wait3A_220 : memref<128x128xf32, #tpu.memory_space<vmem_shared>>)
      tpu.yield
    }) : () -> ()
    %add3A_8 = arith.constant 128 : i32
    %add3A_9 = arith.addi %mul3A_0, %add3A_8 : i32
    "tpu.region"() ({
      %run_scoped3A = tpu.sem_alloc : memref<!tpu.dma_semaphore, #tpu.memory_space<semaphore_mem>>
      %dma_start3A_214 = arith.constant 0 : i32
      %dma_start3A_215 = tpu.memref_slice %arg10[%add3A_9, %dma_start3A_214] : memref<10112x128xf32, #tpu.memory_space<vmem_shared>> -> memref<128x128xf32, #tpu.memory_space<vmem_shared>>
      %dma_start3A_216 = arith.constant 0 : i32
      %dma_start3A_217 = tpu.memref_slice %arg10[%add3A_9, %dma_start3A_216] : memref<10112x128xf32, #tpu.memory_space<vmem_shared>> -> memref<128x128xf32, #tpu.memory_space<vmem_shared>>
      tpu.enqueue_dma source(%arg8 : memref<128x128xf32, #tpu.memory_space<vmem>>) target(%dma_start3A_217 : memref<128x128xf32, #tpu.memory_space<vmem_shared>>) target_semaphore(%run_scoped3A : memref<!tpu.dma_semaphore, #tpu.memory_space<semaphore_mem>>)
      %dma_wait3A = arith.constant 0 : i32
      %dma_wait3A_218 = tpu.memref_slice %arg10[%add3A_9, %dma_wait3A] : memref<10112x128xf32, #tpu.memory_space<vmem_shared>> -> memref<128x128xf32, #tpu.memory_space<vmem_shared>>
      %dma_wait3A_219 = arith.constant 0 : i32
      %dma_wait3A_220 = tpu.memref_slice %arg10[%add3A_9, %dma_wait3A_219] : memref<10112x128xf32, #tpu.memory_space<vmem_shared>> -> memref<128x128xf32, #tpu.memory_space<vmem_shared>>
      tpu.wait_dma2 semaphore(%run_scoped3A : memref<!tpu.dma_semaphore, #tpu.memory_space<semaphore_mem>>) src(%arg8 : memref<128x128xf32, #tpu.memory_space<vmem>>) dst(%dma_wait3A_220 : memref<128x128xf32, #tpu.memory_space<vmem_shared>>)
      tpu.yield
    }) : () -> ()
    %add3A_10 = arith.constant 256 : i32
    %add3A_11 = arith.addi %mul3A_0, %add3A_10 : i32
    "tpu.region"() ({
      %run_scoped3A = tpu.sem_alloc : memref<!tpu.dma_semaphore, #tpu.memory_space<semaphore_mem>>
      %dma_start3A_214 = arith.constant 0 : i32
      %dma_start3A_215 = tpu.memref_slice %arg10[%add3A_11, %dma_start3A_214] : memref<10112x128xf32, #tpu.memory_space<vmem_shared>> -> memref<128x128xf32, #tpu.memory_space<vmem_shared>>
      %dma_start3A_216 = arith.constant 0 : i32
      %dma_start3A_217 = tpu.memref_slice %arg10[%add3A_11, %dma_start3A_216] : memref<10112x128xf32, #tpu.memory_space<vmem_shared>> -> memref<128x128xf32, #tpu.memory_space<vmem_shared>>
      tpu.enqueue_dma source(%arg8 : memref<128x128xf32, #tpu.memory_space<vmem>>) target(%dma_start3A_217 : memref<128x128xf32, #tpu.memory_space<vmem_shared>>) target_semaphore(%run_scoped3A : memref<!tpu.dma_semaphore, #tpu.memory_space<semaphore_mem>>)
      %dma_wait3A = arith.constant 0 : i32
      %dma_wait3A_218 = tpu.memref_slice %arg10[%add3A_11, %dma_wait3A] : memref<10112x128xf32, #tpu.memory_space<vmem_shared>> -> memref<128x128xf32, #tpu.memory_space<vmem_shared>>
      %dma_wait3A_219 = arith.constant 0 : i32
      %dma_wait3A_220 = tpu.memref_slice %arg10[%add3A_11, %dma_wait3A_219] : memref<10112x128xf32, #tpu.memory_space<vmem_shared>> -> memref<128x128xf32, #tpu.memory_space<vmem_shared>>
      tpu.wait_dma2 semaphore(%run_scoped3A : memref<!tpu.dma_semaphore, #tpu.memory_space<semaphore_mem>>) src(%arg8 : memref<128x128xf32, #tpu.memory_space<vmem>>) dst(%dma_wait3A_220 : memref<128x128xf32, #tpu.memory_space<vmem_shared>>)
      tpu.yield
    }) : () -> ()
    %add3A_12 = arith.constant 384 : i32
    %add3A_13 = arith.addi %mul3A_0, %add3A_12 : i32
    "tpu.region"() ({
      %run_scoped3A = tpu.sem_alloc : memref<!tpu.dma_semaphore, #tpu.memory_space<semaphore_mem>>
      %dma_start3A_214 = arith.constant 0 : i32
      %dma_start3A_215 = tpu.memref_slice %arg10[%add3A_13, %dma_start3A_214] : memref<10112x128xf32, #tpu.memory_space<vmem_shared>> -> memref<128x128xf32, #tpu.memory_space<vmem_shared>>
      %dma_start3A_216 = arith.constant 0 : i32
      %dma_start3A_217 = tpu.memref_slice %arg10[%add3A_13, %dma_start3A_216] : memref<10112x128xf32, #tpu.memory_space<vmem_shared>> -> memref<128x128xf32, #tpu.memory_space<vmem_shared>>
      tpu.enqueue_dma source(%arg8 : memref<128x128xf32, #tpu.memory_space<vmem>>) target(%dma_start3A_217 : memref<128x128xf32, #tpu.memory_space<vmem_shared>>) target_semaphore(%run_scoped3A : memref<!tpu.dma_semaphore, #tpu.memory_space<semaphore_mem>>)
      %dma_wait3A = arith.constant 0 : i32
      %dma_wait3A_218 = tpu.memref_slice %arg10[%add3A_13, %dma_wait3A] : memref<10112x128xf32, #tpu.memory_space<vmem_shared>> -> memref<128x128xf32, #tpu.memory_space<vmem_shared>>
      %dma_wait3A_219 = arith.constant 0 : i32
      %dma_wait3A_220 = tpu.memref_slice %arg10[%add3A_13, %dma_wait3A_219] : memref<10112x128xf32, #tpu.memory_space<vmem_shared>> -> memref<128x128xf32, #tpu.memory_space<vmem_shared>>
      tpu.wait_dma2 semaphore(%run_scoped3A : memref<!tpu.dma_semaphore, #tpu.memory_space<semaphore_mem>>) src(%arg8 : memref<128x128xf32, #tpu.memory_space<vmem>>) dst(%dma_wait3A_220 : memref<128x128xf32, #tpu.memory_space<vmem_shared>>)
      tpu.yield
    }) : () -> ()
    %add3A_14 = arith.constant 632 : i32
    %add3A_15 = arith.addi %mul3A_0, %add3A_14 : i32
    %sub3A = arith.constant 120 : i32
    %sub3A_16 = arith.subi %add3A_15, %sub3A : i32
    "tpu.region"() ({
      %run_scoped3A = tpu.sem_alloc : memref<!tpu.dma_semaphore, #tpu.memory_space<semaphore_mem>>
      %dma_start3A_214 = arith.constant 0 : i32
      %dma_start3A_215 = arith.constant 0 : i32
      %dma_start3A_216 = tpu.memref_slice %arg8[%dma_start3A_214, %dma_start3A_215] : memref<128x128xf32, #tpu.memory_space<vmem>> -> memref<120x128xf32, #tpu.memory_space<vmem>>
      %dma_start3A_217 = arith.constant 0 : i32
      %dma_start3A_218 = tpu.memref_slice %arg10[%sub3A_16, %dma_start3A_217] : memref<10112x128xf32, #tpu.memory_space<vmem_shared>> -> memref<120x128xf32, #tpu.memory_space<vmem_shared>>
      %dma_start3A_219 = arith.constant 0 : i32
      %dma_start3A_220 = tpu.memref_slice %arg10[%sub3A_16, %dma_start3A_219] : memref<10112x128xf32, #tpu.memory_space<vmem_shared>> -> memref<120x128xf32, #tpu.memory_space<vmem_shared>>
      %dma_start3A_221 = arith.constant 0 : i32
      %dma_start3A_222 = arith.constant 0 : i32
      %dma_start3A_223 = tpu.memref_slice %arg8[%dma_start3A_221, %dma_start3A_222] : memref<128x128xf32, #tpu.memory_space<vmem>> -> memref<120x128xf32, #tpu.memory_space<vmem>>
      tpu.enqueue_dma source(%dma_start3A_223 : memref<120x128xf32, #tpu.memory_space<vmem>>) target(%dma_start3A_220 : memref<120x128xf32, #tpu.memory_space<vmem_shared>>) target_semaphore(%run_scoped3A : memref<!tpu.dma_semaphore, #tpu.memory_space<semaphore_mem>>)
      %dma_wait3A = arith.constant 0 : i32
      %dma_wait3A_224 = arith.constant 0 : i32
      %dma_wait3A_225 = tpu.memref_slice %arg8[%dma_wait3A, %dma_wait3A_224] : memref<128x128xf32, #tpu.memory_space<vmem>> -> memref<120x128xf32, #tpu.memory_space<vmem>>
      %dma_wait3A_226 = arith.constant 0 : i32
      %dma_wait3A_227 = tpu.memref_slice %arg10[%sub3A_16, %dma_wait3A_226] : memref<10112x128xf32, #tpu.memory_space<vmem_shared>> -> memref<120x128xf32, #tpu.memory_space<vmem_shared>>
      %dma_wait3A_228 = arith.constant 0 : i32
      %dma_wait3A_229 = tpu.memref_slice %arg10[%sub3A_16, %dma_wait3A_228] : memref<10112x128xf32, #tpu.memory_space<vmem_shared>> -> memref<120x128xf32, #tpu.memory_space<vmem_shared>>
      %dma_wait3A_230 = arith.constant 0 : i32
      %dma_wait3A_231 = arith.constant 0 : i32
      %dma_wait3A_232 = tpu.memref_slice %arg8[%dma_wait3A_230, %dma_wait3A_231] : memref<128x128xf32, #tpu.memory_space<vmem>> -> memref<120x128xf32, #tpu.memory_space<vmem>>
      tpu.wait_dma2 semaphore(%run_scoped3A : memref<!tpu.dma_semaphore, #tpu.memory_space<semaphore_mem>>) src(%dma_wait3A_232 : memref<120x128xf32, #tpu.memory_space<vmem>>) dst(%dma_wait3A_229 : memref<120x128xf32, #tpu.memory_space<vmem_shared>>)
      tpu.yield
    }) : () -> ()
    %barrier3A = arith.constant 0 : index
    tpu.barrier barrier_id(%barrier3A)
    %get3A = arith.constant 0 : i32
    %get3A_17 = arith.index_cast %get3A : i32 to index
    %get3A_18 = arith.constant 0 : index
    %get3A_19 = tpu.vector_load %arg5[%get3A_17, %get3A_18] {strides = array<i32>} : memref<80x128xi32, #tpu.memory_space<vmem>>, vector<1x16xi32>,
    %get3A_20 = vector.shape_cast %get3A_19 : vector<1x16xi32> to vector<16xi32>
    %shift_right_logical3A = arith.constant 14 : i32
    %shift_right_logical3A_21 = vector.broadcast %shift_right_logical3A : i32 to vector<16xi32>
    %shift_right_logical3A_22 = arith.shrui %get3A_20, %shift_right_logical3A_21 : vector<16xi32>
    %swap3A = arith.constant 0 : i32
    %swap3A_23 = arith.index_cast %swap3A : i32 to index
    %swap3A_24 = arith.constant 0 : index
    %swap3A_25 = tpu.vector_load %arg6[%swap3A_23, %swap3A_24] {strides = array<i32>} : memref<2x128xi32, #tpu.memory_space<vmem>>, vector<1x16xi32>,
    %swap3A_26 = vector.shape_cast %swap3A_25 : vector<1x16xi32> to vector<16xi32>
    %swap3A_27 = vector.shape_cast %shift_right_logical3A_22 : vector<16xi32> to vector<1x16xi32>
    tpu.vector_store %arg6[%swap3A_23, %swap3A_24], %swap3A_27 {strides = array<i32>} : memref<2x128xi32, #tpu.memory_space<vmem>>, vector<1x16xi32>,
    %and3A = arith.constant 16383 : i32
    %and3A_28 = vector.broadcast %and3A : i32 to vector<16xi32>
    %and3A_29 = arith.andi %get3A_20, %and3A_28 : vector<16xi32>
    %swap3A_30 = arith.constant 0 : i32
    %swap3A_31 = arith.index_cast %swap3A_30 : i32 to index
    %swap3A_32 = arith.constant 0 : index
    %swap3A_33 = tpu.vector_load %arg7[%swap3A_31, %swap3A_32] {strides = array<i32>} : memref<2x128xi32, #tpu.memory_space<vmem>>, vector<1x16xi32>,
    %swap3A_34 = vector.shape_cast %swap3A_33 : vector<1x16xi32> to vector<16xi32>
    %swap3A_35 = vector.shape_cast %and3A_29 : vector<16xi32> to vector<1x16xi32>
    tpu.vector_store %arg7[%swap3A_31, %swap3A_32], %swap3A_35 {strides = array<i32>} : memref<2x128xi32, #tpu.memory_space<vmem>>, vector<1x16xi32>,
    %get3A_36 = arith.constant 0 : i32
    %get3A_37 = arith.index_cast %get3A_36 : i32 to index
    %get3A_38 = arith.constant 16 : index
    %get3A_39 = tpu.vector_load %arg5[%get3A_37, %get3A_38] {strides = array<i32>} : memref<80x128xi32, #tpu.memory_space<vmem>>, vector<1x16xi32>,
    %get3A_40 = vector.shape_cast %get3A_39 : vector<1x16xi32> to vector<16xi32>
    %shift_right_logical3A_41 = arith.constant 14 : i32
    %shift_right_logical3A_42 = vector.broadcast %shift_right_logical3A_41 : i32 to vector<16xi32>
    %shift_right_logical3A_43 = arith.shrui %get3A_40, %shift_right_logical3A_42 : vector<16xi32>
    %swap3A_44 = arith.constant 0 : i32
    %swap3A_45 = arith.index_cast %swap3A_44 : i32 to index
    %swap3A_46 = arith.constant 16 : index
    %swap3A_47 = tpu.vector_load %arg6[%swap3A_45, %swap3A_46] {strides = array<i32>} : memref<2x128xi32, #tpu.memory_space<vmem>>, vector<1x16xi32>,
    %swap3A_48 = vector.shape_cast %swap3A_47 : vector<1x16xi32> to vector<16xi32>
    %swap3A_49 = vector.shape_cast %shift_right_logical3A_43 : vector<16xi32> to vector<1x16xi32>
    tpu.vector_store %arg6[%swap3A_45, %swap3A_46], %swap3A_49 {strides = array<i32>} : memref<2x128xi32, #tpu.memory_space<vmem>>, vector<1x16xi32>,
    %and3A_50 = arith.constant 16383 : i32
    %and3A_51 = vector.broadcast %and3A_50 : i32 to vector<16xi32>
    %and3A_52 = arith.andi %get3A_40, %and3A_51 : vector<16xi32>
    %swap3A_53 = arith.constant 0 : i32
    %swap3A_54 = arith.index_cast %swap3A_53 : i32 to index
    %swap3A_55 = arith.constant 16 : index
    %swap3A_56 = tpu.vector_load %arg7[%swap3A_54, %swap3A_55] {strides = array<i32>} : memref<2x128xi32, #tpu.memory_space<vmem>>, vector<1x16xi32>,
    %swap3A_57 = vector.shape_cast %swap3A_56 : vector<1x16xi32> to vector<16xi32>
    %swap3A_58 = vector.shape_cast %and3A_52 : vector<16xi32> to vector<1x16xi32>
    tpu.vector_store %arg7[%swap3A_54, %swap3A_55], %swap3A_58 {strides = array<i32>} : memref<2x128xi32, #tpu.memory_space<vmem>>, vector<1x16xi32>,
    %get3A_59 = arith.constant 0 : i32
    %get3A_60 = arith.index_cast %get3A_59 : i32 to index
    %get3A_61 = arith.constant 32 : index
    %get3A_62 = tpu.vector_load %arg5[%get3A_60, %get3A_61] {strides = array<i32>} : memref<80x128xi32, #tpu.memory_space<vmem>>, vector<1x16xi32>,
    %get3A_63 = vector.shape_cast %get3A_62 : vector<1x16xi32> to vector<16xi32>
    %shift_right_logical3A_64 = arith.constant 14 : i32
    %shift_right_logical3A_65 = vector.broadcast %shift_right_logical3A_64 : i32 to vector<16xi32>
    %shift_right_logical3A_66 = arith.shrui %get3A_63, %shift_right_logical3A_65 : vector<16xi32>
    %swap3A_67 = arith.constant 0 : i32
    %swap3A_68 = arith.index_cast %swap3A_67 : i32 to index
    %swap3A_69 = arith.constant 32 : index
    %swap3A_70 = tpu.vector_load %arg6[%swap3A_68, %swap3A_69] {strides = array<i32>} : memref<2x128xi32, #tpu.memory_space<vmem>>, vector<1x16xi32>,
    %swap3A_71 = vector.shape_cast %swap3A_70 : vector<1x16xi32> to vector<16xi32>
    %swap3A_72 = vector.shape_cast %shift_right_logical3A_66 : vector<16xi32> to vector<1x16xi32>
    tpu.vector_store %arg6[%swap3A_68, %swap3A_69], %swap3A_72 {strides = array<i32>} : memref<2x128xi32, #tpu.memory_space<vmem>>, vector<1x16xi32>,
    %and3A_73 = arith.constant 16383 : i32
    %and3A_74 = vector.broadcast %and3A_73 : i32 to vector<16xi32>
    %and3A_75 = arith.andi %get3A_63, %and3A_74 : vector<16xi32>
    %swap3A_76 = arith.constant 0 : i32
    %swap3A_77 = arith.index_cast %swap3A_76 : i32 to index
    %swap3A_78 = arith.constant 32 : index
    %swap3A_79 = tpu.vector_load %arg7[%swap3A_77, %swap3A_78] {strides = array<i32>} : memref<2x128xi32, #tpu.memory_space<vmem>>, vector<1x16xi32>,
    %swap3A_80 = vector.shape_cast %swap3A_79 : vector<1x16xi32> to vector<16xi32>
    %swap3A_81 = vector.shape_cast %and3A_75 : vector<16xi32> to vector<1x16xi32>
    tpu.vector_store %arg7[%swap3A_77, %swap3A_78], %swap3A_81 {strides = array<i32>} : memref<2x128xi32, #tpu.memory_space<vmem>>, vector<1x16xi32>,
    %get3A_82 = arith.constant 0 : i32
    %get3A_83 = arith.index_cast %get3A_82 : i32 to index
    %get3A_84 = arith.constant 48 : index
    %get3A_85 = tpu.vector_load %arg5[%get3A_83, %get3A_84] {strides = array<i32>} : memref<80x128xi32, #tpu.memory_space<vmem>>, vector<1x16xi32>,
    %get3A_86 = vector.shape_cast %get3A_85 : vector<1x16xi32> to vector<16xi32>
    %shift_right_logical3A_87 = arith.constant 14 : i32
    %shift_right_logical3A_88 = vector.broadcast %shift_right_logical3A_87 : i32 to vector<16xi32>
    %shift_right_logical3A_89 = arith.shrui %get3A_86, %shift_right_logical3A_88 : vector<16xi32>
    %swap3A_90 = arith.constant 0 : i32
    %swap3A_91 = arith.index_cast %swap3A_90 : i32 to index
    %swap3A_92 = arith.constant 48 : index
    %swap3A_93 = tpu.vector_load %arg6[%swap3A_91, %swap3A_92] {strides = array<i32>} : memref<2x128xi32, #tpu.memory_space<vmem>>, vector<1x16xi32>,
    %swap3A_94 = vector.shape_cast %swap3A_93 : vector<1x16xi32> to vector<16xi32>
    %swap3A_95 = vector.shape_cast %shift_right_logical3A_89 : vector<16xi32> to vector<1x16xi32>
    tpu.vector_store %arg6[%swap3A_91, %swap3A_92], %swap3A_95 {strides = array<i32>} : memref<2x128xi32, #tpu.memory_space<vmem>>, vector<1x16xi32>,
    %and3A_96 = arith.constant 16383 : i32
    %and3A_97 = vector.broadcast %and3A_96 : i32 to vector<16xi32>
    %and3A_98 = arith.andi %get3A_86, %and3A_97 : vector<16xi32>
    %swap3A_99 = arith.constant 0 : i32
    %swap3A_100 = arith.index_cast %swap3A_99 : i32 to index
    %swap3A_101 = arith.constant 48 : index
    %swap3A_102 = tpu.vector_load %arg7[%swap3A_100, %swap3A_101] {strides = array<i32>} : memref<2x128xi32, #tpu.memory_space<vmem>>, vector<1x16xi32>,
    %swap3A_103 = vector.shape_cast %swap3A_102 : vector<1x16xi32> to vector<16xi32>
    %swap3A_104 = vector.shape_cast %and3A_98 : vector<16xi32> to vector<1x16xi32>
    tpu.vector_store %arg7[%swap3A_100, %swap3A_101], %swap3A_104 {strides = array<i32>} : memref<2x128xi32, #tpu.memory_space<vmem>>, vector<1x16xi32>,
    %get3A_105 = arith.constant 0 : i32
    %get3A_106 = arith.index_cast %get3A_105 : i32 to index
    %get3A_107 = arith.constant 64 : index
    %get3A_108 = tpu.vector_load %arg5[%get3A_106, %get3A_107] {strides = array<i32>} : memref<80x128xi32, #tpu.memory_space<vmem>>, vector<1x16xi32>,
    %get3A_109 = vector.shape_cast %get3A_108 : vector<1x16xi32> to vector<16xi32>
    %shift_right_logical3A_110 = arith.constant 14 : i32
    %shift_right_logical3A_111 = vector.broadcast %shift_right_logical3A_110 : i32 to vector<16xi32>
    %shift_right_logical3A_112 = arith.shrui %get3A_109, %shift_right_logical3A_111 : vector<16xi32>
    %swap3A_113 = arith.constant 0 : i32
    %swap3A_114 = arith.index_cast %swap3A_113 : i32 to index
    %swap3A_115 = arith.constant 64 : index
    %swap3A_116 = tpu.vector_load %arg6[%swap3A_114, %swap3A_115] {strides = array<i32>} : memref<2x128xi32, #tpu.memory_space<vmem>>, vector<1x16xi32>,
    %swap3A_117 = vector.shape_cast %swap3A_116 : vector<1x16xi32> to vector<16xi32>
    %swap3A_118 = vector.shape_cast %shift_right_logical3A_112 : vector<16xi32> to vector<1x16xi32>
    tpu.vector_store %arg6[%swap3A_114, %swap3A_115], %swap3A_118 {strides = array<i32>} : memref<2x128xi32, #tpu.memory_space<vmem>>, vector<1x16xi32>,
    %and3A_119 = arith.constant 16383 : i32
    %and3A_120 = vector.broadcast %and3A_119 : i32 to vector<16xi32>
    %and3A_121 = arith.andi %get3A_109, %and3A_120 : vector<16xi32>
    %swap3A_122 = arith.constant 0 : i32
    %swap3A_123 = arith.index_cast %swap3A_122 : i32 to index
    %swap3A_124 = arith.constant 64 : index
    %swap3A_125 = tpu.vector_load %arg7[%swap3A_123, %swap3A_124] {strides = array<i32>} : memref<2x128xi32, #tpu.memory_space<vmem>>, vector<1x16xi32>,
    %swap3A_126 = vector.shape_cast %swap3A_125 : vector<1x16xi32> to vector<16xi32>
    %swap3A_127 = vector.shape_cast %and3A_121 : vector<16xi32> to vector<1x16xi32>
    tpu.vector_store %arg7[%swap3A_123, %swap3A_124], %swap3A_127 {strides = array<i32>} : memref<2x128xi32, #tpu.memory_space<vmem>>, vector<1x16xi32>,
    %get3A_128 = arith.constant 0 : i32
    %get3A_129 = arith.index_cast %get3A_128 : i32 to index
    %get3A_130 = arith.constant 80 : index
    %get3A_131 = tpu.vector_load %arg5[%get3A_129, %get3A_130] {strides = array<i32>} : memref<80x128xi32, #tpu.memory_space<vmem>>, vector<1x16xi32>,
    %get3A_132 = vector.shape_cast %get3A_131 : vector<1x16xi32> to vector<16xi32>
    %shift_right_logical3A_133 = arith.constant 14 : i32
    %shift_right_logical3A_134 = vector.broadcast %shift_right_logical3A_133 : i32 to vector<16xi32>
    %shift_right_logical3A_135 = arith.shrui %get3A_132, %shift_right_logical3A_134 : vector<16xi32>
    %swap3A_136 = arith.constant 0 : i32
    %swap3A_137 = arith.index_cast %swap3A_136 : i32 to index
    %swap3A_138 = arith.constant 80 : index
    %swap3A_139 = tpu.vector_load %arg6[%swap3A_137, %swap3A_138] {strides = array<i32>} : memref<2x128xi32, #tpu.memory_space<vmem>>, vector<1x16xi32>,
    %swap3A_140 = vector.shape_cast %swap3A_139 : vector<1x16xi32> to vector<16xi32>
    %swap3A_141 = vector.shape_cast %shift_right_logical3A_135 : vector<16xi32> to vector<1x16xi32>
    tpu.vector_store %arg6[%swap3A_137, %swap3A_138], %swap3A_141 {strides = array<i32>} : memref<2x128xi32, #tpu.memory_space<vmem>>, vector<1x16xi32>,
    %and3A_142 = arith.constant 16383 : i32
    %and3A_143 = vector.broadcast %and3A_142 : i32 to vector<16xi32>
    %and3A_144 = arith.andi %get3A_132, %and3A_143 : vector<16xi32>
    %swap3A_145 = arith.constant 0 : i32
    %swap3A_146 = arith.index_cast %swap3A_145 : i32 to index
    %swap3A_147 = arith.constant 80 : index
    %swap3A_148 = tpu.vector_load %arg7[%swap3A_146, %swap3A_147] {strides = array<i32>} : memref<2x128xi32, #tpu.memory_space<vmem>>, vector<1x16xi32>,
    %swap3A_149 = vector.shape_cast %swap3A_148 : vector<1x16xi32> to vector<16xi32>
    %swap3A_150 = vector.shape_cast %and3A_144 : vector<16xi32> to vector<1x16xi32>
    tpu.vector_store %arg7[%swap3A_146, %swap3A_147], %swap3A_150 {strides = array<i32>} : memref<2x128xi32, #tpu.memory_space<vmem>>, vector<1x16xi32>,
    %get3A_151 = arith.constant 0 : i32
    %get3A_152 = arith.index_cast %get3A_151 : i32 to index
    %get3A_153 = arith.constant 96 : index
    %get3A_154 = tpu.vector_load %arg5[%get3A_152, %get3A_153] {strides = array<i32>} : memref<80x128xi32, #tpu.memory_space<vmem>>, vector<1x16xi32>,
    %get3A_155 = vector.shape_cast %get3A_154 : vector<1x16xi32> to vector<16xi32>
    %shift_right_logical3A_156 = arith.constant 14 : i32
    %shift_right_logical3A_157 = vector.broadcast %shift_right_logical3A_156 : i32 to vector<16xi32>
    %shift_right_logical3A_158 = arith.shrui %get3A_155, %shift_right_logical3A_157 : vector<16xi32>
    %swap3A_159 = arith.constant 0 : i32
    %swap3A_160 = arith.index_cast %swap3A_159 : i32 to index
    %swap3A_161 = arith.constant 96 : index
    %swap3A_162 = tpu.vector_load %arg6[%swap3A_160, %swap3A_161] {strides = array<i32>} : memref<2x128xi32, #tpu.memory_space<vmem>>, vector<1x16xi32>,
    %swap3A_163 = vector.shape_cast %swap3A_162 : vector<1x16xi32> to vector<16xi32>
    %swap3A_164 = vector.shape_cast %shift_right_logical3A_158 : vector<16xi32> to vector<1x16xi32>
    tpu.vector_store %arg6[%swap3A_160, %swap3A_161], %swap3A_164 {strides = array<i32>} : memref<2x128xi32, #tpu.memory_space<vmem>>, vector<1x16xi32>,
    %and3A_165 = arith.constant 16383 : i32
    %and3A_166 = vector.broadcast %and3A_165 : i32 to vector<16xi32>
    %and3A_167 = arith.andi %get3A_155, %and3A_166 : vector<16xi32>
    %swap3A_168 = arith.constant 0 : i32
    %swap3A_169 = arith.index_cast %swap3A_168 : i32 to index
    %swap3A_170 = arith.constant 96 : index
    %swap3A_171 = tpu.vector_load %arg7[%swap3A_169, %swap3A_170] {strides = array<i32>} : memref<2x128xi32, #tpu.memory_space<vmem>>, vector<1x16xi32>,
    %swap3A_172 = vector.shape_cast %swap3A_171 : vector<1x16xi32> to vector<16xi32>
    %swap3A_173 = vector.shape_cast %and3A_167 : vector<16xi32> to vector<1x16xi32>
    tpu.vector_store %arg7[%swap3A_169, %swap3A_170], %swap3A_173 {strides = array<i32>} : memref<2x128xi32, #tpu.memory_space<vmem>>, vector<1x16xi32>,
    %get3A_174 = arith.constant 0 : i32
    %get3A_175 = arith.index_cast %get3A_174 : i32 to index
    %get3A_176 = arith.constant 112 : index
    %get3A_177 = tpu.vector_load %arg5[%get3A_175, %get3A_176] {strides = array<i32>} : memref<80x128xi32, #tpu.memory_space<vmem>>, vector<1x16xi32>,
    %get3A_178 = vector.shape_cast %get3A_177 : vector<1x16xi32> to vector<16xi32>
    %shift_right_logical3A_179 = arith.constant 14 : i32
    %shift_right_logical3A_180 = vector.broadcast %shift_right_logical3A_179 : i32 to vector<16xi32>
    %shift_right_logical3A_181 = arith.shrui %get3A_178, %shift_right_logical3A_180 : vector<16xi32>
    %swap3A_182 = arith.constant 0 : i32
    %swap3A_183 = arith.index_cast %swap3A_182 : i32 to index
    %swap3A_184 = arith.constant 112 : index
    %swap3A_185 = tpu.vector_load %arg6[%swap3A_183, %swap3A_184] {strides = array<i32>} : memref<2x128xi32, #tpu.memory_space<vmem>>, vector<1x16xi32>,
    %swap3A_186 = vector.shape_cast %swap3A_185 : vector<1x16xi32> to vector<16xi32>
    %swap3A_187 = vector.shape_cast %shift_right_logical3A_181 : vector<16xi32> to vector<1x16xi32>
    tpu.vector_store %arg6[%swap3A_183, %swap3A_184], %swap3A_187 {strides = array<i32>} : memref<2x128xi32, #tpu.memory_space<vmem>>, vector<1x16xi32>,
    %and3A_188 = arith.constant 16383 : i32
    %and3A_189 = vector.broadcast %and3A_188 : i32 to vector<16xi32>
    %and3A_190 = arith.andi %get3A_178, %and3A_189 : vector<16xi32>
    %swap3A_191 = arith.constant 0 : i32
    %swap3A_192 = arith.index_cast %swap3A_191 : i32 to index
    %swap3A_193 = arith.constant 112 : index
    %swap3A_194 = tpu.vector_load %arg7[%swap3A_192, %swap3A_193] {strides = array<i32>} : memref<2x128xi32, #tpu.memory_space<vmem>>, vector<1x16xi32>,
    %swap3A_195 = vector.shape_cast %swap3A_194 : vector<1x16xi32> to vector<16xi32>
    %swap3A_196 = vector.shape_cast %and3A_190 : vector<16xi32> to vector<1x16xi32>
    tpu.vector_store %arg7[%swap3A_192, %swap3A_193], %swap3A_196 {strides = array<i32>} : memref<2x128xi32, #tpu.memory_space<vmem>>, vector<1x16xi32>,
    %dma_start3A = arith.constant 0 : i32
    %dma_start3A_197 = arith.constant 0 : i32
    %dma_start3A_198 = tpu.memref_slice %arg6[%dma_start3A, %dma_start3A_197] : memref<2x128xi32, #tpu.memory_space<vmem>> -> memref<1x128xi32, #tpu.memory_space<vmem>>
    %dma_start3A_199 = tpu.memref_squeeze %dma_start3A_198 : memref<1x128xi32, #tpu.memory_space<vmem>> -> memref<128xi32, #tpu.memory_space<vmem>>
    %dma_start3A_200 = arith.constant 0 : i32
    %dma_start3A_201 = arith.constant 0 : i32
    %dma_start3A_202 = tpu.memref_slice %arg2[%arg0, %dma_start3A_200, %dma_start3A_201] : memref<2x10000x128xf32, #tpu.memory_space<hbm>> -> memref<1x10000x128xf32, #tpu.memory_space<hbm>>
    %dma_start3A_203 = tpu.memref_squeeze %dma_start3A_202 : memref<1x10000x128xf32, #tpu.memory_space<hbm>> -> memref<10000x128xf32, #tpu.memory_space<hbm>>
    %dma_start3A_204 = arith.constant 0 : i32
    %dma_start3A_205 = arith.constant 0 : i32
    %dma_start3A_206 = tpu.memref_slice %dma_start3A_203[%dma_start3A_204, %dma_start3A_205] : memref<10000x128xf32, #tpu.memory_space<hbm>> -> memref<10000x128xf32, #tpu.memory_space<hbm>>
    tpu.enqueue_indirect_dma source(%dma_start3A_206 : memref<10000x128xf32, #tpu.memory_space<hbm>>) target(%arg8 : memref<128x128xf32, #tpu.memory_space<vmem>>) offsets(%dma_start3A_199 : memref<128xi32, #tpu.memory_space<vmem>>) semaphore(%arg11 : memref<!tpu.dma_semaphore, #tpu.memory_space<semaphore_mem>>)
    %scan3A_207 = arith.constant 0 : i32
    %scan3A_208 = arith.constant 0 : i32
    %scan3A_209 = arith.constant 40 : i32
    %scan3A_210 = arith.addi %scan3A_208, %scan3A_209 : i32
    %scan3A_211 = arith.constant 1 : i32
    scf.for %scan3A_214 = %scan3A_208 to %scan3A_210 step %scan3A_211  : i32 {
      %mul3A_215 = arith.constant 2 : i32
      %mul3A_216 = arith.muli %mul3A_215, %scan3A_214 : i32
      %add3A_217 = arith.constant 1 : i32
      %add3A_218 = arith.addi %mul3A_216, %add3A_217 : i32
      %get3A_219 = arith.index_cast %add3A_218 : i32 to index
      %get3A_220 = arith.constant 0 : index
      %get3A_221 = tpu.vector_load %arg5[%get3A_219, %get3A_220] {strides = array<i32>} : memref<80x128xi32, #tpu.memory_space<vmem>>, vector<1x16xi32>,
      %get3A_222 = vector.shape_cast %get3A_221 : vector<1x16xi32> to vector<16xi32>
      %shift_right_logical3A_223 = arith.constant 14 : i32
      %shift_right_logical3A_224 = vector.broadcast %shift_right_logical3A_223 : i32 to vector<16xi32>
      %shift_right_logical3A_225 = arith.shrui %get3A_222, %shift_right_logical3A_224 : vector<16xi32>
      %swap3A_226 = arith.constant 1 : i32
      %swap3A_227 = arith.index_cast %swap3A_226 : i32 to index
      %swap3A_228 = arith.constant 0 : index
      %swap3A_229 = tpu.vector_load %arg6[%swap3A_227, %swap3A_228] {strides = array<i32>} : memref<2x128xi32, #tpu.memory_space<vmem>>, vector<1x16xi32>,
      %swap3A_230 = vector.shape_cast %swap3A_229 : vector<1x16xi32> to vector<16xi32>
      %swap3A_231 = vector.shape_cast %shift_right_logical3A_225 : vector<16xi32> to vector<1x16xi32>
      tpu.vector_store %arg6[%swap3A_227, %swap3A_228], %swap3A_231 {strides = array<i32>} : memref<2x128xi32, #tpu.memory_space<vmem>>, vector<1x16xi32>,
      %and3A_232 = arith.constant 16383 : i32
      %and3A_233 = vector.broadcast %and3A_232 : i32 to vector<16xi32>
      %and3A_234 = arith.andi %get3A_222, %and3A_233 : vector<16xi32>
      %swap3A_235 = arith.constant 1 : i32
      %swap3A_236 = arith.index_cast %swap3A_235 : i32 to index
      %swap3A_237 = arith.constant 0 : index
      %swap3A_238 = tpu.vector_load %arg7[%swap3A_236, %swap3A_237] {strides = array<i32>} : memref<2x128xi32, #tpu.memory_space<vmem>>, vector<1x16xi32>,
      %swap3A_239 = vector.shape_cast %swap3A_238 : vector<1x16xi32> to vector<16xi32>
      %swap3A_240 = vector.shape_cast %and3A_234 : vector<16xi32> to vector<1x16xi32>
      tpu.vector_store %arg7[%swap3A_236, %swap3A_237], %swap3A_240 {strides = array<i32>} : memref<2x128xi32, #tpu.memory_space<vmem>>, vector<1x16xi32>,
      %get3A_241 = arith.index_cast %add3A_218 : i32 to index
      %get3A_242 = arith.constant 16 : index
      %get3A_243 = tpu.vector_load %arg5[%get3A_241, %get3A_242] {strides = array<i32>} : memref<80x128xi32, #tpu.memory_space<vmem>>, vector<1x16xi32>,
      %get3A_244 = vector.shape_cast %get3A_243 : vector<1x16xi32> to vector<16xi32>
      %shift_right_logical3A_245 = arith.constant 14 : i32
      %shift_right_logical3A_246 = vector.broadcast %shift_right_logical3A_245 : i32 to vector<16xi32>
      %shift_right_logical3A_247 = arith.shrui %get3A_244, %shift_right_logical3A_246 : vector<16xi32>
      %swap3A_248 = arith.constant 1 : i32
      %swap3A_249 = arith.index_cast %swap3A_248 : i32 to index
      %swap3A_250 = arith.constant 16 : index
      %swap3A_251 = tpu.vector_load %arg6[%swap3A_249, %swap3A_250] {strides = array<i32>} : memref<2x128xi32, #tpu.memory_space<vmem>>, vector<1x16xi32>,
      %swap3A_252 = vector.shape_cast %swap3A_251 : vector<1x16xi32> to vector<16xi32>
      %swap3A_253 = vector.shape_cast %shift_right_logical3A_247 : vector<16xi32> to vector<1x16xi32>
      tpu.vector_store %arg6[%swap3A_249, %swap3A_250], %swap3A_253 {strides = array<i32>} : memref<2x128xi32, #tpu.memory_space<vmem>>, vector<1x16xi32>,
      %and3A_254 = arith.constant 16383 : i32
      %and3A_255 = vector.broadcast %and3A_254 : i32 to vector<16xi32>
      %and3A_256 = arith.andi %get3A_244, %and3A_255 : vector<16xi32>
      %swap3A_257 = arith.constant 1 : i32
      %swap3A_258 = arith.index_cast %swap3A_257 : i32 to index
      %swap3A_259 = arith.constant 16 : index
      %swap3A_260 = tpu.vector_load %arg7[%swap3A_258, %swap3A_259] {strides = array<i32>} : memref<2x128xi32, #tpu.memory_space<vmem>>, vector<1x16xi32>,
      %swap3A_261 = vector.shape_cast %swap3A_260 : vector<1x16xi32> to vector<16xi32>
      %swap3A_262 = vector.shape_cast %and3A_256 : vector<16xi32> to vector<1x16xi32>
      tpu.vector_store %arg7[%swap3A_258, %swap3A_259], %swap3A_262 {strides = array<i32>} : memref<2x128xi32, #tpu.memory_space<vmem>>, vector<1x16xi32>,
      %get3A_263 = arith.index_cast %add3A_218 : i32 to index
      %get3A_264 = arith.constant 32 : index
      %get3A_265 = tpu.vector_load %arg5[%get3A_263, %get3A_264] {strides = array<i32>} : memref<80x128xi32, #tpu.memory_space<vmem>>, vector<1x16xi32>,
      %get3A_266 = vector.shape_cast %get3A_265 : vector<1x16xi32> to vector<16xi32>
      %shift_right_logical3A_267 = arith.constant 14 : i32
      %shift_right_logical3A_268 = vector.broadcast %shift_right_logical3A_267 : i32 to vector<16xi32>
      %shift_right_logical3A_269 = arith.shrui %get3A_266, %shift_right_logical3A_268 : vector<16xi32>
      %swap3A_270 = arith.constant 1 : i32
      %swap3A_271 = arith.index_cast %swap3A_270 : i32 to index
      %swap3A_272 = arith.constant 32 : index
      %swap3A_273 = tpu.vector_load %arg6[%swap3A_271, %swap3A_272] {strides = array<i32>} : memref<2x128xi32, #tpu.memory_space<vmem>>, vector<1x16xi32>,
      %swap3A_274 = vector.shape_cast %swap3A_273 : vector<1x16xi32> to vector<16xi32>
      %swap3A_275 = vector.shape_cast %shift_right_logical3A_269 : vector<16xi32> to vector<1x16xi32>
      tpu.vector_store %arg6[%swap3A_271, %swap3A_272], %swap3A_275 {strides = array<i32>} : memref<2x128xi32, #tpu.memory_space<vmem>>, vector<1x16xi32>,
      %and3A_276 = arith.constant 16383 : i32
      %and3A_277 = vector.broadcast %and3A_276 : i32 to vector<16xi32>
      %and3A_278 = arith.andi %get3A_266, %and3A_277 : vector<16xi32>
      %swap3A_279 = arith.constant 1 : i32
      %swap3A_280 = arith.index_cast %swap3A_279 : i32 to index
      %swap3A_281 = arith.constant 32 : index
      %swap3A_282 = tpu.vector_load %arg7[%swap3A_280, %swap3A_281] {strides = array<i32>} : memref<2x128xi32, #tpu.memory_space<vmem>>, vector<1x16xi32>,
      %swap3A_283 = vector.shape_cast %swap3A_282 : vector<1x16xi32> to vector<16xi32>
      %swap3A_284 = vector.shape_cast %and3A_278 : vector<16xi32> to vector<1x16xi32>
      tpu.vector_store %arg7[%swap3A_280, %swap3A_281], %swap3A_284 {strides = array<i32>} : memref<2x128xi32, #tpu.memory_space<vmem>>, vector<1x16xi32>,
      %get3A_285 = arith.index_cast %add3A_218 : i32 to index
      %get3A_286 = arith.constant 48 : index
      %get3A_287 = tpu.vector_load %arg5[%get3A_285, %get3A_286] {strides = array<i32>} : memref<80x128xi32, #tpu.memory_space<vmem>>, vector<1x16xi32>,
      %get3A_288 = vector.shape_cast %get3A_287 : vector<1x16xi32> to vector<16xi32>
      %shift_right_logical3A_289 = arith.constant 14 : i32
      %shift_right_logical3A_290 = vector.broadcast %shift_right_logical3A_289 : i32 to vector<16xi32>
      %shift_right_logical3A_291 = arith.shrui %get3A_288, %shift_right_logical3A_290 : vector<16xi32>
      %swap3A_292 = arith.constant 1 : i32
      %swap3A_293 = arith.index_cast %swap3A_292 : i32 to index
      %swap3A_294 = arith.constant 48 : index
      %swap3A_295 = tpu.vector_load %arg6[%swap3A_293, %swap3A_294] {strides = array<i32>} : memref<2x128xi32, #tpu.memory_space<vmem>>, vector<1x16xi32>,
      %swap3A_296 = vector.shape_cast %swap3A_295 : vector<1x16xi32> to vector<16xi32>
      %swap3A_297 = vector.shape_cast %shift_right_logical3A_291 : vector<16xi32> to vector<1x16xi32>
      tpu.vector_store %arg6[%swap3A_293, %swap3A_294], %swap3A_297 {strides = array<i32>} : memref<2x128xi32, #tpu.memory_space<vmem>>, vector<1x16xi32>,
      %and3A_298 = arith.constant 16383 : i32
      %and3A_299 = vector.broadcast %and3A_298 : i32 to vector<16xi32>
      %and3A_300 = arith.andi %get3A_288, %and3A_299 : vector<16xi32>
      %swap3A_301 = arith.constant 1 : i32
      %swap3A_302 = arith.index_cast %swap3A_301 : i32 to index
      %swap3A_303 = arith.constant 48 : index
      %swap3A_304 = tpu.vector_load %arg7[%swap3A_302, %swap3A_303] {strides = array<i32>} : memref<2x128xi32, #tpu.memory_space<vmem>>, vector<1x16xi32>,
      %swap3A_305 = vector.shape_cast %swap3A_304 : vector<1x16xi32> to vector<16xi32>
      %swap3A_306 = vector.shape_cast %and3A_300 : vector<16xi32> to vector<1x16xi32>
      tpu.vector_store %arg7[%swap3A_302, %swap3A_303], %swap3A_306 {strides = array<i32>} : memref<2x128xi32, #tpu.memory_space<vmem>>, vector<1x16xi32>,
      %get3A_307 = arith.index_cast %add3A_218 : i32 to index
      %get3A_308 = arith.constant 64 : index
      %get3A_309 = tpu.vector_load %arg5[%get3A_307, %get3A_308] {strides = array<i32>} : memref<80x128xi32, #tpu.memory_space<vmem>>, vector<1x16xi32>,
      %get3A_310 = vector.shape_cast %get3A_309 : vector<1x16xi32> to vector<16xi32>
      %shift_right_logical3A_311 = arith.constant 14 : i32
      %shift_right_logical3A_312 = vector.broadcast %shift_right_logical3A_311 : i32 to vector<16xi32>
      %shift_right_logical3A_313 = arith.shrui %get3A_310, %shift_right_logical3A_312 : vector<16xi32>
      %swap3A_314 = arith.constant 1 : i32
      %swap3A_315 = arith.index_cast %swap3A_314 : i32 to index
      %swap3A_316 = arith.constant 64 : index
      %swap3A_317 = tpu.vector_load %arg6[%swap3A_315, %swap3A_316] {strides = array<i32>} : memref<2x128xi32, #tpu.memory_space<vmem>>, vector<1x16xi32>,
      %swap3A_318 = vector.shape_cast %swap3A_317 : vector<1x16xi32> to vector<16xi32>
      %swap3A_319 = vector.shape_cast %shift_right_logical3A_313 : vector<16xi32> to vector<1x16xi32>
      tpu.vector_store %arg6[%swap3A_315, %swap3A_316], %swap3A_319 {strides = array<i32>} : memref<2x128xi32, #tpu.memory_space<vmem>>, vector<1x16xi32>,
      %and3A_320 = arith.constant 16383 : i32
      %and3A_321 = vector.broadcast %and3A_320 : i32 to vector<16xi32>
      %and3A_322 = arith.andi %get3A_310, %and3A_321 : vector<16xi32>
      %swap3A_323 = arith.constant 1 : i32
      %swap3A_324 = arith.index_cast %swap3A_323 : i32 to index
      %swap3A_325 = arith.constant 64 : index
      %swap3A_326 = tpu.vector_load %arg7[%swap3A_324, %swap3A_325] {strides = array<i32>} : memref<2x128xi32, #tpu.memory_space<vmem>>, vector<1x16xi32>,
      %swap3A_327 = vector.shape_cast %swap3A_326 : vector<1x16xi32> to vector<16xi32>
      %swap3A_328 = vector.shape_cast %and3A_322 : vector<16xi32> to vector<1x16xi32>
      tpu.vector_store %arg7[%swap3A_324, %swap3A_325], %swap3A_328 {strides = array<i32>} : memref<2x128xi32, #tpu.memory_space<vmem>>, vector<1x16xi32>,
      %get3A_329 = arith.index_cast %add3A_218 : i32 to index
      %get3A_330 = arith.constant 80 : index
      %get3A_331 = tpu.vector_load %arg5[%get3A_329, %get3A_330] {strides = array<i32>} : memref<80x128xi32, #tpu.memory_space<vmem>>, vector<1x16xi32>,
      %get3A_332 = vector.shape_cast %get3A_331 : vector<1x16xi32> to vector<16xi32>
      %shift_right_logical3A_333 = arith.constant 14 : i32
      %shift_right_logical3A_334 = vector.broadcast %shift_right_logical3A_333 : i32 to vector<16xi32>
      %shift_right_logical3A_335 = arith.shrui %get3A_332, %shift_right_logical3A_334 : vector<16xi32>
      %swap3A_336 = arith.constant 1 : i32
      %swap3A_337 = arith.index_cast %swap3A_336 : i32 to index
      %swap3A_338 = arith.constant 80 : index
      %swap3A_339 = tpu.vector_load %arg6[%swap3A_337, %swap3A_338] {strides = array<i32>} : memref<2x128xi32, #tpu.memory_space<vmem>>, vector<1x16xi32>,
      %swap3A_340 = vector.shape_cast %swap3A_339 : vector<1x16xi32> to vector<16xi32>
      %swap3A_341 = vector.shape_cast %shift_right_logical3A_335 : vector<16xi32> to vector<1x16xi32>
      tpu.vector_store %arg6[%swap3A_337, %swap3A_338], %swap3A_341 {strides = array<i32>} : memref<2x128xi32, #tpu.memory_space<vmem>>, vector<1x16xi32>,
      %and3A_342 = arith.constant 16383 : i32
      %and3A_343 = vector.broadcast %and3A_342 : i32 to vector<16xi32>
      %and3A_344 = arith.andi %get3A_332, %and3A_343 : vector<16xi32>
      %swap3A_345 = arith.constant 1 : i32
      %swap3A_346 = arith.index_cast %swap3A_345 : i32 to index
      %swap3A_347 = arith.constant 80 : index
      %swap3A_348 = tpu.vector_load %arg7[%swap3A_346, %swap3A_347] {strides = array<i32>} : memref<2x128xi32, #tpu.memory_space<vmem>>, vector<1x16xi32>,
      %swap3A_349 = vector.shape_cast %swap3A_348 : vector<1x16xi32> to vector<16xi32>
      %swap3A_350 = vector.shape_cast %and3A_344 : vector<16xi32> to vector<1x16xi32>
      tpu.vector_store %arg7[%swap3A_346, %swap3A_347], %swap3A_350 {strides = array<i32>} : memref<2x128xi32, #tpu.memory_space<vmem>>, vector<1x16xi32>,
      %get3A_351 = arith.index_cast %add3A_218 : i32 to index
      %get3A_352 = arith.constant 96 : index
      %get3A_353 = tpu.vector_load %arg5[%get3A_351, %get3A_352] {strides = array<i32>} : memref<80x128xi32, #tpu.memory_space<vmem>>, vector<1x16xi32>,
      %get3A_354 = vector.shape_cast %get3A_353 : vector<1x16xi32> to vector<16xi32>
      %shift_right_logical3A_355 = arith.constant 14 : i32
      %shift_right_logical3A_356 = vector.broadcast %shift_right_logical3A_355 : i32 to vector<16xi32>
      %shift_right_logical3A_357 = arith.shrui %get3A_354, %shift_right_logical3A_356 : vector<16xi32>
      %swap3A_358 = arith.constant 1 : i32
      %swap3A_359 = arith.index_cast %swap3A_358 : i32 to index
      %swap3A_360 = arith.constant 96 : index
      %swap3A_361 = tpu.vector_load %arg6[%swap3A_359, %swap3A_360] {strides = array<i32>} : memref<2x128xi32, #tpu.memory_space<vmem>>, vector<1x16xi32>,
      %swap3A_362 = vector.shape_cast %swap3A_361 : vector<1x16xi32> to vector<16xi32>
      %swap3A_363 = vector.shape_cast %shift_right_logical3A_357 : vector<16xi32> to vector<1x16xi32>
      tpu.vector_store %arg6[%swap3A_359, %swap3A_360], %swap3A_363 {strides = array<i32>} : memref<2x128xi32, #tpu.memory_space<vmem>>, vector<1x16xi32>,
      %and3A_364 = arith.constant 16383 : i32
      %and3A_365 = vector.broadcast %and3A_364 : i32 to vector<16xi32>
      %and3A_366 = arith.andi %get3A_354, %and3A_365 : vector<16xi32>
      %swap3A_367 = arith.constant 1 : i32
      %swap3A_368 = arith.index_cast %swap3A_367 : i32 to index
      %swap3A_369 = arith.constant 96 : index
      %swap3A_370 = tpu.vector_load %arg7[%swap3A_368, %swap3A_369] {strides = array<i32>} : memref<2x128xi32, #tpu.memory_space<vmem>>, vector<1x16xi32>,
      %swap3A_371 = vector.shape_cast %swap3A_370 : vector<1x16xi32> to vector<16xi32>
      %swap3A_372 = vector.shape_cast %and3A_366 : vector<16xi32> to vector<1x16xi32>
      tpu.vector_store %arg7[%swap3A_368, %swap3A_369], %swap3A_372 {strides = array<i32>} : memref<2x128xi32, #tpu.memory_space<vmem>>, vector<1x16xi32>,
      %get3A_373 = arith.index_cast %add3A_218 : i32 to index
      %get3A_374 = arith.constant 112 : index
      %get3A_375 = tpu.vector_load %arg5[%get3A_373, %get3A_374] {strides = array<i32>} : memref<80x128xi32, #tpu.memory_space<vmem>>, vector<1x16xi32>,
      %get3A_376 = vector.shape_cast %get3A_375 : vector<1x16xi32> to vector<16xi32>
      %shift_right_logical3A_377 = arith.constant 14 : i32
      %shift_right_logical3A_378 = vector.broadcast %shift_right_logical3A_377 : i32 to vector<16xi32>
      %shift_right_logical3A_379 = arith.shrui %get3A_376, %shift_right_logical3A_378 : vector<16xi32>
      %swap3A_380 = arith.constant 1 : i32
      %swap3A_381 = arith.index_cast %swap3A_380 : i32 to index
      %swap3A_382 = arith.constant 112 : index
      %swap3A_383 = tpu.vector_load %arg6[%swap3A_381, %swap3A_382] {strides = array<i32>} : memref<2x128xi32, #tpu.memory_space<vmem>>, vector<1x16xi32>,
      %swap3A_384 = vector.shape_cast %swap3A_383 : vector<1x16xi32> to vector<16xi32>
      %swap3A_385 = vector.shape_cast %shift_right_logical3A_379 : vector<16xi32> to vector<1x16xi32>
      tpu.vector_store %arg6[%swap3A_381, %swap3A_382], %swap3A_385 {strides = array<i32>} : memref<2x128xi32, #tpu.memory_space<vmem>>, vector<1x16xi32>,
      %and3A_386 = arith.constant 16383 : i32
      %and3A_387 = vector.broadcast %and3A_386 : i32 to vector<16xi32>
      %and3A_388 = arith.andi %get3A_376, %and3A_387 : vector<16xi32>
      %swap3A_389 = arith.constant 1 : i32
      %swap3A_390 = arith.index_cast %swap3A_389 : i32 to index
      %swap3A_391 = arith.constant 112 : index
      %swap3A_392 = tpu.vector_load %arg7[%swap3A_390, %swap3A_391] {strides = array<i32>} : memref<2x128xi32, #tpu.memory_space<vmem>>, vector<1x16xi32>,
      %swap3A_393 = vector.shape_cast %swap3A_392 : vector<1x16xi32> to vector<16xi32>
      %swap3A_394 = vector.shape_cast %and3A_388 : vector<16xi32> to vector<1x16xi32>
      tpu.vector_store %arg7[%swap3A_390, %swap3A_391], %swap3A_394 {strides = array<i32>} : memref<2x128xi32, #tpu.memory_space<vmem>>, vector<1x16xi32>,
      %dma_start3A_395 = arith.constant 1 : i32
      %dma_start3A_396 = arith.constant 0 : i32
      %dma_start3A_397 = tpu.memref_slice %arg6[%dma_start3A_395, %dma_start3A_396] : memref<2x128xi32, #tpu.memory_space<vmem>> -> memref<1x128xi32, #tpu.memory_space<vmem>>
      %dma_start3A_398 = tpu.memref_squeeze %dma_start3A_397 : memref<1x128xi32, #tpu.memory_space<vmem>> -> memref<128xi32, #tpu.memory_space<vmem>>
      %dma_start3A_399 = arith.constant 0 : i32
      %dma_start3A_400 = arith.constant 0 : i32
      %dma_start3A_401 = tpu.memref_slice %arg2[%arg0, %dma_start3A_399, %dma_start3A_400] : memref<2x10000x128xf32, #tpu.memory_space<hbm>> -> memref<1x10000x128xf32, #tpu.memory_space<hbm>>
      %dma_start3A_402 = tpu.memref_squeeze %dma_start3A_401 : memref<1x10000x128xf32, #tpu.memory_space<hbm>> -> memref<10000x128xf32, #tpu.memory_space<hbm>>
      %dma_start3A_403 = arith.constant 0 : i32
      %dma_start3A_404 = arith.constant 0 : i32
      %dma_start3A_405 = tpu.memref_slice %dma_start3A_402[%dma_start3A_403, %dma_start3A_404] : memref<10000x128xf32, #tpu.memory_space<hbm>> -> memref<10000x128xf32, #tpu.memory_space<hbm>>
      tpu.enqueue_indirect_dma source(%dma_start3A_405 : memref<10000x128xf32, #tpu.memory_space<hbm>>) target(%arg9 : memref<128x128xf32, #tpu.memory_space<vmem>>) offsets(%dma_start3A_398 : memref<128xi32, #tpu.memory_space<vmem>>) semaphore(%arg12 : memref<!tpu.dma_semaphore, #tpu.memory_space<semaphore_mem>>)
      %dma_wait3A = arith.constant 0 : i32
      %dma_wait3A_406 = arith.constant 0 : i32
      %dma_wait3A_407 = tpu.memref_slice %arg6[%dma_wait3A, %dma_wait3A_406] : memref<2x128xi32, #tpu.memory_space<vmem>> -> memref<1x128xi32, #tpu.memory_space<vmem>>
      %dma_wait3A_408 = tpu.memref_squeeze %dma_wait3A_407 : memref<1x128xi32, #tpu.memory_space<vmem>> -> memref<128xi32, #tpu.memory_space<vmem>>
      %dma_wait3A_409 = arith.constant 0 : i32
      %dma_wait3A_410 = arith.constant 0 : i32
      %dma_wait3A_411 = tpu.memref_slice %arg2[%arg0, %dma_wait3A_409, %dma_wait3A_410] : memref<2x10000x128xf32, #tpu.memory_space<hbm>> -> memref<1x10000x128xf32, #tpu.memory_space<hbm>>
      %dma_wait3A_412 = tpu.memref_squeeze %dma_wait3A_411 : memref<1x10000x128xf32, #tpu.memory_space<hbm>> -> memref<10000x128xf32, #tpu.memory_space<hbm>>
      %dma_wait3A_413 = arith.constant 0 : i32
      %dma_wait3A_414 = arith.constant 0 : i32
      %dma_wait3A_415 = tpu.memref_slice %dma_wait3A_412[%dma_wait3A_413, %dma_wait3A_414] : memref<10000x128xf32, #tpu.memory_space<hbm>> -> memref<10000x128xf32, #tpu.memory_space<hbm>>
      tpu.wait_indirect_dma semaphore(%arg11 : memref<!tpu.dma_semaphore, #tpu.memory_space<semaphore_mem>>) src(%dma_wait3A_415 : memref<10000x128xf32, #tpu.memory_space<hbm>>) dst(%arg8 : memref<128x128xf32, #tpu.memory_space<vmem>>)
      %run_scoped3A = arith.constant 0 : i32
      "tpu.region"() ({
        %run_scoped3A_432 = tpu.sem_alloc : memref<!tpu.dma_semaphore, #tpu.memory_space<semaphore_mem>>
        %dma_start3A_433 = arith.constant 0 : i32
        %dma_start3A_434 = tpu.memref_slice %arg7[%run_scoped3A, %dma_start3A_433] : memref<2x128xi32, #tpu.memory_space<vmem>> -> memref<1x128xi32, #tpu.memory_space<vmem>>
        %dma_start3A_435 = tpu.memref_squeeze %dma_start3A_434 : memref<1x128xi32, #tpu.memory_space<vmem>> -> memref<128xi32, #tpu.memory_space<vmem>>
        %dma_start3A_436 = arith.constant 0 : i32
        %dma_start3A_437 = arith.constant 0 : i32
        %dma_start3A_438 = tpu.memref_slice %arg10[%dma_start3A_436, %dma_start3A_437] : memref<10112x128xf32, #tpu.memory_space<vmem_shared>> -> memref<10112x128xf32, #tpu.memory_space<vmem_shared>>
        tpu.enqueue_indirect_dma source(%arg8 : memref<128x128xf32, #tpu.memory_space<vmem>>) target(%dma_start3A_438 : memref<10112x128xf32, #tpu.memory_space<vmem_shared>>) offsets(%dma_start3A_435 : memref<128xi32, #tpu.memory_space<vmem>>) semaphore(%run_scoped3A_432 : memref<!tpu.dma_semaphore, #tpu.memory_space<semaphore_mem>>) {add = true}
        %dma_wait3A_439 = arith.constant 0 : i32
        %dma_wait3A_440 = tpu.memref_slice %arg7[%run_scoped3A, %dma_wait3A_439] : memref<2x128xi32, #tpu.memory_space<vmem>> -> memref<1x128xi32, #tpu.memory_space<vmem>>
        %dma_wait3A_441 = tpu.memref_squeeze %dma_wait3A_440 : memref<1x128xi32, #tpu.memory_space<vmem>> -> memref<128xi32, #tpu.memory_space<vmem>>
        %dma_wait3A_442 = arith.constant 0 : i32
        %dma_wait3A_443 = arith.constant 0 : i32
        %dma_wait3A_444 = tpu.memref_slice %arg10[%dma_wait3A_442, %dma_wait3A_443] : memref<10112x128xf32, #tpu.memory_space<vmem_shared>> -> memref<10112x128xf32, #tpu.memory_space<vmem_shared>>
        tpu.wait_indirect_dma semaphore(%run_scoped3A_432 : memref<!tpu.dma_semaphore, #tpu.memory_space<semaphore_mem>>) src(%arg8 : memref<128x128xf32, #tpu.memory_space<vmem>>) dst(%dma_wait3A_444 : memref<10112x128xf32, #tpu.memory_space<vmem_shared>>)
        tpu.yield
      }) : () -> ()
      %add3A_416 = arith.constant 2 : i32
      %add3A_417 = arith.addi %mul3A_216, %add3A_416 : i32
      %lt3A = arith.constant 80 : i32
      %lt3A_418 = arith.cmpi slt, %add3A_417, %lt3A : i32
      %convert_element_type3A = arith.extui %lt3A_418 : i1 to i32
      %cond3A = arith.constant 0 : i32
      %cond3A_419 = arith.cmpi ne, %convert_element_type3A, %cond3A : i32
      scf.if %cond3A_419 {
        %add3A_432 = arith.constant 2 : i32
        %add3A_433 = arith.addi %mul3A_216, %add3A_432 : i32
        %get3A_434 = arith.index_cast %add3A_433 : i32 to index
        %get3A_435 = arith.constant 0 : index
        %get3A_436 = tpu.vector_load %arg5[%get3A_434, %get3A_435] {strides = array<i32>} : memref<80x128xi32, #tpu.memory_space<vmem>>, vector<1x16xi32>,
        %get3A_437 = vector.shape_cast %get3A_436 : vector<1x16xi32> to vector<16xi32>
        %shift_right_logical3A_438 = arith.constant 14 : i32
        %shift_right_logical3A_439 = vector.broadcast %shift_right_logical3A_438 : i32 to vector<16xi32>
        %shift_right_logical3A_440 = arith.shrui %get3A_437, %shift_right_logical3A_439 : vector<16xi32>
        %swap3A_441 = arith.constant 0 : i32
        %swap3A_442 = arith.index_cast %swap3A_441 : i32 to index
        %swap3A_443 = arith.constant 0 : index
        %swap3A_444 = tpu.vector_load %arg6[%swap3A_442, %swap3A_443] {strides = array<i32>} : memref<2x128xi32, #tpu.memory_space<vmem>>, vector<1x16xi32>,
        %swap3A_445 = vector.shape_cast %swap3A_444 : vector<1x16xi32> to vector<16xi32>
        %swap3A_446 = vector.shape_cast %shift_right_logical3A_440 : vector<16xi32> to vector<1x16xi32>
        tpu.vector_store %arg6[%swap3A_442, %swap3A_443], %swap3A_446 {strides = array<i32>} : memref<2x128xi32, #tpu.memory_space<vmem>>, vector<1x16xi32>,
        %and3A_447 = arith.constant 16383 : i32
        %and3A_448 = vector.broadcast %and3A_447 : i32 to vector<16xi32>
        %and3A_449 = arith.andi %get3A_437, %and3A_448 : vector<16xi32>
        %swap3A_450 = arith.constant 0 : i32
        %swap3A_451 = arith.index_cast %swap3A_450 : i32 to index
        %swap3A_452 = arith.constant 0 : index
        %swap3A_453 = tpu.vector_load %arg7[%swap3A_451, %swap3A_452] {strides = array<i32>} : memref<2x128xi32, #tpu.memory_space<vmem>>, vector<1x16xi32>,
        %swap3A_454 = vector.shape_cast %swap3A_453 : vector<1x16xi32> to vector<16xi32>
        %swap3A_455 = vector.shape_cast %and3A_449 : vector<16xi32> to vector<1x16xi32>
        tpu.vector_store %arg7[%swap3A_451, %swap3A_452], %swap3A_455 {strides = array<i32>} : memref<2x128xi32, #tpu.memory_space<vmem>>, vector<1x16xi32>,
        %get3A_456 = arith.index_cast %add3A_433 : i32 to index
        %get3A_457 = arith.constant 16 : index
        %get3A_458 = tpu.vector_load %arg5[%get3A_456, %get3A_457] {strides = array<i32>} : memref<80x128xi32, #tpu.memory_space<vmem>>, vector<1x16xi32>,
        %get3A_459 = vector.shape_cast %get3A_458 : vector<1x16xi32> to vector<16xi32>
        %shift_right_logical3A_460 = arith.constant 14 : i32
        %shift_right_logical3A_461 = vector.broadcast %shift_right_logical3A_460 : i32 to vector<16xi32>
        %shift_right_logical3A_462 = arith.shrui %get3A_459, %shift_right_logical3A_461 : vector<16xi32>
        %swap3A_463 = arith.constant 0 : i32
        %swap3A_464 = arith.index_cast %swap3A_463 : i32 to index
        %swap3A_465 = arith.constant 16 : index
        %swap3A_466 = tpu.vector_load %arg6[%swap3A_464, %swap3A_465] {strides = array<i32>} : memref<2x128xi32, #tpu.memory_space<vmem>>, vector<1x16xi32>,
        %swap3A_467 = vector.shape_cast %swap3A_466 : vector<1x16xi32> to vector<16xi32>
        %swap3A_468 = vector.shape_cast %shift_right_logical3A_462 : vector<16xi32> to vector<1x16xi32>
        tpu.vector_store %arg6[%swap3A_464, %swap3A_465], %swap3A_468 {strides = array<i32>} : memref<2x128xi32, #tpu.memory_space<vmem>>, vector<1x16xi32>,
        %and3A_469 = arith.constant 16383 : i32
        %and3A_470 = vector.broadcast %and3A_469 : i32 to vector<16xi32>
        %and3A_471 = arith.andi %get3A_459, %and3A_470 : vector<16xi32>
        %swap3A_472 = arith.constant 0 : i32
        %swap3A_473 = arith.index_cast %swap3A_472 : i32 to index
        %swap3A_474 = arith.constant 16 : index
        %swap3A_475 = tpu.vector_load %arg7[%swap3A_473, %swap3A_474] {strides = array<i32>} : memref<2x128xi32, #tpu.memory_space<vmem>>, vector<1x16xi32>,
        %swap3A_476 = vector.shape_cast %swap3A_475 : vector<1x16xi32> to vector<16xi32>
        %swap3A_477 = vector.shape_cast %and3A_471 : vector<16xi32> to vector<1x16xi32>
        tpu.vector_store %arg7[%swap3A_473, %swap3A_474], %swap3A_477 {strides = array<i32>} : memref<2x128xi32, #tpu.memory_space<vmem>>, vector<1x16xi32>,
        %get3A_478 = arith.index_cast %add3A_433 : i32 to index
        %get3A_479 = arith.constant 32 : index
        %get3A_480 = tpu.vector_load %arg5[%get3A_478, %get3A_479] {strides = array<i32>} : memref<80x128xi32, #tpu.memory_space<vmem>>, vector<1x16xi32>,
        %get3A_481 = vector.shape_cast %get3A_480 : vector<1x16xi32> to vector<16xi32>
        %shift_right_logical3A_482 = arith.constant 14 : i32
        %shift_right_logical3A_483 = vector.broadcast %shift_right_logical3A_482 : i32 to vector<16xi32>
        %shift_right_logical3A_484 = arith.shrui %get3A_481, %shift_right_logical3A_483 : vector<16xi32>
        %swap3A_485 = arith.constant 0 : i32
        %swap3A_486 = arith.index_cast %swap3A_485 : i32 to index
        %swap3A_487 = arith.constant 32 : index
        %swap3A_488 = tpu.vector_load %arg6[%swap3A_486, %swap3A_487] {strides = array<i32>} : memref<2x128xi32, #tpu.memory_space<vmem>>, vector<1x16xi32>,
        %swap3A_489 = vector.shape_cast %swap3A_488 : vector<1x16xi32> to vector<16xi32>
        %swap3A_490 = vector.shape_cast %shift_right_logical3A_484 : vector<16xi32> to vector<1x16xi32>
        tpu.vector_store %arg6[%swap3A_486, %swap3A_487], %swap3A_490 {strides = array<i32>} : memref<2x128xi32, #tpu.memory_space<vmem>>, vector<1x16xi32>,
        %and3A_491 = arith.constant 16383 : i32
        %and3A_492 = vector.broadcast %and3A_491 : i32 to vector<16xi32>
        %and3A_493 = arith.andi %get3A_481, %and3A_492 : vector<16xi32>
        %swap3A_494 = arith.constant 0 : i32
        %swap3A_495 = arith.index_cast %swap3A_494 : i32 to index
        %swap3A_496 = arith.constant 32 : index
        %swap3A_497 = tpu.vector_load %arg7[%swap3A_495, %swap3A_496] {strides = array<i32>} : memref<2x128xi32, #tpu.memory_space<vmem>>, vector<1x16xi32>,
        %swap3A_498 = vector.shape_cast %swap3A_497 : vector<1x16xi32> to vector<16xi32>
        %swap3A_499 = vector.shape_cast %and3A_493 : vector<16xi32> to vector<1x16xi32>
        tpu.vector_store %arg7[%swap3A_495, %swap3A_496], %swap3A_499 {strides = array<i32>} : memref<2x128xi32, #tpu.memory_space<vmem>>, vector<1x16xi32>,
        %get3A_500 = arith.index_cast %add3A_433 : i32 to index
        %get3A_501 = arith.constant 48 : index
        %get3A_502 = tpu.vector_load %arg5[%get3A_500, %get3A_501] {strides = array<i32>} : memref<80x128xi32, #tpu.memory_space<vmem>>, vector<1x16xi32>,
        %get3A_503 = vector.shape_cast %get3A_502 : vector<1x16xi32> to vector<16xi32>
        %shift_right_logical3A_504 = arith.constant 14 : i32
        %shift_right_logical3A_505 = vector.broadcast %shift_right_logical3A_504 : i32 to vector<16xi32>
        %shift_right_logical3A_506 = arith.shrui %get3A_503, %shift_right_logical3A_505 : vector<16xi32>
        %swap3A_507 = arith.constant 0 : i32
        %swap3A_508 = arith.index_cast %swap3A_507 : i32 to index
        %swap3A_509 = arith.constant 48 : index
        %swap3A_510 = tpu.vector_load %arg6[%swap3A_508, %swap3A_509] {strides = array<i32>} : memref<2x128xi32, #tpu.memory_space<vmem>>, vector<1x16xi32>,
        %swap3A_511 = vector.shape_cast %swap3A_510 : vector<1x16xi32> to vector<16xi32>
        %swap3A_512 = vector.shape_cast %shift_right_logical3A_506 : vector<16xi32> to vector<1x16xi32>
        tpu.vector_store %arg6[%swap3A_508, %swap3A_509], %swap3A_512 {strides = array<i32>} : memref<2x128xi32, #tpu.memory_space<vmem>>, vector<1x16xi32>,
        %and3A_513 = arith.constant 16383 : i32
        %and3A_514 = vector.broadcast %and3A_513 : i32 to vector<16xi32>
        %and3A_515 = arith.andi %get3A_503, %and3A_514 : vector<16xi32>
        %swap3A_516 = arith.constant 0 : i32
        %swap3A_517 = arith.index_cast %swap3A_516 : i32 to index
        %swap3A_518 = arith.constant 48 : index
        %swap3A_519 = tpu.vector_load %arg7[%swap3A_517, %swap3A_518] {strides = array<i32>} : memref<2x128xi32, #tpu.memory_space<vmem>>, vector<1x16xi32>,
        %swap3A_520 = vector.shape_cast %swap3A_519 : vector<1x16xi32> to vector<16xi32>
        %swap3A_521 = vector.shape_cast %and3A_515 : vector<16xi32> to vector<1x16xi32>
        tpu.vector_store %arg7[%swap3A_517, %swap3A_518], %swap3A_521 {strides = array<i32>} : memref<2x128xi32, #tpu.memory_space<vmem>>, vector<1x16xi32>,
        %get3A_522 = arith.index_cast %add3A_433 : i32 to index
        %get3A_523 = arith.constant 64 : index
        %get3A_524 = tpu.vector_load %arg5[%get3A_522, %get3A_523] {strides = array<i32>} : memref<80x128xi32, #tpu.memory_space<vmem>>, vector<1x16xi32>,
        %get3A_525 = vector.shape_cast %get3A_524 : vector<1x16xi32> to vector<16xi32>
        %shift_right_logical3A_526 = arith.constant 14 : i32
        %shift_right_logical3A_527 = vector.broadcast %shift_right_logical3A_526 : i32 to vector<16xi32>
        %shift_right_logical3A_528 = arith.shrui %get3A_525, %shift_right_logical3A_527 : vector<16xi32>
        %swap3A_529 = arith.constant 0 : i32
        %swap3A_530 = arith.index_cast %swap3A_529 : i32 to index
        %swap3A_531 = arith.constant 64 : index
        %swap3A_532 = tpu.vector_load %arg6[%swap3A_530, %swap3A_531] {strides = array<i32>} : memref<2x128xi32, #tpu.memory_space<vmem>>, vector<1x16xi32>,
        %swap3A_533 = vector.shape_cast %swap3A_532 : vector<1x16xi32> to vector<16xi32>
        %swap3A_534 = vector.shape_cast %shift_right_logical3A_528 : vector<16xi32> to vector<1x16xi32>
        tpu.vector_store %arg6[%swap3A_530, %swap3A_531], %swap3A_534 {strides = array<i32>} : memref<2x128xi32, #tpu.memory_space<vmem>>, vector<1x16xi32>,
        %and3A_535 = arith.constant 16383 : i32
        %and3A_536 = vector.broadcast %and3A_535 : i32 to vector<16xi32>
        %and3A_537 = arith.andi %get3A_525, %and3A_536 : vector<16xi32>
        %swap3A_538 = arith.constant 0 : i32
        %swap3A_539 = arith.index_cast %swap3A_538 : i32 to index
        %swap3A_540 = arith.constant 64 : index
        %swap3A_541 = tpu.vector_load %arg7[%swap3A_539, %swap3A_540] {strides = array<i32>} : memref<2x128xi32, #tpu.memory_space<vmem>>, vector<1x16xi32>,
        %swap3A_542 = vector.shape_cast %swap3A_541 : vector<1x16xi32> to vector<16xi32>
        %swap3A_543 = vector.shape_cast %and3A_537 : vector<16xi32> to vector<1x16xi32>
        tpu.vector_store %arg7[%swap3A_539, %swap3A_540], %swap3A_543 {strides = array<i32>} : memref<2x128xi32, #tpu.memory_space<vmem>>, vector<1x16xi32>,
        %get3A_544 = arith.index_cast %add3A_433 : i32 to index
        %get3A_545 = arith.constant 80 : index
        %get3A_546 = tpu.vector_load %arg5[%get3A_544, %get3A_545] {strides = array<i32>} : memref<80x128xi32, #tpu.memory_space<vmem>>, vector<1x16xi32>,
        %get3A_547 = vector.shape_cast %get3A_546 : vector<1x16xi32> to vector<16xi32>
        %shift_right_logical3A_548 = arith.constant 14 : i32
        %shift_right_logical3A_549 = vector.broadcast %shift_right_logical3A_548 : i32 to vector<16xi32>
        %shift_right_logical3A_550 = arith.shrui %get3A_547, %shift_right_logical3A_549 : vector<16xi32>
        %swap3A_551 = arith.constant 0 : i32
        %swap3A_552 = arith.index_cast %swap3A_551 : i32 to index
        %swap3A_553 = arith.constant 80 : index
        %swap3A_554 = tpu.vector_load %arg6[%swap3A_552, %swap3A_553] {strides = array<i32>} : memref<2x128xi32, #tpu.memory_space<vmem>>, vector<1x16xi32>,
        %swap3A_555 = vector.shape_cast %swap3A_554 : vector<1x16xi32> to vector<16xi32>
        %swap3A_556 = vector.shape_cast %shift_right_logical3A_550 : vector<16xi32> to vector<1x16xi32>
        tpu.vector_store %arg6[%swap3A_552, %swap3A_553], %swap3A_556 {strides = array<i32>} : memref<2x128xi32, #tpu.memory_space<vmem>>, vector<1x16xi32>,
        %and3A_557 = arith.constant 16383 : i32
        %and3A_558 = vector.broadcast %and3A_557 : i32 to vector<16xi32>
        %and3A_559 = arith.andi %get3A_547, %and3A_558 : vector<16xi32>
        %swap3A_560 = arith.constant 0 : i32
        %swap3A_561 = arith.index_cast %swap3A_560 : i32 to index
        %swap3A_562 = arith.constant 80 : index
        %swap3A_563 = tpu.vector_load %arg7[%swap3A_561, %swap3A_562] {strides = array<i32>} : memref<2x128xi32, #tpu.memory_space<vmem>>, vector<1x16xi32>,
        %swap3A_564 = vector.shape_cast %swap3A_563 : vector<1x16xi32> to vector<16xi32>
        %swap3A_565 = vector.shape_cast %and3A_559 : vector<16xi32> to vector<1x16xi32>
        tpu.vector_store %arg7[%swap3A_561, %swap3A_562], %swap3A_565 {strides = array<i32>} : memref<2x128xi32, #tpu.memory_space<vmem>>, vector<1x16xi32>,
        %get3A_566 = arith.index_cast %add3A_433 : i32 to index
        %get3A_567 = arith.constant 96 : index
        %get3A_568 = tpu.vector_load %arg5[%get3A_566, %get3A_567] {strides = array<i32>} : memref<80x128xi32, #tpu.memory_space<vmem>>, vector<1x16xi32>,
        %get3A_569 = vector.shape_cast %get3A_568 : vector<1x16xi32> to vector<16xi32>
        %shift_right_logical3A_570 = arith.constant 14 : i32
        %shift_right_logical3A_571 = vector.broadcast %shift_right_logical3A_570 : i32 to vector<16xi32>
        %shift_right_logical3A_572 = arith.shrui %get3A_569, %shift_right_logical3A_571 : vector<16xi32>
        %swap3A_573 = arith.constant 0 : i32
        %swap3A_574 = arith.index_cast %swap3A_573 : i32 to index
        %swap3A_575 = arith.constant 96 : index
        %swap3A_576 = tpu.vector_load %arg6[%swap3A_574, %swap3A_575] {strides = array<i32>} : memref<2x128xi32, #tpu.memory_space<vmem>>, vector<1x16xi32>,
        %swap3A_577 = vector.shape_cast %swap3A_576 : vector<1x16xi32> to vector<16xi32>
        %swap3A_578 = vector.shape_cast %shift_right_logical3A_572 : vector<16xi32> to vector<1x16xi32>
        tpu.vector_store %arg6[%swap3A_574, %swap3A_575], %swap3A_578 {strides = array<i32>} : memref<2x128xi32, #tpu.memory_space<vmem>>, vector<1x16xi32>,
        %and3A_579 = arith.constant 16383 : i32
        %and3A_580 = vector.broadcast %and3A_579 : i32 to vector<16xi32>
        %and3A_581 = arith.andi %get3A_569, %and3A_580 : vector<16xi32>
        %swap3A_582 = arith.constant 0 : i32
        %swap3A_583 = arith.index_cast %swap3A_582 : i32 to index
        %swap3A_584 = arith.constant 96 : index
        %swap3A_585 = tpu.vector_load %arg7[%swap3A_583, %swap3A_584] {strides = array<i32>} : memref<2x128xi32, #tpu.memory_space<vmem>>, vector<1x16xi32>,
        %swap3A_586 = vector.shape_cast %swap3A_585 : vector<1x16xi32> to vector<16xi32>
        %swap3A_587 = vector.shape_cast %and3A_581 : vector<16xi32> to vector<1x16xi32>
        tpu.vector_store %arg7[%swap3A_583, %swap3A_584], %swap3A_587 {strides = array<i32>} : memref<2x128xi32, #tpu.memory_space<vmem>>, vector<1x16xi32>,
        %get3A_588 = arith.index_cast %add3A_433 : i32 to index
        %get3A_589 = arith.constant 112 : index
        %get3A_590 = tpu.vector_load %arg5[%get3A_588, %get3A_589] {strides = array<i32>} : memref<80x128xi32, #tpu.memory_space<vmem>>, vector<1x16xi32>,
        %get3A_591 = vector.shape_cast %get3A_590 : vector<1x16xi32> to vector<16xi32>
        %shift_right_logical3A_592 = arith.constant 14 : i32
        %shift_right_logical3A_593 = vector.broadcast %shift_right_logical3A_592 : i32 to vector<16xi32>
        %shift_right_logical3A_594 = arith.shrui %get3A_591, %shift_right_logical3A_593 : vector<16xi32>
        %swap3A_595 = arith.constant 0 : i32
        %swap3A_596 = arith.index_cast %swap3A_595 : i32 to index
        %swap3A_597 = arith.constant 112 : index
        %swap3A_598 = tpu.vector_load %arg6[%swap3A_596, %swap3A_597] {strides = array<i32>} : memref<2x128xi32, #tpu.memory_space<vmem>>, vector<1x16xi32>,
        %swap3A_599 = vector.shape_cast %swap3A_598 : vector<1x16xi32> to vector<16xi32>
        %swap3A_600 = vector.shape_cast %shift_right_logical3A_594 : vector<16xi32> to vector<1x16xi32>
        tpu.vector_store %arg6[%swap3A_596, %swap3A_597], %swap3A_600 {strides = array<i32>} : memref<2x128xi32, #tpu.memory_space<vmem>>, vector<1x16xi32>,
        %and3A_601 = arith.constant 16383 : i32
        %and3A_602 = vector.broadcast %and3A_601 : i32 to vector<16xi32>
        %and3A_603 = arith.andi %get3A_591, %and3A_602 : vector<16xi32>
        %swap3A_604 = arith.constant 0 : i32
        %swap3A_605 = arith.index_cast %swap3A_604 : i32 to index
        %swap3A_606 = arith.constant 112 : index
        %swap3A_607 = tpu.vector_load %arg7[%swap3A_605, %swap3A_606] {strides = array<i32>} : memref<2x128xi32, #tpu.memory_space<vmem>>, vector<1x16xi32>,
        %swap3A_608 = vector.shape_cast %swap3A_607 : vector<1x16xi32> to vector<16xi32>
        %swap3A_609 = vector.shape_cast %and3A_603 : vector<16xi32> to vector<1x16xi32>
        tpu.vector_store %arg7[%swap3A_605, %swap3A_606], %swap3A_609 {strides = array<i32>} : memref<2x128xi32, #tpu.memory_space<vmem>>, vector<1x16xi32>,
        %dma_start3A_610 = arith.constant 0 : i32
        %dma_start3A_611 = arith.constant 0 : i32
        %dma_start3A_612 = tpu.memref_slice %arg6[%dma_start3A_610, %dma_start3A_611] : memref<2x128xi32, #tpu.memory_space<vmem>> -> memref<1x128xi32, #tpu.memory_space<vmem>>
        %dma_start3A_613 = tpu.memref_squeeze %dma_start3A_612 : memref<1x128xi32, #tpu.memory_space<vmem>> -> memref<128xi32, #tpu.memory_space<vmem>>
        %dma_start3A_614 = arith.constant 0 : i32
        %dma_start3A_615 = arith.constant 0 : i32
        %dma_start3A_616 = tpu.memref_slice %arg2[%arg0, %dma_start3A_614, %dma_start3A_615] : memref<2x10000x128xf32, #tpu.memory_space<hbm>> -> memref<1x10000x128xf32, #tpu.memory_space<hbm>>
        %dma_start3A_617 = tpu.memref_squeeze %dma_start3A_616 : memref<1x10000x128xf32, #tpu.memory_space<hbm>> -> memref<10000x128xf32, #tpu.memory_space<hbm>>
        %dma_start3A_618 = arith.constant 0 : i32
        %dma_start3A_619 = arith.constant 0 : i32
        %dma_start3A_620 = tpu.memref_slice %dma_start3A_617[%dma_start3A_618, %dma_start3A_619] : memref<10000x128xf32, #tpu.memory_space<hbm>> -> memref<10000x128xf32, #tpu.memory_space<hbm>>
        tpu.enqueue_indirect_dma source(%dma_start3A_620 : memref<10000x128xf32, #tpu.memory_space<hbm>>) target(%arg8 : memref<128x128xf32, #tpu.memory_space<vmem>>) offsets(%dma_start3A_613 : memref<128xi32, #tpu.memory_space<vmem>>) semaphore(%arg11 : memref<!tpu.dma_semaphore, #tpu.memory_space<semaphore_mem>>)
      } else {
      }
      %dma_wait3A_420 = arith.constant 1 : i32
      %dma_wait3A_421 = arith.constant 0 : i32
      %dma_wait3A_422 = tpu.memref_slice %arg6[%dma_wait3A_420, %dma_wait3A_421] : memref<2x128xi32, #tpu.memory_space<vmem>> -> memref<1x128xi32, #tpu.memory_space<vmem>>
      %dma_wait3A_423 = tpu.memref_squeeze %dma_wait3A_422 : memref<1x128xi32, #tpu.memory_space<vmem>> -> memref<128xi32, #tpu.memory_space<vmem>>
      %dma_wait3A_424 = arith.constant 0 : i32
      %dma_wait3A_425 = arith.constant 0 : i32
      %dma_wait3A_426 = tpu.memref_slice %arg2[%arg0, %dma_wait3A_424, %dma_wait3A_425] : memref<2x10000x128xf32, #tpu.memory_space<hbm>> -> memref<1x10000x128xf32, #tpu.memory_space<hbm>>
      %dma_wait3A_427 = tpu.memref_squeeze %dma_wait3A_426 : memref<1x10000x128xf32, #tpu.memory_space<hbm>> -> memref<10000x128xf32, #tpu.memory_space<hbm>>
      %dma_wait3A_428 = arith.constant 0 : i32
      %dma_wait3A_429 = arith.constant 0 : i32
      %dma_wait3A_430 = tpu.memref_slice %dma_wait3A_427[%dma_wait3A_428, %dma_wait3A_429] : memref<10000x128xf32, #tpu.memory_space<hbm>> -> memref<10000x128xf32, #tpu.memory_space<hbm>>
      tpu.wait_indirect_dma semaphore(%arg12 : memref<!tpu.dma_semaphore, #tpu.memory_space<semaphore_mem>>) src(%dma_wait3A_430 : memref<10000x128xf32, #tpu.memory_space<hbm>>) dst(%arg9 : memref<128x128xf32, #tpu.memory_space<vmem>>)
      %run_scoped3A_431 = arith.constant 1 : i32
      "tpu.region"() ({
        %run_scoped3A_432 = tpu.sem_alloc : memref<!tpu.dma_semaphore, #tpu.memory_space<semaphore_mem>>
        %dma_start3A_433 = arith.constant 0 : i32
        %dma_start3A_434 = tpu.memref_slice %arg7[%run_scoped3A_431, %dma_start3A_433] : memref<2x128xi32, #tpu.memory_space<vmem>> -> memref<1x128xi32, #tpu.memory_space<vmem>>
        %dma_start3A_435 = tpu.memref_squeeze %dma_start3A_434 : memref<1x128xi32, #tpu.memory_space<vmem>> -> memref<128xi32, #tpu.memory_space<vmem>>
        %dma_start3A_436 = arith.constant 0 : i32
        %dma_start3A_437 = arith.constant 0 : i32
        %dma_start3A_438 = tpu.memref_slice %arg10[%dma_start3A_436, %dma_start3A_437] : memref<10112x128xf32, #tpu.memory_space<vmem_shared>> -> memref<10112x128xf32, #tpu.memory_space<vmem_shared>>
        tpu.enqueue_indirect_dma source(%arg9 : memref<128x128xf32, #tpu.memory_space<vmem>>) target(%dma_start3A_438 : memref<10112x128xf32, #tpu.memory_space<vmem_shared>>) offsets(%dma_start3A_435 : memref<128xi32, #tpu.memory_space<vmem>>) semaphore(%run_scoped3A_432 : memref<!tpu.dma_semaphore, #tpu.memory_space<semaphore_mem>>) {add = true}
        %dma_wait3A_439 = arith.constant 0 : i32
        %dma_wait3A_440 = tpu.memref_slice %arg7[%run_scoped3A_431, %dma_wait3A_439] : memref<2x128xi32, #tpu.memory_space<vmem>> -> memref<1x128xi32, #tpu.memory_space<vmem>>
        %dma_wait3A_441 = tpu.memref_squeeze %dma_wait3A_440 : memref<1x128xi32, #tpu.memory_space<vmem>> -> memref<128xi32, #tpu.memory_space<vmem>>
        %dma_wait3A_442 = arith.constant 0 : i32
        %dma_wait3A_443 = arith.constant 0 : i32
        %dma_wait3A_444 = tpu.memref_slice %arg10[%dma_wait3A_442, %dma_wait3A_443] : memref<10112x128xf32, #tpu.memory_space<vmem_shared>> -> memref<10112x128xf32, #tpu.memory_space<vmem_shared>>
        tpu.wait_indirect_dma semaphore(%run_scoped3A_432 : memref<!tpu.dma_semaphore, #tpu.memory_space<semaphore_mem>>) src(%arg9 : memref<128x128xf32, #tpu.memory_space<vmem>>) dst(%dma_wait3A_444 : memref<10112x128xf32, #tpu.memory_space<vmem_shared>>)
        tpu.yield
      }) : () -> ()
    }
    %scan3A_212 = arith.constant 40 : i32
    %barrier3A_213 = arith.constant 0 : index
    tpu.barrier barrier_id(%barrier3A_213)
    "tpu.region"() ({
      %run_scoped3A = tpu.sem_alloc : memref<!tpu.dma_semaphore, #tpu.memory_space<semaphore_mem>>
      %dma_start3A_214 = arith.constant 0 : i32
      %dma_start3A_215 = tpu.memref_slice %arg4[%arg0, %mul3A_0, %dma_start3A_214] : memref<2x10112x128xf32, #tpu.memory_space<hbm>> -> memref<1x632x128xf32, #tpu.memory_space<hbm>>
      %dma_start3A_216 = tpu.memref_squeeze %dma_start3A_215 : memref<1x632x128xf32, #tpu.memory_space<hbm>> -> memref<632x128xf32, #tpu.memory_space<hbm>>
      %dma_start3A_217 = arith.constant 0 : i32
      %dma_start3A_218 = tpu.memref_slice %arg10[%mul3A_0, %dma_start3A_217] : memref<10112x128xf32, #tpu.memory_space<vmem_shared>> -> memref<632x128xf32, #tpu.memory_space<vmem_shared>>
      tpu.enqueue_dma source(%dma_start3A_218 : memref<632x128xf32, #tpu.memory_space<vmem_shared>>) target(%dma_start3A_216 : memref<632x128xf32, #tpu.memory_space<hbm>>) target_semaphore(%run_scoped3A : memref<!tpu.dma_semaphore, #tpu.memory_space<semaphore_mem>>)
      %dma_wait3A = arith.constant 0 : i32
      %dma_wait3A_219 = tpu.memref_slice %arg4[%arg0, %mul3A_0, %dma_wait3A] : memref<2x10112x128xf32, #tpu.memory_space<hbm>> -> memref<1x632x128xf32, #tpu.memory_space<hbm>>
      %dma_wait3A_220 = tpu.memref_squeeze %dma_wait3A_219 : memref<1x632x128xf32, #tpu.memory_space<hbm>> -> memref<632x128xf32, #tpu.memory_space<hbm>>
      %dma_wait3A_221 = arith.constant 0 : i32
      %dma_wait3A_222 = tpu.memref_slice %arg10[%mul3A_0, %dma_wait3A_221] : memref<10112x128xf32, #tpu.memory_space<vmem_shared>> -> memref<632x128xf32, #tpu.memory_space<vmem_shared>>
      tpu.wait_dma2 semaphore(%run_scoped3A : memref<!tpu.dma_semaphore, #tpu.memory_space<semaphore_mem>>) src(%dma_wait3A_222 : memref<632x128xf32, #tpu.memory_space<vmem_shared>>) dst(%dma_wait3A_220 : memref<632x128xf32, #tpu.memory_space<hbm>>)
      tpu.yield
    }) : () -> ()
    return
  }
}

#map = affine_map<(d0, d1) -> (0, 0, 0)>
module attributes {stable_mosaic.version = 14 : i64} {
  func.func @_agg_kernel(%arg0: i32, %arg1: i32, %arg2: memref<2x10000x128xf32, #tpu.memory_space<hbm>>, %arg3: memref<16x80x128xi32, #tpu.memory_space<hbm>>, %arg4: memref<2x10112x128xf32, #tpu.memory_space<hbm>>, %arg5: memref<80x128xi32, #tpu.memory_space<vmem>>, %arg6: memref<2x128xi32, #tpu.memory_space<vmem>>, %arg7: memref<2x128xi32, #tpu.memory_space<vmem>>, %arg8: memref<128x128xf32, #tpu.memory_space<vmem>>, %arg9: memref<128x128xf32, #tpu.memory_space<vmem>>, %arg10: memref<10112x128xf32, #tpu.memory_space<vmem_shared>>, %arg11: memref<!tpu.dma_semaphore, #tpu.memory_space<semaphore_mem>>, %arg12: memref<!tpu.dma_semaphore, #tpu.memory_space<semaphore_mem>>) attributes {dimension_semantics = [#tpu.dimension_semantics<core_parallel>, #tpu.dimension_semantics<subcore_parallel>], iteration_bounds = array<i64: 2, 16>, scalar_prefetch = 0 : i64, scratch_operands = 8 : i64, tpu.core_type = #tpu.core_type<sc_vector_subcore>, window_params = [{transform_indices = #map}, {transform_indices = #map}, {transform_indices = #map}]} {
    "tpu.region"() ({
      %run_scoped3A = tpu.sem_alloc : memref<!tpu.dma_semaphore, #tpu.memory_space<semaphore_mem>>
      %dma_start3A_214 = arith.constant 0 : i32
      %dma_start3A_215 = arith.constant 0 : i32
      %dma_start3A_216 = tpu.memref_slice %arg3[%arg1, %dma_start3A_214, %dma_start3A_215] : memref<16x80x128xi32, #tpu.memory_space<hbm>> -> memref<1x80x128xi32, #tpu.memory_space<hbm>>
      %dma_start3A_217 = tpu.memref_squeeze %dma_start3A_216 : memref<1x80x128xi32, #tpu.memory_space<hbm>> -> memref<80x128xi32, #tpu.memory_space<hbm>>
      %dma_start3A_218 = arith.constant 0 : i32
      %dma_start3A_219 = arith.constant 0 : i32
      %dma_start3A_220 = tpu.memref_slice %arg3[%arg1, %dma_start3A_218, %dma_start3A_219] : memref<16x80x128xi32, #tpu.memory_space<hbm>> -> memref<1x80x128xi32, #tpu.memory_space<hbm>>
      %dma_start3A_221 = tpu.memref_squeeze %dma_start3A_220 : memref<1x80x128xi32, #tpu.memory_space<hbm>> -> memref<80x128xi32, #tpu.memory_space<hbm>>
      tpu.enqueue_dma source(%dma_start3A_221 : memref<80x128xi32, #tpu.memory_space<hbm>>) target(%arg5 : memref<80x128xi32, #tpu.memory_space<vmem>>) target_semaphore(%run_scoped3A : memref<!tpu.dma_semaphore, #tpu.memory_space<semaphore_mem>>)
      %dma_wait3A = arith.constant 0 : i32
      %dma_wait3A_222 = arith.constant 0 : i32
      %dma_wait3A_223 = tpu.memref_slice %arg3[%arg1, %dma_wait3A, %dma_wait3A_222] : memref<16x80x128xi32, #tpu.memory_space<hbm>> -> memref<1x80x128xi32, #tpu.memory_space<hbm>>
      %dma_wait3A_224 = tpu.memref_squeeze %dma_wait3A_223 : memref<1x80x128xi32, #tpu.memory_space<hbm>> -> memref<80x128xi32, #tpu.memory_space<hbm>>
      %dma_wait3A_225 = arith.constant 0 : i32
      %dma_wait3A_226 = arith.constant 0 : i32
      %dma_wait3A_227 = tpu.memref_slice %arg3[%arg1, %dma_wait3A_225, %dma_wait3A_226] : memref<16x80x128xi32, #tpu.memory_space<hbm>> -> memref<1x80x128xi32, #tpu.memory_space<hbm>>
      %dma_wait3A_228 = tpu.memref_squeeze %dma_wait3A_227 : memref<1x80x128xi32, #tpu.memory_space<hbm>> -> memref<80x128xi32, #tpu.memory_space<hbm>>
      tpu.wait_dma2 semaphore(%run_scoped3A : memref<!tpu.dma_semaphore, #tpu.memory_space<semaphore_mem>>) src(%dma_wait3A_228 : memref<80x128xi32, #tpu.memory_space<hbm>>) dst(%arg5 : memref<80x128xi32, #tpu.memory_space<vmem>>)
      tpu.yield
    }) : () -> ()
    %mul3A = arith.constant 632 : i32
    %mul3A_0 = arith.muli %arg1, %mul3A : i32
    %broadcast_in_dim3A = arith.constant 0.000000e+00 : f32
    %broadcast_in_dim3A_1 = vector.broadcast %broadcast_in_dim3A : f32 to vector<16xf32>
    %scan3A = arith.constant 0 : i32
    %scan3A_2 = arith.constant 0 : i32
    %scan3A_3 = arith.constant 1024 : i32
    %scan3A_4 = arith.addi %scan3A_2, %scan3A_3 : i32
    %scan3A_5 = arith.constant 1 : i32
    scf.for %scan3A_214 = %scan3A_2 to %scan3A_4 step %scan3A_5  : i32 {
      %jit3A = arith.constant 8 : i32
      %div3A = arith.divsi %scan3A_214, %jit3A : i32
      %sign3A = arith.constant 0 : i32
      %sign3A_215 = arith.cmpi sgt, %scan3A_214, %sign3A : i32
      %sign3A_216 = arith.extui %sign3A_215 : i1 to i32
      %sign3A_217 = arith.constant 0 : i32
      %sign3A_218 = arith.cmpi slt, %scan3A_214, %sign3A_217 : i32
      %sign3A_219 = arith.extui %sign3A_218 : i1 to i32
      %sign3A_220 = arith.subi %sign3A_216, %sign3A_219 : i32
      %sign3A_221 = arith.constant 0 : i32
      %sign3A_222 = arith.cmpi sgt, %jit3A, %sign3A_221 : i32
      %sign3A_223 = arith.extui %sign3A_222 : i1 to i32
      %sign3A_224 = arith.constant 0 : i32
      %sign3A_225 = arith.cmpi slt, %jit3A, %sign3A_224 : i32
      %sign3A_226 = arith.extui %sign3A_225 : i1 to i32
      %sign3A_227 = arith.subi %sign3A_223, %sign3A_226 : i32
      %ne3A = arith.cmpi ne, %sign3A_220, %sign3A_227 : i32
      %rem3A = arith.remsi %scan3A_214, %jit3A : i32
      %ne3A_228 = arith.constant 0 : i32
      %ne3A_229 = arith.cmpi ne, %rem3A, %ne3A_228 : i32
      %and3A_230 = arith.andi %ne3A, %ne3A_229 : i1
      %sub3A_231 = arith.constant 1 : i32
      %sub3A_232 = arith.subi %div3A, %sub3A_231 : i32
      %select_n3A = arith.select %and3A_230, %sub3A_232, %div3A : i32
      %jit3A_233 = arith.constant 8 : i32
      %eq3A = arith.constant 0 : i32
      %eq3A_234 = arith.cmpi eq, %jit3A_233, %eq3A : i32
      %jit3A_235 = arith.constant 1 : i32
      %select_n3A_236 = arith.select %eq3A_234, %jit3A_235, %jit3A_233 : i32
      %rem3A_237 = arith.remsi %scan3A_214, %select_n3A_236 : i32
      %ne3A_238 = arith.constant 0 : i32
      %ne3A_239 = arith.cmpi ne, %rem3A_237, %ne3A_238 : i32
      %lt3A = arith.constant 0 : i32
      %lt3A_240 = arith.cmpi slt, %rem3A_237, %lt3A : i32
      %lt3A_241 = arith.constant 0 : i32
      %lt3A_242 = arith.cmpi slt, %select_n3A_236, %lt3A_241 : i32
      %ne3A_243 = arith.xori %lt3A_240, %lt3A_242 : i1
      %and3A_244 = arith.andi %ne3A_243, %ne3A_239 : i1
      %add3A_245 = arith.addi %rem3A_237, %select_n3A_236 : i32
      %select_n3A_246 = arith.select %and3A_244, %add3A_245, %rem3A_237 : i32
      %mul3A_247 = arith.constant 16 : i32
      %mul3A_248 = arith.muli %select_n3A_246, %mul3A_247 : i32
      %swap3A_249 = arith.index_cast %select_n3A : i32 to index
      %swap3A_250 = arith.index_cast %mul3A_248 : i32 to index
      %swap3A_251 = tpu.vector_load %arg8[%swap3A_249, %swap3A_250] {strides = array<i32>} : memref<128x128xf32, #tpu.memory_space<vmem>>, vector<1x16xf32>,
      %swap3A_252 = vector.shape_cast %swap3A_251 : vector<1x16xf32> to vector<16xf32>
      %swap3A_253 = vector.shape_cast %broadcast_in_dim3A_1 : vector<16xf32> to vector<1x16xf32>
      tpu.vector_store %arg8[%swap3A_249, %swap3A_250], %swap3A_253 {strides = array<i32>} : memref<128x128xf32, #tpu.memory_space<vmem>>, vector<1x16xf32>,
    }
    %scan3A_6 = arith.constant 1024 : i32
    %add3A = arith.constant 0 : i32
    %add3A_7 = arith.addi %mul3A_0, %add3A : i32
    "tpu.region"() ({
      %run_scoped3A = tpu.sem_alloc : memref<!tpu.dma_semaphore, #tpu.memory_space<semaphore_mem>>
      %dma_start3A_214 = arith.constant 0 : i32
      %dma_start3A_215 = tpu.memref_slice %arg10[%add3A_7, %dma_start3A_214] : memref<10112x128xf32, #tpu.memory_space<vmem_shared>> -> memref<128x128xf32, #tpu.memory_space<vmem_shared>>
      %dma_start3A_216 = arith.constant 0 : i32
      %dma_start3A_217 = tpu.memref_slice %arg10[%add3A_7, %dma_start3A_216] : memref<10112x128xf32, #tpu.memory_space<vmem_shared>> -> memref<128x128xf32, #tpu.memory_space<vmem_shared>>
      tpu.enqueue_dma source(%arg8 : memref<128x128xf32, #tpu.memory_space<vmem>>) target(%dma_start3A_217 : memref<128x128xf32, #tpu.memory_space<vmem_shared>>) target_semaphore(%run_scoped3A : memref<!tpu.dma_semaphore, #tpu.memory_space<semaphore_mem>>)
      %dma_wait3A = arith.constant 0 : i32
      %dma_wait3A_218 = tpu.memref_slice %arg10[%add3A_7, %dma_wait3A] : memref<10112x128xf32, #tpu.memory_space<vmem_shared>> -> memref<128x128xf32, #tpu.memory_space<vmem_shared>>
      %dma_wait3A_219 = arith.constant 0 : i32
      %dma_wait3A_220 = tpu.memref_slice %arg10[%add3A_7, %dma_wait3A_219] : memref<10112x128xf32, #tpu.memory_space<vmem_shared>> -> memref<128x128xf32, #tpu.memory_space<vmem_shared>>
      tpu.wait_dma2 semaphore(%run_scoped3A : memref<!tpu.dma_semaphore, #tpu.memory_space<semaphore_mem>>) src(%arg8 : memref<128x128xf32, #tpu.memory_space<vmem>>) dst(%dma_wait3A_220 : memref<128x128xf32, #tpu.memory_space<vmem_shared>>)
      tpu.yield
    }) : () -> ()
    %add3A_8 = arith.constant 128 : i32
    %add3A_9 = arith.addi %mul3A_0, %add3A_8 : i32
    "tpu.region"() ({
      %run_scoped3A = tpu.sem_alloc : memref<!tpu.dma_semaphore, #tpu.memory_space<semaphore_mem>>
      %dma_start3A_214 = arith.constant 0 : i32
      %dma_start3A_215 = tpu.memref_slice %arg10[%add3A_9, %dma_start3A_214] : memref<10112x128xf32, #tpu.memory_space<vmem_shared>> -> memref<128x128xf32, #tpu.memory_space<vmem_shared>>
      %dma_start3A_216 = arith.constant 0 : i32
      %dma_start3A_217 = tpu.memref_slice %arg10[%add3A_9, %dma_start3A_216] : memref<10112x128xf32, #tpu.memory_space<vmem_shared>> -> memref<128x128xf32, #tpu.memory_space<vmem_shared>>
      tpu.enqueue_dma source(%arg8 : memref<128x128xf32, #tpu.memory_space<vmem>>) target(%dma_start3A_217 : memref<128x128xf32, #tpu.memory_space<vmem_shared>>) target_semaphore(%run_scoped3A : memref<!tpu.dma_semaphore, #tpu.memory_space<semaphore_mem>>)
      %dma_wait3A = arith.constant 0 : i32
      %dma_wait3A_218 = tpu.memref_slice %arg10[%add3A_9, %dma_wait3A] : memref<10112x128xf32, #tpu.memory_space<vmem_shared>> -> memref<128x128xf32, #tpu.memory_space<vmem_shared>>
      %dma_wait3A_219 = arith.constant 0 : i32
      %dma_wait3A_220 = tpu.memref_slice %arg10[%add3A_9, %dma_wait3A_219] : memref<10112x128xf32, #tpu.memory_space<vmem_shared>> -> memref<128x128xf32, #tpu.memory_space<vmem_shared>>
      tpu.wait_dma2 semaphore(%run_scoped3A : memref<!tpu.dma_semaphore, #tpu.memory_space<semaphore_mem>>) src(%arg8 : memref<128x128xf32, #tpu.memory_space<vmem>>) dst(%dma_wait3A_220 : memref<128x128xf32, #tpu.memory_space<vmem_shared>>)
      tpu.yield
    }) : () -> ()
    %add3A_10 = arith.constant 256 : i32
    %add3A_11 = arith.addi %mul3A_0, %add3A_10 : i32
    "tpu.region"() ({
      %run_scoped3A = tpu.sem_alloc : memref<!tpu.dma_semaphore, #tpu.memory_space<semaphore_mem>>
      %dma_start3A_214 = arith.constant 0 : i32
      %dma_start3A_215 = tpu.memref_slice %arg10[%add3A_11, %dma_start3A_214] : memref<10112x128xf32, #tpu.memory_space<vmem_shared>> -> memref<128x128xf32, #tpu.memory_space<vmem_shared>>
      %dma_start3A_216 = arith.constant 0 : i32
      %dma_start3A_217 = tpu.memref_slice %arg10[%add3A_11, %dma_start3A_216] : memref<10112x128xf32, #tpu.memory_space<vmem_shared>> -> memref<128x128xf32, #tpu.memory_space<vmem_shared>>
      tpu.enqueue_dma source(%arg8 : memref<128x128xf32, #tpu.memory_space<vmem>>) target(%dma_start3A_217 : memref<128x128xf32, #tpu.memory_space<vmem_shared>>) target_semaphore(%run_scoped3A : memref<!tpu.dma_semaphore, #tpu.memory_space<semaphore_mem>>)
      %dma_wait3A = arith.constant 0 : i32
      %dma_wait3A_218 = tpu.memref_slice %arg10[%add3A_11, %dma_wait3A] : memref<10112x128xf32, #tpu.memory_space<vmem_shared>> -> memref<128x128xf32, #tpu.memory_space<vmem_shared>>
      %dma_wait3A_219 = arith.constant 0 : i32
      %dma_wait3A_220 = tpu.memref_slice %arg10[%add3A_11, %dma_wait3A_219] : memref<10112x128xf32, #tpu.memory_space<vmem_shared>> -> memref<128x128xf32, #tpu.memory_space<vmem_shared>>
      tpu.wait_dma2 semaphore(%run_scoped3A : memref<!tpu.dma_semaphore, #tpu.memory_space<semaphore_mem>>) src(%arg8 : memref<128x128xf32, #tpu.memory_space<vmem>>) dst(%dma_wait3A_220 : memref<128x128xf32, #tpu.memory_space<vmem_shared>>)
      tpu.yield
    }) : () -> ()
    %add3A_12 = arith.constant 384 : i32
    %add3A_13 = arith.addi %mul3A_0, %add3A_12 : i32
    "tpu.region"() ({
      %run_scoped3A = tpu.sem_alloc : memref<!tpu.dma_semaphore, #tpu.memory_space<semaphore_mem>>
      %dma_start3A_214 = arith.constant 0 : i32
      %dma_start3A_215 = tpu.memref_slice %arg10[%add3A_13, %dma_start3A_214] : memref<10112x128xf32, #tpu.memory_space<vmem_shared>> -> memref<128x128xf32, #tpu.memory_space<vmem_shared>>
      %dma_start3A_216 = arith.constant 0 : i32
      %dma_start3A_217 = tpu.memref_slice %arg10[%add3A_13, %dma_start3A_216] : memref<10112x128xf32, #tpu.memory_space<vmem_shared>> -> memref<128x128xf32, #tpu.memory_space<vmem_shared>>
      tpu.enqueue_dma source(%arg8 : memref<128x128xf32, #tpu.memory_space<vmem>>) target(%dma_start3A_217 : memref<128x128xf32, #tpu.memory_space<vmem_shared>>) target_semaphore(%run_scoped3A : memref<!tpu.dma_semaphore, #tpu.memory_space<semaphore_mem>>)
      %dma_wait3A = arith.constant 0 : i32
      %dma_wait3A_218 = tpu.memref_slice %arg10[%add3A_13, %dma_wait3A] : memref<10112x128xf32, #tpu.memory_space<vmem_shared>> -> memref<128x128xf32, #tpu.memory_space<vmem_shared>>
      %dma_wait3A_219 = arith.constant 0 : i32
      %dma_wait3A_220 = tpu.memref_slice %arg10[%add3A_13, %dma_wait3A_219] : memref<10112x128xf32, #tpu.memory_space<vmem_shared>> -> memref<128x128xf32, #tpu.memory_space<vmem_shared>>
      tpu.wait_dma2 semaphore(%run_scoped3A : memref<!tpu.dma_semaphore, #tpu.memory_space<semaphore_mem>>) src(%arg8 : memref<128x128xf32, #tpu.memory_space<vmem>>) dst(%dma_wait3A_220 : memref<128x128xf32, #tpu.memory_space<vmem_shared>>)
      tpu.yield
    }) : () -> ()
    %add3A_14 = arith.constant 632 : i32
    %add3A_15 = arith.addi %mul3A_0, %add3A_14 : i32
    %sub3A = arith.constant 120 : i32
    %sub3A_16 = arith.subi %add3A_15, %sub3A : i32
    "tpu.region"() ({
      %run_scoped3A = tpu.sem_alloc : memref<!tpu.dma_semaphore, #tpu.memory_space<semaphore_mem>>
      %dma_start3A_214 = arith.constant 0 : i32
      %dma_start3A_215 = arith.constant 0 : i32
      %dma_start3A_216 = tpu.memref_slice %arg8[%dma_start3A_214, %dma_start3A_215] : memref<128x128xf32, #tpu.memory_space<vmem>> -> memref<120x128xf32, #tpu.memory_space<vmem>>
      %dma_start3A_217 = arith.constant 0 : i32
      %dma_start3A_218 = tpu.memref_slice %arg10[%sub3A_16, %dma_start3A_217] : memref<10112x128xf32, #tpu.memory_space<vmem_shared>> -> memref<120x128xf32, #tpu.memory_space<vmem_shared>>
      %dma_start3A_219 = arith.constant 0 : i32
      %dma_start3A_220 = tpu.memref_slice %arg10[%sub3A_16, %dma_start3A_219] : memref<10112x128xf32, #tpu.memory_space<vmem_shared>> -> memref<120x128xf32, #tpu.memory_space<vmem_shared>>
      %dma_start3A_221 = arith.constant 0 : i32
      %dma_start3A_222 = arith.constant 0 : i32
      %dma_start3A_223 = tpu.memref_slice %arg8[%dma_start3A_221, %dma_start3A_222] : memref<128x128xf32, #tpu.memory_space<vmem>> -> memref<120x128xf32, #tpu.memory_space<vmem>>
      tpu.enqueue_dma source(%dma_start3A_223 : memref<120x128xf32, #tpu.memory_space<vmem>>) target(%dma_start3A_220 : memref<120x128xf32, #tpu.memory_space<vmem_shared>>) target_semaphore(%run_scoped3A : memref<!tpu.dma_semaphore, #tpu.memory_space<semaphore_mem>>)
      %dma_wait3A = arith.constant 0 : i32
      %dma_wait3A_224 = arith.constant 0 : i32
      %dma_wait3A_225 = tpu.memref_slice %arg8[%dma_wait3A, %dma_wait3A_224] : memref<128x128xf32, #tpu.memory_space<vmem>> -> memref<120x128xf32, #tpu.memory_space<vmem>>
      %dma_wait3A_226 = arith.constant 0 : i32
      %dma_wait3A_227 = tpu.memref_slice %arg10[%sub3A_16, %dma_wait3A_226] : memref<10112x128xf32, #tpu.memory_space<vmem_shared>> -> memref<120x128xf32, #tpu.memory_space<vmem_shared>>
      %dma_wait3A_228 = arith.constant 0 : i32
      %dma_wait3A_229 = tpu.memref_slice %arg10[%sub3A_16, %dma_wait3A_228] : memref<10112x128xf32, #tpu.memory_space<vmem_shared>> -> memref<120x128xf32, #tpu.memory_space<vmem_shared>>
      %dma_wait3A_230 = arith.constant 0 : i32
      %dma_wait3A_231 = arith.constant 0 : i32
      %dma_wait3A_232 = tpu.memref_slice %arg8[%dma_wait3A_230, %dma_wait3A_231] : memref<128x128xf32, #tpu.memory_space<vmem>> -> memref<120x128xf32, #tpu.memory_space<vmem>>
      tpu.wait_dma2 semaphore(%run_scoped3A : memref<!tpu.dma_semaphore, #tpu.memory_space<semaphore_mem>>) src(%dma_wait3A_232 : memref<120x128xf32, #tpu.memory_space<vmem>>) dst(%dma_wait3A_229 : memref<120x128xf32, #tpu.memory_space<vmem_shared>>)
      tpu.yield
    }) : () -> ()
    %barrier3A = arith.constant 0 : index
    tpu.barrier barrier_id(%barrier3A)
    %get3A = arith.constant 0 : i32
    %get3A_17 = arith.index_cast %get3A : i32 to index
    %get3A_18 = arith.constant 0 : index
    %get3A_19 = tpu.vector_load %arg5[%get3A_17, %get3A_18] {strides = array<i32>} : memref<80x128xi32, #tpu.memory_space<vmem>>, vector<1x16xi32>,
    %get3A_20 = vector.shape_cast %get3A_19 : vector<1x16xi32> to vector<16xi32>
    %shift_right_logical3A = arith.constant 14 : i32
    %shift_right_logical3A_21 = vector.broadcast %shift_right_logical3A : i32 to vector<16xi32>
    %shift_right_logical3A_22 = arith.shrui %get3A_20, %shift_right_logical3A_21 : vector<16xi32>
    %swap3A = arith.constant 0 : i32
    %swap3A_23 = arith.index_cast %swap3A : i32 to index
    %swap3A_24 = arith.constant 0 : index
    %swap3A_25 = tpu.vector_load %arg6[%swap3A_23, %swap3A_24] {strides = array<i32>} : memref<2x128xi32, #tpu.memory_space<vmem>>, vector<1x16xi32>,
    %swap3A_26 = vector.shape_cast %swap3A_25 : vector<1x16xi32> to vector<16xi32>
    %swap3A_27 = vector.shape_cast %shift_right_logical3A_22 : vector<16xi32> to vector<1x16xi32>
    tpu.vector_store %arg6[%swap3A_23, %swap3A_24], %swap3A_27 {strides = array<i32>} : memref<2x128xi32, #tpu.memory_space<vmem>>, vector<1x16xi32>,
    %and3A = arith.constant 16383 : i32
    %and3A_28 = vector.broadcast %and3A : i32 to vector<16xi32>
    %and3A_29 = arith.andi %get3A_20, %and3A_28 : vector<16xi32>
    %swap3A_30 = arith.constant 0 : i32
    %swap3A_31 = arith.index_cast %swap3A_30 : i32 to index
    %swap3A_32 = arith.constant 0 : index
    %swap3A_33 = tpu.vector_load %arg7[%swap3A_31, %swap3A_32] {strides = array<i32>} : memref<2x128xi32, #tpu.memory_space<vmem>>, vector<1x16xi32>,
    %swap3A_34 = vector.shape_cast %swap3A_33 : vector<1x16xi32> to vector<16xi32>
    %swap3A_35 = vector.shape_cast %and3A_29 : vector<16xi32> to vector<1x16xi32>
    tpu.vector_store %arg7[%swap3A_31, %swap3A_32], %swap3A_35 {strides = array<i32>} : memref<2x128xi32, #tpu.memory_space<vmem>>, vector<1x16xi32>,
    %get3A_36 = arith.constant 0 : i32
    %get3A_37 = arith.index_cast %get3A_36 : i32 to index
    %get3A_38 = arith.constant 16 : index
    %get3A_39 = tpu.vector_load %arg5[%get3A_37, %get3A_38] {strides = array<i32>} : memref<80x128xi32, #tpu.memory_space<vmem>>, vector<1x16xi32>,
    %get3A_40 = vector.shape_cast %get3A_39 : vector<1x16xi32> to vector<16xi32>
    %shift_right_logical3A_41 = arith.constant 14 : i32
    %shift_right_logical3A_42 = vector.broadcast %shift_right_logical3A_41 : i32 to vector<16xi32>
    %shift_right_logical3A_43 = arith.shrui %get3A_40, %shift_right_logical3A_42 : vector<16xi32>
    %swap3A_44 = arith.constant 0 : i32
    %swap3A_45 = arith.index_cast %swap3A_44 : i32 to index
    %swap3A_46 = arith.constant 16 : index
    %swap3A_47 = tpu.vector_load %arg6[%swap3A_45, %swap3A_46] {strides = array<i32>} : memref<2x128xi32, #tpu.memory_space<vmem>>, vector<1x16xi32>,
    %swap3A_48 = vector.shape_cast %swap3A_47 : vector<1x16xi32> to vector<16xi32>
    %swap3A_49 = vector.shape_cast %shift_right_logical3A_43 : vector<16xi32> to vector<1x16xi32>
    tpu.vector_store %arg6[%swap3A_45, %swap3A_46], %swap3A_49 {strides = array<i32>} : memref<2x128xi32, #tpu.memory_space<vmem>>, vector<1x16xi32>,
    %and3A_50 = arith.constant 16383 : i32
    %and3A_51 = vector.broadcast %and3A_50 : i32 to vector<16xi32>
    %and3A_52 = arith.andi %get3A_40, %and3A_51 : vector<16xi32>
    %swap3A_53 = arith.constant 0 : i32
    %swap3A_54 = arith.index_cast %swap3A_53 : i32 to index
    %swap3A_55 = arith.constant 16 : index
    %swap3A_56 = tpu.vector_load %arg7[%swap3A_54, %swap3A_55] {strides = array<i32>} : memref<2x128xi32, #tpu.memory_space<vmem>>, vector<1x16xi32>,
    %swap3A_57 = vector.shape_cast %swap3A_56 : vector<1x16xi32> to vector<16xi32>
    %swap3A_58 = vector.shape_cast %and3A_52 : vector<16xi32> to vector<1x16xi32>
    tpu.vector_store %arg7[%swap3A_54, %swap3A_55], %swap3A_58 {strides = array<i32>} : memref<2x128xi32, #tpu.memory_space<vmem>>, vector<1x16xi32>,
    %get3A_59 = arith.constant 0 : i32
    %get3A_60 = arith.index_cast %get3A_59 : i32 to index
    %get3A_61 = arith.constant 32 : index
    %get3A_62 = tpu.vector_load %arg5[%get3A_60, %get3A_61] {strides = array<i32>} : memref<80x128xi32, #tpu.memory_space<vmem>>, vector<1x16xi32>,
    %get3A_63 = vector.shape_cast %get3A_62 : vector<1x16xi32> to vector<16xi32>
    %shift_right_logical3A_64 = arith.constant 14 : i32
    %shift_right_logical3A_65 = vector.broadcast %shift_right_logical3A_64 : i32 to vector<16xi32>
    %shift_right_logical3A_66 = arith.shrui %get3A_63, %shift_right_logical3A_65 : vector<16xi32>
    %swap3A_67 = arith.constant 0 : i32
    %swap3A_68 = arith.index_cast %swap3A_67 : i32 to index
    %swap3A_69 = arith.constant 32 : index
    %swap3A_70 = tpu.vector_load %arg6[%swap3A_68, %swap3A_69] {strides = array<i32>} : memref<2x128xi32, #tpu.memory_space<vmem>>, vector<1x16xi32>,
    %swap3A_71 = vector.shape_cast %swap3A_70 : vector<1x16xi32> to vector<16xi32>
    %swap3A_72 = vector.shape_cast %shift_right_logical3A_66 : vector<16xi32> to vector<1x16xi32>
    tpu.vector_store %arg6[%swap3A_68, %swap3A_69], %swap3A_72 {strides = array<i32>} : memref<2x128xi32, #tpu.memory_space<vmem>>, vector<1x16xi32>,
    %and3A_73 = arith.constant 16383 : i32
    %and3A_74 = vector.broadcast %and3A_73 : i32 to vector<16xi32>
    %and3A_75 = arith.andi %get3A_63, %and3A_74 : vector<16xi32>
    %swap3A_76 = arith.constant 0 : i32
    %swap3A_77 = arith.index_cast %swap3A_76 : i32 to index
    %swap3A_78 = arith.constant 32 : index
    %swap3A_79 = tpu.vector_load %arg7[%swap3A_77, %swap3A_78] {strides = array<i32>} : memref<2x128xi32, #tpu.memory_space<vmem>>, vector<1x16xi32>,
    %swap3A_80 = vector.shape_cast %swap3A_79 : vector<1x16xi32> to vector<16xi32>
    %swap3A_81 = vector.shape_cast %and3A_75 : vector<16xi32> to vector<1x16xi32>
    tpu.vector_store %arg7[%swap3A_77, %swap3A_78], %swap3A_81 {strides = array<i32>} : memref<2x128xi32, #tpu.memory_space<vmem>>, vector<1x16xi32>,
    %get3A_82 = arith.constant 0 : i32
    %get3A_83 = arith.index_cast %get3A_82 : i32 to index
    %get3A_84 = arith.constant 48 : index
    %get3A_85 = tpu.vector_load %arg5[%get3A_83, %get3A_84] {strides = array<i32>} : memref<80x128xi32, #tpu.memory_space<vmem>>, vector<1x16xi32>,
    %get3A_86 = vector.shape_cast %get3A_85 : vector<1x16xi32> to vector<16xi32>
    %shift_right_logical3A_87 = arith.constant 14 : i32
    %shift_right_logical3A_88 = vector.broadcast %shift_right_logical3A_87 : i32 to vector<16xi32>
    %shift_right_logical3A_89 = arith.shrui %get3A_86, %shift_right_logical3A_88 : vector<16xi32>
    %swap3A_90 = arith.constant 0 : i32
    %swap3A_91 = arith.index_cast %swap3A_90 : i32 to index
    %swap3A_92 = arith.constant 48 : index
    %swap3A_93 = tpu.vector_load %arg6[%swap3A_91, %swap3A_92] {strides = array<i32>} : memref<2x128xi32, #tpu.memory_space<vmem>>, vector<1x16xi32>,
    %swap3A_94 = vector.shape_cast %swap3A_93 : vector<1x16xi32> to vector<16xi32>
    %swap3A_95 = vector.shape_cast %shift_right_logical3A_89 : vector<16xi32> to vector<1x16xi32>
    tpu.vector_store %arg6[%swap3A_91, %swap3A_92], %swap3A_95 {strides = array<i32>} : memref<2x128xi32, #tpu.memory_space<vmem>>, vector<1x16xi32>,
    %and3A_96 = arith.constant 16383 : i32
    %and3A_97 = vector.broadcast %and3A_96 : i32 to vector<16xi32>
    %and3A_98 = arith.andi %get3A_86, %and3A_97 : vector<16xi32>
    %swap3A_99 = arith.constant 0 : i32
    %swap3A_100 = arith.index_cast %swap3A_99 : i32 to index
    %swap3A_101 = arith.constant 48 : index
    %swap3A_102 = tpu.vector_load %arg7[%swap3A_100, %swap3A_101] {strides = array<i32>} : memref<2x128xi32, #tpu.memory_space<vmem>>, vector<1x16xi32>,
    %swap3A_103 = vector.shape_cast %swap3A_102 : vector<1x16xi32> to vector<16xi32>
    %swap3A_104 = vector.shape_cast %and3A_98 : vector<16xi32> to vector<1x16xi32>
    tpu.vector_store %arg7[%swap3A_100, %swap3A_101], %swap3A_104 {strides = array<i32>} : memref<2x128xi32, #tpu.memory_space<vmem>>, vector<1x16xi32>,
    %get3A_105 = arith.constant 0 : i32
    %get3A_106 = arith.index_cast %get3A_105 : i32 to index
    %get3A_107 = arith.constant 64 : index
    %get3A_108 = tpu.vector_load %arg5[%get3A_106, %get3A_107] {strides = array<i32>} : memref<80x128xi32, #tpu.memory_space<vmem>>, vector<1x16xi32>,
    %get3A_109 = vector.shape_cast %get3A_108 : vector<1x16xi32> to vector<16xi32>
    %shift_right_logical3A_110 = arith.constant 14 : i32
    %shift_right_logical3A_111 = vector.broadcast %shift_right_logical3A_110 : i32 to vector<16xi32>
    %shift_right_logical3A_112 = arith.shrui %get3A_109, %shift_right_logical3A_111 : vector<16xi32>
    %swap3A_113 = arith.constant 0 : i32
    %swap3A_114 = arith.index_cast %swap3A_113 : i32 to index
    %swap3A_115 = arith.constant 64 : index
    %swap3A_116 = tpu.vector_load %arg6[%swap3A_114, %swap3A_115] {strides = array<i32>} : memref<2x128xi32, #tpu.memory_space<vmem>>, vector<1x16xi32>,
    %swap3A_117 = vector.shape_cast %swap3A_116 : vector<1x16xi32> to vector<16xi32>
    %swap3A_118 = vector.shape_cast %shift_right_logical3A_112 : vector<16xi32> to vector<1x16xi32>
    tpu.vector_store %arg6[%swap3A_114, %swap3A_115], %swap3A_118 {strides = array<i32>} : memref<2x128xi32, #tpu.memory_space<vmem>>, vector<1x16xi32>,
    %and3A_119 = arith.constant 16383 : i32
    %and3A_120 = vector.broadcast %and3A_119 : i32 to vector<16xi32>
    %and3A_121 = arith.andi %get3A_109, %and3A_120 : vector<16xi32>
    %swap3A_122 = arith.constant 0 : i32
    %swap3A_123 = arith.index_cast %swap3A_122 : i32 to index
    %swap3A_124 = arith.constant 64 : index
    %swap3A_125 = tpu.vector_load %arg7[%swap3A_123, %swap3A_124] {strides = array<i32>} : memref<2x128xi32, #tpu.memory_space<vmem>>, vector<1x16xi32>,
    %swap3A_126 = vector.shape_cast %swap3A_125 : vector<1x16xi32> to vector<16xi32>
    %swap3A_127 = vector.shape_cast %and3A_121 : vector<16xi32> to vector<1x16xi32>
    tpu.vector_store %arg7[%swap3A_123, %swap3A_124], %swap3A_127 {strides = array<i32>} : memref<2x128xi32, #tpu.memory_space<vmem>>, vector<1x16xi32>,
    %get3A_128 = arith.constant 0 : i32
    %get3A_129 = arith.index_cast %get3A_128 : i32 to index
    %get3A_130 = arith.constant 80 : index
    %get3A_131 = tpu.vector_load %arg5[%get3A_129, %get3A_130] {strides = array<i32>} : memref<80x128xi32, #tpu.memory_space<vmem>>, vector<1x16xi32>,
    %get3A_132 = vector.shape_cast %get3A_131 : vector<1x16xi32> to vector<16xi32>
    %shift_right_logical3A_133 = arith.constant 14 : i32
    %shift_right_logical3A_134 = vector.broadcast %shift_right_logical3A_133 : i32 to vector<16xi32>
    %shift_right_logical3A_135 = arith.shrui %get3A_132, %shift_right_logical3A_134 : vector<16xi32>
    %swap3A_136 = arith.constant 0 : i32
    %swap3A_137 = arith.index_cast %swap3A_136 : i32 to index
    %swap3A_138 = arith.constant 80 : index
    %swap3A_139 = tpu.vector_load %arg6[%swap3A_137, %swap3A_138] {strides = array<i32>} : memref<2x128xi32, #tpu.memory_space<vmem>>, vector<1x16xi32>,
    %swap3A_140 = vector.shape_cast %swap3A_139 : vector<1x16xi32> to vector<16xi32>
    %swap3A_141 = vector.shape_cast %shift_right_logical3A_135 : vector<16xi32> to vector<1x16xi32>
    tpu.vector_store %arg6[%swap3A_137, %swap3A_138], %swap3A_141 {strides = array<i32>} : memref<2x128xi32, #tpu.memory_space<vmem>>, vector<1x16xi32>,
    %and3A_142 = arith.constant 16383 : i32
    %and3A_143 = vector.broadcast %and3A_142 : i32 to vector<16xi32>
    %and3A_144 = arith.andi %get3A_132, %and3A_143 : vector<16xi32>
    %swap3A_145 = arith.constant 0 : i32
    %swap3A_146 = arith.index_cast %swap3A_145 : i32 to index
    %swap3A_147 = arith.constant 80 : index
    %swap3A_148 = tpu.vector_load %arg7[%swap3A_146, %swap3A_147] {strides = array<i32>} : memref<2x128xi32, #tpu.memory_space<vmem>>, vector<1x16xi32>,
    %swap3A_149 = vector.shape_cast %swap3A_148 : vector<1x16xi32> to vector<16xi32>
    %swap3A_150 = vector.shape_cast %and3A_144 : vector<16xi32> to vector<1x16xi32>
    tpu.vector_store %arg7[%swap3A_146, %swap3A_147], %swap3A_150 {strides = array<i32>} : memref<2x128xi32, #tpu.memory_space<vmem>>, vector<1x16xi32>,
    %get3A_151 = arith.constant 0 : i32
    %get3A_152 = arith.index_cast %get3A_151 : i32 to index
    %get3A_153 = arith.constant 96 : index
    %get3A_154 = tpu.vector_load %arg5[%get3A_152, %get3A_153] {strides = array<i32>} : memref<80x128xi32, #tpu.memory_space<vmem>>, vector<1x16xi32>,
    %get3A_155 = vector.shape_cast %get3A_154 : vector<1x16xi32> to vector<16xi32>
    %shift_right_logical3A_156 = arith.constant 14 : i32
    %shift_right_logical3A_157 = vector.broadcast %shift_right_logical3A_156 : i32 to vector<16xi32>
    %shift_right_logical3A_158 = arith.shrui %get3A_155, %shift_right_logical3A_157 : vector<16xi32>
    %swap3A_159 = arith.constant 0 : i32
    %swap3A_160 = arith.index_cast %swap3A_159 : i32 to index
    %swap3A_161 = arith.constant 96 : index
    %swap3A_162 = tpu.vector_load %arg6[%swap3A_160, %swap3A_161] {strides = array<i32>} : memref<2x128xi32, #tpu.memory_space<vmem>>, vector<1x16xi32>,
    %swap3A_163 = vector.shape_cast %swap3A_162 : vector<1x16xi32> to vector<16xi32>
    %swap3A_164 = vector.shape_cast %shift_right_logical3A_158 : vector<16xi32> to vector<1x16xi32>
    tpu.vector_store %arg6[%swap3A_160, %swap3A_161], %swap3A_164 {strides = array<i32>} : memref<2x128xi32, #tpu.memory_space<vmem>>, vector<1x16xi32>,
    %and3A_165 = arith.constant 16383 : i32
    %and3A_166 = vector.broadcast %and3A_165 : i32 to vector<16xi32>
    %and3A_167 = arith.andi %get3A_155, %and3A_166 : vector<16xi32>
    %swap3A_168 = arith.constant 0 : i32
    %swap3A_169 = arith.index_cast %swap3A_168 : i32 to index
    %swap3A_170 = arith.constant 96 : index
    %swap3A_171 = tpu.vector_load %arg7[%swap3A_169, %swap3A_170] {strides = array<i32>} : memref<2x128xi32, #tpu.memory_space<vmem>>, vector<1x16xi32>,
    %swap3A_172 = vector.shape_cast %swap3A_171 : vector<1x16xi32> to vector<16xi32>
    %swap3A_173 = vector.shape_cast %and3A_167 : vector<16xi32> to vector<1x16xi32>
    tpu.vector_store %arg7[%swap3A_169, %swap3A_170], %swap3A_173 {strides = array<i32>} : memref<2x128xi32, #tpu.memory_space<vmem>>, vector<1x16xi32>,
    %get3A_174 = arith.constant 0 : i32
    %get3A_175 = arith.index_cast %get3A_174 : i32 to index
    %get3A_176 = arith.constant 112 : index
    %get3A_177 = tpu.vector_load %arg5[%get3A_175, %get3A_176] {strides = array<i32>} : memref<80x128xi32, #tpu.memory_space<vmem>>, vector<1x16xi32>,
    %get3A_178 = vector.shape_cast %get3A_177 : vector<1x16xi32> to vector<16xi32>
    %shift_right_logical3A_179 = arith.constant 14 : i32
    %shift_right_logical3A_180 = vector.broadcast %shift_right_logical3A_179 : i32 to vector<16xi32>
    %shift_right_logical3A_181 = arith.shrui %get3A_178, %shift_right_logical3A_180 : vector<16xi32>
    %swap3A_182 = arith.constant 0 : i32
    %swap3A_183 = arith.index_cast %swap3A_182 : i32 to index
    %swap3A_184 = arith.constant 112 : index
    %swap3A_185 = tpu.vector_load %arg6[%swap3A_183, %swap3A_184] {strides = array<i32>} : memref<2x128xi32, #tpu.memory_space<vmem>>, vector<1x16xi32>,
    %swap3A_186 = vector.shape_cast %swap3A_185 : vector<1x16xi32> to vector<16xi32>
    %swap3A_187 = vector.shape_cast %shift_right_logical3A_181 : vector<16xi32> to vector<1x16xi32>
    tpu.vector_store %arg6[%swap3A_183, %swap3A_184], %swap3A_187 {strides = array<i32>} : memref<2x128xi32, #tpu.memory_space<vmem>>, vector<1x16xi32>,
    %and3A_188 = arith.constant 16383 : i32
    %and3A_189 = vector.broadcast %and3A_188 : i32 to vector<16xi32>
    %and3A_190 = arith.andi %get3A_178, %and3A_189 : vector<16xi32>
    %swap3A_191 = arith.constant 0 : i32
    %swap3A_192 = arith.index_cast %swap3A_191 : i32 to index
    %swap3A_193 = arith.constant 112 : index
    %swap3A_194 = tpu.vector_load %arg7[%swap3A_192, %swap3A_193] {strides = array<i32>} : memref<2x128xi32, #tpu.memory_space<vmem>>, vector<1x16xi32>,
    %swap3A_195 = vector.shape_cast %swap3A_194 : vector<1x16xi32> to vector<16xi32>
    %swap3A_196 = vector.shape_cast %and3A_190 : vector<16xi32> to vector<1x16xi32>
    tpu.vector_store %arg7[%swap3A_192, %swap3A_193], %swap3A_196 {strides = array<i32>} : memref<2x128xi32, #tpu.memory_space<vmem>>, vector<1x16xi32>,
    %dma_start3A = arith.constant 0 : i32
    %dma_start3A_197 = arith.constant 0 : i32
    %dma_start3A_198 = tpu.memref_slice %arg6[%dma_start3A, %dma_start3A_197] : memref<2x128xi32, #tpu.memory_space<vmem>> -> memref<1x128xi32, #tpu.memory_space<vmem>>
    %dma_start3A_199 = tpu.memref_squeeze %dma_start3A_198 : memref<1x128xi32, #tpu.memory_space<vmem>> -> memref<128xi32, #tpu.memory_space<vmem>>
    %dma_start3A_200 = arith.constant 0 : i32
    %dma_start3A_201 = arith.constant 0 : i32
    %dma_start3A_202 = tpu.memref_slice %arg2[%arg0, %dma_start3A_200, %dma_start3A_201] : memref<2x10000x128xf32, #tpu.memory_space<hbm>> -> memref<1x10000x128xf32, #tpu.memory_space<hbm>>
    %dma_start3A_203 = tpu.memref_squeeze %dma_start3A_202 : memref<1x10000x128xf32, #tpu.memory_space<hbm>> -> memref<10000x128xf32, #tpu.memory_space<hbm>>
    %dma_start3A_204 = arith.constant 0 : i32
    %dma_start3A_205 = arith.constant 0 : i32
    %dma_start3A_206 = tpu.memref_slice %dma_start3A_203[%dma_start3A_204, %dma_start3A_205] : memref<10000x128xf32, #tpu.memory_space<hbm>> -> memref<10000x128xf32, #tpu.memory_space<hbm>>
    tpu.enqueue_indirect_dma source(%dma_start3A_206 : memref<10000x128xf32, #tpu.memory_space<hbm>>) target(%arg8 : memref<128x128xf32, #tpu.memory_space<vmem>>) offsets(%dma_start3A_199 : memref<128xi32, #tpu.memory_space<vmem>>) semaphore(%arg11 : memref<!tpu.dma_semaphore, #tpu.memory_space<semaphore_mem>>)
    %scan3A_207 = arith.constant 0 : i32
    %scan3A_208 = arith.constant 0 : i32
    %scan3A_209 = arith.constant 40 : i32
    %scan3A_210 = arith.addi %scan3A_208, %scan3A_209 : i32
    %scan3A_211 = arith.constant 1 : i32
    scf.for %scan3A_214 = %scan3A_208 to %scan3A_210 step %scan3A_211  : i32 {
      %mul3A_215 = arith.constant 2 : i32
      %mul3A_216 = arith.muli %mul3A_215, %scan3A_214 : i32
      %add3A_217 = arith.constant 1 : i32
      %add3A_218 = arith.addi %mul3A_216, %add3A_217 : i32
      %get3A_219 = arith.index_cast %add3A_218 : i32 to index
      %get3A_220 = arith.constant 0 : index
      %get3A_221 = tpu.vector_load %arg5[%get3A_219, %get3A_220] {strides = array<i32>} : memref<80x128xi32, #tpu.memory_space<vmem>>, vector<1x16xi32>,
      %get3A_222 = vector.shape_cast %get3A_221 : vector<1x16xi32> to vector<16xi32>
      %shift_right_logical3A_223 = arith.constant 14 : i32
      %shift_right_logical3A_224 = vector.broadcast %shift_right_logical3A_223 : i32 to vector<16xi32>
      %shift_right_logical3A_225 = arith.shrui %get3A_222, %shift_right_logical3A_224 : vector<16xi32>
      %swap3A_226 = arith.constant 1 : i32
      %swap3A_227 = arith.index_cast %swap3A_226 : i32 to index
      %swap3A_228 = arith.constant 0 : index
      %swap3A_229 = tpu.vector_load %arg6[%swap3A_227, %swap3A_228] {strides = array<i32>} : memref<2x128xi32, #tpu.memory_space<vmem>>, vector<1x16xi32>,
      %swap3A_230 = vector.shape_cast %swap3A_229 : vector<1x16xi32> to vector<16xi32>
      %swap3A_231 = vector.shape_cast %shift_right_logical3A_225 : vector<16xi32> to vector<1x16xi32>
      tpu.vector_store %arg6[%swap3A_227, %swap3A_228], %swap3A_231 {strides = array<i32>} : memref<2x128xi32, #tpu.memory_space<vmem>>, vector<1x16xi32>,
      %and3A_232 = arith.constant 16383 : i32
      %and3A_233 = vector.broadcast %and3A_232 : i32 to vector<16xi32>
      %and3A_234 = arith.andi %get3A_222, %and3A_233 : vector<16xi32>
      %swap3A_235 = arith.constant 1 : i32
      %swap3A_236 = arith.index_cast %swap3A_235 : i32 to index
      %swap3A_237 = arith.constant 0 : index
      %swap3A_238 = tpu.vector_load %arg7[%swap3A_236, %swap3A_237] {strides = array<i32>} : memref<2x128xi32, #tpu.memory_space<vmem>>, vector<1x16xi32>,
      %swap3A_239 = vector.shape_cast %swap3A_238 : vector<1x16xi32> to vector<16xi32>
      %swap3A_240 = vector.shape_cast %and3A_234 : vector<16xi32> to vector<1x16xi32>
      tpu.vector_store %arg7[%swap3A_236, %swap3A_237], %swap3A_240 {strides = array<i32>} : memref<2x128xi32, #tpu.memory_space<vmem>>, vector<1x16xi32>,
      %get3A_241 = arith.index_cast %add3A_218 : i32 to index
      %get3A_242 = arith.constant 16 : index
      %get3A_243 = tpu.vector_load %arg5[%get3A_241, %get3A_242] {strides = array<i32>} : memref<80x128xi32, #tpu.memory_space<vmem>>, vector<1x16xi32>,
      %get3A_244 = vector.shape_cast %get3A_243 : vector<1x16xi32> to vector<16xi32>
      %shift_right_logical3A_245 = arith.constant 14 : i32
      %shift_right_logical3A_246 = vector.broadcast %shift_right_logical3A_245 : i32 to vector<16xi32>
      %shift_right_logical3A_247 = arith.shrui %get3A_244, %shift_right_logical3A_246 : vector<16xi32>
      %swap3A_248 = arith.constant 1 : i32
      %swap3A_249 = arith.index_cast %swap3A_248 : i32 to index
      %swap3A_250 = arith.constant 16 : index
      %swap3A_251 = tpu.vector_load %arg6[%swap3A_249, %swap3A_250] {strides = array<i32>} : memref<2x128xi32, #tpu.memory_space<vmem>>, vector<1x16xi32>,
      %swap3A_252 = vector.shape_cast %swap3A_251 : vector<1x16xi32> to vector<16xi32>
      %swap3A_253 = vector.shape_cast %shift_right_logical3A_247 : vector<16xi32> to vector<1x16xi32>
      tpu.vector_store %arg6[%swap3A_249, %swap3A_250], %swap3A_253 {strides = array<i32>} : memref<2x128xi32, #tpu.memory_space<vmem>>, vector<1x16xi32>,
      %and3A_254 = arith.constant 16383 : i32
      %and3A_255 = vector.broadcast %and3A_254 : i32 to vector<16xi32>
      %and3A_256 = arith.andi %get3A_244, %and3A_255 : vector<16xi32>
      %swap3A_257 = arith.constant 1 : i32
      %swap3A_258 = arith.index_cast %swap3A_257 : i32 to index
      %swap3A_259 = arith.constant 16 : index
      %swap3A_260 = tpu.vector_load %arg7[%swap3A_258, %swap3A_259] {strides = array<i32>} : memref<2x128xi32, #tpu.memory_space<vmem>>, vector<1x16xi32>,
      %swap3A_261 = vector.shape_cast %swap3A_260 : vector<1x16xi32> to vector<16xi32>
      %swap3A_262 = vector.shape_cast %and3A_256 : vector<16xi32> to vector<1x16xi32>
      tpu.vector_store %arg7[%swap3A_258, %swap3A_259], %swap3A_262 {strides = array<i32>} : memref<2x128xi32, #tpu.memory_space<vmem>>, vector<1x16xi32>,
      %get3A_263 = arith.index_cast %add3A_218 : i32 to index
      %get3A_264 = arith.constant 32 : index
      %get3A_265 = tpu.vector_load %arg5[%get3A_263, %get3A_264] {strides = array<i32>} : memref<80x128xi32, #tpu.memory_space<vmem>>, vector<1x16xi32>,
      %get3A_266 = vector.shape_cast %get3A_265 : vector<1x16xi32> to vector<16xi32>
      %shift_right_logical3A_267 = arith.constant 14 : i32
      %shift_right_logical3A_268 = vector.broadcast %shift_right_logical3A_267 : i32 to vector<16xi32>
      %shift_right_logical3A_269 = arith.shrui %get3A_266, %shift_right_logical3A_268 : vector<16xi32>
      %swap3A_270 = arith.constant 1 : i32
      %swap3A_271 = arith.index_cast %swap3A_270 : i32 to index
      %swap3A_272 = arith.constant 32 : index
      %swap3A_273 = tpu.vector_load %arg6[%swap3A_271, %swap3A_272] {strides = array<i32>} : memref<2x128xi32, #tpu.memory_space<vmem>>, vector<1x16xi32>,
      %swap3A_274 = vector.shape_cast %swap3A_273 : vector<1x16xi32> to vector<16xi32>
      %swap3A_275 = vector.shape_cast %shift_right_logical3A_269 : vector<16xi32> to vector<1x16xi32>
      tpu.vector_store %arg6[%swap3A_271, %swap3A_272], %swap3A_275 {strides = array<i32>} : memref<2x128xi32, #tpu.memory_space<vmem>>, vector<1x16xi32>,
      %and3A_276 = arith.constant 16383 : i32
      %and3A_277 = vector.broadcast %and3A_276 : i32 to vector<16xi32>
      %and3A_278 = arith.andi %get3A_266, %and3A_277 : vector<16xi32>
      %swap3A_279 = arith.constant 1 : i32
      %swap3A_280 = arith.index_cast %swap3A_279 : i32 to index
      %swap3A_281 = arith.constant 32 : index
      %swap3A_282 = tpu.vector_load %arg7[%swap3A_280, %swap3A_281] {strides = array<i32>} : memref<2x128xi32, #tpu.memory_space<vmem>>, vector<1x16xi32>,
      %swap3A_283 = vector.shape_cast %swap3A_282 : vector<1x16xi32> to vector<16xi32>
      %swap3A_284 = vector.shape_cast %and3A_278 : vector<16xi32> to vector<1x16xi32>
      tpu.vector_store %arg7[%swap3A_280, %swap3A_281], %swap3A_284 {strides = array<i32>} : memref<2x128xi32, #tpu.memory_space<vmem>>, vector<1x16xi32>,
      %get3A_285 = arith.index_cast %add3A_218 : i32 to index
      %get3A_286 = arith.constant 48 : index
      %get3A_287 = tpu.vector_load %arg5[%get3A_285, %get3A_286] {strides = array<i32>} : memref<80x128xi32, #tpu.memory_space<vmem>>, vector<1x16xi32>,
      %get3A_288 = vector.shape_cast %get3A_287 : vector<1x16xi32> to vector<16xi32>
      %shift_right_logical3A_289 = arith.constant 14 : i32
      %shift_right_logical3A_290 = vector.broadcast %shift_right_logical3A_289 : i32 to vector<16xi32>
      %shift_right_logical3A_291 = arith.shrui %get3A_288, %shift_right_logical3A_290 : vector<16xi32>
      %swap3A_292 = arith.constant 1 : i32
      %swap3A_293 = arith.index_cast %swap3A_292 : i32 to index
      %swap3A_294 = arith.constant 48 : index
      %swap3A_295 = tpu.vector_load %arg6[%swap3A_293, %swap3A_294] {strides = array<i32>} : memref<2x128xi32, #tpu.memory_space<vmem>>, vector<1x16xi32>,
      %swap3A_296 = vector.shape_cast %swap3A_295 : vector<1x16xi32> to vector<16xi32>
      %swap3A_297 = vector.shape_cast %shift_right_logical3A_291 : vector<16xi32> to vector<1x16xi32>
      tpu.vector_store %arg6[%swap3A_293, %swap3A_294], %swap3A_297 {strides = array<i32>} : memref<2x128xi32, #tpu.memory_space<vmem>>, vector<1x16xi32>,
      %and3A_298 = arith.constant 16383 : i32
      %and3A_299 = vector.broadcast %and3A_298 : i32 to vector<16xi32>
      %and3A_300 = arith.andi %get3A_288, %and3A_299 : vector<16xi32>
      %swap3A_301 = arith.constant 1 : i32
      %swap3A_302 = arith.index_cast %swap3A_301 : i32 to index
      %swap3A_303 = arith.constant 48 : index
      %swap3A_304 = tpu.vector_load %arg7[%swap3A_302, %swap3A_303] {strides = array<i32>} : memref<2x128xi32, #tpu.memory_space<vmem>>, vector<1x16xi32>,
      %swap3A_305 = vector.shape_cast %swap3A_304 : vector<1x16xi32> to vector<16xi32>
      %swap3A_306 = vector.shape_cast %and3A_300 : vector<16xi32> to vector<1x16xi32>
      tpu.vector_store %arg7[%swap3A_302, %swap3A_303], %swap3A_306 {strides = array<i32>} : memref<2x128xi32, #tpu.memory_space<vmem>>, vector<1x16xi32>,
      %get3A_307 = arith.index_cast %add3A_218 : i32 to index
      %get3A_308 = arith.constant 64 : index
      %get3A_309 = tpu.vector_load %arg5[%get3A_307, %get3A_308] {strides = array<i32>} : memref<80x128xi32, #tpu.memory_space<vmem>>, vector<1x16xi32>,
      %get3A_310 = vector.shape_cast %get3A_309 : vector<1x16xi32> to vector<16xi32>
      %shift_right_logical3A_311 = arith.constant 14 : i32
      %shift_right_logical3A_312 = vector.broadcast %shift_right_logical3A_311 : i32 to vector<16xi32>
      %shift_right_logical3A_313 = arith.shrui %get3A_310, %shift_right_logical3A_312 : vector<16xi32>
      %swap3A_314 = arith.constant 1 : i32
      %swap3A_315 = arith.index_cast %swap3A_314 : i32 to index
      %swap3A_316 = arith.constant 64 : index
      %swap3A_317 = tpu.vector_load %arg6[%swap3A_315, %swap3A_316] {strides = array<i32>} : memref<2x128xi32, #tpu.memory_space<vmem>>, vector<1x16xi32>,
      %swap3A_318 = vector.shape_cast %swap3A_317 : vector<1x16xi32> to vector<16xi32>
      %swap3A_319 = vector.shape_cast %shift_right_logical3A_313 : vector<16xi32> to vector<1x16xi32>
      tpu.vector_store %arg6[%swap3A_315, %swap3A_316], %swap3A_319 {strides = array<i32>} : memref<2x128xi32, #tpu.memory_space<vmem>>, vector<1x16xi32>,
      %and3A_320 = arith.constant 16383 : i32
      %and3A_321 = vector.broadcast %and3A_320 : i32 to vector<16xi32>
      %and3A_322 = arith.andi %get3A_310, %and3A_321 : vector<16xi32>
      %swap3A_323 = arith.constant 1 : i32
      %swap3A_324 = arith.index_cast %swap3A_323 : i32 to index
      %swap3A_325 = arith.constant 64 : index
      %swap3A_326 = tpu.vector_load %arg7[%swap3A_324, %swap3A_325] {strides = array<i32>} : memref<2x128xi32, #tpu.memory_space<vmem>>, vector<1x16xi32>,
      %swap3A_327 = vector.shape_cast %swap3A_326 : vector<1x16xi32> to vector<16xi32>
      %swap3A_328 = vector.shape_cast %and3A_322 : vector<16xi32> to vector<1x16xi32>
      tpu.vector_store %arg7[%swap3A_324, %swap3A_325], %swap3A_328 {strides = array<i32>} : memref<2x128xi32, #tpu.memory_space<vmem>>, vector<1x16xi32>,
      %get3A_329 = arith.index_cast %add3A_218 : i32 to index
      %get3A_330 = arith.constant 80 : index
      %get3A_331 = tpu.vector_load %arg5[%get3A_329, %get3A_330] {strides = array<i32>} : memref<80x128xi32, #tpu.memory_space<vmem>>, vector<1x16xi32>,
      %get3A_332 = vector.shape_cast %get3A_331 : vector<1x16xi32> to vector<16xi32>
      %shift_right_logical3A_333 = arith.constant 14 : i32
      %shift_right_logical3A_334 = vector.broadcast %shift_right_logical3A_333 : i32 to vector<16xi32>
      %shift_right_logical3A_335 = arith.shrui %get3A_332, %shift_right_logical3A_334 : vector<16xi32>
      %swap3A_336 = arith.constant 1 : i32
      %swap3A_337 = arith.index_cast %swap3A_336 : i32 to index
      %swap3A_338 = arith.constant 80 : index
      %swap3A_339 = tpu.vector_load %arg6[%swap3A_337, %swap3A_338] {strides = array<i32>} : memref<2x128xi32, #tpu.memory_space<vmem>>, vector<1x16xi32>,
      %swap3A_340 = vector.shape_cast %swap3A_339 : vector<1x16xi32> to vector<16xi32>
      %swap3A_341 = vector.shape_cast %shift_right_logical3A_335 : vector<16xi32> to vector<1x16xi32>
      tpu.vector_store %arg6[%swap3A_337, %swap3A_338], %swap3A_341 {strides = array<i32>} : memref<2x128xi32, #tpu.memory_space<vmem>>, vector<1x16xi32>,
      %and3A_342 = arith.constant 16383 : i32
      %and3A_343 = vector.broadcast %and3A_342 : i32 to vector<16xi32>
      %and3A_344 = arith.andi %get3A_332, %and3A_343 : vector<16xi32>
      %swap3A_345 = arith.constant 1 : i32
      %swap3A_346 = arith.index_cast %swap3A_345 : i32 to index
      %swap3A_347 = arith.constant 80 : index
      %swap3A_348 = tpu.vector_load %arg7[%swap3A_346, %swap3A_347] {strides = array<i32>} : memref<2x128xi32, #tpu.memory_space<vmem>>, vector<1x16xi32>,
      %swap3A_349 = vector.shape_cast %swap3A_348 : vector<1x16xi32> to vector<16xi32>
      %swap3A_350 = vector.shape_cast %and3A_344 : vector<16xi32> to vector<1x16xi32>
      tpu.vector_store %arg7[%swap3A_346, %swap3A_347], %swap3A_350 {strides = array<i32>} : memref<2x128xi32, #tpu.memory_space<vmem>>, vector<1x16xi32>,
      %get3A_351 = arith.index_cast %add3A_218 : i32 to index
      %get3A_352 = arith.constant 96 : index
      %get3A_353 = tpu.vector_load %arg5[%get3A_351, %get3A_352] {strides = array<i32>} : memref<80x128xi32, #tpu.memory_space<vmem>>, vector<1x16xi32>,
      %get3A_354 = vector.shape_cast %get3A_353 : vector<1x16xi32> to vector<16xi32>
      %shift_right_logical3A_355 = arith.constant 14 : i32
      %shift_right_logical3A_356 = vector.broadcast %shift_right_logical3A_355 : i32 to vector<16xi32>
      %shift_right_logical3A_357 = arith.shrui %get3A_354, %shift_right_logical3A_356 : vector<16xi32>
      %swap3A_358 = arith.constant 1 : i32
      %swap3A_359 = arith.index_cast %swap3A_358 : i32 to index
      %swap3A_360 = arith.constant 96 : index
      %swap3A_361 = tpu.vector_load %arg6[%swap3A_359, %swap3A_360] {strides = array<i32>} : memref<2x128xi32, #tpu.memory_space<vmem>>, vector<1x16xi32>,
      %swap3A_362 = vector.shape_cast %swap3A_361 : vector<1x16xi32> to vector<16xi32>
      %swap3A_363 = vector.shape_cast %shift_right_logical3A_357 : vector<16xi32> to vector<1x16xi32>
      tpu.vector_store %arg6[%swap3A_359, %swap3A_360], %swap3A_363 {strides = array<i32>} : memref<2x128xi32, #tpu.memory_space<vmem>>, vector<1x16xi32>,
      %and3A_364 = arith.constant 16383 : i32
      %and3A_365 = vector.broadcast %and3A_364 : i32 to vector<16xi32>
      %and3A_366 = arith.andi %get3A_354, %and3A_365 : vector<16xi32>
      %swap3A_367 = arith.constant 1 : i32
      %swap3A_368 = arith.index_cast %swap3A_367 : i32 to index
      %swap3A_369 = arith.constant 96 : index
      %swap3A_370 = tpu.vector_load %arg7[%swap3A_368, %swap3A_369] {strides = array<i32>} : memref<2x128xi32, #tpu.memory_space<vmem>>, vector<1x16xi32>,
      %swap3A_371 = vector.shape_cast %swap3A_370 : vector<1x16xi32> to vector<16xi32>
      %swap3A_372 = vector.shape_cast %and3A_366 : vector<16xi32> to vector<1x16xi32>
      tpu.vector_store %arg7[%swap3A_368, %swap3A_369], %swap3A_372 {strides = array<i32>} : memref<2x128xi32, #tpu.memory_space<vmem>>, vector<1x16xi32>,
      %get3A_373 = arith.index_cast %add3A_218 : i32 to index
      %get3A_374 = arith.constant 112 : index
      %get3A_375 = tpu.vector_load %arg5[%get3A_373, %get3A_374] {strides = array<i32>} : memref<80x128xi32, #tpu.memory_space<vmem>>, vector<1x16xi32>,
      %get3A_376 = vector.shape_cast %get3A_375 : vector<1x16xi32> to vector<16xi32>
      %shift_right_logical3A_377 = arith.constant 14 : i32
      %shift_right_logical3A_378 = vector.broadcast %shift_right_logical3A_377 : i32 to vector<16xi32>
      %shift_right_logical3A_379 = arith.shrui %get3A_376, %shift_right_logical3A_378 : vector<16xi32>
      %swap3A_380 = arith.constant 1 : i32
      %swap3A_381 = arith.index_cast %swap3A_380 : i32 to index
      %swap3A_382 = arith.constant 112 : index
      %swap3A_383 = tpu.vector_load %arg6[%swap3A_381, %swap3A_382] {strides = array<i32>} : memref<2x128xi32, #tpu.memory_space<vmem>>, vector<1x16xi32>,
      %swap3A_384 = vector.shape_cast %swap3A_383 : vector<1x16xi32> to vector<16xi32>
      %swap3A_385 = vector.shape_cast %shift_right_logical3A_379 : vector<16xi32> to vector<1x16xi32>
      tpu.vector_store %arg6[%swap3A_381, %swap3A_382], %swap3A_385 {strides = array<i32>} : memref<2x128xi32, #tpu.memory_space<vmem>>, vector<1x16xi32>,
      %and3A_386 = arith.constant 16383 : i32
      %and3A_387 = vector.broadcast %and3A_386 : i32 to vector<16xi32>
      %and3A_388 = arith.andi %get3A_376, %and3A_387 : vector<16xi32>
      %swap3A_389 = arith.constant 1 : i32
      %swap3A_390 = arith.index_cast %swap3A_389 : i32 to index
      %swap3A_391 = arith.constant 112 : index
      %swap3A_392 = tpu.vector_load %arg7[%swap3A_390, %swap3A_391] {strides = array<i32>} : memref<2x128xi32, #tpu.memory_space<vmem>>, vector<1x16xi32>,
      %swap3A_393 = vector.shape_cast %swap3A_392 : vector<1x16xi32> to vector<16xi32>
      %swap3A_394 = vector.shape_cast %and3A_388 : vector<16xi32> to vector<1x16xi32>
      tpu.vector_store %arg7[%swap3A_390, %swap3A_391], %swap3A_394 {strides = array<i32>} : memref<2x128xi32, #tpu.memory_space<vmem>>, vector<1x16xi32>,
      %dma_start3A_395 = arith.constant 1 : i32
      %dma_start3A_396 = arith.constant 0 : i32
      %dma_start3A_397 = tpu.memref_slice %arg6[%dma_start3A_395, %dma_start3A_396] : memref<2x128xi32, #tpu.memory_space<vmem>> -> memref<1x128xi32, #tpu.memory_space<vmem>>
      %dma_start3A_398 = tpu.memref_squeeze %dma_start3A_397 : memref<1x128xi32, #tpu.memory_space<vmem>> -> memref<128xi32, #tpu.memory_space<vmem>>
      %dma_start3A_399 = arith.constant 0 : i32
      %dma_start3A_400 = arith.constant 0 : i32
      %dma_start3A_401 = tpu.memref_slice %arg2[%arg0, %dma_start3A_399, %dma_start3A_400] : memref<2x10000x128xf32, #tpu.memory_space<hbm>> -> memref<1x10000x128xf32, #tpu.memory_space<hbm>>
      %dma_start3A_402 = tpu.memref_squeeze %dma_start3A_401 : memref<1x10000x128xf32, #tpu.memory_space<hbm>> -> memref<10000x128xf32, #tpu.memory_space<hbm>>
      %dma_start3A_403 = arith.constant 0 : i32
      %dma_start3A_404 = arith.constant 0 : i32
      %dma_start3A_405 = tpu.memref_slice %dma_start3A_402[%dma_start3A_403, %dma_start3A_404] : memref<10000x128xf32, #tpu.memory_space<hbm>> -> memref<10000x128xf32, #tpu.memory_space<hbm>>
      tpu.enqueue_indirect_dma source(%dma_start3A_405 : memref<10000x128xf32, #tpu.memory_space<hbm>>) target(%arg9 : memref<128x128xf32, #tpu.memory_space<vmem>>) offsets(%dma_start3A_398 : memref<128xi32, #tpu.memory_space<vmem>>) semaphore(%arg12 : memref<!tpu.dma_semaphore, #tpu.memory_space<semaphore_mem>>)
      %dma_wait3A = arith.constant 0 : i32
      %dma_wait3A_406 = arith.constant 0 : i32
      %dma_wait3A_407 = tpu.memref_slice %arg6[%dma_wait3A, %dma_wait3A_406] : memref<2x128xi32, #tpu.memory_space<vmem>> -> memref<1x128xi32, #tpu.memory_space<vmem>>
      %dma_wait3A_408 = tpu.memref_squeeze %dma_wait3A_407 : memref<1x128xi32, #tpu.memory_space<vmem>> -> memref<128xi32, #tpu.memory_space<vmem>>
      %dma_wait3A_409 = arith.constant 0 : i32
      %dma_wait3A_410 = arith.constant 0 : i32
      %dma_wait3A_411 = tpu.memref_slice %arg2[%arg0, %dma_wait3A_409, %dma_wait3A_410] : memref<2x10000x128xf32, #tpu.memory_space<hbm>> -> memref<1x10000x128xf32, #tpu.memory_space<hbm>>
      %dma_wait3A_412 = tpu.memref_squeeze %dma_wait3A_411 : memref<1x10000x128xf32, #tpu.memory_space<hbm>> -> memref<10000x128xf32, #tpu.memory_space<hbm>>
      %dma_wait3A_413 = arith.constant 0 : i32
      %dma_wait3A_414 = arith.constant 0 : i32
      %dma_wait3A_415 = tpu.memref_slice %dma_wait3A_412[%dma_wait3A_413, %dma_wait3A_414] : memref<10000x128xf32, #tpu.memory_space<hbm>> -> memref<10000x128xf32, #tpu.memory_space<hbm>>
      tpu.wait_indirect_dma semaphore(%arg11 : memref<!tpu.dma_semaphore, #tpu.memory_space<semaphore_mem>>) src(%dma_wait3A_415 : memref<10000x128xf32, #tpu.memory_space<hbm>>) dst(%arg8 : memref<128x128xf32, #tpu.memory_space<vmem>>)
      %run_scoped3A = arith.constant 0 : i32
      "tpu.region"() ({
        %run_scoped3A_432 = tpu.sem_alloc : memref<!tpu.dma_semaphore, #tpu.memory_space<semaphore_mem>>
        %dma_start3A_433 = arith.constant 0 : i32
        %dma_start3A_434 = tpu.memref_slice %arg7[%run_scoped3A, %dma_start3A_433] : memref<2x128xi32, #tpu.memory_space<vmem>> -> memref<1x128xi32, #tpu.memory_space<vmem>>
        %dma_start3A_435 = tpu.memref_squeeze %dma_start3A_434 : memref<1x128xi32, #tpu.memory_space<vmem>> -> memref<128xi32, #tpu.memory_space<vmem>>
        %dma_start3A_436 = arith.constant 0 : i32
        %dma_start3A_437 = arith.constant 0 : i32
        %dma_start3A_438 = tpu.memref_slice %arg10[%dma_start3A_436, %dma_start3A_437] : memref<10112x128xf32, #tpu.memory_space<vmem_shared>> -> memref<10112x128xf32, #tpu.memory_space<vmem_shared>>
        tpu.enqueue_indirect_dma source(%arg8 : memref<128x128xf32, #tpu.memory_space<vmem>>) target(%dma_start3A_438 : memref<10112x128xf32, #tpu.memory_space<vmem_shared>>) offsets(%dma_start3A_435 : memref<128xi32, #tpu.memory_space<vmem>>) semaphore(%run_scoped3A_432 : memref<!tpu.dma_semaphore, #tpu.memory_space<semaphore_mem>>) {add = true}
        %dma_wait3A_439 = arith.constant 0 : i32
        %dma_wait3A_440 = tpu.memref_slice %arg7[%run_scoped3A, %dma_wait3A_439] : memref<2x128xi32, #tpu.memory_space<vmem>> -> memref<1x128xi32, #tpu.memory_space<vmem>>
        %dma_wait3A_441 = tpu.memref_squeeze %dma_wait3A_440 : memref<1x128xi32, #tpu.memory_space<vmem>> -> memref<128xi32, #tpu.memory_space<vmem>>
        %dma_wait3A_442 = arith.constant 0 : i32
        %dma_wait3A_443 = arith.constant 0 : i32
        %dma_wait3A_444 = tpu.memref_slice %arg10[%dma_wait3A_442, %dma_wait3A_443] : memref<10112x128xf32, #tpu.memory_space<vmem_shared>> -> memref<10112x128xf32, #tpu.memory_space<vmem_shared>>
        tpu.wait_indirect_dma semaphore(%run_scoped3A_432 : memref<!tpu.dma_semaphore, #tpu.memory_space<semaphore_mem>>) src(%arg8 : memref<128x128xf32, #tpu.memory_space<vmem>>) dst(%dma_wait3A_444 : memref<10112x128xf32, #tpu.memory_space<vmem_shared>>)
        tpu.yield
      }) : () -> ()
      %add3A_416 = arith.constant 2 : i32
      %add3A_417 = arith.addi %mul3A_216, %add3A_416 : i32
      %lt3A = arith.constant 80 : i32
      %lt3A_418 = arith.cmpi slt, %add3A_417, %lt3A : i32
      %convert_element_type3A = arith.extui %lt3A_418 : i1 to i32
      %cond3A = arith.constant 0 : i32
      %cond3A_419 = arith.cmpi ne, %convert_element_type3A, %cond3A : i32
      scf.if %cond3A_419 {
        %add3A_432 = arith.constant 2 : i32
        %add3A_433 = arith.addi %mul3A_216, %add3A_432 : i32
        %get3A_434 = arith.index_cast %add3A_433 : i32 to index
        %get3A_435 = arith.constant 0 : index
        %get3A_436 = tpu.vector_load %arg5[%get3A_434, %get3A_435] {strides = array<i32>} : memref<80x128xi32, #tpu.memory_space<vmem>>, vector<1x16xi32>,
        %get3A_437 = vector.shape_cast %get3A_436 : vector<1x16xi32> to vector<16xi32>
        %shift_right_logical3A_438 = arith.constant 14 : i32
        %shift_right_logical3A_439 = vector.broadcast %shift_right_logical3A_438 : i32 to vector<16xi32>
        %shift_right_logical3A_440 = arith.shrui %get3A_437, %shift_right_logical3A_439 : vector<16xi32>
        %swap3A_441 = arith.constant 0 : i32
        %swap3A_442 = arith.index_cast %swap3A_441 : i32 to index
        %swap3A_443 = arith.constant 0 : index
        %swap3A_444 = tpu.vector_load %arg6[%swap3A_442, %swap3A_443] {strides = array<i32>} : memref<2x128xi32, #tpu.memory_space<vmem>>, vector<1x16xi32>,
        %swap3A_445 = vector.shape_cast %swap3A_444 : vector<1x16xi32> to vector<16xi32>
        %swap3A_446 = vector.shape_cast %shift_right_logical3A_440 : vector<16xi32> to vector<1x16xi32>
        tpu.vector_store %arg6[%swap3A_442, %swap3A_443], %swap3A_446 {strides = array<i32>} : memref<2x128xi32, #tpu.memory_space<vmem>>, vector<1x16xi32>,
        %and3A_447 = arith.constant 16383 : i32
        %and3A_448 = vector.broadcast %and3A_447 : i32 to vector<16xi32>
        %and3A_449 = arith.andi %get3A_437, %and3A_448 : vector<16xi32>
        %swap3A_450 = arith.constant 0 : i32
        %swap3A_451 = arith.index_cast %swap3A_450 : i32 to index
        %swap3A_452 = arith.constant 0 : index
        %swap3A_453 = tpu.vector_load %arg7[%swap3A_451, %swap3A_452] {strides = array<i32>} : memref<2x128xi32, #tpu.memory_space<vmem>>, vector<1x16xi32>,
        %swap3A_454 = vector.shape_cast %swap3A_453 : vector<1x16xi32> to vector<16xi32>
        %swap3A_455 = vector.shape_cast %and3A_449 : vector<16xi32> to vector<1x16xi32>
        tpu.vector_store %arg7[%swap3A_451, %swap3A_452], %swap3A_455 {strides = array<i32>} : memref<2x128xi32, #tpu.memory_space<vmem>>, vector<1x16xi32>,
        %get3A_456 = arith.index_cast %add3A_433 : i32 to index
        %get3A_457 = arith.constant 16 : index
        %get3A_458 = tpu.vector_load %arg5[%get3A_456, %get3A_457] {strides = array<i32>} : memref<80x128xi32, #tpu.memory_space<vmem>>, vector<1x16xi32>,
        %get3A_459 = vector.shape_cast %get3A_458 : vector<1x16xi32> to vector<16xi32>
        %shift_right_logical3A_460 = arith.constant 14 : i32
        %shift_right_logical3A_461 = vector.broadcast %shift_right_logical3A_460 : i32 to vector<16xi32>
        %shift_right_logical3A_462 = arith.shrui %get3A_459, %shift_right_logical3A_461 : vector<16xi32>
        %swap3A_463 = arith.constant 0 : i32
        %swap3A_464 = arith.index_cast %swap3A_463 : i32 to index
        %swap3A_465 = arith.constant 16 : index
        %swap3A_466 = tpu.vector_load %arg6[%swap3A_464, %swap3A_465] {strides = array<i32>} : memref<2x128xi32, #tpu.memory_space<vmem>>, vector<1x16xi32>,
        %swap3A_467 = vector.shape_cast %swap3A_466 : vector<1x16xi32> to vector<16xi32>
        %swap3A_468 = vector.shape_cast %shift_right_logical3A_462 : vector<16xi32> to vector<1x16xi32>
        tpu.vector_store %arg6[%swap3A_464, %swap3A_465], %swap3A_468 {strides = array<i32>} : memref<2x128xi32, #tpu.memory_space<vmem>>, vector<1x16xi32>,
        %and3A_469 = arith.constant 16383 : i32
        %and3A_470 = vector.broadcast %and3A_469 : i32 to vector<16xi32>
        %and3A_471 = arith.andi %get3A_459, %and3A_470 : vector<16xi32>
        %swap3A_472 = arith.constant 0 : i32
        %swap3A_473 = arith.index_cast %swap3A_472 : i32 to index
        %swap3A_474 = arith.constant 16 : index
        %swap3A_475 = tpu.vector_load %arg7[%swap3A_473, %swap3A_474] {strides = array<i32>} : memref<2x128xi32, #tpu.memory_space<vmem>>, vector<1x16xi32>,
        %swap3A_476 = vector.shape_cast %swap3A_475 : vector<1x16xi32> to vector<16xi32>
        %swap3A_477 = vector.shape_cast %and3A_471 : vector<16xi32> to vector<1x16xi32>
        tpu.vector_store %arg7[%swap3A_473, %swap3A_474], %swap3A_477 {strides = array<i32>} : memref<2x128xi32, #tpu.memory_space<vmem>>, vector<1x16xi32>,
        %get3A_478 = arith.index_cast %add3A_433 : i32 to index
        %get3A_479 = arith.constant 32 : index
        %get3A_480 = tpu.vector_load %arg5[%get3A_478, %get3A_479] {strides = array<i32>} : memref<80x128xi32, #tpu.memory_space<vmem>>, vector<1x16xi32>,
        %get3A_481 = vector.shape_cast %get3A_480 : vector<1x16xi32> to vector<16xi32>
        %shift_right_logical3A_482 = arith.constant 14 : i32
        %shift_right_logical3A_483 = vector.broadcast %shift_right_logical3A_482 : i32 to vector<16xi32>
        %shift_right_logical3A_484 = arith.shrui %get3A_481, %shift_right_logical3A_483 : vector<16xi32>
        %swap3A_485 = arith.constant 0 : i32
        %swap3A_486 = arith.index_cast %swap3A_485 : i32 to index
        %swap3A_487 = arith.constant 32 : index
        %swap3A_488 = tpu.vector_load %arg6[%swap3A_486, %swap3A_487] {strides = array<i32>} : memref<2x128xi32, #tpu.memory_space<vmem>>, vector<1x16xi32>,
        %swap3A_489 = vector.shape_cast %swap3A_488 : vector<1x16xi32> to vector<16xi32>
        %swap3A_490 = vector.shape_cast %shift_right_logical3A_484 : vector<16xi32> to vector<1x16xi32>
        tpu.vector_store %arg6[%swap3A_486, %swap3A_487], %swap3A_490 {strides = array<i32>} : memref<2x128xi32, #tpu.memory_space<vmem>>, vector<1x16xi32>,
        %and3A_491 = arith.constant 16383 : i32
        %and3A_492 = vector.broadcast %and3A_491 : i32 to vector<16xi32>
        %and3A_493 = arith.andi %get3A_481, %and3A_492 : vector<16xi32>
        %swap3A_494 = arith.constant 0 : i32
        %swap3A_495 = arith.index_cast %swap3A_494 : i32 to index
        %swap3A_496 = arith.constant 32 : index
        %swap3A_497 = tpu.vector_load %arg7[%swap3A_495, %swap3A_496] {strides = array<i32>} : memref<2x128xi32, #tpu.memory_space<vmem>>, vector<1x16xi32>,
        %swap3A_498 = vector.shape_cast %swap3A_497 : vector<1x16xi32> to vector<16xi32>
        %swap3A_499 = vector.shape_cast %and3A_493 : vector<16xi32> to vector<1x16xi32>
        tpu.vector_store %arg7[%swap3A_495, %swap3A_496], %swap3A_499 {strides = array<i32>} : memref<2x128xi32, #tpu.memory_space<vmem>>, vector<1x16xi32>,
        %get3A_500 = arith.index_cast %add3A_433 : i32 to index
        %get3A_501 = arith.constant 48 : index
        %get3A_502 = tpu.vector_load %arg5[%get3A_500, %get3A_501] {strides = array<i32>} : memref<80x128xi32, #tpu.memory_space<vmem>>, vector<1x16xi32>,
        %get3A_503 = vector.shape_cast %get3A_502 : vector<1x16xi32> to vector<16xi32>
        %shift_right_logical3A_504 = arith.constant 14 : i32
        %shift_right_logical3A_505 = vector.broadcast %shift_right_logical3A_504 : i32 to vector<16xi32>
        %shift_right_logical3A_506 = arith.shrui %get3A_503, %shift_right_logical3A_505 : vector<16xi32>
        %swap3A_507 = arith.constant 0 : i32
        %swap3A_508 = arith.index_cast %swap3A_507 : i32 to index
        %swap3A_509 = arith.constant 48 : index
        %swap3A_510 = tpu.vector_load %arg6[%swap3A_508, %swap3A_509] {strides = array<i32>} : memref<2x128xi32, #tpu.memory_space<vmem>>, vector<1x16xi32>,
        %swap3A_511 = vector.shape_cast %swap3A_510 : vector<1x16xi32> to vector<16xi32>
        %swap3A_512 = vector.shape_cast %shift_right_logical3A_506 : vector<16xi32> to vector<1x16xi32>
        tpu.vector_store %arg6[%swap3A_508, %swap3A_509], %swap3A_512 {strides = array<i32>} : memref<2x128xi32, #tpu.memory_space<vmem>>, vector<1x16xi32>,
        %and3A_513 = arith.constant 16383 : i32
        %and3A_514 = vector.broadcast %and3A_513 : i32 to vector<16xi32>
        %and3A_515 = arith.andi %get3A_503, %and3A_514 : vector<16xi32>
        %swap3A_516 = arith.constant 0 : i32
        %swap3A_517 = arith.index_cast %swap3A_516 : i32 to index
        %swap3A_518 = arith.constant 48 : index
        %swap3A_519 = tpu.vector_load %arg7[%swap3A_517, %swap3A_518] {strides = array<i32>} : memref<2x128xi32, #tpu.memory_space<vmem>>, vector<1x16xi32>,
        %swap3A_520 = vector.shape_cast %swap3A_519 : vector<1x16xi32> to vector<16xi32>
        %swap3A_521 = vector.shape_cast %and3A_515 : vector<16xi32> to vector<1x16xi32>
        tpu.vector_store %arg7[%swap3A_517, %swap3A_518], %swap3A_521 {strides = array<i32>} : memref<2x128xi32, #tpu.memory_space<vmem>>, vector<1x16xi32>,
        %get3A_522 = arith.index_cast %add3A_433 : i32 to index
        %get3A_523 = arith.constant 64 : index
        %get3A_524 = tpu.vector_load %arg5[%get3A_522, %get3A_523] {strides = array<i32>} : memref<80x128xi32, #tpu.memory_space<vmem>>, vector<1x16xi32>,
        %get3A_525 = vector.shape_cast %get3A_524 : vector<1x16xi32> to vector<16xi32>
        %shift_right_logical3A_526 = arith.constant 14 : i32
        %shift_right_logical3A_527 = vector.broadcast %shift_right_logical3A_526 : i32 to vector<16xi32>
        %shift_right_logical3A_528 = arith.shrui %get3A_525, %shift_right_logical3A_527 : vector<16xi32>
        %swap3A_529 = arith.constant 0 : i32
        %swap3A_530 = arith.index_cast %swap3A_529 : i32 to index
        %swap3A_531 = arith.constant 64 : index
        %swap3A_532 = tpu.vector_load %arg6[%swap3A_530, %swap3A_531] {strides = array<i32>} : memref<2x128xi32, #tpu.memory_space<vmem>>, vector<1x16xi32>,
        %swap3A_533 = vector.shape_cast %swap3A_532 : vector<1x16xi32> to vector<16xi32>
        %swap3A_534 = vector.shape_cast %shift_right_logical3A_528 : vector<16xi32> to vector<1x16xi32>
        tpu.vector_store %arg6[%swap3A_530, %swap3A_531], %swap3A_534 {strides = array<i32>} : memref<2x128xi32, #tpu.memory_space<vmem>>, vector<1x16xi32>,
        %and3A_535 = arith.constant 16383 : i32
        %and3A_536 = vector.broadcast %and3A_535 : i32 to vector<16xi32>
        %and3A_537 = arith.andi %get3A_525, %and3A_536 : vector<16xi32>
        %swap3A_538 = arith.constant 0 : i32
        %swap3A_539 = arith.index_cast %swap3A_538 : i32 to index
        %swap3A_540 = arith.constant 64 : index
        %swap3A_541 = tpu.vector_load %arg7[%swap3A_539, %swap3A_540] {strides = array<i32>} : memref<2x128xi32, #tpu.memory_space<vmem>>, vector<1x16xi32>,
        %swap3A_542 = vector.shape_cast %swap3A_541 : vector<1x16xi32> to vector<16xi32>
        %swap3A_543 = vector.shape_cast %and3A_537 : vector<16xi32> to vector<1x16xi32>
        tpu.vector_store %arg7[%swap3A_539, %swap3A_540], %swap3A_543 {strides = array<i32>} : memref<2x128xi32, #tpu.memory_space<vmem>>, vector<1x16xi32>,
        %get3A_544 = arith.index_cast %add3A_433 : i32 to index
        %get3A_545 = arith.constant 80 : index
        %get3A_546 = tpu.vector_load %arg5[%get3A_544, %get3A_545] {strides = array<i32>} : memref<80x128xi32, #tpu.memory_space<vmem>>, vector<1x16xi32>,
        %get3A_547 = vector.shape_cast %get3A_546 : vector<1x16xi32> to vector<16xi32>
        %shift_right_logical3A_548 = arith.constant 14 : i32
        %shift_right_logical3A_549 = vector.broadcast %shift_right_logical3A_548 : i32 to vector<16xi32>
        %shift_right_logical3A_550 = arith.shrui %get3A_547, %shift_right_logical3A_549 : vector<16xi32>
        %swap3A_551 = arith.constant 0 : i32
        %swap3A_552 = arith.index_cast %swap3A_551 : i32 to index
        %swap3A_553 = arith.constant 80 : index
        %swap3A_554 = tpu.vector_load %arg6[%swap3A_552, %swap3A_553] {strides = array<i32>} : memref<2x128xi32, #tpu.memory_space<vmem>>, vector<1x16xi32>,
        %swap3A_555 = vector.shape_cast %swap3A_554 : vector<1x16xi32> to vector<16xi32>
        %swap3A_556 = vector.shape_cast %shift_right_logical3A_550 : vector<16xi32> to vector<1x16xi32>
        tpu.vector_store %arg6[%swap3A_552, %swap3A_553], %swap3A_556 {strides = array<i32>} : memref<2x128xi32, #tpu.memory_space<vmem>>, vector<1x16xi32>,
        %and3A_557 = arith.constant 16383 : i32
        %and3A_558 = vector.broadcast %and3A_557 : i32 to vector<16xi32>
        %and3A_559 = arith.andi %get3A_547, %and3A_558 : vector<16xi32>
        %swap3A_560 = arith.constant 0 : i32
        %swap3A_561 = arith.index_cast %swap3A_560 : i32 to index
        %swap3A_562 = arith.constant 80 : index
        %swap3A_563 = tpu.vector_load %arg7[%swap3A_561, %swap3A_562] {strides = array<i32>} : memref<2x128xi32, #tpu.memory_space<vmem>>, vector<1x16xi32>,
        %swap3A_564 = vector.shape_cast %swap3A_563 : vector<1x16xi32> to vector<16xi32>
        %swap3A_565 = vector.shape_cast %and3A_559 : vector<16xi32> to vector<1x16xi32>
        tpu.vector_store %arg7[%swap3A_561, %swap3A_562], %swap3A_565 {strides = array<i32>} : memref<2x128xi32, #tpu.memory_space<vmem>>, vector<1x16xi32>,
        %get3A_566 = arith.index_cast %add3A_433 : i32 to index
        %get3A_567 = arith.constant 96 : index
        %get3A_568 = tpu.vector_load %arg5[%get3A_566, %get3A_567] {strides = array<i32>} : memref<80x128xi32, #tpu.memory_space<vmem>>, vector<1x16xi32>,
        %get3A_569 = vector.shape_cast %get3A_568 : vector<1x16xi32> to vector<16xi32>
        %shift_right_logical3A_570 = arith.constant 14 : i32
        %shift_right_logical3A_571 = vector.broadcast %shift_right_logical3A_570 : i32 to vector<16xi32>
        %shift_right_logical3A_572 = arith.shrui %get3A_569, %shift_right_logical3A_571 : vector<16xi32>
        %swap3A_573 = arith.constant 0 : i32
        %swap3A_574 = arith.index_cast %swap3A_573 : i32 to index
        %swap3A_575 = arith.constant 96 : index
        %swap3A_576 = tpu.vector_load %arg6[%swap3A_574, %swap3A_575] {strides = array<i32>} : memref<2x128xi32, #tpu.memory_space<vmem>>, vector<1x16xi32>,
        %swap3A_577 = vector.shape_cast %swap3A_576 : vector<1x16xi32> to vector<16xi32>
        %swap3A_578 = vector.shape_cast %shift_right_logical3A_572 : vector<16xi32> to vector<1x16xi32>
        tpu.vector_store %arg6[%swap3A_574, %swap3A_575], %swap3A_578 {strides = array<i32>} : memref<2x128xi32, #tpu.memory_space<vmem>>, vector<1x16xi32>,
        %and3A_579 = arith.constant 16383 : i32
        %and3A_580 = vector.broadcast %and3A_579 : i32 to vector<16xi32>
        %and3A_581 = arith.andi %get3A_569, %and3A_580 : vector<16xi32>
        %swap3A_582 = arith.constant 0 : i32
        %swap3A_583 = arith.index_cast %swap3A_582 : i32 to index
        %swap3A_584 = arith.constant 96 : index
        %swap3A_585 = tpu.vector_load %arg7[%swap3A_583, %swap3A_584] {strides = array<i32>} : memref<2x128xi32, #tpu.memory_space<vmem>>, vector<1x16xi32>,
        %swap3A_586 = vector.shape_cast %swap3A_585 : vector<1x16xi32> to vector<16xi32>
        %swap3A_587 = vector.shape_cast %and3A_581 : vector<16xi32> to vector<1x16xi32>
        tpu.vector_store %arg7[%swap3A_583, %swap3A_584], %swap3A_587 {strides = array<i32>} : memref<2x128xi32, #tpu.memory_space<vmem>>, vector<1x16xi32>,
        %get3A_588 = arith.index_cast %add3A_433 : i32 to index
        %get3A_589 = arith.constant 112 : index
        %get3A_590 = tpu.vector_load %arg5[%get3A_588, %get3A_589] {strides = array<i32>} : memref<80x128xi32, #tpu.memory_space<vmem>>, vector<1x16xi32>,
        %get3A_591 = vector.shape_cast %get3A_590 : vector<1x16xi32> to vector<16xi32>
        %shift_right_logical3A_592 = arith.constant 14 : i32
        %shift_right_logical3A_593 = vector.broadcast %shift_right_logical3A_592 : i32 to vector<16xi32>
        %shift_right_logical3A_594 = arith.shrui %get3A_591, %shift_right_logical3A_593 : vector<16xi32>
        %swap3A_595 = arith.constant 0 : i32
        %swap3A_596 = arith.index_cast %swap3A_595 : i32 to index
        %swap3A_597 = arith.constant 112 : index
        %swap3A_598 = tpu.vector_load %arg6[%swap3A_596, %swap3A_597] {strides = array<i32>} : memref<2x128xi32, #tpu.memory_space<vmem>>, vector<1x16xi32>,
        %swap3A_599 = vector.shape_cast %swap3A_598 : vector<1x16xi32> to vector<16xi32>
        %swap3A_600 = vector.shape_cast %shift_right_logical3A_594 : vector<16xi32> to vector<1x16xi32>
        tpu.vector_store %arg6[%swap3A_596, %swap3A_597], %swap3A_600 {strides = array<i32>} : memref<2x128xi32, #tpu.memory_space<vmem>>, vector<1x16xi32>,
        %and3A_601 = arith.constant 16383 : i32
        %and3A_602 = vector.broadcast %and3A_601 : i32 to vector<16xi32>
        %and3A_603 = arith.andi %get3A_591, %and3A_602 : vector<16xi32>
        %swap3A_604 = arith.constant 0 : i32
        %swap3A_605 = arith.index_cast %swap3A_604 : i32 to index
        %swap3A_606 = arith.constant 112 : index
        %swap3A_607 = tpu.vector_load %arg7[%swap3A_605, %swap3A_606] {strides = array<i32>} : memref<2x128xi32, #tpu.memory_space<vmem>>, vector<1x16xi32>,
        %swap3A_608 = vector.shape_cast %swap3A_607 : vector<1x16xi32> to vector<16xi32>
        %swap3A_609 = vector.shape_cast %and3A_603 : vector<16xi32> to vector<1x16xi32>
        tpu.vector_store %arg7[%swap3A_605, %swap3A_606], %swap3A_609 {strides = array<i32>} : memref<2x128xi32, #tpu.memory_space<vmem>>, vector<1x16xi32>,
        %dma_start3A_610 = arith.constant 0 : i32
        %dma_start3A_611 = arith.constant 0 : i32
        %dma_start3A_612 = tpu.memref_slice %arg6[%dma_start3A_610, %dma_start3A_611] : memref<2x128xi32, #tpu.memory_space<vmem>> -> memref<1x128xi32, #tpu.memory_space<vmem>>
        %dma_start3A_613 = tpu.memref_squeeze %dma_start3A_612 : memref<1x128xi32, #tpu.memory_space<vmem>> -> memref<128xi32, #tpu.memory_space<vmem>>
        %dma_start3A_614 = arith.constant 0 : i32
        %dma_start3A_615 = arith.constant 0 : i32
        %dma_start3A_616 = tpu.memref_slice %arg2[%arg0, %dma_start3A_614, %dma_start3A_615] : memref<2x10000x128xf32, #tpu.memory_space<hbm>> -> memref<1x10000x128xf32, #tpu.memory_space<hbm>>
        %dma_start3A_617 = tpu.memref_squeeze %dma_start3A_616 : memref<1x10000x128xf32, #tpu.memory_space<hbm>> -> memref<10000x128xf32, #tpu.memory_space<hbm>>
        %dma_start3A_618 = arith.constant 0 : i32
        %dma_start3A_619 = arith.constant 0 : i32
        %dma_start3A_620 = tpu.memref_slice %dma_start3A_617[%dma_start3A_618, %dma_start3A_619] : memref<10000x128xf32, #tpu.memory_space<hbm>> -> memref<10000x128xf32, #tpu.memory_space<hbm>>
        tpu.enqueue_indirect_dma source(%dma_start3A_620 : memref<10000x128xf32, #tpu.memory_space<hbm>>) target(%arg8 : memref<128x128xf32, #tpu.memory_space<vmem>>) offsets(%dma_start3A_613 : memref<128xi32, #tpu.memory_space<vmem>>) semaphore(%arg11 : memref<!tpu.dma_semaphore, #tpu.memory_space<semaphore_mem>>)
      } else {
      }
      %dma_wait3A_420 = arith.constant 1 : i32
      %dma_wait3A_421 = arith.constant 0 : i32
      %dma_wait3A_422 = tpu.memref_slice %arg6[%dma_wait3A_420, %dma_wait3A_421] : memref<2x128xi32, #tpu.memory_space<vmem>> -> memref<1x128xi32, #tpu.memory_space<vmem>>
      %dma_wait3A_423 = tpu.memref_squeeze %dma_wait3A_422 : memref<1x128xi32, #tpu.memory_space<vmem>> -> memref<128xi32, #tpu.memory_space<vmem>>
      %dma_wait3A_424 = arith.constant 0 : i32
      %dma_wait3A_425 = arith.constant 0 : i32
      %dma_wait3A_426 = tpu.memref_slice %arg2[%arg0, %dma_wait3A_424, %dma_wait3A_425] : memref<2x10000x128xf32, #tpu.memory_space<hbm>> -> memref<1x10000x128xf32, #tpu.memory_space<hbm>>
      %dma_wait3A_427 = tpu.memref_squeeze %dma_wait3A_426 : memref<1x10000x128xf32, #tpu.memory_space<hbm>> -> memref<10000x128xf32, #tpu.memory_space<hbm>>
      %dma_wait3A_428 = arith.constant 0 : i32
      %dma_wait3A_429 = arith.constant 0 : i32
      %dma_wait3A_430 = tpu.memref_slice %dma_wait3A_427[%dma_wait3A_428, %dma_wait3A_429] : memref<10000x128xf32, #tpu.memory_space<hbm>> -> memref<10000x128xf32, #tpu.memory_space<hbm>>
      tpu.wait_indirect_dma semaphore(%arg12 : memref<!tpu.dma_semaphore, #tpu.memory_space<semaphore_mem>>) src(%dma_wait3A_430 : memref<10000x128xf32, #tpu.memory_space<hbm>>) dst(%arg9 : memref<128x128xf32, #tpu.memory_space<vmem>>)
      %run_scoped3A_431 = arith.constant 1 : i32
      "tpu.region"() ({
        %run_scoped3A_432 = tpu.sem_alloc : memref<!tpu.dma_semaphore, #tpu.memory_space<semaphore_mem>>
        %dma_start3A_433 = arith.constant 0 : i32
        %dma_start3A_434 = tpu.memref_slice %arg7[%run_scoped3A_431, %dma_start3A_433] : memref<2x128xi32, #tpu.memory_space<vmem>> -> memref<1x128xi32, #tpu.memory_space<vmem>>
        %dma_start3A_435 = tpu.memref_squeeze %dma_start3A_434 : memref<1x128xi32, #tpu.memory_space<vmem>> -> memref<128xi32, #tpu.memory_space<vmem>>
        %dma_start3A_436 = arith.constant 0 : i32
        %dma_start3A_437 = arith.constant 0 : i32
        %dma_start3A_438 = tpu.memref_slice %arg10[%dma_start3A_436, %dma_start3A_437] : memref<10112x128xf32, #tpu.memory_space<vmem_shared>> -> memref<10112x128xf32, #tpu.memory_space<vmem_shared>>
        tpu.enqueue_indirect_dma source(%arg9 : memref<128x128xf32, #tpu.memory_space<vmem>>) target(%dma_start3A_438 : memref<10112x128xf32, #tpu.memory_space<vmem_shared>>) offsets(%dma_start3A_435 : memref<128xi32, #tpu.memory_space<vmem>>) semaphore(%run_scoped3A_432 : memref<!tpu.dma_semaphore, #tpu.memory_space<semaphore_mem>>) {add = true}
        %dma_wait3A_439 = arith.constant 0 : i32
        %dma_wait3A_440 = tpu.memref_slice %arg7[%run_scoped3A_431, %dma_wait3A_439] : memref<2x128xi32, #tpu.memory_space<vmem>> -> memref<1x128xi32, #tpu.memory_space<vmem>>
        %dma_wait3A_441 = tpu.memref_squeeze %dma_wait3A_440 : memref<1x128xi32, #tpu.memory_space<vmem>> -> memref<128xi32, #tpu.memory_space<vmem>>
        %dma_wait3A_442 = arith.constant 0 : i32
        %dma_wait3A_443 = arith.constant 0 : i32
        %dma_wait3A_444 = tpu.memref_slice %arg10[%dma_wait3A_442, %dma_wait3A_443] : memref<10112x128xf32, #tpu.memory_space<vmem_shared>> -> memref<10112x128xf32, #tpu.memory_space<vmem_shared>>
        tpu.wait_indirect_dma semaphore(%run_scoped3A_432 : memref<!tpu.dma_semaphore, #tpu.memory_space<semaphore_mem>>) src(%arg9 : memref<128x128xf32, #tpu.memory_space<vmem>>) dst(%dma_wait3A_444 : memref<10112x128xf32, #tpu.memory_space<vmem_shared>>)
        tpu.yield
      }) : () -> ()
    }
    %scan3A_212 = arith.constant 40 : i32
    %barrier3A_213 = arith.constant 0 : index
    tpu.barrier barrier_id(%barrier3A_213)
    "tpu.region"() ({
      %run_scoped3A = tpu.sem_alloc : memref<!tpu.dma_semaphore, #tpu.memory_space<semaphore_mem>>
      %dma_start3A_214 = arith.constant 0 : i32
      %dma_start3A_215 = tpu.memref_slice %arg4[%arg0, %mul3A_0, %dma_start3A_214] : memref<2x10112x128xf32, #tpu.memory_space<hbm>> -> memref<1x632x128xf32, #tpu.memory_space<hbm>>
      %dma_start3A_216 = tpu.memref_squeeze %dma_start3A_215 : memref<1x632x128xf32, #tpu.memory_space<hbm>> -> memref<632x128xf32, #tpu.memory_space<hbm>>
      %dma_start3A_217 = arith.constant 0 : i32
      %dma_start3A_218 = tpu.memref_slice %arg10[%mul3A_0, %dma_start3A_217] : memref<10112x128xf32, #tpu.memory_space<vmem_shared>> -> memref<632x128xf32, #tpu.memory_space<vmem_shared>>
      tpu.enqueue_dma source(%dma_start3A_218 : memref<632x128xf32, #tpu.memory_space<vmem_shared>>) target(%dma_start3A_216 : memref<632x128xf32, #tpu.memory_space<hbm>>) target_semaphore(%run_scoped3A : memref<!tpu.dma_semaphore, #tpu.memory_space<semaphore_mem>>)
      %dma_wait3A = arith.constant 0 : i32
      %dma_wait3A_219 = tpu.memref_slice %arg4[%arg0, %mul3A_0, %dma_wait3A] : memref<2x10112x128xf32, #tpu.memory_space<hbm>> -> memref<1x632x128xf32, #tpu.memory_space<hbm>>
      %dma_wait3A_220 = tpu.memref_squeeze %dma_wait3A_219 : memref<1x632x128xf32, #tpu.memory_space<hbm>> -> memref<632x128xf32, #tpu.memory_space<hbm>>
      %dma_wait3A_221 = arith.constant 0 : i32
      %dma_wait3A_222 = tpu.memref_slice %arg10[%mul3A_0, %dma_wait3A_221] : memref<10112x128xf32, #tpu.memory_space<vmem_shared>> -> memref<632x128xf32, #tpu.memory_space<vmem_shared>>
      tpu.wait_dma2 semaphore(%run_scoped3A : memref<!tpu.dma_semaphore, #tpu.memory_space<semaphore_mem>>) src(%dma_wait3A_222 : memref<632x128xf32, #tpu.memory_space<vmem_shared>>) dst(%dma_wait3A_220 : memref<632x128xf32, #tpu.memory_space<hbm>>)
      tpu.yield
    }) : () -> ()
    return
  }
}

#map = affine_map<(d0, d1) -> (0, 0, 0)>
module attributes {stable_mosaic.version = 14 : i64} {
  func.func @_agg_kernel(%arg0: i32, %arg1: i32, %arg2: memref<2x10000x128xf32, #tpu.memory_space<hbm>>, %arg3: memref<16x80x128xi32, #tpu.memory_space<hbm>>, %arg4: memref<2x10112x128xf32, #tpu.memory_space<hbm>>, %arg5: memref<80x128xi32, #tpu.memory_space<vmem>>, %arg6: memref<2x128xi32, #tpu.memory_space<vmem>>, %arg7: memref<2x128xi32, #tpu.memory_space<vmem>>, %arg8: memref<128x128xf32, #tpu.memory_space<vmem>>, %arg9: memref<128x128xf32, #tpu.memory_space<vmem>>, %arg10: memref<10112x128xf32, #tpu.memory_space<vmem_shared>>, %arg11: memref<!tpu.dma_semaphore, #tpu.memory_space<semaphore_mem>>, %arg12: memref<!tpu.dma_semaphore, #tpu.memory_space<semaphore_mem>>) attributes {dimension_semantics = [#tpu.dimension_semantics<core_parallel>, #tpu.dimension_semantics<subcore_parallel>], iteration_bounds = array<i64: 2, 16>, scalar_prefetch = 0 : i64, scratch_operands = 8 : i64, tpu.core_type = #tpu.core_type<sc_vector_subcore>, window_params = [{transform_indices = #map}, {transform_indices = #map}, {transform_indices = #map}]} {
    "tpu.region"() ({
      %run_scoped3A = tpu.sem_alloc : memref<!tpu.dma_semaphore, #tpu.memory_space<semaphore_mem>>
      %dma_start3A_214 = arith.constant 0 : i32
      %dma_start3A_215 = arith.constant 0 : i32
      %dma_start3A_216 = tpu.memref_slice %arg3[%arg1, %dma_start3A_214, %dma_start3A_215] : memref<16x80x128xi32, #tpu.memory_space<hbm>> -> memref<1x80x128xi32, #tpu.memory_space<hbm>>
      %dma_start3A_217 = tpu.memref_squeeze %dma_start3A_216 : memref<1x80x128xi32, #tpu.memory_space<hbm>> -> memref<80x128xi32, #tpu.memory_space<hbm>>
      %dma_start3A_218 = arith.constant 0 : i32
      %dma_start3A_219 = arith.constant 0 : i32
      %dma_start3A_220 = tpu.memref_slice %arg3[%arg1, %dma_start3A_218, %dma_start3A_219] : memref<16x80x128xi32, #tpu.memory_space<hbm>> -> memref<1x80x128xi32, #tpu.memory_space<hbm>>
      %dma_start3A_221 = tpu.memref_squeeze %dma_start3A_220 : memref<1x80x128xi32, #tpu.memory_space<hbm>> -> memref<80x128xi32, #tpu.memory_space<hbm>>
      tpu.enqueue_dma source(%dma_start3A_221 : memref<80x128xi32, #tpu.memory_space<hbm>>) target(%arg5 : memref<80x128xi32, #tpu.memory_space<vmem>>) target_semaphore(%run_scoped3A : memref<!tpu.dma_semaphore, #tpu.memory_space<semaphore_mem>>)
      %dma_wait3A = arith.constant 0 : i32
      %dma_wait3A_222 = arith.constant 0 : i32
      %dma_wait3A_223 = tpu.memref_slice %arg3[%arg1, %dma_wait3A, %dma_wait3A_222] : memref<16x80x128xi32, #tpu.memory_space<hbm>> -> memref<1x80x128xi32, #tpu.memory_space<hbm>>
      %dma_wait3A_224 = tpu.memref_squeeze %dma_wait3A_223 : memref<1x80x128xi32, #tpu.memory_space<hbm>> -> memref<80x128xi32, #tpu.memory_space<hbm>>
      %dma_wait3A_225 = arith.constant 0 : i32
      %dma_wait3A_226 = arith.constant 0 : i32
      %dma_wait3A_227 = tpu.memref_slice %arg3[%arg1, %dma_wait3A_225, %dma_wait3A_226] : memref<16x80x128xi32, #tpu.memory_space<hbm>> -> memref<1x80x128xi32, #tpu.memory_space<hbm>>
      %dma_wait3A_228 = tpu.memref_squeeze %dma_wait3A_227 : memref<1x80x128xi32, #tpu.memory_space<hbm>> -> memref<80x128xi32, #tpu.memory_space<hbm>>
      tpu.wait_dma2 semaphore(%run_scoped3A : memref<!tpu.dma_semaphore, #tpu.memory_space<semaphore_mem>>) src(%dma_wait3A_228 : memref<80x128xi32, #tpu.memory_space<hbm>>) dst(%arg5 : memref<80x128xi32, #tpu.memory_space<vmem>>)
      tpu.yield
    }) : () -> ()
    %mul3A = arith.constant 632 : i32
    %mul3A_0 = arith.muli %arg1, %mul3A : i32
    %broadcast_in_dim3A = arith.constant 0.000000e+00 : f32
    %broadcast_in_dim3A_1 = vector.broadcast %broadcast_in_dim3A : f32 to vector<16xf32>
    %scan3A = arith.constant 0 : i32
    %scan3A_2 = arith.constant 0 : i32
    %scan3A_3 = arith.constant 1024 : i32
    %scan3A_4 = arith.addi %scan3A_2, %scan3A_3 : i32
    %scan3A_5 = arith.constant 1 : i32
    scf.for %scan3A_214 = %scan3A_2 to %scan3A_4 step %scan3A_5  : i32 {
      %jit3A = arith.constant 8 : i32
      %div3A = arith.divsi %scan3A_214, %jit3A : i32
      %sign3A = arith.constant 0 : i32
      %sign3A_215 = arith.cmpi sgt, %scan3A_214, %sign3A : i32
      %sign3A_216 = arith.extui %sign3A_215 : i1 to i32
      %sign3A_217 = arith.constant 0 : i32
      %sign3A_218 = arith.cmpi slt, %scan3A_214, %sign3A_217 : i32
      %sign3A_219 = arith.extui %sign3A_218 : i1 to i32
      %sign3A_220 = arith.subi %sign3A_216, %sign3A_219 : i32
      %sign3A_221 = arith.constant 0 : i32
      %sign3A_222 = arith.cmpi sgt, %jit3A, %sign3A_221 : i32
      %sign3A_223 = arith.extui %sign3A_222 : i1 to i32
      %sign3A_224 = arith.constant 0 : i32
      %sign3A_225 = arith.cmpi slt, %jit3A, %sign3A_224 : i32
      %sign3A_226 = arith.extui %sign3A_225 : i1 to i32
      %sign3A_227 = arith.subi %sign3A_223, %sign3A_226 : i32
      %ne3A = arith.cmpi ne, %sign3A_220, %sign3A_227 : i32
      %rem3A = arith.remsi %scan3A_214, %jit3A : i32
      %ne3A_228 = arith.constant 0 : i32
      %ne3A_229 = arith.cmpi ne, %rem3A, %ne3A_228 : i32
      %and3A_230 = arith.andi %ne3A, %ne3A_229 : i1
      %sub3A_231 = arith.constant 1 : i32
      %sub3A_232 = arith.subi %div3A, %sub3A_231 : i32
      %select_n3A = arith.select %and3A_230, %sub3A_232, %div3A : i32
      %jit3A_233 = arith.constant 8 : i32
      %eq3A = arith.constant 0 : i32
      %eq3A_234 = arith.cmpi eq, %jit3A_233, %eq3A : i32
      %jit3A_235 = arith.constant 1 : i32
      %select_n3A_236 = arith.select %eq3A_234, %jit3A_235, %jit3A_233 : i32
      %rem3A_237 = arith.remsi %scan3A_214, %select_n3A_236 : i32
      %ne3A_238 = arith.constant 0 : i32
      %ne3A_239 = arith.cmpi ne, %rem3A_237, %ne3A_238 : i32
      %lt3A = arith.constant 0 : i32
      %lt3A_240 = arith.cmpi slt, %rem3A_237, %lt3A : i32
      %lt3A_241 = arith.constant 0 : i32
      %lt3A_242 = arith.cmpi slt, %select_n3A_236, %lt3A_241 : i32
      %ne3A_243 = arith.xori %lt3A_240, %lt3A_242 : i1
      %and3A_244 = arith.andi %ne3A_243, %ne3A_239 : i1
      %add3A_245 = arith.addi %rem3A_237, %select_n3A_236 : i32
      %select_n3A_246 = arith.select %and3A_244, %add3A_245, %rem3A_237 : i32
      %mul3A_247 = arith.constant 16 : i32
      %mul3A_248 = arith.muli %select_n3A_246, %mul3A_247 : i32
      %swap3A_249 = arith.index_cast %select_n3A : i32 to index
      %swap3A_250 = arith.index_cast %mul3A_248 : i32 to index
      %swap3A_251 = tpu.vector_load %arg8[%swap3A_249, %swap3A_250] {strides = array<i32>} : memref<128x128xf32, #tpu.memory_space<vmem>>, vector<1x16xf32>,
      %swap3A_252 = vector.shape_cast %swap3A_251 : vector<1x16xf32> to vector<16xf32>
      %swap3A_253 = vector.shape_cast %broadcast_in_dim3A_1 : vector<16xf32> to vector<1x16xf32>
      tpu.vector_store %arg8[%swap3A_249, %swap3A_250], %swap3A_253 {strides = array<i32>} : memref<128x128xf32, #tpu.memory_space<vmem>>, vector<1x16xf32>,
    }
    %scan3A_6 = arith.constant 1024 : i32
    %add3A = arith.constant 0 : i32
    %add3A_7 = arith.addi %mul3A_0, %add3A : i32
    "tpu.region"() ({
      %run_scoped3A = tpu.sem_alloc : memref<!tpu.dma_semaphore, #tpu.memory_space<semaphore_mem>>
      %dma_start3A_214 = arith.constant 0 : i32
      %dma_start3A_215 = tpu.memref_slice %arg10[%add3A_7, %dma_start3A_214] : memref<10112x128xf32, #tpu.memory_space<vmem_shared>> -> memref<128x128xf32, #tpu.memory_space<vmem_shared>>
      %dma_start3A_216 = arith.constant 0 : i32
      %dma_start3A_217 = tpu.memref_slice %arg10[%add3A_7, %dma_start3A_216] : memref<10112x128xf32, #tpu.memory_space<vmem_shared>> -> memref<128x128xf32, #tpu.memory_space<vmem_shared>>
      tpu.enqueue_dma source(%arg8 : memref<128x128xf32, #tpu.memory_space<vmem>>) target(%dma_start3A_217 : memref<128x128xf32, #tpu.memory_space<vmem_shared>>) target_semaphore(%run_scoped3A : memref<!tpu.dma_semaphore, #tpu.memory_space<semaphore_mem>>)
      %dma_wait3A = arith.constant 0 : i32
      %dma_wait3A_218 = tpu.memref_slice %arg10[%add3A_7, %dma_wait3A] : memref<10112x128xf32, #tpu.memory_space<vmem_shared>> -> memref<128x128xf32, #tpu.memory_space<vmem_shared>>
      %dma_wait3A_219 = arith.constant 0 : i32
      %dma_wait3A_220 = tpu.memref_slice %arg10[%add3A_7, %dma_wait3A_219] : memref<10112x128xf32, #tpu.memory_space<vmem_shared>> -> memref<128x128xf32, #tpu.memory_space<vmem_shared>>
      tpu.wait_dma2 semaphore(%run_scoped3A : memref<!tpu.dma_semaphore, #tpu.memory_space<semaphore_mem>>) src(%arg8 : memref<128x128xf32, #tpu.memory_space<vmem>>) dst(%dma_wait3A_220 : memref<128x128xf32, #tpu.memory_space<vmem_shared>>)
      tpu.yield
    }) : () -> ()
    %add3A_8 = arith.constant 128 : i32
    %add3A_9 = arith.addi %mul3A_0, %add3A_8 : i32
    "tpu.region"() ({
      %run_scoped3A = tpu.sem_alloc : memref<!tpu.dma_semaphore, #tpu.memory_space<semaphore_mem>>
      %dma_start3A_214 = arith.constant 0 : i32
      %dma_start3A_215 = tpu.memref_slice %arg10[%add3A_9, %dma_start3A_214] : memref<10112x128xf32, #tpu.memory_space<vmem_shared>> -> memref<128x128xf32, #tpu.memory_space<vmem_shared>>
      %dma_start3A_216 = arith.constant 0 : i32
      %dma_start3A_217 = tpu.memref_slice %arg10[%add3A_9, %dma_start3A_216] : memref<10112x128xf32, #tpu.memory_space<vmem_shared>> -> memref<128x128xf32, #tpu.memory_space<vmem_shared>>
      tpu.enqueue_dma source(%arg8 : memref<128x128xf32, #tpu.memory_space<vmem>>) target(%dma_start3A_217 : memref<128x128xf32, #tpu.memory_space<vmem_shared>>) target_semaphore(%run_scoped3A : memref<!tpu.dma_semaphore, #tpu.memory_space<semaphore_mem>>)
      %dma_wait3A = arith.constant 0 : i32
      %dma_wait3A_218 = tpu.memref_slice %arg10[%add3A_9, %dma_wait3A] : memref<10112x128xf32, #tpu.memory_space<vmem_shared>> -> memref<128x128xf32, #tpu.memory_space<vmem_shared>>
      %dma_wait3A_219 = arith.constant 0 : i32
      %dma_wait3A_220 = tpu.memref_slice %arg10[%add3A_9, %dma_wait3A_219] : memref<10112x128xf32, #tpu.memory_space<vmem_shared>> -> memref<128x128xf32, #tpu.memory_space<vmem_shared>>
      tpu.wait_dma2 semaphore(%run_scoped3A : memref<!tpu.dma_semaphore, #tpu.memory_space<semaphore_mem>>) src(%arg8 : memref<128x128xf32, #tpu.memory_space<vmem>>) dst(%dma_wait3A_220 : memref<128x128xf32, #tpu.memory_space<vmem_shared>>)
      tpu.yield
    }) : () -> ()
    %add3A_10 = arith.constant 256 : i32
    %add3A_11 = arith.addi %mul3A_0, %add3A_10 : i32
    "tpu.region"() ({
      %run_scoped3A = tpu.sem_alloc : memref<!tpu.dma_semaphore, #tpu.memory_space<semaphore_mem>>
      %dma_start3A_214 = arith.constant 0 : i32
      %dma_start3A_215 = tpu.memref_slice %arg10[%add3A_11, %dma_start3A_214] : memref<10112x128xf32, #tpu.memory_space<vmem_shared>> -> memref<128x128xf32, #tpu.memory_space<vmem_shared>>
      %dma_start3A_216 = arith.constant 0 : i32
      %dma_start3A_217 = tpu.memref_slice %arg10[%add3A_11, %dma_start3A_216] : memref<10112x128xf32, #tpu.memory_space<vmem_shared>> -> memref<128x128xf32, #tpu.memory_space<vmem_shared>>
      tpu.enqueue_dma source(%arg8 : memref<128x128xf32, #tpu.memory_space<vmem>>) target(%dma_start3A_217 : memref<128x128xf32, #tpu.memory_space<vmem_shared>>) target_semaphore(%run_scoped3A : memref<!tpu.dma_semaphore, #tpu.memory_space<semaphore_mem>>)
      %dma_wait3A = arith.constant 0 : i32
      %dma_wait3A_218 = tpu.memref_slice %arg10[%add3A_11, %dma_wait3A] : memref<10112x128xf32, #tpu.memory_space<vmem_shared>> -> memref<128x128xf32, #tpu.memory_space<vmem_shared>>
      %dma_wait3A_219 = arith.constant 0 : i32
      %dma_wait3A_220 = tpu.memref_slice %arg10[%add3A_11, %dma_wait3A_219] : memref<10112x128xf32, #tpu.memory_space<vmem_shared>> -> memref<128x128xf32, #tpu.memory_space<vmem_shared>>
      tpu.wait_dma2 semaphore(%run_scoped3A : memref<!tpu.dma_semaphore, #tpu.memory_space<semaphore_mem>>) src(%arg8 : memref<128x128xf32, #tpu.memory_space<vmem>>) dst(%dma_wait3A_220 : memref<128x128xf32, #tpu.memory_space<vmem_shared>>)
      tpu.yield
    }) : () -> ()
    %add3A_12 = arith.constant 384 : i32
    %add3A_13 = arith.addi %mul3A_0, %add3A_12 : i32
    "tpu.region"() ({
      %run_scoped3A = tpu.sem_alloc : memref<!tpu.dma_semaphore, #tpu.memory_space<semaphore_mem>>
      %dma_start3A_214 = arith.constant 0 : i32
      %dma_start3A_215 = tpu.memref_slice %arg10[%add3A_13, %dma_start3A_214] : memref<10112x128xf32, #tpu.memory_space<vmem_shared>> -> memref<128x128xf32, #tpu.memory_space<vmem_shared>>
      %dma_start3A_216 = arith.constant 0 : i32
      %dma_start3A_217 = tpu.memref_slice %arg10[%add3A_13, %dma_start3A_216] : memref<10112x128xf32, #tpu.memory_space<vmem_shared>> -> memref<128x128xf32, #tpu.memory_space<vmem_shared>>
      tpu.enqueue_dma source(%arg8 : memref<128x128xf32, #tpu.memory_space<vmem>>) target(%dma_start3A_217 : memref<128x128xf32, #tpu.memory_space<vmem_shared>>) target_semaphore(%run_scoped3A : memref<!tpu.dma_semaphore, #tpu.memory_space<semaphore_mem>>)
      %dma_wait3A = arith.constant 0 : i32
      %dma_wait3A_218 = tpu.memref_slice %arg10[%add3A_13, %dma_wait3A] : memref<10112x128xf32, #tpu.memory_space<vmem_shared>> -> memref<128x128xf32, #tpu.memory_space<vmem_shared>>
      %dma_wait3A_219 = arith.constant 0 : i32
      %dma_wait3A_220 = tpu.memref_slice %arg10[%add3A_13, %dma_wait3A_219] : memref<10112x128xf32, #tpu.memory_space<vmem_shared>> -> memref<128x128xf32, #tpu.memory_space<vmem_shared>>
      tpu.wait_dma2 semaphore(%run_scoped3A : memref<!tpu.dma_semaphore, #tpu.memory_space<semaphore_mem>>) src(%arg8 : memref<128x128xf32, #tpu.memory_space<vmem>>) dst(%dma_wait3A_220 : memref<128x128xf32, #tpu.memory_space<vmem_shared>>)
      tpu.yield
    }) : () -> ()
    %add3A_14 = arith.constant 632 : i32
    %add3A_15 = arith.addi %mul3A_0, %add3A_14 : i32
    %sub3A = arith.constant 120 : i32
    %sub3A_16 = arith.subi %add3A_15, %sub3A : i32
    "tpu.region"() ({
      %run_scoped3A = tpu.sem_alloc : memref<!tpu.dma_semaphore, #tpu.memory_space<semaphore_mem>>
      %dma_start3A_214 = arith.constant 0 : i32
      %dma_start3A_215 = arith.constant 0 : i32
      %dma_start3A_216 = tpu.memref_slice %arg8[%dma_start3A_214, %dma_start3A_215] : memref<128x128xf32, #tpu.memory_space<vmem>> -> memref<120x128xf32, #tpu.memory_space<vmem>>
      %dma_start3A_217 = arith.constant 0 : i32
      %dma_start3A_218 = tpu.memref_slice %arg10[%sub3A_16, %dma_start3A_217] : memref<10112x128xf32, #tpu.memory_space<vmem_shared>> -> memref<120x128xf32, #tpu.memory_space<vmem_shared>>
      %dma_start3A_219 = arith.constant 0 : i32
      %dma_start3A_220 = tpu.memref_slice %arg10[%sub3A_16, %dma_start3A_219] : memref<10112x128xf32, #tpu.memory_space<vmem_shared>> -> memref<120x128xf32, #tpu.memory_space<vmem_shared>>
      %dma_start3A_221 = arith.constant 0 : i32
      %dma_start3A_222 = arith.constant 0 : i32
      %dma_start3A_223 = tpu.memref_slice %arg8[%dma_start3A_221, %dma_start3A_222] : memref<128x128xf32, #tpu.memory_space<vmem>> -> memref<120x128xf32, #tpu.memory_space<vmem>>
      tpu.enqueue_dma source(%dma_start3A_223 : memref<120x128xf32, #tpu.memory_space<vmem>>) target(%dma_start3A_220 : memref<120x128xf32, #tpu.memory_space<vmem_shared>>) target_semaphore(%run_scoped3A : memref<!tpu.dma_semaphore, #tpu.memory_space<semaphore_mem>>)
      %dma_wait3A = arith.constant 0 : i32
      %dma_wait3A_224 = arith.constant 0 : i32
      %dma_wait3A_225 = tpu.memref_slice %arg8[%dma_wait3A, %dma_wait3A_224] : memref<128x128xf32, #tpu.memory_space<vmem>> -> memref<120x128xf32, #tpu.memory_space<vmem>>
      %dma_wait3A_226 = arith.constant 0 : i32
      %dma_wait3A_227 = tpu.memref_slice %arg10[%sub3A_16, %dma_wait3A_226] : memref<10112x128xf32, #tpu.memory_space<vmem_shared>> -> memref<120x128xf32, #tpu.memory_space<vmem_shared>>
      %dma_wait3A_228 = arith.constant 0 : i32
      %dma_wait3A_229 = tpu.memref_slice %arg10[%sub3A_16, %dma_wait3A_228] : memref<10112x128xf32, #tpu.memory_space<vmem_shared>> -> memref<120x128xf32, #tpu.memory_space<vmem_shared>>
      %dma_wait3A_230 = arith.constant 0 : i32
      %dma_wait3A_231 = arith.constant 0 : i32
      %dma_wait3A_232 = tpu.memref_slice %arg8[%dma_wait3A_230, %dma_wait3A_231] : memref<128x128xf32, #tpu.memory_space<vmem>> -> memref<120x128xf32, #tpu.memory_space<vmem>>
      tpu.wait_dma2 semaphore(%run_scoped3A : memref<!tpu.dma_semaphore, #tpu.memory_space<semaphore_mem>>) src(%dma_wait3A_232 : memref<120x128xf32, #tpu.memory_space<vmem>>) dst(%dma_wait3A_229 : memref<120x128xf32, #tpu.memory_space<vmem_shared>>)
      tpu.yield
    }) : () -> ()
    %barrier3A = arith.constant 0 : index
    tpu.barrier barrier_id(%barrier3A)
    %get3A = arith.constant 0 : i32
    %get3A_17 = arith.index_cast %get3A : i32 to index
    %get3A_18 = arith.constant 0 : index
    %get3A_19 = tpu.vector_load %arg5[%get3A_17, %get3A_18] {strides = array<i32>} : memref<80x128xi32, #tpu.memory_space<vmem>>, vector<1x16xi32>,
    %get3A_20 = vector.shape_cast %get3A_19 : vector<1x16xi32> to vector<16xi32>
    %shift_right_logical3A = arith.constant 14 : i32
    %shift_right_logical3A_21 = vector.broadcast %shift_right_logical3A : i32 to vector<16xi32>
    %shift_right_logical3A_22 = arith.shrui %get3A_20, %shift_right_logical3A_21 : vector<16xi32>
    %swap3A = arith.constant 0 : i32
    %swap3A_23 = arith.index_cast %swap3A : i32 to index
    %swap3A_24 = arith.constant 0 : index
    %swap3A_25 = tpu.vector_load %arg6[%swap3A_23, %swap3A_24] {strides = array<i32>} : memref<2x128xi32, #tpu.memory_space<vmem>>, vector<1x16xi32>,
    %swap3A_26 = vector.shape_cast %swap3A_25 : vector<1x16xi32> to vector<16xi32>
    %swap3A_27 = vector.shape_cast %shift_right_logical3A_22 : vector<16xi32> to vector<1x16xi32>
    tpu.vector_store %arg6[%swap3A_23, %swap3A_24], %swap3A_27 {strides = array<i32>} : memref<2x128xi32, #tpu.memory_space<vmem>>, vector<1x16xi32>,
    %and3A = arith.constant 16383 : i32
    %and3A_28 = vector.broadcast %and3A : i32 to vector<16xi32>
    %and3A_29 = arith.andi %get3A_20, %and3A_28 : vector<16xi32>
    %swap3A_30 = arith.constant 0 : i32
    %swap3A_31 = arith.index_cast %swap3A_30 : i32 to index
    %swap3A_32 = arith.constant 0 : index
    %swap3A_33 = tpu.vector_load %arg7[%swap3A_31, %swap3A_32] {strides = array<i32>} : memref<2x128xi32, #tpu.memory_space<vmem>>, vector<1x16xi32>,
    %swap3A_34 = vector.shape_cast %swap3A_33 : vector<1x16xi32> to vector<16xi32>
    %swap3A_35 = vector.shape_cast %and3A_29 : vector<16xi32> to vector<1x16xi32>
    tpu.vector_store %arg7[%swap3A_31, %swap3A_32], %swap3A_35 {strides = array<i32>} : memref<2x128xi32, #tpu.memory_space<vmem>>, vector<1x16xi32>,
    %get3A_36 = arith.constant 0 : i32
    %get3A_37 = arith.index_cast %get3A_36 : i32 to index
    %get3A_38 = arith.constant 16 : index
    %get3A_39 = tpu.vector_load %arg5[%get3A_37, %get3A_38] {strides = array<i32>} : memref<80x128xi32, #tpu.memory_space<vmem>>, vector<1x16xi32>,
    %get3A_40 = vector.shape_cast %get3A_39 : vector<1x16xi32> to vector<16xi32>
    %shift_right_logical3A_41 = arith.constant 14 : i32
    %shift_right_logical3A_42 = vector.broadcast %shift_right_logical3A_41 : i32 to vector<16xi32>
    %shift_right_logical3A_43 = arith.shrui %get3A_40, %shift_right_logical3A_42 : vector<16xi32>
    %swap3A_44 = arith.constant 0 : i32
    %swap3A_45 = arith.index_cast %swap3A_44 : i32 to index
    %swap3A_46 = arith.constant 16 : index
    %swap3A_47 = tpu.vector_load %arg6[%swap3A_45, %swap3A_46] {strides = array<i32>} : memref<2x128xi32, #tpu.memory_space<vmem>>, vector<1x16xi32>,
    %swap3A_48 = vector.shape_cast %swap3A_47 : vector<1x16xi32> to vector<16xi32>
    %swap3A_49 = vector.shape_cast %shift_right_logical3A_43 : vector<16xi32> to vector<1x16xi32>
    tpu.vector_store %arg6[%swap3A_45, %swap3A_46], %swap3A_49 {strides = array<i32>} : memref<2x128xi32, #tpu.memory_space<vmem>>, vector<1x16xi32>,
    %and3A_50 = arith.constant 16383 : i32
    %and3A_51 = vector.broadcast %and3A_50 : i32 to vector<16xi32>
    %and3A_52 = arith.andi %get3A_40, %and3A_51 : vector<16xi32>
    %swap3A_53 = arith.constant 0 : i32
    %swap3A_54 = arith.index_cast %swap3A_53 : i32 to index
    %swap3A_55 = arith.constant 16 : index
    %swap3A_56 = tpu.vector_load %arg7[%swap3A_54, %swap3A_55] {strides = array<i32>} : memref<2x128xi32, #tpu.memory_space<vmem>>, vector<1x16xi32>,
    %swap3A_57 = vector.shape_cast %swap3A_56 : vector<1x16xi32> to vector<16xi32>
    %swap3A_58 = vector.shape_cast %and3A_52 : vector<16xi32> to vector<1x16xi32>
    tpu.vector_store %arg7[%swap3A_54, %swap3A_55], %swap3A_58 {strides = array<i32>} : memref<2x128xi32, #tpu.memory_space<vmem>>, vector<1x16xi32>,
    %get3A_59 = arith.constant 0 : i32
    %get3A_60 = arith.index_cast %get3A_59 : i32 to index
    %get3A_61 = arith.constant 32 : index
    %get3A_62 = tpu.vector_load %arg5[%get3A_60, %get3A_61] {strides = array<i32>} : memref<80x128xi32, #tpu.memory_space<vmem>>, vector<1x16xi32>,
    %get3A_63 = vector.shape_cast %get3A_62 : vector<1x16xi32> to vector<16xi32>
    %shift_right_logical3A_64 = arith.constant 14 : i32
    %shift_right_logical3A_65 = vector.broadcast %shift_right_logical3A_64 : i32 to vector<16xi32>
    %shift_right_logical3A_66 = arith.shrui %get3A_63, %shift_right_logical3A_65 : vector<16xi32>
    %swap3A_67 = arith.constant 0 : i32
    %swap3A_68 = arith.index_cast %swap3A_67 : i32 to index
    %swap3A_69 = arith.constant 32 : index
    %swap3A_70 = tpu.vector_load %arg6[%swap3A_68, %swap3A_69] {strides = array<i32>} : memref<2x128xi32, #tpu.memory_space<vmem>>, vector<1x16xi32>,
    %swap3A_71 = vector.shape_cast %swap3A_70 : vector<1x16xi32> to vector<16xi32>
    %swap3A_72 = vector.shape_cast %shift_right_logical3A_66 : vector<16xi32> to vector<1x16xi32>
    tpu.vector_store %arg6[%swap3A_68, %swap3A_69], %swap3A_72 {strides = array<i32>} : memref<2x128xi32, #tpu.memory_space<vmem>>, vector<1x16xi32>,
    %and3A_73 = arith.constant 16383 : i32
    %and3A_74 = vector.broadcast %and3A_73 : i32 to vector<16xi32>
    %and3A_75 = arith.andi %get3A_63, %and3A_74 : vector<16xi32>
    %swap3A_76 = arith.constant 0 : i32
    %swap3A_77 = arith.index_cast %swap3A_76 : i32 to index
    %swap3A_78 = arith.constant 32 : index
    %swap3A_79 = tpu.vector_load %arg7[%swap3A_77, %swap3A_78] {strides = array<i32>} : memref<2x128xi32, #tpu.memory_space<vmem>>, vector<1x16xi32>,
    %swap3A_80 = vector.shape_cast %swap3A_79 : vector<1x16xi32> to vector<16xi32>
    %swap3A_81 = vector.shape_cast %and3A_75 : vector<16xi32> to vector<1x16xi32>
    tpu.vector_store %arg7[%swap3A_77, %swap3A_78], %swap3A_81 {strides = array<i32>} : memref<2x128xi32, #tpu.memory_space<vmem>>, vector<1x16xi32>,
    %get3A_82 = arith.constant 0 : i32
    %get3A_83 = arith.index_cast %get3A_82 : i32 to index
    %get3A_84 = arith.constant 48 : index
    %get3A_85 = tpu.vector_load %arg5[%get3A_83, %get3A_84] {strides = array<i32>} : memref<80x128xi32, #tpu.memory_space<vmem>>, vector<1x16xi32>,
    %get3A_86 = vector.shape_cast %get3A_85 : vector<1x16xi32> to vector<16xi32>
    %shift_right_logical3A_87 = arith.constant 14 : i32
    %shift_right_logical3A_88 = vector.broadcast %shift_right_logical3A_87 : i32 to vector<16xi32>
    %shift_right_logical3A_89 = arith.shrui %get3A_86, %shift_right_logical3A_88 : vector<16xi32>
    %swap3A_90 = arith.constant 0 : i32
    %swap3A_91 = arith.index_cast %swap3A_90 : i32 to index
    %swap3A_92 = arith.constant 48 : index
    %swap3A_93 = tpu.vector_load %arg6[%swap3A_91, %swap3A_92] {strides = array<i32>} : memref<2x128xi32, #tpu.memory_space<vmem>>, vector<1x16xi32>,
    %swap3A_94 = vector.shape_cast %swap3A_93 : vector<1x16xi32> to vector<16xi32>
    %swap3A_95 = vector.shape_cast %shift_right_logical3A_89 : vector<16xi32> to vector<1x16xi32>
    tpu.vector_store %arg6[%swap3A_91, %swap3A_92], %swap3A_95 {strides = array<i32>} : memref<2x128xi32, #tpu.memory_space<vmem>>, vector<1x16xi32>,
    %and3A_96 = arith.constant 16383 : i32
    %and3A_97 = vector.broadcast %and3A_96 : i32 to vector<16xi32>
    %and3A_98 = arith.andi %get3A_86, %and3A_97 : vector<16xi32>
    %swap3A_99 = arith.constant 0 : i32
    %swap3A_100 = arith.index_cast %swap3A_99 : i32 to index
    %swap3A_101 = arith.constant 48 : index
    %swap3A_102 = tpu.vector_load %arg7[%swap3A_100, %swap3A_101] {strides = array<i32>} : memref<2x128xi32, #tpu.memory_space<vmem>>, vector<1x16xi32>,
    %swap3A_103 = vector.shape_cast %swap3A_102 : vector<1x16xi32> to vector<16xi32>
    %swap3A_104 = vector.shape_cast %and3A_98 : vector<16xi32> to vector<1x16xi32>
    tpu.vector_store %arg7[%swap3A_100, %swap3A_101], %swap3A_104 {strides = array<i32>} : memref<2x128xi32, #tpu.memory_space<vmem>>, vector<1x16xi32>,
    %get3A_105 = arith.constant 0 : i32
    %get3A_106 = arith.index_cast %get3A_105 : i32 to index
    %get3A_107 = arith.constant 64 : index
    %get3A_108 = tpu.vector_load %arg5[%get3A_106, %get3A_107] {strides = array<i32>} : memref<80x128xi32, #tpu.memory_space<vmem>>, vector<1x16xi32>,
    %get3A_109 = vector.shape_cast %get3A_108 : vector<1x16xi32> to vector<16xi32>
    %shift_right_logical3A_110 = arith.constant 14 : i32
    %shift_right_logical3A_111 = vector.broadcast %shift_right_logical3A_110 : i32 to vector<16xi32>
    %shift_right_logical3A_112 = arith.shrui %get3A_109, %shift_right_logical3A_111 : vector<16xi32>
    %swap3A_113 = arith.constant 0 : i32
    %swap3A_114 = arith.index_cast %swap3A_113 : i32 to index
    %swap3A_115 = arith.constant 64 : index
    %swap3A_116 = tpu.vector_load %arg6[%swap3A_114, %swap3A_115] {strides = array<i32>} : memref<2x128xi32, #tpu.memory_space<vmem>>, vector<1x16xi32>,
    %swap3A_117 = vector.shape_cast %swap3A_116 : vector<1x16xi32> to vector<16xi32>
    %swap3A_118 = vector.shape_cast %shift_right_logical3A_112 : vector<16xi32> to vector<1x16xi32>
    tpu.vector_store %arg6[%swap3A_114, %swap3A_115], %swap3A_118 {strides = array<i32>} : memref<2x128xi32, #tpu.memory_space<vmem>>, vector<1x16xi32>,
    %and3A_119 = arith.constant 16383 : i32
    %and3A_120 = vector.broadcast %and3A_119 : i32 to vector<16xi32>
    %and3A_121 = arith.andi %get3A_109, %and3A_120 : vector<16xi32>
    %swap3A_122 = arith.constant 0 : i32
    %swap3A_123 = arith.index_cast %swap3A_122 : i32 to index
    %swap3A_124 = arith.constant 64 : index
    %swap3A_125 = tpu.vector_load %arg7[%swap3A_123, %swap3A_124] {strides = array<i32>} : memref<2x128xi32, #tpu.memory_space<vmem>>, vector<1x16xi32>,
    %swap3A_126 = vector.shape_cast %swap3A_125 : vector<1x16xi32> to vector<16xi32>
    %swap3A_127 = vector.shape_cast %and3A_121 : vector<16xi32> to vector<1x16xi32>
    tpu.vector_store %arg7[%swap3A_123, %swap3A_124], %swap3A_127 {strides = array<i32>} : memref<2x128xi32, #tpu.memory_space<vmem>>, vector<1x16xi32>,
    %get3A_128 = arith.constant 0 : i32
    %get3A_129 = arith.index_cast %get3A_128 : i32 to index
    %get3A_130 = arith.constant 80 : index
    %get3A_131 = tpu.vector_load %arg5[%get3A_129, %get3A_130] {strides = array<i32>} : memref<80x128xi32, #tpu.memory_space<vmem>>, vector<1x16xi32>,
    %get3A_132 = vector.shape_cast %get3A_131 : vector<1x16xi32> to vector<16xi32>
    %shift_right_logical3A_133 = arith.constant 14 : i32
    %shift_right_logical3A_134 = vector.broadcast %shift_right_logical3A_133 : i32 to vector<16xi32>
    %shift_right_logical3A_135 = arith.shrui %get3A_132, %shift_right_logical3A_134 : vector<16xi32>
    %swap3A_136 = arith.constant 0 : i32
    %swap3A_137 = arith.index_cast %swap3A_136 : i32 to index
    %swap3A_138 = arith.constant 80 : index
    %swap3A_139 = tpu.vector_load %arg6[%swap3A_137, %swap3A_138] {strides = array<i32>} : memref<2x128xi32, #tpu.memory_space<vmem>>, vector<1x16xi32>,
    %swap3A_140 = vector.shape_cast %swap3A_139 : vector<1x16xi32> to vector<16xi32>
    %swap3A_141 = vector.shape_cast %shift_right_logical3A_135 : vector<16xi32> to vector<1x16xi32>
    tpu.vector_store %arg6[%swap3A_137, %swap3A_138], %swap3A_141 {strides = array<i32>} : memref<2x128xi32, #tpu.memory_space<vmem>>, vector<1x16xi32>,
    %and3A_142 = arith.constant 16383 : i32
    %and3A_143 = vector.broadcast %and3A_142 : i32 to vector<16xi32>
    %and3A_144 = arith.andi %get3A_132, %and3A_143 : vector<16xi32>
    %swap3A_145 = arith.constant 0 : i32
    %swap3A_146 = arith.index_cast %swap3A_145 : i32 to index
    %swap3A_147 = arith.constant 80 : index
    %swap3A_148 = tpu.vector_load %arg7[%swap3A_146, %swap3A_147] {strides = array<i32>} : memref<2x128xi32, #tpu.memory_space<vmem>>, vector<1x16xi32>,
    %swap3A_149 = vector.shape_cast %swap3A_148 : vector<1x16xi32> to vector<16xi32>
    %swap3A_150 = vector.shape_cast %and3A_144 : vector<16xi32> to vector<1x16xi32>
    tpu.vector_store %arg7[%swap3A_146, %swap3A_147], %swap3A_150 {strides = array<i32>} : memref<2x128xi32, #tpu.memory_space<vmem>>, vector<1x16xi32>,
    %get3A_151 = arith.constant 0 : i32
    %get3A_152 = arith.index_cast %get3A_151 : i32 to index
    %get3A_153 = arith.constant 96 : index
    %get3A_154 = tpu.vector_load %arg5[%get3A_152, %get3A_153] {strides = array<i32>} : memref<80x128xi32, #tpu.memory_space<vmem>>, vector<1x16xi32>,
    %get3A_155 = vector.shape_cast %get3A_154 : vector<1x16xi32> to vector<16xi32>
    %shift_right_logical3A_156 = arith.constant 14 : i32
    %shift_right_logical3A_157 = vector.broadcast %shift_right_logical3A_156 : i32 to vector<16xi32>
    %shift_right_logical3A_158 = arith.shrui %get3A_155, %shift_right_logical3A_157 : vector<16xi32>
    %swap3A_159 = arith.constant 0 : i32
    %swap3A_160 = arith.index_cast %swap3A_159 : i32 to index
    %swap3A_161 = arith.constant 96 : index
    %swap3A_162 = tpu.vector_load %arg6[%swap3A_160, %swap3A_161] {strides = array<i32>} : memref<2x128xi32, #tpu.memory_space<vmem>>, vector<1x16xi32>,
    %swap3A_163 = vector.shape_cast %swap3A_162 : vector<1x16xi32> to vector<16xi32>
    %swap3A_164 = vector.shape_cast %shift_right_logical3A_158 : vector<16xi32> to vector<1x16xi32>
    tpu.vector_store %arg6[%swap3A_160, %swap3A_161], %swap3A_164 {strides = array<i32>} : memref<2x128xi32, #tpu.memory_space<vmem>>, vector<1x16xi32>,
    %and3A_165 = arith.constant 16383 : i32
    %and3A_166 = vector.broadcast %and3A_165 : i32 to vector<16xi32>
    %and3A_167 = arith.andi %get3A_155, %and3A_166 : vector<16xi32>
    %swap3A_168 = arith.constant 0 : i32
    %swap3A_169 = arith.index_cast %swap3A_168 : i32 to index
    %swap3A_170 = arith.constant 96 : index
    %swap3A_171 = tpu.vector_load %arg7[%swap3A_169, %swap3A_170] {strides = array<i32>} : memref<2x128xi32, #tpu.memory_space<vmem>>, vector<1x16xi32>,
    %swap3A_172 = vector.shape_cast %swap3A_171 : vector<1x16xi32> to vector<16xi32>
    %swap3A_173 = vector.shape_cast %and3A_167 : vector<16xi32> to vector<1x16xi32>
    tpu.vector_store %arg7[%swap3A_169, %swap3A_170], %swap3A_173 {strides = array<i32>} : memref<2x128xi32, #tpu.memory_space<vmem>>, vector<1x16xi32>,
    %get3A_174 = arith.constant 0 : i32
    %get3A_175 = arith.index_cast %get3A_174 : i32 to index
    %get3A_176 = arith.constant 112 : index
    %get3A_177 = tpu.vector_load %arg5[%get3A_175, %get3A_176] {strides = array<i32>} : memref<80x128xi32, #tpu.memory_space<vmem>>, vector<1x16xi32>,
    %get3A_178 = vector.shape_cast %get3A_177 : vector<1x16xi32> to vector<16xi32>
    %shift_right_logical3A_179 = arith.constant 14 : i32
    %shift_right_logical3A_180 = vector.broadcast %shift_right_logical3A_179 : i32 to vector<16xi32>
    %shift_right_logical3A_181 = arith.shrui %get3A_178, %shift_right_logical3A_180 : vector<16xi32>
    %swap3A_182 = arith.constant 0 : i32
    %swap3A_183 = arith.index_cast %swap3A_182 : i32 to index
    %swap3A_184 = arith.constant 112 : index
    %swap3A_185 = tpu.vector_load %arg6[%swap3A_183, %swap3A_184] {strides = array<i32>} : memref<2x128xi32, #tpu.memory_space<vmem>>, vector<1x16xi32>,
    %swap3A_186 = vector.shape_cast %swap3A_185 : vector<1x16xi32> to vector<16xi32>
    %swap3A_187 = vector.shape_cast %shift_right_logical3A_181 : vector<16xi32> to vector<1x16xi32>
    tpu.vector_store %arg6[%swap3A_183, %swap3A_184], %swap3A_187 {strides = array<i32>} : memref<2x128xi32, #tpu.memory_space<vmem>>, vector<1x16xi32>,
    %and3A_188 = arith.constant 16383 : i32
    %and3A_189 = vector.broadcast %and3A_188 : i32 to vector<16xi32>
    %and3A_190 = arith.andi %get3A_178, %and3A_189 : vector<16xi32>
    %swap3A_191 = arith.constant 0 : i32
    %swap3A_192 = arith.index_cast %swap3A_191 : i32 to index
    %swap3A_193 = arith.constant 112 : index
    %swap3A_194 = tpu.vector_load %arg7[%swap3A_192, %swap3A_193] {strides = array<i32>} : memref<2x128xi32, #tpu.memory_space<vmem>>, vector<1x16xi32>,
    %swap3A_195 = vector.shape_cast %swap3A_194 : vector<1x16xi32> to vector<16xi32>
    %swap3A_196 = vector.shape_cast %and3A_190 : vector<16xi32> to vector<1x16xi32>
    tpu.vector_store %arg7[%swap3A_192, %swap3A_193], %swap3A_196 {strides = array<i32>} : memref<2x128xi32, #tpu.memory_space<vmem>>, vector<1x16xi32>,
    %dma_start3A = arith.constant 0 : i32
    %dma_start3A_197 = arith.constant 0 : i32
    %dma_start3A_198 = tpu.memref_slice %arg6[%dma_start3A, %dma_start3A_197] : memref<2x128xi32, #tpu.memory_space<vmem>> -> memref<1x128xi32, #tpu.memory_space<vmem>>
    %dma_start3A_199 = tpu.memref_squeeze %dma_start3A_198 : memref<1x128xi32, #tpu.memory_space<vmem>> -> memref<128xi32, #tpu.memory_space<vmem>>
    %dma_start3A_200 = arith.constant 0 : i32
    %dma_start3A_201 = arith.constant 0 : i32
    %dma_start3A_202 = tpu.memref_slice %arg2[%arg0, %dma_start3A_200, %dma_start3A_201] : memref<2x10000x128xf32, #tpu.memory_space<hbm>> -> memref<1x10000x128xf32, #tpu.memory_space<hbm>>
    %dma_start3A_203 = tpu.memref_squeeze %dma_start3A_202 : memref<1x10000x128xf32, #tpu.memory_space<hbm>> -> memref<10000x128xf32, #tpu.memory_space<hbm>>
    %dma_start3A_204 = arith.constant 0 : i32
    %dma_start3A_205 = arith.constant 0 : i32
    %dma_start3A_206 = tpu.memref_slice %dma_start3A_203[%dma_start3A_204, %dma_start3A_205] : memref<10000x128xf32, #tpu.memory_space<hbm>> -> memref<10000x128xf32, #tpu.memory_space<hbm>>
    tpu.enqueue_indirect_dma source(%dma_start3A_206 : memref<10000x128xf32, #tpu.memory_space<hbm>>) target(%arg8 : memref<128x128xf32, #tpu.memory_space<vmem>>) offsets(%dma_start3A_199 : memref<128xi32, #tpu.memory_space<vmem>>) semaphore(%arg11 : memref<!tpu.dma_semaphore, #tpu.memory_space<semaphore_mem>>)
    %scan3A_207 = arith.constant 0 : i32
    %scan3A_208 = arith.constant 0 : i32
    %scan3A_209 = arith.constant 40 : i32
    %scan3A_210 = arith.addi %scan3A_208, %scan3A_209 : i32
    %scan3A_211 = arith.constant 1 : i32
    scf.for %scan3A_214 = %scan3A_208 to %scan3A_210 step %scan3A_211  : i32 {
      %mul3A_215 = arith.constant 2 : i32
      %mul3A_216 = arith.muli %mul3A_215, %scan3A_214 : i32
      %add3A_217 = arith.constant 1 : i32
      %add3A_218 = arith.addi %mul3A_216, %add3A_217 : i32
      %get3A_219 = arith.index_cast %add3A_218 : i32 to index
      %get3A_220 = arith.constant 0 : index
      %get3A_221 = tpu.vector_load %arg5[%get3A_219, %get3A_220] {strides = array<i32>} : memref<80x128xi32, #tpu.memory_space<vmem>>, vector<1x16xi32>,
      %get3A_222 = vector.shape_cast %get3A_221 : vector<1x16xi32> to vector<16xi32>
      %shift_right_logical3A_223 = arith.constant 14 : i32
      %shift_right_logical3A_224 = vector.broadcast %shift_right_logical3A_223 : i32 to vector<16xi32>
      %shift_right_logical3A_225 = arith.shrui %get3A_222, %shift_right_logical3A_224 : vector<16xi32>
      %swap3A_226 = arith.constant 1 : i32
      %swap3A_227 = arith.index_cast %swap3A_226 : i32 to index
      %swap3A_228 = arith.constant 0 : index
      %swap3A_229 = tpu.vector_load %arg6[%swap3A_227, %swap3A_228] {strides = array<i32>} : memref<2x128xi32, #tpu.memory_space<vmem>>, vector<1x16xi32>,
      %swap3A_230 = vector.shape_cast %swap3A_229 : vector<1x16xi32> to vector<16xi32>
      %swap3A_231 = vector.shape_cast %shift_right_logical3A_225 : vector<16xi32> to vector<1x16xi32>
      tpu.vector_store %arg6[%swap3A_227, %swap3A_228], %swap3A_231 {strides = array<i32>} : memref<2x128xi32, #tpu.memory_space<vmem>>, vector<1x16xi32>,
      %and3A_232 = arith.constant 16383 : i32
      %and3A_233 = vector.broadcast %and3A_232 : i32 to vector<16xi32>
      %and3A_234 = arith.andi %get3A_222, %and3A_233 : vector<16xi32>
      %swap3A_235 = arith.constant 1 : i32
      %swap3A_236 = arith.index_cast %swap3A_235 : i32 to index
      %swap3A_237 = arith.constant 0 : index
      %swap3A_238 = tpu.vector_load %arg7[%swap3A_236, %swap3A_237] {strides = array<i32>} : memref<2x128xi32, #tpu.memory_space<vmem>>, vector<1x16xi32>,
      %swap3A_239 = vector.shape_cast %swap3A_238 : vector<1x16xi32> to vector<16xi32>
      %swap3A_240 = vector.shape_cast %and3A_234 : vector<16xi32> to vector<1x16xi32>
      tpu.vector_store %arg7[%swap3A_236, %swap3A_237], %swap3A_240 {strides = array<i32>} : memref<2x128xi32, #tpu.memory_space<vmem>>, vector<1x16xi32>,
      %get3A_241 = arith.index_cast %add3A_218 : i32 to index
      %get3A_242 = arith.constant 16 : index
      %get3A_243 = tpu.vector_load %arg5[%get3A_241, %get3A_242] {strides = array<i32>} : memref<80x128xi32, #tpu.memory_space<vmem>>, vector<1x16xi32>,
      %get3A_244 = vector.shape_cast %get3A_243 : vector<1x16xi32> to vector<16xi32>
      %shift_right_logical3A_245 = arith.constant 14 : i32
      %shift_right_logical3A_246 = vector.broadcast %shift_right_logical3A_245 : i32 to vector<16xi32>
      %shift_right_logical3A_247 = arith.shrui %get3A_244, %shift_right_logical3A_246 : vector<16xi32>
      %swap3A_248 = arith.constant 1 : i32
      %swap3A_249 = arith.index_cast %swap3A_248 : i32 to index
      %swap3A_250 = arith.constant 16 : index
      %swap3A_251 = tpu.vector_load %arg6[%swap3A_249, %swap3A_250] {strides = array<i32>} : memref<2x128xi32, #tpu.memory_space<vmem>>, vector<1x16xi32>,
      %swap3A_252 = vector.shape_cast %swap3A_251 : vector<1x16xi32> to vector<16xi32>
      %swap3A_253 = vector.shape_cast %shift_right_logical3A_247 : vector<16xi32> to vector<1x16xi32>
      tpu.vector_store %arg6[%swap3A_249, %swap3A_250], %swap3A_253 {strides = array<i32>} : memref<2x128xi32, #tpu.memory_space<vmem>>, vector<1x16xi32>,
      %and3A_254 = arith.constant 16383 : i32
      %and3A_255 = vector.broadcast %and3A_254 : i32 to vector<16xi32>
      %and3A_256 = arith.andi %get3A_244, %and3A_255 : vector<16xi32>
      %swap3A_257 = arith.constant 1 : i32
      %swap3A_258 = arith.index_cast %swap3A_257 : i32 to index
      %swap3A_259 = arith.constant 16 : index
      %swap3A_260 = tpu.vector_load %arg7[%swap3A_258, %swap3A_259] {strides = array<i32>} : memref<2x128xi32, #tpu.memory_space<vmem>>, vector<1x16xi32>,
      %swap3A_261 = vector.shape_cast %swap3A_260 : vector<1x16xi32> to vector<16xi32>
      %swap3A_262 = vector.shape_cast %and3A_256 : vector<16xi32> to vector<1x16xi32>
      tpu.vector_store %arg7[%swap3A_258, %swap3A_259], %swap3A_262 {strides = array<i32>} : memref<2x128xi32, #tpu.memory_space<vmem>>, vector<1x16xi32>,
      %get3A_263 = arith.index_cast %add3A_218 : i32 to index
      %get3A_264 = arith.constant 32 : index
      %get3A_265 = tpu.vector_load %arg5[%get3A_263, %get3A_264] {strides = array<i32>} : memref<80x128xi32, #tpu.memory_space<vmem>>, vector<1x16xi32>,
      %get3A_266 = vector.shape_cast %get3A_265 : vector<1x16xi32> to vector<16xi32>
      %shift_right_logical3A_267 = arith.constant 14 : i32
      %shift_right_logical3A_268 = vector.broadcast %shift_right_logical3A_267 : i32 to vector<16xi32>
      %shift_right_logical3A_269 = arith.shrui %get3A_266, %shift_right_logical3A_268 : vector<16xi32>
      %swap3A_270 = arith.constant 1 : i32
      %swap3A_271 = arith.index_cast %swap3A_270 : i32 to index
      %swap3A_272 = arith.constant 32 : index
      %swap3A_273 = tpu.vector_load %arg6[%swap3A_271, %swap3A_272] {strides = array<i32>} : memref<2x128xi32, #tpu.memory_space<vmem>>, vector<1x16xi32>,
      %swap3A_274 = vector.shape_cast %swap3A_273 : vector<1x16xi32> to vector<16xi32>
      %swap3A_275 = vector.shape_cast %shift_right_logical3A_269 : vector<16xi32> to vector<1x16xi32>
      tpu.vector_store %arg6[%swap3A_271, %swap3A_272], %swap3A_275 {strides = array<i32>} : memref<2x128xi32, #tpu.memory_space<vmem>>, vector<1x16xi32>,
      %and3A_276 = arith.constant 16383 : i32
      %and3A_277 = vector.broadcast %and3A_276 : i32 to vector<16xi32>
      %and3A_278 = arith.andi %get3A_266, %and3A_277 : vector<16xi32>
      %swap3A_279 = arith.constant 1 : i32
      %swap3A_280 = arith.index_cast %swap3A_279 : i32 to index
      %swap3A_281 = arith.constant 32 : index
      %swap3A_282 = tpu.vector_load %arg7[%swap3A_280, %swap3A_281] {strides = array<i32>} : memref<2x128xi32, #tpu.memory_space<vmem>>, vector<1x16xi32>,
      %swap3A_283 = vector.shape_cast %swap3A_282 : vector<1x16xi32> to vector<16xi32>
      %swap3A_284 = vector.shape_cast %and3A_278 : vector<16xi32> to vector<1x16xi32>
      tpu.vector_store %arg7[%swap3A_280, %swap3A_281], %swap3A_284 {strides = array<i32>} : memref<2x128xi32, #tpu.memory_space<vmem>>, vector<1x16xi32>,
      %get3A_285 = arith.index_cast %add3A_218 : i32 to index
      %get3A_286 = arith.constant 48 : index
      %get3A_287 = tpu.vector_load %arg5[%get3A_285, %get3A_286] {strides = array<i32>} : memref<80x128xi32, #tpu.memory_space<vmem>>, vector<1x16xi32>,
      %get3A_288 = vector.shape_cast %get3A_287 : vector<1x16xi32> to vector<16xi32>
      %shift_right_logical3A_289 = arith.constant 14 : i32
      %shift_right_logical3A_290 = vector.broadcast %shift_right_logical3A_289 : i32 to vector<16xi32>
      %shift_right_logical3A_291 = arith.shrui %get3A_288, %shift_right_logical3A_290 : vector<16xi32>
      %swap3A_292 = arith.constant 1 : i32
      %swap3A_293 = arith.index_cast %swap3A_292 : i32 to index
      %swap3A_294 = arith.constant 48 : index
      %swap3A_295 = tpu.vector_load %arg6[%swap3A_293, %swap3A_294] {strides = array<i32>} : memref<2x128xi32, #tpu.memory_space<vmem>>, vector<1x16xi32>,
      %swap3A_296 = vector.shape_cast %swap3A_295 : vector<1x16xi32> to vector<16xi32>
      %swap3A_297 = vector.shape_cast %shift_right_logical3A_291 : vector<16xi32> to vector<1x16xi32>
      tpu.vector_store %arg6[%swap3A_293, %swap3A_294], %swap3A_297 {strides = array<i32>} : memref<2x128xi32, #tpu.memory_space<vmem>>, vector<1x16xi32>,
      %and3A_298 = arith.constant 16383 : i32
      %and3A_299 = vector.broadcast %and3A_298 : i32 to vector<16xi32>
      %and3A_300 = arith.andi %get3A_288, %and3A_299 : vector<16xi32>
      %swap3A_301 = arith.constant 1 : i32
      %swap3A_302 = arith.index_cast %swap3A_301 : i32 to index
      %swap3A_303 = arith.constant 48 : index
      %swap3A_304 = tpu.vector_load %arg7[%swap3A_302, %swap3A_303] {strides = array<i32>} : memref<2x128xi32, #tpu.memory_space<vmem>>, vector<1x16xi32>,
      %swap3A_305 = vector.shape_cast %swap3A_304 : vector<1x16xi32> to vector<16xi32>
      %swap3A_306 = vector.shape_cast %and3A_300 : vector<16xi32> to vector<1x16xi32>
      tpu.vector_store %arg7[%swap3A_302, %swap3A_303], %swap3A_306 {strides = array<i32>} : memref<2x128xi32, #tpu.memory_space<vmem>>, vector<1x16xi32>,
      %get3A_307 = arith.index_cast %add3A_218 : i32 to index
      %get3A_308 = arith.constant 64 : index
      %get3A_309 = tpu.vector_load %arg5[%get3A_307, %get3A_308] {strides = array<i32>} : memref<80x128xi32, #tpu.memory_space<vmem>>, vector<1x16xi32>,
      %get3A_310 = vector.shape_cast %get3A_309 : vector<1x16xi32> to vector<16xi32>
      %shift_right_logical3A_311 = arith.constant 14 : i32
      %shift_right_logical3A_312 = vector.broadcast %shift_right_logical3A_311 : i32 to vector<16xi32>
      %shift_right_logical3A_313 = arith.shrui %get3A_310, %shift_right_logical3A_312 : vector<16xi32>
      %swap3A_314 = arith.constant 1 : i32
      %swap3A_315 = arith.index_cast %swap3A_314 : i32 to index
      %swap3A_316 = arith.constant 64 : index
      %swap3A_317 = tpu.vector_load %arg6[%swap3A_315, %swap3A_316] {strides = array<i32>} : memref<2x128xi32, #tpu.memory_space<vmem>>, vector<1x16xi32>,
      %swap3A_318 = vector.shape_cast %swap3A_317 : vector<1x16xi32> to vector<16xi32>
      %swap3A_319 = vector.shape_cast %shift_right_logical3A_313 : vector<16xi32> to vector<1x16xi32>
      tpu.vector_store %arg6[%swap3A_315, %swap3A_316], %swap3A_319 {strides = array<i32>} : memref<2x128xi32, #tpu.memory_space<vmem>>, vector<1x16xi32>,
      %and3A_320 = arith.constant 16383 : i32
      %and3A_321 = vector.broadcast %and3A_320 : i32 to vector<16xi32>
      %and3A_322 = arith.andi %get3A_310, %and3A_321 : vector<16xi32>
      %swap3A_323 = arith.constant 1 : i32
      %swap3A_324 = arith.index_cast %swap3A_323 : i32 to index
      %swap3A_325 = arith.constant 64 : index
      %swap3A_326 = tpu.vector_load %arg7[%swap3A_324, %swap3A_325] {strides = array<i32>} : memref<2x128xi32, #tpu.memory_space<vmem>>, vector<1x16xi32>,
      %swap3A_327 = vector.shape_cast %swap3A_326 : vector<1x16xi32> to vector<16xi32>
      %swap3A_328 = vector.shape_cast %and3A_322 : vector<16xi32> to vector<1x16xi32>
      tpu.vector_store %arg7[%swap3A_324, %swap3A_325], %swap3A_328 {strides = array<i32>} : memref<2x128xi32, #tpu.memory_space<vmem>>, vector<1x16xi32>,
      %get3A_329 = arith.index_cast %add3A_218 : i32 to index
      %get3A_330 = arith.constant 80 : index
      %get3A_331 = tpu.vector_load %arg5[%get3A_329, %get3A_330] {strides = array<i32>} : memref<80x128xi32, #tpu.memory_space<vmem>>, vector<1x16xi32>,
      %get3A_332 = vector.shape_cast %get3A_331 : vector<1x16xi32> to vector<16xi32>
      %shift_right_logical3A_333 = arith.constant 14 : i32
      %shift_right_logical3A_334 = vector.broadcast %shift_right_logical3A_333 : i32 to vector<16xi32>
      %shift_right_logical3A_335 = arith.shrui %get3A_332, %shift_right_logical3A_334 : vector<16xi32>
      %swap3A_336 = arith.constant 1 : i32
      %swap3A_337 = arith.index_cast %swap3A_336 : i32 to index
      %swap3A_338 = arith.constant 80 : index
      %swap3A_339 = tpu.vector_load %arg6[%swap3A_337, %swap3A_338] {strides = array<i32>} : memref<2x128xi32, #tpu.memory_space<vmem>>, vector<1x16xi32>,
      %swap3A_340 = vector.shape_cast %swap3A_339 : vector<1x16xi32> to vector<16xi32>
      %swap3A_341 = vector.shape_cast %shift_right_logical3A_335 : vector<16xi32> to vector<1x16xi32>
      tpu.vector_store %arg6[%swap3A_337, %swap3A_338], %swap3A_341 {strides = array<i32>} : memref<2x128xi32, #tpu.memory_space<vmem>>, vector<1x16xi32>,
      %and3A_342 = arith.constant 16383 : i32
      %and3A_343 = vector.broadcast %and3A_342 : i32 to vector<16xi32>
      %and3A_344 = arith.andi %get3A_332, %and3A_343 : vector<16xi32>
      %swap3A_345 = arith.constant 1 : i32
      %swap3A_346 = arith.index_cast %swap3A_345 : i32 to index
      %swap3A_347 = arith.constant 80 : index
      %swap3A_348 = tpu.vector_load %arg7[%swap3A_346, %swap3A_347] {strides = array<i32>} : memref<2x128xi32, #tpu.memory_space<vmem>>, vector<1x16xi32>,
      %swap3A_349 = vector.shape_cast %swap3A_348 : vector<1x16xi32> to vector<16xi32>
      %swap3A_350 = vector.shape_cast %and3A_344 : vector<16xi32> to vector<1x16xi32>
      tpu.vector_store %arg7[%swap3A_346, %swap3A_347], %swap3A_350 {strides = array<i32>} : memref<2x128xi32, #tpu.memory_space<vmem>>, vector<1x16xi32>,
      %get3A_351 = arith.index_cast %add3A_218 : i32 to index
      %get3A_352 = arith.constant 96 : index
      %get3A_353 = tpu.vector_load %arg5[%get3A_351, %get3A_352] {strides = array<i32>} : memref<80x128xi32, #tpu.memory_space<vmem>>, vector<1x16xi32>,
      %get3A_354 = vector.shape_cast %get3A_353 : vector<1x16xi32> to vector<16xi32>
      %shift_right_logical3A_355 = arith.constant 14 : i32
      %shift_right_logical3A_356 = vector.broadcast %shift_right_logical3A_355 : i32 to vector<16xi32>
      %shift_right_logical3A_357 = arith.shrui %get3A_354, %shift_right_logical3A_356 : vector<16xi32>
      %swap3A_358 = arith.constant 1 : i32
      %swap3A_359 = arith.index_cast %swap3A_358 : i32 to index
      %swap3A_360 = arith.constant 96 : index
      %swap3A_361 = tpu.vector_load %arg6[%swap3A_359, %swap3A_360] {strides = array<i32>} : memref<2x128xi32, #tpu.memory_space<vmem>>, vector<1x16xi32>,
      %swap3A_362 = vector.shape_cast %swap3A_361 : vector<1x16xi32> to vector<16xi32>
      %swap3A_363 = vector.shape_cast %shift_right_logical3A_357 : vector<16xi32> to vector<1x16xi32>
      tpu.vector_store %arg6[%swap3A_359, %swap3A_360], %swap3A_363 {strides = array<i32>} : memref<2x128xi32, #tpu.memory_space<vmem>>, vector<1x16xi32>,
      %and3A_364 = arith.constant 16383 : i32
      %and3A_365 = vector.broadcast %and3A_364 : i32 to vector<16xi32>
      %and3A_366 = arith.andi %get3A_354, %and3A_365 : vector<16xi32>
      %swap3A_367 = arith.constant 1 : i32
      %swap3A_368 = arith.index_cast %swap3A_367 : i32 to index
      %swap3A_369 = arith.constant 96 : index
      %swap3A_370 = tpu.vector_load %arg7[%swap3A_368, %swap3A_369] {strides = array<i32>} : memref<2x128xi32, #tpu.memory_space<vmem>>, vector<1x16xi32>,
      %swap3A_371 = vector.shape_cast %swap3A_370 : vector<1x16xi32> to vector<16xi32>
      %swap3A_372 = vector.shape_cast %and3A_366 : vector<16xi32> to vector<1x16xi32>
      tpu.vector_store %arg7[%swap3A_368, %swap3A_369], %swap3A_372 {strides = array<i32>} : memref<2x128xi32, #tpu.memory_space<vmem>>, vector<1x16xi32>,
      %get3A_373 = arith.index_cast %add3A_218 : i32 to index
      %get3A_374 = arith.constant 112 : index
      %get3A_375 = tpu.vector_load %arg5[%get3A_373, %get3A_374] {strides = array<i32>} : memref<80x128xi32, #tpu.memory_space<vmem>>, vector<1x16xi32>,
      %get3A_376 = vector.shape_cast %get3A_375 : vector<1x16xi32> to vector<16xi32>
      %shift_right_logical3A_377 = arith.constant 14 : i32
      %shift_right_logical3A_378 = vector.broadcast %shift_right_logical3A_377 : i32 to vector<16xi32>
      %shift_right_logical3A_379 = arith.shrui %get3A_376, %shift_right_logical3A_378 : vector<16xi32>
      %swap3A_380 = arith.constant 1 : i32
      %swap3A_381 = arith.index_cast %swap3A_380 : i32 to index
      %swap3A_382 = arith.constant 112 : index
      %swap3A_383 = tpu.vector_load %arg6[%swap3A_381, %swap3A_382] {strides = array<i32>} : memref<2x128xi32, #tpu.memory_space<vmem>>, vector<1x16xi32>,
      %swap3A_384 = vector.shape_cast %swap3A_383 : vector<1x16xi32> to vector<16xi32>
      %swap3A_385 = vector.shape_cast %shift_right_logical3A_379 : vector<16xi32> to vector<1x16xi32>
      tpu.vector_store %arg6[%swap3A_381, %swap3A_382], %swap3A_385 {strides = array<i32>} : memref<2x128xi32, #tpu.memory_space<vmem>>, vector<1x16xi32>,
      %and3A_386 = arith.constant 16383 : i32
      %and3A_387 = vector.broadcast %and3A_386 : i32 to vector<16xi32>
      %and3A_388 = arith.andi %get3A_376, %and3A_387 : vector<16xi32>
      %swap3A_389 = arith.constant 1 : i32
      %swap3A_390 = arith.index_cast %swap3A_389 : i32 to index
      %swap3A_391 = arith.constant 112 : index
      %swap3A_392 = tpu.vector_load %arg7[%swap3A_390, %swap3A_391] {strides = array<i32>} : memref<2x128xi32, #tpu.memory_space<vmem>>, vector<1x16xi32>,
      %swap3A_393 = vector.shape_cast %swap3A_392 : vector<1x16xi32> to vector<16xi32>
      %swap3A_394 = vector.shape_cast %and3A_388 : vector<16xi32> to vector<1x16xi32>
      tpu.vector_store %arg7[%swap3A_390, %swap3A_391], %swap3A_394 {strides = array<i32>} : memref<2x128xi32, #tpu.memory_space<vmem>>, vector<1x16xi32>,
      %dma_start3A_395 = arith.constant 1 : i32
      %dma_start3A_396 = arith.constant 0 : i32
      %dma_start3A_397 = tpu.memref_slice %arg6[%dma_start3A_395, %dma_start3A_396] : memref<2x128xi32, #tpu.memory_space<vmem>> -> memref<1x128xi32, #tpu.memory_space<vmem>>
      %dma_start3A_398 = tpu.memref_squeeze %dma_start3A_397 : memref<1x128xi32, #tpu.memory_space<vmem>> -> memref<128xi32, #tpu.memory_space<vmem>>
      %dma_start3A_399 = arith.constant 0 : i32
      %dma_start3A_400 = arith.constant 0 : i32
      %dma_start3A_401 = tpu.memref_slice %arg2[%arg0, %dma_start3A_399, %dma_start3A_400] : memref<2x10000x128xf32, #tpu.memory_space<hbm>> -> memref<1x10000x128xf32, #tpu.memory_space<hbm>>
      %dma_start3A_402 = tpu.memref_squeeze %dma_start3A_401 : memref<1x10000x128xf32, #tpu.memory_space<hbm>> -> memref<10000x128xf32, #tpu.memory_space<hbm>>
      %dma_start3A_403 = arith.constant 0 : i32
      %dma_start3A_404 = arith.constant 0 : i32
      %dma_start3A_405 = tpu.memref_slice %dma_start3A_402[%dma_start3A_403, %dma_start3A_404] : memref<10000x128xf32, #tpu.memory_space<hbm>> -> memref<10000x128xf32, #tpu.memory_space<hbm>>
      tpu.enqueue_indirect_dma source(%dma_start3A_405 : memref<10000x128xf32, #tpu.memory_space<hbm>>) target(%arg9 : memref<128x128xf32, #tpu.memory_space<vmem>>) offsets(%dma_start3A_398 : memref<128xi32, #tpu.memory_space<vmem>>) semaphore(%arg12 : memref<!tpu.dma_semaphore, #tpu.memory_space<semaphore_mem>>)
      %dma_wait3A = arith.constant 0 : i32
      %dma_wait3A_406 = arith.constant 0 : i32
      %dma_wait3A_407 = tpu.memref_slice %arg6[%dma_wait3A, %dma_wait3A_406] : memref<2x128xi32, #tpu.memory_space<vmem>> -> memref<1x128xi32, #tpu.memory_space<vmem>>
      %dma_wait3A_408 = tpu.memref_squeeze %dma_wait3A_407 : memref<1x128xi32, #tpu.memory_space<vmem>> -> memref<128xi32, #tpu.memory_space<vmem>>
      %dma_wait3A_409 = arith.constant 0 : i32
      %dma_wait3A_410 = arith.constant 0 : i32
      %dma_wait3A_411 = tpu.memref_slice %arg2[%arg0, %dma_wait3A_409, %dma_wait3A_410] : memref<2x10000x128xf32, #tpu.memory_space<hbm>> -> memref<1x10000x128xf32, #tpu.memory_space<hbm>>
      %dma_wait3A_412 = tpu.memref_squeeze %dma_wait3A_411 : memref<1x10000x128xf32, #tpu.memory_space<hbm>> -> memref<10000x128xf32, #tpu.memory_space<hbm>>
      %dma_wait3A_413 = arith.constant 0 : i32
      %dma_wait3A_414 = arith.constant 0 : i32
      %dma_wait3A_415 = tpu.memref_slice %dma_wait3A_412[%dma_wait3A_413, %dma_wait3A_414] : memref<10000x128xf32, #tpu.memory_space<hbm>> -> memref<10000x128xf32, #tpu.memory_space<hbm>>
      tpu.wait_indirect_dma semaphore(%arg11 : memref<!tpu.dma_semaphore, #tpu.memory_space<semaphore_mem>>) src(%dma_wait3A_415 : memref<10000x128xf32, #tpu.memory_space<hbm>>) dst(%arg8 : memref<128x128xf32, #tpu.memory_space<vmem>>)
      %run_scoped3A = arith.constant 0 : i32
      "tpu.region"() ({
        %run_scoped3A_432 = tpu.sem_alloc : memref<!tpu.dma_semaphore, #tpu.memory_space<semaphore_mem>>
        %dma_start3A_433 = arith.constant 0 : i32
        %dma_start3A_434 = tpu.memref_slice %arg7[%run_scoped3A, %dma_start3A_433] : memref<2x128xi32, #tpu.memory_space<vmem>> -> memref<1x128xi32, #tpu.memory_space<vmem>>
        %dma_start3A_435 = tpu.memref_squeeze %dma_start3A_434 : memref<1x128xi32, #tpu.memory_space<vmem>> -> memref<128xi32, #tpu.memory_space<vmem>>
        %dma_start3A_436 = arith.constant 0 : i32
        %dma_start3A_437 = arith.constant 0 : i32
        %dma_start3A_438 = tpu.memref_slice %arg10[%dma_start3A_436, %dma_start3A_437] : memref<10112x128xf32, #tpu.memory_space<vmem_shared>> -> memref<10112x128xf32, #tpu.memory_space<vmem_shared>>
        tpu.enqueue_indirect_dma source(%arg8 : memref<128x128xf32, #tpu.memory_space<vmem>>) target(%dma_start3A_438 : memref<10112x128xf32, #tpu.memory_space<vmem_shared>>) offsets(%dma_start3A_435 : memref<128xi32, #tpu.memory_space<vmem>>) semaphore(%run_scoped3A_432 : memref<!tpu.dma_semaphore, #tpu.memory_space<semaphore_mem>>) {add = true}
        %dma_wait3A_439 = arith.constant 0 : i32
        %dma_wait3A_440 = tpu.memref_slice %arg7[%run_scoped3A, %dma_wait3A_439] : memref<2x128xi32, #tpu.memory_space<vmem>> -> memref<1x128xi32, #tpu.memory_space<vmem>>
        %dma_wait3A_441 = tpu.memref_squeeze %dma_wait3A_440 : memref<1x128xi32, #tpu.memory_space<vmem>> -> memref<128xi32, #tpu.memory_space<vmem>>
        %dma_wait3A_442 = arith.constant 0 : i32
        %dma_wait3A_443 = arith.constant 0 : i32
        %dma_wait3A_444 = tpu.memref_slice %arg10[%dma_wait3A_442, %dma_wait3A_443] : memref<10112x128xf32, #tpu.memory_space<vmem_shared>> -> memref<10112x128xf32, #tpu.memory_space<vmem_shared>>
        tpu.wait_indirect_dma semaphore(%run_scoped3A_432 : memref<!tpu.dma_semaphore, #tpu.memory_space<semaphore_mem>>) src(%arg8 : memref<128x128xf32, #tpu.memory_space<vmem>>) dst(%dma_wait3A_444 : memref<10112x128xf32, #tpu.memory_space<vmem_shared>>)
        tpu.yield
      }) : () -> ()
      %add3A_416 = arith.constant 2 : i32
      %add3A_417 = arith.addi %mul3A_216, %add3A_416 : i32
      %lt3A = arith.constant 80 : i32
      %lt3A_418 = arith.cmpi slt, %add3A_417, %lt3A : i32
      %convert_element_type3A = arith.extui %lt3A_418 : i1 to i32
      %cond3A = arith.constant 0 : i32
      %cond3A_419 = arith.cmpi ne, %convert_element_type3A, %cond3A : i32
      scf.if %cond3A_419 {
        %add3A_432 = arith.constant 2 : i32
        %add3A_433 = arith.addi %mul3A_216, %add3A_432 : i32
        %get3A_434 = arith.index_cast %add3A_433 : i32 to index
        %get3A_435 = arith.constant 0 : index
        %get3A_436 = tpu.vector_load %arg5[%get3A_434, %get3A_435] {strides = array<i32>} : memref<80x128xi32, #tpu.memory_space<vmem>>, vector<1x16xi32>,
        %get3A_437 = vector.shape_cast %get3A_436 : vector<1x16xi32> to vector<16xi32>
        %shift_right_logical3A_438 = arith.constant 14 : i32
        %shift_right_logical3A_439 = vector.broadcast %shift_right_logical3A_438 : i32 to vector<16xi32>
        %shift_right_logical3A_440 = arith.shrui %get3A_437, %shift_right_logical3A_439 : vector<16xi32>
        %swap3A_441 = arith.constant 0 : i32
        %swap3A_442 = arith.index_cast %swap3A_441 : i32 to index
        %swap3A_443 = arith.constant 0 : index
        %swap3A_444 = tpu.vector_load %arg6[%swap3A_442, %swap3A_443] {strides = array<i32>} : memref<2x128xi32, #tpu.memory_space<vmem>>, vector<1x16xi32>,
        %swap3A_445 = vector.shape_cast %swap3A_444 : vector<1x16xi32> to vector<16xi32>
        %swap3A_446 = vector.shape_cast %shift_right_logical3A_440 : vector<16xi32> to vector<1x16xi32>
        tpu.vector_store %arg6[%swap3A_442, %swap3A_443], %swap3A_446 {strides = array<i32>} : memref<2x128xi32, #tpu.memory_space<vmem>>, vector<1x16xi32>,
        %and3A_447 = arith.constant 16383 : i32
        %and3A_448 = vector.broadcast %and3A_447 : i32 to vector<16xi32>
        %and3A_449 = arith.andi %get3A_437, %and3A_448 : vector<16xi32>
        %swap3A_450 = arith.constant 0 : i32
        %swap3A_451 = arith.index_cast %swap3A_450 : i32 to index
        %swap3A_452 = arith.constant 0 : index
        %swap3A_453 = tpu.vector_load %arg7[%swap3A_451, %swap3A_452] {strides = array<i32>} : memref<2x128xi32, #tpu.memory_space<vmem>>, vector<1x16xi32>,
        %swap3A_454 = vector.shape_cast %swap3A_453 : vector<1x16xi32> to vector<16xi32>
        %swap3A_455 = vector.shape_cast %and3A_449 : vector<16xi32> to vector<1x16xi32>
        tpu.vector_store %arg7[%swap3A_451, %swap3A_452], %swap3A_455 {strides = array<i32>} : memref<2x128xi32, #tpu.memory_space<vmem>>, vector<1x16xi32>,
        %get3A_456 = arith.index_cast %add3A_433 : i32 to index
        %get3A_457 = arith.constant 16 : index
        %get3A_458 = tpu.vector_load %arg5[%get3A_456, %get3A_457] {strides = array<i32>} : memref<80x128xi32, #tpu.memory_space<vmem>>, vector<1x16xi32>,
        %get3A_459 = vector.shape_cast %get3A_458 : vector<1x16xi32> to vector<16xi32>
        %shift_right_logical3A_460 = arith.constant 14 : i32
        %shift_right_logical3A_461 = vector.broadcast %shift_right_logical3A_460 : i32 to vector<16xi32>
        %shift_right_logical3A_462 = arith.shrui %get3A_459, %shift_right_logical3A_461 : vector<16xi32>
        %swap3A_463 = arith.constant 0 : i32
        %swap3A_464 = arith.index_cast %swap3A_463 : i32 to index
        %swap3A_465 = arith.constant 16 : index
        %swap3A_466 = tpu.vector_load %arg6[%swap3A_464, %swap3A_465] {strides = array<i32>} : memref<2x128xi32, #tpu.memory_space<vmem>>, vector<1x16xi32>,
        %swap3A_467 = vector.shape_cast %swap3A_466 : vector<1x16xi32> to vector<16xi32>
        %swap3A_468 = vector.shape_cast %shift_right_logical3A_462 : vector<16xi32> to vector<1x16xi32>
        tpu.vector_store %arg6[%swap3A_464, %swap3A_465], %swap3A_468 {strides = array<i32>} : memref<2x128xi32, #tpu.memory_space<vmem>>, vector<1x16xi32>,
        %and3A_469 = arith.constant 16383 : i32
        %and3A_470 = vector.broadcast %and3A_469 : i32 to vector<16xi32>
        %and3A_471 = arith.andi %get3A_459, %and3A_470 : vector<16xi32>
        %swap3A_472 = arith.constant 0 : i32
        %swap3A_473 = arith.index_cast %swap3A_472 : i32 to index
        %swap3A_474 = arith.constant 16 : index
        %swap3A_475 = tpu.vector_load %arg7[%swap3A_473, %swap3A_474] {strides = array<i32>} : memref<2x128xi32, #tpu.memory_space<vmem>>, vector<1x16xi32>,
        %swap3A_476 = vector.shape_cast %swap3A_475 : vector<1x16xi32> to vector<16xi32>
        %swap3A_477 = vector.shape_cast %and3A_471 : vector<16xi32> to vector<1x16xi32>
        tpu.vector_store %arg7[%swap3A_473, %swap3A_474], %swap3A_477 {strides = array<i32>} : memref<2x128xi32, #tpu.memory_space<vmem>>, vector<1x16xi32>,
        %get3A_478 = arith.index_cast %add3A_433 : i32 to index
        %get3A_479 = arith.constant 32 : index
        %get3A_480 = tpu.vector_load %arg5[%get3A_478, %get3A_479] {strides = array<i32>} : memref<80x128xi32, #tpu.memory_space<vmem>>, vector<1x16xi32>,
        %get3A_481 = vector.shape_cast %get3A_480 : vector<1x16xi32> to vector<16xi32>
        %shift_right_logical3A_482 = arith.constant 14 : i32
        %shift_right_logical3A_483 = vector.broadcast %shift_right_logical3A_482 : i32 to vector<16xi32>
        %shift_right_logical3A_484 = arith.shrui %get3A_481, %shift_right_logical3A_483 : vector<16xi32>
        %swap3A_485 = arith.constant 0 : i32
        %swap3A_486 = arith.index_cast %swap3A_485 : i32 to index
        %swap3A_487 = arith.constant 32 : index
        %swap3A_488 = tpu.vector_load %arg6[%swap3A_486, %swap3A_487] {strides = array<i32>} : memref<2x128xi32, #tpu.memory_space<vmem>>, vector<1x16xi32>,
        %swap3A_489 = vector.shape_cast %swap3A_488 : vector<1x16xi32> to vector<16xi32>
        %swap3A_490 = vector.shape_cast %shift_right_logical3A_484 : vector<16xi32> to vector<1x16xi32>
        tpu.vector_store %arg6[%swap3A_486, %swap3A_487], %swap3A_490 {strides = array<i32>} : memref<2x128xi32, #tpu.memory_space<vmem>>, vector<1x16xi32>,
        %and3A_491 = arith.constant 16383 : i32
        %and3A_492 = vector.broadcast %and3A_491 : i32 to vector<16xi32>
        %and3A_493 = arith.andi %get3A_481, %and3A_492 : vector<16xi32>
        %swap3A_494 = arith.constant 0 : i32
        %swap3A_495 = arith.index_cast %swap3A_494 : i32 to index
        %swap3A_496 = arith.constant 32 : index
        %swap3A_497 = tpu.vector_load %arg7[%swap3A_495, %swap3A_496] {strides = array<i32>} : memref<2x128xi32, #tpu.memory_space<vmem>>, vector<1x16xi32>,
        %swap3A_498 = vector.shape_cast %swap3A_497 : vector<1x16xi32> to vector<16xi32>
        %swap3A_499 = vector.shape_cast %and3A_493 : vector<16xi32> to vector<1x16xi32>
        tpu.vector_store %arg7[%swap3A_495, %swap3A_496], %swap3A_499 {strides = array<i32>} : memref<2x128xi32, #tpu.memory_space<vmem>>, vector<1x16xi32>,
        %get3A_500 = arith.index_cast %add3A_433 : i32 to index
        %get3A_501 = arith.constant 48 : index
        %get3A_502 = tpu.vector_load %arg5[%get3A_500, %get3A_501] {strides = array<i32>} : memref<80x128xi32, #tpu.memory_space<vmem>>, vector<1x16xi32>,
        %get3A_503 = vector.shape_cast %get3A_502 : vector<1x16xi32> to vector<16xi32>
        %shift_right_logical3A_504 = arith.constant 14 : i32
        %shift_right_logical3A_505 = vector.broadcast %shift_right_logical3A_504 : i32 to vector<16xi32>
        %shift_right_logical3A_506 = arith.shrui %get3A_503, %shift_right_logical3A_505 : vector<16xi32>
        %swap3A_507 = arith.constant 0 : i32
        %swap3A_508 = arith.index_cast %swap3A_507 : i32 to index
        %swap3A_509 = arith.constant 48 : index
        %swap3A_510 = tpu.vector_load %arg6[%swap3A_508, %swap3A_509] {strides = array<i32>} : memref<2x128xi32, #tpu.memory_space<vmem>>, vector<1x16xi32>,
        %swap3A_511 = vector.shape_cast %swap3A_510 : vector<1x16xi32> to vector<16xi32>
        %swap3A_512 = vector.shape_cast %shift_right_logical3A_506 : vector<16xi32> to vector<1x16xi32>
        tpu.vector_store %arg6[%swap3A_508, %swap3A_509], %swap3A_512 {strides = array<i32>} : memref<2x128xi32, #tpu.memory_space<vmem>>, vector<1x16xi32>,
        %and3A_513 = arith.constant 16383 : i32
        %and3A_514 = vector.broadcast %and3A_513 : i32 to vector<16xi32>
        %and3A_515 = arith.andi %get3A_503, %and3A_514 : vector<16xi32>
        %swap3A_516 = arith.constant 0 : i32
        %swap3A_517 = arith.index_cast %swap3A_516 : i32 to index
        %swap3A_518 = arith.constant 48 : index
        %swap3A_519 = tpu.vector_load %arg7[%swap3A_517, %swap3A_518] {strides = array<i32>} : memref<2x128xi32, #tpu.memory_space<vmem>>, vector<1x16xi32>,
        %swap3A_520 = vector.shape_cast %swap3A_519 : vector<1x16xi32> to vector<16xi32>
        %swap3A_521 = vector.shape_cast %and3A_515 : vector<16xi32> to vector<1x16xi32>
        tpu.vector_store %arg7[%swap3A_517, %swap3A_518], %swap3A_521 {strides = array<i32>} : memref<2x128xi32, #tpu.memory_space<vmem>>, vector<1x16xi32>,
        %get3A_522 = arith.index_cast %add3A_433 : i32 to index
        %get3A_523 = arith.constant 64 : index
        %get3A_524 = tpu.vector_load %arg5[%get3A_522, %get3A_523] {strides = array<i32>} : memref<80x128xi32, #tpu.memory_space<vmem>>, vector<1x16xi32>,
        %get3A_525 = vector.shape_cast %get3A_524 : vector<1x16xi32> to vector<16xi32>
        %shift_right_logical3A_526 = arith.constant 14 : i32
        %shift_right_logical3A_527 = vector.broadcast %shift_right_logical3A_526 : i32 to vector<16xi32>
        %shift_right_logical3A_528 = arith.shrui %get3A_525, %shift_right_logical3A_527 : vector<16xi32>
        %swap3A_529 = arith.constant 0 : i32
        %swap3A_530 = arith.index_cast %swap3A_529 : i32 to index
        %swap3A_531 = arith.constant 64 : index
        %swap3A_532 = tpu.vector_load %arg6[%swap3A_530, %swap3A_531] {strides = array<i32>} : memref<2x128xi32, #tpu.memory_space<vmem>>, vector<1x16xi32>,
        %swap3A_533 = vector.shape_cast %swap3A_532 : vector<1x16xi32> to vector<16xi32>
        %swap3A_534 = vector.shape_cast %shift_right_logical3A_528 : vector<16xi32> to vector<1x16xi32>
        tpu.vector_store %arg6[%swap3A_530, %swap3A_531], %swap3A_534 {strides = array<i32>} : memref<2x128xi32, #tpu.memory_space<vmem>>, vector<1x16xi32>,
        %and3A_535 = arith.constant 16383 : i32
        %and3A_536 = vector.broadcast %and3A_535 : i32 to vector<16xi32>
        %and3A_537 = arith.andi %get3A_525, %and3A_536 : vector<16xi32>
        %swap3A_538 = arith.constant 0 : i32
        %swap3A_539 = arith.index_cast %swap3A_538 : i32 to index
        %swap3A_540 = arith.constant 64 : index
        %swap3A_541 = tpu.vector_load %arg7[%swap3A_539, %swap3A_540] {strides = array<i32>} : memref<2x128xi32, #tpu.memory_space<vmem>>, vector<1x16xi32>,
        %swap3A_542 = vector.shape_cast %swap3A_541 : vector<1x16xi32> to vector<16xi32>
        %swap3A_543 = vector.shape_cast %and3A_537 : vector<16xi32> to vector<1x16xi32>
        tpu.vector_store %arg7[%swap3A_539, %swap3A_540], %swap3A_543 {strides = array<i32>} : memref<2x128xi32, #tpu.memory_space<vmem>>, vector<1x16xi32>,
        %get3A_544 = arith.index_cast %add3A_433 : i32 to index
        %get3A_545 = arith.constant 80 : index
        %get3A_546 = tpu.vector_load %arg5[%get3A_544, %get3A_545] {strides = array<i32>} : memref<80x128xi32, #tpu.memory_space<vmem>>, vector<1x16xi32>,
        %get3A_547 = vector.shape_cast %get3A_546 : vector<1x16xi32> to vector<16xi32>
        %shift_right_logical3A_548 = arith.constant 14 : i32
        %shift_right_logical3A_549 = vector.broadcast %shift_right_logical3A_548 : i32 to vector<16xi32>
        %shift_right_logical3A_550 = arith.shrui %get3A_547, %shift_right_logical3A_549 : vector<16xi32>
        %swap3A_551 = arith.constant 0 : i32
        %swap3A_552 = arith.index_cast %swap3A_551 : i32 to index
        %swap3A_553 = arith.constant 80 : index
        %swap3A_554 = tpu.vector_load %arg6[%swap3A_552, %swap3A_553] {strides = array<i32>} : memref<2x128xi32, #tpu.memory_space<vmem>>, vector<1x16xi32>,
        %swap3A_555 = vector.shape_cast %swap3A_554 : vector<1x16xi32> to vector<16xi32>
        %swap3A_556 = vector.shape_cast %shift_right_logical3A_550 : vector<16xi32> to vector<1x16xi32>
        tpu.vector_store %arg6[%swap3A_552, %swap3A_553], %swap3A_556 {strides = array<i32>} : memref<2x128xi32, #tpu.memory_space<vmem>>, vector<1x16xi32>,
        %and3A_557 = arith.constant 16383 : i32
        %and3A_558 = vector.broadcast %and3A_557 : i32 to vector<16xi32>
        %and3A_559 = arith.andi %get3A_547, %and3A_558 : vector<16xi32>
        %swap3A_560 = arith.constant 0 : i32
        %swap3A_561 = arith.index_cast %swap3A_560 : i32 to index
        %swap3A_562 = arith.constant 80 : index
        %swap3A_563 = tpu.vector_load %arg7[%swap3A_561, %swap3A_562] {strides = array<i32>} : memref<2x128xi32, #tpu.memory_space<vmem>>, vector<1x16xi32>,
        %swap3A_564 = vector.shape_cast %swap3A_563 : vector<1x16xi32> to vector<16xi32>
        %swap3A_565 = vector.shape_cast %and3A_559 : vector<16xi32> to vector<1x16xi32>
        tpu.vector_store %arg7[%swap3A_561, %swap3A_562], %swap3A_565 {strides = array<i32>} : memref<2x128xi32, #tpu.memory_space<vmem>>, vector<1x16xi32>,
        %get3A_566 = arith.index_cast %add3A_433 : i32 to index
        %get3A_567 = arith.constant 96 : index
        %get3A_568 = tpu.vector_load %arg5[%get3A_566, %get3A_567] {strides = array<i32>} : memref<80x128xi32, #tpu.memory_space<vmem>>, vector<1x16xi32>,
        %get3A_569 = vector.shape_cast %get3A_568 : vector<1x16xi32> to vector<16xi32>
        %shift_right_logical3A_570 = arith.constant 14 : i32
        %shift_right_logical3A_571 = vector.broadcast %shift_right_logical3A_570 : i32 to vector<16xi32>
        %shift_right_logical3A_572 = arith.shrui %get3A_569, %shift_right_logical3A_571 : vector<16xi32>
        %swap3A_573 = arith.constant 0 : i32
        %swap3A_574 = arith.index_cast %swap3A_573 : i32 to index
        %swap3A_575 = arith.constant 96 : index
        %swap3A_576 = tpu.vector_load %arg6[%swap3A_574, %swap3A_575] {strides = array<i32>} : memref<2x128xi32, #tpu.memory_space<vmem>>, vector<1x16xi32>,
        %swap3A_577 = vector.shape_cast %swap3A_576 : vector<1x16xi32> to vector<16xi32>
        %swap3A_578 = vector.shape_cast %shift_right_logical3A_572 : vector<16xi32> to vector<1x16xi32>
        tpu.vector_store %arg6[%swap3A_574, %swap3A_575], %swap3A_578 {strides = array<i32>} : memref<2x128xi32, #tpu.memory_space<vmem>>, vector<1x16xi32>,
        %and3A_579 = arith.constant 16383 : i32
        %and3A_580 = vector.broadcast %and3A_579 : i32 to vector<16xi32>
        %and3A_581 = arith.andi %get3A_569, %and3A_580 : vector<16xi32>
        %swap3A_582 = arith.constant 0 : i32
        %swap3A_583 = arith.index_cast %swap3A_582 : i32 to index
        %swap3A_584 = arith.constant 96 : index
        %swap3A_585 = tpu.vector_load %arg7[%swap3A_583, %swap3A_584] {strides = array<i32>} : memref<2x128xi32, #tpu.memory_space<vmem>>, vector<1x16xi32>,
        %swap3A_586 = vector.shape_cast %swap3A_585 : vector<1x16xi32> to vector<16xi32>
        %swap3A_587 = vector.shape_cast %and3A_581 : vector<16xi32> to vector<1x16xi32>
        tpu.vector_store %arg7[%swap3A_583, %swap3A_584], %swap3A_587 {strides = array<i32>} : memref<2x128xi32, #tpu.memory_space<vmem>>, vector<1x16xi32>,
        %get3A_588 = arith.index_cast %add3A_433 : i32 to index
        %get3A_589 = arith.constant 112 : index
        %get3A_590 = tpu.vector_load %arg5[%get3A_588, %get3A_589] {strides = array<i32>} : memref<80x128xi32, #tpu.memory_space<vmem>>, vector<1x16xi32>,
        %get3A_591 = vector.shape_cast %get3A_590 : vector<1x16xi32> to vector<16xi32>
        %shift_right_logical3A_592 = arith.constant 14 : i32
        %shift_right_logical3A_593 = vector.broadcast %shift_right_logical3A_592 : i32 to vector<16xi32>
        %shift_right_logical3A_594 = arith.shrui %get3A_591, %shift_right_logical3A_593 : vector<16xi32>
        %swap3A_595 = arith.constant 0 : i32
        %swap3A_596 = arith.index_cast %swap3A_595 : i32 to index
        %swap3A_597 = arith.constant 112 : index
        %swap3A_598 = tpu.vector_load %arg6[%swap3A_596, %swap3A_597] {strides = array<i32>} : memref<2x128xi32, #tpu.memory_space<vmem>>, vector<1x16xi32>,
        %swap3A_599 = vector.shape_cast %swap3A_598 : vector<1x16xi32> to vector<16xi32>
        %swap3A_600 = vector.shape_cast %shift_right_logical3A_594 : vector<16xi32> to vector<1x16xi32>
        tpu.vector_store %arg6[%swap3A_596, %swap3A_597], %swap3A_600 {strides = array<i32>} : memref<2x128xi32, #tpu.memory_space<vmem>>, vector<1x16xi32>,
        %and3A_601 = arith.constant 16383 : i32
        %and3A_602 = vector.broadcast %and3A_601 : i32 to vector<16xi32>
        %and3A_603 = arith.andi %get3A_591, %and3A_602 : vector<16xi32>
        %swap3A_604 = arith.constant 0 : i32
        %swap3A_605 = arith.index_cast %swap3A_604 : i32 to index
        %swap3A_606 = arith.constant 112 : index
        %swap3A_607 = tpu.vector_load %arg7[%swap3A_605, %swap3A_606] {strides = array<i32>} : memref<2x128xi32, #tpu.memory_space<vmem>>, vector<1x16xi32>,
        %swap3A_608 = vector.shape_cast %swap3A_607 : vector<1x16xi32> to vector<16xi32>
        %swap3A_609 = vector.shape_cast %and3A_603 : vector<16xi32> to vector<1x16xi32>
        tpu.vector_store %arg7[%swap3A_605, %swap3A_606], %swap3A_609 {strides = array<i32>} : memref<2x128xi32, #tpu.memory_space<vmem>>, vector<1x16xi32>,
        %dma_start3A_610 = arith.constant 0 : i32
        %dma_start3A_611 = arith.constant 0 : i32
        %dma_start3A_612 = tpu.memref_slice %arg6[%dma_start3A_610, %dma_start3A_611] : memref<2x128xi32, #tpu.memory_space<vmem>> -> memref<1x128xi32, #tpu.memory_space<vmem>>
        %dma_start3A_613 = tpu.memref_squeeze %dma_start3A_612 : memref<1x128xi32, #tpu.memory_space<vmem>> -> memref<128xi32, #tpu.memory_space<vmem>>
        %dma_start3A_614 = arith.constant 0 : i32
        %dma_start3A_615 = arith.constant 0 : i32
        %dma_start3A_616 = tpu.memref_slice %arg2[%arg0, %dma_start3A_614, %dma_start3A_615] : memref<2x10000x128xf32, #tpu.memory_space<hbm>> -> memref<1x10000x128xf32, #tpu.memory_space<hbm>>
        %dma_start3A_617 = tpu.memref_squeeze %dma_start3A_616 : memref<1x10000x128xf32, #tpu.memory_space<hbm>> -> memref<10000x128xf32, #tpu.memory_space<hbm>>
        %dma_start3A_618 = arith.constant 0 : i32
        %dma_start3A_619 = arith.constant 0 : i32
        %dma_start3A_620 = tpu.memref_slice %dma_start3A_617[%dma_start3A_618, %dma_start3A_619] : memref<10000x128xf32, #tpu.memory_space<hbm>> -> memref<10000x128xf32, #tpu.memory_space<hbm>>
        tpu.enqueue_indirect_dma source(%dma_start3A_620 : memref<10000x128xf32, #tpu.memory_space<hbm>>) target(%arg8 : memref<128x128xf32, #tpu.memory_space<vmem>>) offsets(%dma_start3A_613 : memref<128xi32, #tpu.memory_space<vmem>>) semaphore(%arg11 : memref<!tpu.dma_semaphore, #tpu.memory_space<semaphore_mem>>)
      } else {
      }
      %dma_wait3A_420 = arith.constant 1 : i32
      %dma_wait3A_421 = arith.constant 0 : i32
      %dma_wait3A_422 = tpu.memref_slice %arg6[%dma_wait3A_420, %dma_wait3A_421] : memref<2x128xi32, #tpu.memory_space<vmem>> -> memref<1x128xi32, #tpu.memory_space<vmem>>
      %dma_wait3A_423 = tpu.memref_squeeze %dma_wait3A_422 : memref<1x128xi32, #tpu.memory_space<vmem>> -> memref<128xi32, #tpu.memory_space<vmem>>
      %dma_wait3A_424 = arith.constant 0 : i32
      %dma_wait3A_425 = arith.constant 0 : i32
      %dma_wait3A_426 = tpu.memref_slice %arg2[%arg0, %dma_wait3A_424, %dma_wait3A_425] : memref<2x10000x128xf32, #tpu.memory_space<hbm>> -> memref<1x10000x128xf32, #tpu.memory_space<hbm>>
      %dma_wait3A_427 = tpu.memref_squeeze %dma_wait3A_426 : memref<1x10000x128xf32, #tpu.memory_space<hbm>> -> memref<10000x128xf32, #tpu.memory_space<hbm>>
      %dma_wait3A_428 = arith.constant 0 : i32
      %dma_wait3A_429 = arith.constant 0 : i32
      %dma_wait3A_430 = tpu.memref_slice %dma_wait3A_427[%dma_wait3A_428, %dma_wait3A_429] : memref<10000x128xf32, #tpu.memory_space<hbm>> -> memref<10000x128xf32, #tpu.memory_space<hbm>>
      tpu.wait_indirect_dma semaphore(%arg12 : memref<!tpu.dma_semaphore, #tpu.memory_space<semaphore_mem>>) src(%dma_wait3A_430 : memref<10000x128xf32, #tpu.memory_space<hbm>>) dst(%arg9 : memref<128x128xf32, #tpu.memory_space<vmem>>)
      %run_scoped3A_431 = arith.constant 1 : i32
      "tpu.region"() ({
        %run_scoped3A_432 = tpu.sem_alloc : memref<!tpu.dma_semaphore, #tpu.memory_space<semaphore_mem>>
        %dma_start3A_433 = arith.constant 0 : i32
        %dma_start3A_434 = tpu.memref_slice %arg7[%run_scoped3A_431, %dma_start3A_433] : memref<2x128xi32, #tpu.memory_space<vmem>> -> memref<1x128xi32, #tpu.memory_space<vmem>>
        %dma_start3A_435 = tpu.memref_squeeze %dma_start3A_434 : memref<1x128xi32, #tpu.memory_space<vmem>> -> memref<128xi32, #tpu.memory_space<vmem>>
        %dma_start3A_436 = arith.constant 0 : i32
        %dma_start3A_437 = arith.constant 0 : i32
        %dma_start3A_438 = tpu.memref_slice %arg10[%dma_start3A_436, %dma_start3A_437] : memref<10112x128xf32, #tpu.memory_space<vmem_shared>> -> memref<10112x128xf32, #tpu.memory_space<vmem_shared>>
        tpu.enqueue_indirect_dma source(%arg9 : memref<128x128xf32, #tpu.memory_space<vmem>>) target(%dma_start3A_438 : memref<10112x128xf32, #tpu.memory_space<vmem_shared>>) offsets(%dma_start3A_435 : memref<128xi32, #tpu.memory_space<vmem>>) semaphore(%run_scoped3A_432 : memref<!tpu.dma_semaphore, #tpu.memory_space<semaphore_mem>>) {add = true}
        %dma_wait3A_439 = arith.constant 0 : i32
        %dma_wait3A_440 = tpu.memref_slice %arg7[%run_scoped3A_431, %dma_wait3A_439] : memref<2x128xi32, #tpu.memory_space<vmem>> -> memref<1x128xi32, #tpu.memory_space<vmem>>
        %dma_wait3A_441 = tpu.memref_squeeze %dma_wait3A_440 : memref<1x128xi32, #tpu.memory_space<vmem>> -> memref<128xi32, #tpu.memory_space<vmem>>
        %dma_wait3A_442 = arith.constant 0 : i32
        %dma_wait3A_443 = arith.constant 0 : i32
        %dma_wait3A_444 = tpu.memref_slice %arg10[%dma_wait3A_442, %dma_wait3A_443] : memref<10112x128xf32, #tpu.memory_space<vmem_shared>> -> memref<10112x128xf32, #tpu.memory_space<vmem_shared>>
        tpu.wait_indirect_dma semaphore(%run_scoped3A_432 : memref<!tpu.dma_semaphore, #tpu.memory_space<semaphore_mem>>) src(%arg9 : memref<128x128xf32, #tpu.memory_space<vmem>>) dst(%dma_wait3A_444 : memref<10112x128xf32, #tpu.memory_space<vmem_shared>>)
        tpu.yield
      }) : () -> ()
    }
    %scan3A_212 = arith.constant 40 : i32
    %barrier3A_213 = arith.constant 0 : index
    tpu.barrier barrier_id(%barrier3A_213)
    "tpu.region"() ({
      %run_scoped3A = tpu.sem_alloc : memref<!tpu.dma_semaphore, #tpu.memory_space<semaphore_mem>>
      %dma_start3A_214 = arith.constant 0 : i32
      %dma_start3A_215 = tpu.memref_slice %arg4[%arg0, %mul3A_0, %dma_start3A_214] : memref<2x10112x128xf32, #tpu.memory_space<hbm>> -> memref<1x632x128xf32, #tpu.memory_space<hbm>>
      %dma_start3A_216 = tpu.memref_squeeze %dma_start3A_215 : memref<1x632x128xf32, #tpu.memory_space<hbm>> -> memref<632x128xf32, #tpu.memory_space<hbm>>
      %dma_start3A_217 = arith.constant 0 : i32
      %dma_start3A_218 = tpu.memref_slice %arg10[%mul3A_0, %dma_start3A_217] : memref<10112x128xf32, #tpu.memory_space<vmem_shared>> -> memref<632x128xf32, #tpu.memory_space<vmem_shared>>
      tpu.enqueue_dma source(%dma_start3A_218 : memref<632x128xf32, #tpu.memory_space<vmem_shared>>) target(%dma_start3A_216 : memref<632x128xf32, #tpu.memory_space<hbm>>) target_semaphore(%run_scoped3A : memref<!tpu.dma_semaphore, #tpu.memory_space<semaphore_mem>>)
      %dma_wait3A = arith.constant 0 : i32
      %dma_wait3A_219 = tpu.memref_slice %arg4[%arg0, %mul3A_0, %dma_wait3A] : memref<2x10112x128xf32, #tpu.memory_space<hbm>> -> memref<1x632x128xf32, #tpu.memory_space<hbm>>
      %dma_wait3A_220 = tpu.memref_squeeze %dma_wait3A_219 : memref<1x632x128xf32, #tpu.memory_space<hbm>> -> memref<632x128xf32, #tpu.memory_space<hbm>>
      %dma_wait3A_221 = arith.constant 0 : i32
      %dma_wait3A_222 = tpu.memref_slice %arg10[%mul3A_0, %dma_wait3A_221] : memref<10112x128xf32, #tpu.memory_space<vmem_shared>> -> memref<632x128xf32, #tpu.memory_space<vmem_shared>>
      tpu.wait_dma2 semaphore(%run_scoped3A : memref<!tpu.dma_semaphore, #tpu.memory_space<semaphore_mem>>) src(%dma_wait3A_222 : memref<632x128xf32, #tpu.memory_space<vmem_shared>>) dst(%dma_wait3A_220 : memref<632x128xf32, #tpu.memory_space<hbm>>)
      tpu.yield
    }) : () -> ()
    return
  }
}

#map = affine_map<(d0, d1) -> (0, 0, 0)>
module attributes {stable_mosaic.version = 14 : i64} {
  func.func @_agg_kernel(%arg0: i32, %arg1: i32, %arg2: memref<2x10000x128xf32, #tpu.memory_space<hbm>>, %arg3: memref<16x80x128xi32, #tpu.memory_space<hbm>>, %arg4: memref<2x10112x128xf32, #tpu.memory_space<hbm>>, %arg5: memref<80x128xi32, #tpu.memory_space<vmem>>, %arg6: memref<2x128xi32, #tpu.memory_space<vmem>>, %arg7: memref<2x128xi32, #tpu.memory_space<vmem>>, %arg8: memref<128x128xf32, #tpu.memory_space<vmem>>, %arg9: memref<128x128xf32, #tpu.memory_space<vmem>>, %arg10: memref<10112x128xf32, #tpu.memory_space<vmem_shared>>, %arg11: memref<!tpu.dma_semaphore, #tpu.memory_space<semaphore_mem>>, %arg12: memref<!tpu.dma_semaphore, #tpu.memory_space<semaphore_mem>>) attributes {dimension_semantics = [#tpu.dimension_semantics<core_parallel>, #tpu.dimension_semantics<subcore_parallel>], iteration_bounds = array<i64: 2, 16>, scalar_prefetch = 0 : i64, scratch_operands = 8 : i64, tpu.core_type = #tpu.core_type<sc_vector_subcore>, window_params = [{transform_indices = #map}, {transform_indices = #map}, {transform_indices = #map}]} {
    "tpu.region"() ({
      %run_scoped3A = tpu.sem_alloc : memref<!tpu.dma_semaphore, #tpu.memory_space<semaphore_mem>>
      %dma_start3A_214 = arith.constant 0 : i32
      %dma_start3A_215 = arith.constant 0 : i32
      %dma_start3A_216 = tpu.memref_slice %arg3[%arg1, %dma_start3A_214, %dma_start3A_215] : memref<16x80x128xi32, #tpu.memory_space<hbm>> -> memref<1x80x128xi32, #tpu.memory_space<hbm>>
      %dma_start3A_217 = tpu.memref_squeeze %dma_start3A_216 : memref<1x80x128xi32, #tpu.memory_space<hbm>> -> memref<80x128xi32, #tpu.memory_space<hbm>>
      %dma_start3A_218 = arith.constant 0 : i32
      %dma_start3A_219 = arith.constant 0 : i32
      %dma_start3A_220 = tpu.memref_slice %arg3[%arg1, %dma_start3A_218, %dma_start3A_219] : memref<16x80x128xi32, #tpu.memory_space<hbm>> -> memref<1x80x128xi32, #tpu.memory_space<hbm>>
      %dma_start3A_221 = tpu.memref_squeeze %dma_start3A_220 : memref<1x80x128xi32, #tpu.memory_space<hbm>> -> memref<80x128xi32, #tpu.memory_space<hbm>>
      tpu.enqueue_dma source(%dma_start3A_221 : memref<80x128xi32, #tpu.memory_space<hbm>>) target(%arg5 : memref<80x128xi32, #tpu.memory_space<vmem>>) target_semaphore(%run_scoped3A : memref<!tpu.dma_semaphore, #tpu.memory_space<semaphore_mem>>)
      %dma_wait3A = arith.constant 0 : i32
      %dma_wait3A_222 = arith.constant 0 : i32
      %dma_wait3A_223 = tpu.memref_slice %arg3[%arg1, %dma_wait3A, %dma_wait3A_222] : memref<16x80x128xi32, #tpu.memory_space<hbm>> -> memref<1x80x128xi32, #tpu.memory_space<hbm>>
      %dma_wait3A_224 = tpu.memref_squeeze %dma_wait3A_223 : memref<1x80x128xi32, #tpu.memory_space<hbm>> -> memref<80x128xi32, #tpu.memory_space<hbm>>
      %dma_wait3A_225 = arith.constant 0 : i32
      %dma_wait3A_226 = arith.constant 0 : i32
      %dma_wait3A_227 = tpu.memref_slice %arg3[%arg1, %dma_wait3A_225, %dma_wait3A_226] : memref<16x80x128xi32, #tpu.memory_space<hbm>> -> memref<1x80x128xi32, #tpu.memory_space<hbm>>
      %dma_wait3A_228 = tpu.memref_squeeze %dma_wait3A_227 : memref<1x80x128xi32, #tpu.memory_space<hbm>> -> memref<80x128xi32, #tpu.memory_space<hbm>>
      tpu.wait_dma2 semaphore(%run_scoped3A : memref<!tpu.dma_semaphore, #tpu.memory_space<semaphore_mem>>) src(%dma_wait3A_228 : memref<80x128xi32, #tpu.memory_space<hbm>>) dst(%arg5 : memref<80x128xi32, #tpu.memory_space<vmem>>)
      tpu.yield
    }) : () -> ()
    %mul3A = arith.constant 632 : i32
    %mul3A_0 = arith.muli %arg1, %mul3A : i32
    %broadcast_in_dim3A = arith.constant 0.000000e+00 : f32
    %broadcast_in_dim3A_1 = vector.broadcast %broadcast_in_dim3A : f32 to vector<16xf32>
    %scan3A = arith.constant 0 : i32
    %scan3A_2 = arith.constant 0 : i32
    %scan3A_3 = arith.constant 1024 : i32
    %scan3A_4 = arith.addi %scan3A_2, %scan3A_3 : i32
    %scan3A_5 = arith.constant 1 : i32
    scf.for %scan3A_214 = %scan3A_2 to %scan3A_4 step %scan3A_5  : i32 {
      %jit3A = arith.constant 8 : i32
      %div3A = arith.divsi %scan3A_214, %jit3A : i32
      %sign3A = arith.constant 0 : i32
      %sign3A_215 = arith.cmpi sgt, %scan3A_214, %sign3A : i32
      %sign3A_216 = arith.extui %sign3A_215 : i1 to i32
      %sign3A_217 = arith.constant 0 : i32
      %sign3A_218 = arith.cmpi slt, %scan3A_214, %sign3A_217 : i32
      %sign3A_219 = arith.extui %sign3A_218 : i1 to i32
      %sign3A_220 = arith.subi %sign3A_216, %sign3A_219 : i32
      %sign3A_221 = arith.constant 0 : i32
      %sign3A_222 = arith.cmpi sgt, %jit3A, %sign3A_221 : i32
      %sign3A_223 = arith.extui %sign3A_222 : i1 to i32
      %sign3A_224 = arith.constant 0 : i32
      %sign3A_225 = arith.cmpi slt, %jit3A, %sign3A_224 : i32
      %sign3A_226 = arith.extui %sign3A_225 : i1 to i32
      %sign3A_227 = arith.subi %sign3A_223, %sign3A_226 : i32
      %ne3A = arith.cmpi ne, %sign3A_220, %sign3A_227 : i32
      %rem3A = arith.remsi %scan3A_214, %jit3A : i32
      %ne3A_228 = arith.constant 0 : i32
      %ne3A_229 = arith.cmpi ne, %rem3A, %ne3A_228 : i32
      %and3A_230 = arith.andi %ne3A, %ne3A_229 : i1
      %sub3A_231 = arith.constant 1 : i32
      %sub3A_232 = arith.subi %div3A, %sub3A_231 : i32
      %select_n3A = arith.select %and3A_230, %sub3A_232, %div3A : i32
      %jit3A_233 = arith.constant 8 : i32
      %eq3A = arith.constant 0 : i32
      %eq3A_234 = arith.cmpi eq, %jit3A_233, %eq3A : i32
      %jit3A_235 = arith.constant 1 : i32
      %select_n3A_236 = arith.select %eq3A_234, %jit3A_235, %jit3A_233 : i32
      %rem3A_237 = arith.remsi %scan3A_214, %select_n3A_236 : i32
      %ne3A_238 = arith.constant 0 : i32
      %ne3A_239 = arith.cmpi ne, %rem3A_237, %ne3A_238 : i32
      %lt3A = arith.constant 0 : i32
      %lt3A_240 = arith.cmpi slt, %rem3A_237, %lt3A : i32
      %lt3A_241 = arith.constant 0 : i32
      %lt3A_242 = arith.cmpi slt, %select_n3A_236, %lt3A_241 : i32
      %ne3A_243 = arith.xori %lt3A_240, %lt3A_242 : i1
      %and3A_244 = arith.andi %ne3A_243, %ne3A_239 : i1
      %add3A_245 = arith.addi %rem3A_237, %select_n3A_236 : i32
      %select_n3A_246 = arith.select %and3A_244, %add3A_245, %rem3A_237 : i32
      %mul3A_247 = arith.constant 16 : i32
      %mul3A_248 = arith.muli %select_n3A_246, %mul3A_247 : i32
      %swap3A_249 = arith.index_cast %select_n3A : i32 to index
      %swap3A_250 = arith.index_cast %mul3A_248 : i32 to index
      %swap3A_251 = tpu.vector_load %arg8[%swap3A_249, %swap3A_250] {strides = array<i32>} : memref<128x128xf32, #tpu.memory_space<vmem>>, vector<1x16xf32>,
      %swap3A_252 = vector.shape_cast %swap3A_251 : vector<1x16xf32> to vector<16xf32>
      %swap3A_253 = vector.shape_cast %broadcast_in_dim3A_1 : vector<16xf32> to vector<1x16xf32>
      tpu.vector_store %arg8[%swap3A_249, %swap3A_250], %swap3A_253 {strides = array<i32>} : memref<128x128xf32, #tpu.memory_space<vmem>>, vector<1x16xf32>,
    }
    %scan3A_6 = arith.constant 1024 : i32
    %add3A = arith.constant 0 : i32
    %add3A_7 = arith.addi %mul3A_0, %add3A : i32
    "tpu.region"() ({
      %run_scoped3A = tpu.sem_alloc : memref<!tpu.dma_semaphore, #tpu.memory_space<semaphore_mem>>
      %dma_start3A_214 = arith.constant 0 : i32
      %dma_start3A_215 = tpu.memref_slice %arg10[%add3A_7, %dma_start3A_214] : memref<10112x128xf32, #tpu.memory_space<vmem_shared>> -> memref<128x128xf32, #tpu.memory_space<vmem_shared>>
      %dma_start3A_216 = arith.constant 0 : i32
      %dma_start3A_217 = tpu.memref_slice %arg10[%add3A_7, %dma_start3A_216] : memref<10112x128xf32, #tpu.memory_space<vmem_shared>> -> memref<128x128xf32, #tpu.memory_space<vmem_shared>>
      tpu.enqueue_dma source(%arg8 : memref<128x128xf32, #tpu.memory_space<vmem>>) target(%dma_start3A_217 : memref<128x128xf32, #tpu.memory_space<vmem_shared>>) target_semaphore(%run_scoped3A : memref<!tpu.dma_semaphore, #tpu.memory_space<semaphore_mem>>)
      %dma_wait3A = arith.constant 0 : i32
      %dma_wait3A_218 = tpu.memref_slice %arg10[%add3A_7, %dma_wait3A] : memref<10112x128xf32, #tpu.memory_space<vmem_shared>> -> memref<128x128xf32, #tpu.memory_space<vmem_shared>>
      %dma_wait3A_219 = arith.constant 0 : i32
      %dma_wait3A_220 = tpu.memref_slice %arg10[%add3A_7, %dma_wait3A_219] : memref<10112x128xf32, #tpu.memory_space<vmem_shared>> -> memref<128x128xf32, #tpu.memory_space<vmem_shared>>
      tpu.wait_dma2 semaphore(%run_scoped3A : memref<!tpu.dma_semaphore, #tpu.memory_space<semaphore_mem>>) src(%arg8 : memref<128x128xf32, #tpu.memory_space<vmem>>) dst(%dma_wait3A_220 : memref<128x128xf32, #tpu.memory_space<vmem_shared>>)
      tpu.yield
    }) : () -> ()
    %add3A_8 = arith.constant 128 : i32
    %add3A_9 = arith.addi %mul3A_0, %add3A_8 : i32
    "tpu.region"() ({
      %run_scoped3A = tpu.sem_alloc : memref<!tpu.dma_semaphore, #tpu.memory_space<semaphore_mem>>
      %dma_start3A_214 = arith.constant 0 : i32
      %dma_start3A_215 = tpu.memref_slice %arg10[%add3A_9, %dma_start3A_214] : memref<10112x128xf32, #tpu.memory_space<vmem_shared>> -> memref<128x128xf32, #tpu.memory_space<vmem_shared>>
      %dma_start3A_216 = arith.constant 0 : i32
      %dma_start3A_217 = tpu.memref_slice %arg10[%add3A_9, %dma_start3A_216] : memref<10112x128xf32, #tpu.memory_space<vmem_shared>> -> memref<128x128xf32, #tpu.memory_space<vmem_shared>>
      tpu.enqueue_dma source(%arg8 : memref<128x128xf32, #tpu.memory_space<vmem>>) target(%dma_start3A_217 : memref<128x128xf32, #tpu.memory_space<vmem_shared>>) target_semaphore(%run_scoped3A : memref<!tpu.dma_semaphore, #tpu.memory_space<semaphore_mem>>)
      %dma_wait3A = arith.constant 0 : i32
      %dma_wait3A_218 = tpu.memref_slice %arg10[%add3A_9, %dma_wait3A] : memref<10112x128xf32, #tpu.memory_space<vmem_shared>> -> memref<128x128xf32, #tpu.memory_space<vmem_shared>>
      %dma_wait3A_219 = arith.constant 0 : i32
      %dma_wait3A_220 = tpu.memref_slice %arg10[%add3A_9, %dma_wait3A_219] : memref<10112x128xf32, #tpu.memory_space<vmem_shared>> -> memref<128x128xf32, #tpu.memory_space<vmem_shared>>
      tpu.wait_dma2 semaphore(%run_scoped3A : memref<!tpu.dma_semaphore, #tpu.memory_space<semaphore_mem>>) src(%arg8 : memref<128x128xf32, #tpu.memory_space<vmem>>) dst(%dma_wait3A_220 : memref<128x128xf32, #tpu.memory_space<vmem_shared>>)
      tpu.yield
    }) : () -> ()
    %add3A_10 = arith.constant 256 : i32
    %add3A_11 = arith.addi %mul3A_0, %add3A_10 : i32
    "tpu.region"() ({
      %run_scoped3A = tpu.sem_alloc : memref<!tpu.dma_semaphore, #tpu.memory_space<semaphore_mem>>
      %dma_start3A_214 = arith.constant 0 : i32
      %dma_start3A_215 = tpu.memref_slice %arg10[%add3A_11, %dma_start3A_214] : memref<10112x128xf32, #tpu.memory_space<vmem_shared>> -> memref<128x128xf32, #tpu.memory_space<vmem_shared>>
      %dma_start3A_216 = arith.constant 0 : i32
      %dma_start3A_217 = tpu.memref_slice %arg10[%add3A_11, %dma_start3A_216] : memref<10112x128xf32, #tpu.memory_space<vmem_shared>> -> memref<128x128xf32, #tpu.memory_space<vmem_shared>>
      tpu.enqueue_dma source(%arg8 : memref<128x128xf32, #tpu.memory_space<vmem>>) target(%dma_start3A_217 : memref<128x128xf32, #tpu.memory_space<vmem_shared>>) target_semaphore(%run_scoped3A : memref<!tpu.dma_semaphore, #tpu.memory_space<semaphore_mem>>)
      %dma_wait3A = arith.constant 0 : i32
      %dma_wait3A_218 = tpu.memref_slice %arg10[%add3A_11, %dma_wait3A] : memref<10112x128xf32, #tpu.memory_space<vmem_shared>> -> memref<128x128xf32, #tpu.memory_space<vmem_shared>>
      %dma_wait3A_219 = arith.constant 0 : i32
      %dma_wait3A_220 = tpu.memref_slice %arg10[%add3A_11, %dma_wait3A_219] : memref<10112x128xf32, #tpu.memory_space<vmem_shared>> -> memref<128x128xf32, #tpu.memory_space<vmem_shared>>
      tpu.wait_dma2 semaphore(%run_scoped3A : memref<!tpu.dma_semaphore, #tpu.memory_space<semaphore_mem>>) src(%arg8 : memref<128x128xf32, #tpu.memory_space<vmem>>) dst(%dma_wait3A_220 : memref<128x128xf32, #tpu.memory_space<vmem_shared>>)
      tpu.yield
    }) : () -> ()
    %add3A_12 = arith.constant 384 : i32
    %add3A_13 = arith.addi %mul3A_0, %add3A_12 : i32
    "tpu.region"() ({
      %run_scoped3A = tpu.sem_alloc : memref<!tpu.dma_semaphore, #tpu.memory_space<semaphore_mem>>
      %dma_start3A_214 = arith.constant 0 : i32
      %dma_start3A_215 = tpu.memref_slice %arg10[%add3A_13, %dma_start3A_214] : memref<10112x128xf32, #tpu.memory_space<vmem_shared>> -> memref<128x128xf32, #tpu.memory_space<vmem_shared>>
      %dma_start3A_216 = arith.constant 0 : i32
      %dma_start3A_217 = tpu.memref_slice %arg10[%add3A_13, %dma_start3A_216] : memref<10112x128xf32, #tpu.memory_space<vmem_shared>> -> memref<128x128xf32, #tpu.memory_space<vmem_shared>>
      tpu.enqueue_dma source(%arg8 : memref<128x128xf32, #tpu.memory_space<vmem>>) target(%dma_start3A_217 : memref<128x128xf32, #tpu.memory_space<vmem_shared>>) target_semaphore(%run_scoped3A : memref<!tpu.dma_semaphore, #tpu.memory_space<semaphore_mem>>)
      %dma_wait3A = arith.constant 0 : i32
      %dma_wait3A_218 = tpu.memref_slice %arg10[%add3A_13, %dma_wait3A] : memref<10112x128xf32, #tpu.memory_space<vmem_shared>> -> memref<128x128xf32, #tpu.memory_space<vmem_shared>>
      %dma_wait3A_219 = arith.constant 0 : i32
      %dma_wait3A_220 = tpu.memref_slice %arg10[%add3A_13, %dma_wait3A_219] : memref<10112x128xf32, #tpu.memory_space<vmem_shared>> -> memref<128x128xf32, #tpu.memory_space<vmem_shared>>
      tpu.wait_dma2 semaphore(%run_scoped3A : memref<!tpu.dma_semaphore, #tpu.memory_space<semaphore_mem>>) src(%arg8 : memref<128x128xf32, #tpu.memory_space<vmem>>) dst(%dma_wait3A_220 : memref<128x128xf32, #tpu.memory_space<vmem_shared>>)
      tpu.yield
    }) : () -> ()
    %add3A_14 = arith.constant 632 : i32
    %add3A_15 = arith.addi %mul3A_0, %add3A_14 : i32
    %sub3A = arith.constant 120 : i32
    %sub3A_16 = arith.subi %add3A_15, %sub3A : i32
    "tpu.region"() ({
      %run_scoped3A = tpu.sem_alloc : memref<!tpu.dma_semaphore, #tpu.memory_space<semaphore_mem>>
      %dma_start3A_214 = arith.constant 0 : i32
      %dma_start3A_215 = arith.constant 0 : i32
      %dma_start3A_216 = tpu.memref_slice %arg8[%dma_start3A_214, %dma_start3A_215] : memref<128x128xf32, #tpu.memory_space<vmem>> -> memref<120x128xf32, #tpu.memory_space<vmem>>
      %dma_start3A_217 = arith.constant 0 : i32
      %dma_start3A_218 = tpu.memref_slice %arg10[%sub3A_16, %dma_start3A_217] : memref<10112x128xf32, #tpu.memory_space<vmem_shared>> -> memref<120x128xf32, #tpu.memory_space<vmem_shared>>
      %dma_start3A_219 = arith.constant 0 : i32
      %dma_start3A_220 = tpu.memref_slice %arg10[%sub3A_16, %dma_start3A_219] : memref<10112x128xf32, #tpu.memory_space<vmem_shared>> -> memref<120x128xf32, #tpu.memory_space<vmem_shared>>
      %dma_start3A_221 = arith.constant 0 : i32
      %dma_start3A_222 = arith.constant 0 : i32
      %dma_start3A_223 = tpu.memref_slice %arg8[%dma_start3A_221, %dma_start3A_222] : memref<128x128xf32, #tpu.memory_space<vmem>> -> memref<120x128xf32, #tpu.memory_space<vmem>>
      tpu.enqueue_dma source(%dma_start3A_223 : memref<120x128xf32, #tpu.memory_space<vmem>>) target(%dma_start3A_220 : memref<120x128xf32, #tpu.memory_space<vmem_shared>>) target_semaphore(%run_scoped3A : memref<!tpu.dma_semaphore, #tpu.memory_space<semaphore_mem>>)
      %dma_wait3A = arith.constant 0 : i32
      %dma_wait3A_224 = arith.constant 0 : i32
      %dma_wait3A_225 = tpu.memref_slice %arg8[%dma_wait3A, %dma_wait3A_224] : memref<128x128xf32, #tpu.memory_space<vmem>> -> memref<120x128xf32, #tpu.memory_space<vmem>>
      %dma_wait3A_226 = arith.constant 0 : i32
      %dma_wait3A_227 = tpu.memref_slice %arg10[%sub3A_16, %dma_wait3A_226] : memref<10112x128xf32, #tpu.memory_space<vmem_shared>> -> memref<120x128xf32, #tpu.memory_space<vmem_shared>>
      %dma_wait3A_228 = arith.constant 0 : i32
      %dma_wait3A_229 = tpu.memref_slice %arg10[%sub3A_16, %dma_wait3A_228] : memref<10112x128xf32, #tpu.memory_space<vmem_shared>> -> memref<120x128xf32, #tpu.memory_space<vmem_shared>>
      %dma_wait3A_230 = arith.constant 0 : i32
      %dma_wait3A_231 = arith.constant 0 : i32
      %dma_wait3A_232 = tpu.memref_slice %arg8[%dma_wait3A_230, %dma_wait3A_231] : memref<128x128xf32, #tpu.memory_space<vmem>> -> memref<120x128xf32, #tpu.memory_space<vmem>>
      tpu.wait_dma2 semaphore(%run_scoped3A : memref<!tpu.dma_semaphore, #tpu.memory_space<semaphore_mem>>) src(%dma_wait3A_232 : memref<120x128xf32, #tpu.memory_space<vmem>>) dst(%dma_wait3A_229 : memref<120x128xf32, #tpu.memory_space<vmem_shared>>)
      tpu.yield
    }) : () -> ()
    %barrier3A = arith.constant 0 : index
    tpu.barrier barrier_id(%barrier3A)
    %get3A = arith.constant 0 : i32
    %get3A_17 = arith.index_cast %get3A : i32 to index
    %get3A_18 = arith.constant 0 : index
    %get3A_19 = tpu.vector_load %arg5[%get3A_17, %get3A_18] {strides = array<i32>} : memref<80x128xi32, #tpu.memory_space<vmem>>, vector<1x16xi32>,
    %get3A_20 = vector.shape_cast %get3A_19 : vector<1x16xi32> to vector<16xi32>
    %shift_right_logical3A = arith.constant 14 : i32
    %shift_right_logical3A_21 = vector.broadcast %shift_right_logical3A : i32 to vector<16xi32>
    %shift_right_logical3A_22 = arith.shrui %get3A_20, %shift_right_logical3A_21 : vector<16xi32>
    %swap3A = arith.constant 0 : i32
    %swap3A_23 = arith.index_cast %swap3A : i32 to index
    %swap3A_24 = arith.constant 0 : index
    %swap3A_25 = tpu.vector_load %arg6[%swap3A_23, %swap3A_24] {strides = array<i32>} : memref<2x128xi32, #tpu.memory_space<vmem>>, vector<1x16xi32>,
    %swap3A_26 = vector.shape_cast %swap3A_25 : vector<1x16xi32> to vector<16xi32>
    %swap3A_27 = vector.shape_cast %shift_right_logical3A_22 : vector<16xi32> to vector<1x16xi32>
    tpu.vector_store %arg6[%swap3A_23, %swap3A_24], %swap3A_27 {strides = array<i32>} : memref<2x128xi32, #tpu.memory_space<vmem>>, vector<1x16xi32>,
    %and3A = arith.constant 16383 : i32
    %and3A_28 = vector.broadcast %and3A : i32 to vector<16xi32>
    %and3A_29 = arith.andi %get3A_20, %and3A_28 : vector<16xi32>
    %swap3A_30 = arith.constant 0 : i32
    %swap3A_31 = arith.index_cast %swap3A_30 : i32 to index
    %swap3A_32 = arith.constant 0 : index
    %swap3A_33 = tpu.vector_load %arg7[%swap3A_31, %swap3A_32] {strides = array<i32>} : memref<2x128xi32, #tpu.memory_space<vmem>>, vector<1x16xi32>,
    %swap3A_34 = vector.shape_cast %swap3A_33 : vector<1x16xi32> to vector<16xi32>
    %swap3A_35 = vector.shape_cast %and3A_29 : vector<16xi32> to vector<1x16xi32>
    tpu.vector_store %arg7[%swap3A_31, %swap3A_32], %swap3A_35 {strides = array<i32>} : memref<2x128xi32, #tpu.memory_space<vmem>>, vector<1x16xi32>,
    %get3A_36 = arith.constant 0 : i32
    %get3A_37 = arith.index_cast %get3A_36 : i32 to index
    %get3A_38 = arith.constant 16 : index
    %get3A_39 = tpu.vector_load %arg5[%get3A_37, %get3A_38] {strides = array<i32>} : memref<80x128xi32, #tpu.memory_space<vmem>>, vector<1x16xi32>,
    %get3A_40 = vector.shape_cast %get3A_39 : vector<1x16xi32> to vector<16xi32>
    %shift_right_logical3A_41 = arith.constant 14 : i32
    %shift_right_logical3A_42 = vector.broadcast %shift_right_logical3A_41 : i32 to vector<16xi32>
    %shift_right_logical3A_43 = arith.shrui %get3A_40, %shift_right_logical3A_42 : vector<16xi32>
    %swap3A_44 = arith.constant 0 : i32
    %swap3A_45 = arith.index_cast %swap3A_44 : i32 to index
    %swap3A_46 = arith.constant 16 : index
    %swap3A_47 = tpu.vector_load %arg6[%swap3A_45, %swap3A_46] {strides = array<i32>} : memref<2x128xi32, #tpu.memory_space<vmem>>, vector<1x16xi32>,
    %swap3A_48 = vector.shape_cast %swap3A_47 : vector<1x16xi32> to vector<16xi32>
    %swap3A_49 = vector.shape_cast %shift_right_logical3A_43 : vector<16xi32> to vector<1x16xi32>
    tpu.vector_store %arg6[%swap3A_45, %swap3A_46], %swap3A_49 {strides = array<i32>} : memref<2x128xi32, #tpu.memory_space<vmem>>, vector<1x16xi32>,
    %and3A_50 = arith.constant 16383 : i32
    %and3A_51 = vector.broadcast %and3A_50 : i32 to vector<16xi32>
    %and3A_52 = arith.andi %get3A_40, %and3A_51 : vector<16xi32>
    %swap3A_53 = arith.constant 0 : i32
    %swap3A_54 = arith.index_cast %swap3A_53 : i32 to index
    %swap3A_55 = arith.constant 16 : index
    %swap3A_56 = tpu.vector_load %arg7[%swap3A_54, %swap3A_55] {strides = array<i32>} : memref<2x128xi32, #tpu.memory_space<vmem>>, vector<1x16xi32>,
    %swap3A_57 = vector.shape_cast %swap3A_56 : vector<1x16xi32> to vector<16xi32>
    %swap3A_58 = vector.shape_cast %and3A_52 : vector<16xi32> to vector<1x16xi32>
    tpu.vector_store %arg7[%swap3A_54, %swap3A_55], %swap3A_58 {strides = array<i32>} : memref<2x128xi32, #tpu.memory_space<vmem>>, vector<1x16xi32>,
    %get3A_59 = arith.constant 0 : i32
    %get3A_60 = arith.index_cast %get3A_59 : i32 to index
    %get3A_61 = arith.constant 32 : index
    %get3A_62 = tpu.vector_load %arg5[%get3A_60, %get3A_61] {strides = array<i32>} : memref<80x128xi32, #tpu.memory_space<vmem>>, vector<1x16xi32>,
    %get3A_63 = vector.shape_cast %get3A_62 : vector<1x16xi32> to vector<16xi32>
    %shift_right_logical3A_64 = arith.constant 14 : i32
    %shift_right_logical3A_65 = vector.broadcast %shift_right_logical3A_64 : i32 to vector<16xi32>
    %shift_right_logical3A_66 = arith.shrui %get3A_63, %shift_right_logical3A_65 : vector<16xi32>
    %swap3A_67 = arith.constant 0 : i32
    %swap3A_68 = arith.index_cast %swap3A_67 : i32 to index
    %swap3A_69 = arith.constant 32 : index
    %swap3A_70 = tpu.vector_load %arg6[%swap3A_68, %swap3A_69] {strides = array<i32>} : memref<2x128xi32, #tpu.memory_space<vmem>>, vector<1x16xi32>,
    %swap3A_71 = vector.shape_cast %swap3A_70 : vector<1x16xi32> to vector<16xi32>
    %swap3A_72 = vector.shape_cast %shift_right_logical3A_66 : vector<16xi32> to vector<1x16xi32>
    tpu.vector_store %arg6[%swap3A_68, %swap3A_69], %swap3A_72 {strides = array<i32>} : memref<2x128xi32, #tpu.memory_space<vmem>>, vector<1x16xi32>,
    %and3A_73 = arith.constant 16383 : i32
    %and3A_74 = vector.broadcast %and3A_73 : i32 to vector<16xi32>
    %and3A_75 = arith.andi %get3A_63, %and3A_74 : vector<16xi32>
    %swap3A_76 = arith.constant 0 : i32
    %swap3A_77 = arith.index_cast %swap3A_76 : i32 to index
    %swap3A_78 = arith.constant 32 : index
    %swap3A_79 = tpu.vector_load %arg7[%swap3A_77, %swap3A_78] {strides = array<i32>} : memref<2x128xi32, #tpu.memory_space<vmem>>, vector<1x16xi32>,
    %swap3A_80 = vector.shape_cast %swap3A_79 : vector<1x16xi32> to vector<16xi32>
    %swap3A_81 = vector.shape_cast %and3A_75 : vector<16xi32> to vector<1x16xi32>
    tpu.vector_store %arg7[%swap3A_77, %swap3A_78], %swap3A_81 {strides = array<i32>} : memref<2x128xi32, #tpu.memory_space<vmem>>, vector<1x16xi32>,
    %get3A_82 = arith.constant 0 : i32
    %get3A_83 = arith.index_cast %get3A_82 : i32 to index
    %get3A_84 = arith.constant 48 : index
    %get3A_85 = tpu.vector_load %arg5[%get3A_83, %get3A_84] {strides = array<i32>} : memref<80x128xi32, #tpu.memory_space<vmem>>, vector<1x16xi32>,
    %get3A_86 = vector.shape_cast %get3A_85 : vector<1x16xi32> to vector<16xi32>
    %shift_right_logical3A_87 = arith.constant 14 : i32
    %shift_right_logical3A_88 = vector.broadcast %shift_right_logical3A_87 : i32 to vector<16xi32>
    %shift_right_logical3A_89 = arith.shrui %get3A_86, %shift_right_logical3A_88 : vector<16xi32>
    %swap3A_90 = arith.constant 0 : i32
    %swap3A_91 = arith.index_cast %swap3A_90 : i32 to index
    %swap3A_92 = arith.constant 48 : index
    %swap3A_93 = tpu.vector_load %arg6[%swap3A_91, %swap3A_92] {strides = array<i32>} : memref<2x128xi32, #tpu.memory_space<vmem>>, vector<1x16xi32>,
    %swap3A_94 = vector.shape_cast %swap3A_93 : vector<1x16xi32> to vector<16xi32>
    %swap3A_95 = vector.shape_cast %shift_right_logical3A_89 : vector<16xi32> to vector<1x16xi32>
    tpu.vector_store %arg6[%swap3A_91, %swap3A_92], %swap3A_95 {strides = array<i32>} : memref<2x128xi32, #tpu.memory_space<vmem>>, vector<1x16xi32>,
    %and3A_96 = arith.constant 16383 : i32
    %and3A_97 = vector.broadcast %and3A_96 : i32 to vector<16xi32>
    %and3A_98 = arith.andi %get3A_86, %and3A_97 : vector<16xi32>
    %swap3A_99 = arith.constant 0 : i32
    %swap3A_100 = arith.index_cast %swap3A_99 : i32 to index
    %swap3A_101 = arith.constant 48 : index
    %swap3A_102 = tpu.vector_load %arg7[%swap3A_100, %swap3A_101] {strides = array<i32>} : memref<2x128xi32, #tpu.memory_space<vmem>>, vector<1x16xi32>,
    %swap3A_103 = vector.shape_cast %swap3A_102 : vector<1x16xi32> to vector<16xi32>
    %swap3A_104 = vector.shape_cast %and3A_98 : vector<16xi32> to vector<1x16xi32>
    tpu.vector_store %arg7[%swap3A_100, %swap3A_101], %swap3A_104 {strides = array<i32>} : memref<2x128xi32, #tpu.memory_space<vmem>>, vector<1x16xi32>,
    %get3A_105 = arith.constant 0 : i32
    %get3A_106 = arith.index_cast %get3A_105 : i32 to index
    %get3A_107 = arith.constant 64 : index
    %get3A_108 = tpu.vector_load %arg5[%get3A_106, %get3A_107] {strides = array<i32>} : memref<80x128xi32, #tpu.memory_space<vmem>>, vector<1x16xi32>,
    %get3A_109 = vector.shape_cast %get3A_108 : vector<1x16xi32> to vector<16xi32>
    %shift_right_logical3A_110 = arith.constant 14 : i32
    %shift_right_logical3A_111 = vector.broadcast %shift_right_logical3A_110 : i32 to vector<16xi32>
    %shift_right_logical3A_112 = arith.shrui %get3A_109, %shift_right_logical3A_111 : vector<16xi32>
    %swap3A_113 = arith.constant 0 : i32
    %swap3A_114 = arith.index_cast %swap3A_113 : i32 to index
    %swap3A_115 = arith.constant 64 : index
    %swap3A_116 = tpu.vector_load %arg6[%swap3A_114, %swap3A_115] {strides = array<i32>} : memref<2x128xi32, #tpu.memory_space<vmem>>, vector<1x16xi32>,
    %swap3A_117 = vector.shape_cast %swap3A_116 : vector<1x16xi32> to vector<16xi32>
    %swap3A_118 = vector.shape_cast %shift_right_logical3A_112 : vector<16xi32> to vector<1x16xi32>
    tpu.vector_store %arg6[%swap3A_114, %swap3A_115], %swap3A_118 {strides = array<i32>} : memref<2x128xi32, #tpu.memory_space<vmem>>, vector<1x16xi32>,
    %and3A_119 = arith.constant 16383 : i32
    %and3A_120 = vector.broadcast %and3A_119 : i32 to vector<16xi32>
    %and3A_121 = arith.andi %get3A_109, %and3A_120 : vector<16xi32>
    %swap3A_122 = arith.constant 0 : i32
    %swap3A_123 = arith.index_cast %swap3A_122 : i32 to index
    %swap3A_124 = arith.constant 64 : index
    %swap3A_125 = tpu.vector_load %arg7[%swap3A_123, %swap3A_124] {strides = array<i32>} : memref<2x128xi32, #tpu.memory_space<vmem>>, vector<1x16xi32>,
    %swap3A_126 = vector.shape_cast %swap3A_125 : vector<1x16xi32> to vector<16xi32>
    %swap3A_127 = vector.shape_cast %and3A_121 : vector<16xi32> to vector<1x16xi32>
    tpu.vector_store %arg7[%swap3A_123, %swap3A_124], %swap3A_127 {strides = array<i32>} : memref<2x128xi32, #tpu.memory_space<vmem>>, vector<1x16xi32>,
    %get3A_128 = arith.constant 0 : i32
    %get3A_129 = arith.index_cast %get3A_128 : i32 to index
    %get3A_130 = arith.constant 80 : index
    %get3A_131 = tpu.vector_load %arg5[%get3A_129, %get3A_130] {strides = array<i32>} : memref<80x128xi32, #tpu.memory_space<vmem>>, vector<1x16xi32>,
    %get3A_132 = vector.shape_cast %get3A_131 : vector<1x16xi32> to vector<16xi32>
    %shift_right_logical3A_133 = arith.constant 14 : i32
    %shift_right_logical3A_134 = vector.broadcast %shift_right_logical3A_133 : i32 to vector<16xi32>
    %shift_right_logical3A_135 = arith.shrui %get3A_132, %shift_right_logical3A_134 : vector<16xi32>
    %swap3A_136 = arith.constant 0 : i32
    %swap3A_137 = arith.index_cast %swap3A_136 : i32 to index
    %swap3A_138 = arith.constant 80 : index
    %swap3A_139 = tpu.vector_load %arg6[%swap3A_137, %swap3A_138] {strides = array<i32>} : memref<2x128xi32, #tpu.memory_space<vmem>>, vector<1x16xi32>,
    %swap3A_140 = vector.shape_cast %swap3A_139 : vector<1x16xi32> to vector<16xi32>
    %swap3A_141 = vector.shape_cast %shift_right_logical3A_135 : vector<16xi32> to vector<1x16xi32>
    tpu.vector_store %arg6[%swap3A_137, %swap3A_138], %swap3A_141 {strides = array<i32>} : memref<2x128xi32, #tpu.memory_space<vmem>>, vector<1x16xi32>,
    %and3A_142 = arith.constant 16383 : i32
    %and3A_143 = vector.broadcast %and3A_142 : i32 to vector<16xi32>
    %and3A_144 = arith.andi %get3A_132, %and3A_143 : vector<16xi32>
    %swap3A_145 = arith.constant 0 : i32
    %swap3A_146 = arith.index_cast %swap3A_145 : i32 to index
    %swap3A_147 = arith.constant 80 : index
    %swap3A_148 = tpu.vector_load %arg7[%swap3A_146, %swap3A_147] {strides = array<i32>} : memref<2x128xi32, #tpu.memory_space<vmem>>, vector<1x16xi32>,
    %swap3A_149 = vector.shape_cast %swap3A_148 : vector<1x16xi32> to vector<16xi32>
    %swap3A_150 = vector.shape_cast %and3A_144 : vector<16xi32> to vector<1x16xi32>
    tpu.vector_store %arg7[%swap3A_146, %swap3A_147], %swap3A_150 {strides = array<i32>} : memref<2x128xi32, #tpu.memory_space<vmem>>, vector<1x16xi32>,
    %get3A_151 = arith.constant 0 : i32
    %get3A_152 = arith.index_cast %get3A_151 : i32 to index
    %get3A_153 = arith.constant 96 : index
    %get3A_154 = tpu.vector_load %arg5[%get3A_152, %get3A_153] {strides = array<i32>} : memref<80x128xi32, #tpu.memory_space<vmem>>, vector<1x16xi32>,
    %get3A_155 = vector.shape_cast %get3A_154 : vector<1x16xi32> to vector<16xi32>
    %shift_right_logical3A_156 = arith.constant 14 : i32
    %shift_right_logical3A_157 = vector.broadcast %shift_right_logical3A_156 : i32 to vector<16xi32>
    %shift_right_logical3A_158 = arith.shrui %get3A_155, %shift_right_logical3A_157 : vector<16xi32>
    %swap3A_159 = arith.constant 0 : i32
    %swap3A_160 = arith.index_cast %swap3A_159 : i32 to index
    %swap3A_161 = arith.constant 96 : index
    %swap3A_162 = tpu.vector_load %arg6[%swap3A_160, %swap3A_161] {strides = array<i32>} : memref<2x128xi32, #tpu.memory_space<vmem>>, vector<1x16xi32>,
    %swap3A_163 = vector.shape_cast %swap3A_162 : vector<1x16xi32> to vector<16xi32>
    %swap3A_164 = vector.shape_cast %shift_right_logical3A_158 : vector<16xi32> to vector<1x16xi32>
    tpu.vector_store %arg6[%swap3A_160, %swap3A_161], %swap3A_164 {strides = array<i32>} : memref<2x128xi32, #tpu.memory_space<vmem>>, vector<1x16xi32>,
    %and3A_165 = arith.constant 16383 : i32
    %and3A_166 = vector.broadcast %and3A_165 : i32 to vector<16xi32>
    %and3A_167 = arith.andi %get3A_155, %and3A_166 : vector<16xi32>
    %swap3A_168 = arith.constant 0 : i32
    %swap3A_169 = arith.index_cast %swap3A_168 : i32 to index
    %swap3A_170 = arith.constant 96 : index
    %swap3A_171 = tpu.vector_load %arg7[%swap3A_169, %swap3A_170] {strides = array<i32>} : memref<2x128xi32, #tpu.memory_space<vmem>>, vector<1x16xi32>,
    %swap3A_172 = vector.shape_cast %swap3A_171 : vector<1x16xi32> to vector<16xi32>
    %swap3A_173 = vector.shape_cast %and3A_167 : vector<16xi32> to vector<1x16xi32>
    tpu.vector_store %arg7[%swap3A_169, %swap3A_170], %swap3A_173 {strides = array<i32>} : memref<2x128xi32, #tpu.memory_space<vmem>>, vector<1x16xi32>,
    %get3A_174 = arith.constant 0 : i32
    %get3A_175 = arith.index_cast %get3A_174 : i32 to index
    %get3A_176 = arith.constant 112 : index
    %get3A_177 = tpu.vector_load %arg5[%get3A_175, %get3A_176] {strides = array<i32>} : memref<80x128xi32, #tpu.memory_space<vmem>>, vector<1x16xi32>,
    %get3A_178 = vector.shape_cast %get3A_177 : vector<1x16xi32> to vector<16xi32>
    %shift_right_logical3A_179 = arith.constant 14 : i32
    %shift_right_logical3A_180 = vector.broadcast %shift_right_logical3A_179 : i32 to vector<16xi32>
    %shift_right_logical3A_181 = arith.shrui %get3A_178, %shift_right_logical3A_180 : vector<16xi32>
    %swap3A_182 = arith.constant 0 : i32
    %swap3A_183 = arith.index_cast %swap3A_182 : i32 to index
    %swap3A_184 = arith.constant 112 : index
    %swap3A_185 = tpu.vector_load %arg6[%swap3A_183, %swap3A_184] {strides = array<i32>} : memref<2x128xi32, #tpu.memory_space<vmem>>, vector<1x16xi32>,
    %swap3A_186 = vector.shape_cast %swap3A_185 : vector<1x16xi32> to vector<16xi32>
    %swap3A_187 = vector.shape_cast %shift_right_logical3A_181 : vector<16xi32> to vector<1x16xi32>
    tpu.vector_store %arg6[%swap3A_183, %swap3A_184], %swap3A_187 {strides = array<i32>} : memref<2x128xi32, #tpu.memory_space<vmem>>, vector<1x16xi32>,
    %and3A_188 = arith.constant 16383 : i32
    %and3A_189 = vector.broadcast %and3A_188 : i32 to vector<16xi32>
    %and3A_190 = arith.andi %get3A_178, %and3A_189 : vector<16xi32>
    %swap3A_191 = arith.constant 0 : i32
    %swap3A_192 = arith.index_cast %swap3A_191 : i32 to index
    %swap3A_193 = arith.constant 112 : index
    %swap3A_194 = tpu.vector_load %arg7[%swap3A_192, %swap3A_193] {strides = array<i32>} : memref<2x128xi32, #tpu.memory_space<vmem>>, vector<1x16xi32>,
    %swap3A_195 = vector.shape_cast %swap3A_194 : vector<1x16xi32> to vector<16xi32>
    %swap3A_196 = vector.shape_cast %and3A_190 : vector<16xi32> to vector<1x16xi32>
    tpu.vector_store %arg7[%swap3A_192, %swap3A_193], %swap3A_196 {strides = array<i32>} : memref<2x128xi32, #tpu.memory_space<vmem>>, vector<1x16xi32>,
    %dma_start3A = arith.constant 0 : i32
    %dma_start3A_197 = arith.constant 0 : i32
    %dma_start3A_198 = tpu.memref_slice %arg6[%dma_start3A, %dma_start3A_197] : memref<2x128xi32, #tpu.memory_space<vmem>> -> memref<1x128xi32, #tpu.memory_space<vmem>>
    %dma_start3A_199 = tpu.memref_squeeze %dma_start3A_198 : memref<1x128xi32, #tpu.memory_space<vmem>> -> memref<128xi32, #tpu.memory_space<vmem>>
    %dma_start3A_200 = arith.constant 0 : i32
    %dma_start3A_201 = arith.constant 0 : i32
    %dma_start3A_202 = tpu.memref_slice %arg2[%arg0, %dma_start3A_200, %dma_start3A_201] : memref<2x10000x128xf32, #tpu.memory_space<hbm>> -> memref<1x10000x128xf32, #tpu.memory_space<hbm>>
    %dma_start3A_203 = tpu.memref_squeeze %dma_start3A_202 : memref<1x10000x128xf32, #tpu.memory_space<hbm>> -> memref<10000x128xf32, #tpu.memory_space<hbm>>
    %dma_start3A_204 = arith.constant 0 : i32
    %dma_start3A_205 = arith.constant 0 : i32
    %dma_start3A_206 = tpu.memref_slice %dma_start3A_203[%dma_start3A_204, %dma_start3A_205] : memref<10000x128xf32, #tpu.memory_space<hbm>> -> memref<10000x128xf32, #tpu.memory_space<hbm>>
    tpu.enqueue_indirect_dma source(%dma_start3A_206 : memref<10000x128xf32, #tpu.memory_space<hbm>>) target(%arg8 : memref<128x128xf32, #tpu.memory_space<vmem>>) offsets(%dma_start3A_199 : memref<128xi32, #tpu.memory_space<vmem>>) semaphore(%arg11 : memref<!tpu.dma_semaphore, #tpu.memory_space<semaphore_mem>>)
    %scan3A_207 = arith.constant 0 : i32
    %scan3A_208 = arith.constant 0 : i32
    %scan3A_209 = arith.constant 40 : i32
    %scan3A_210 = arith.addi %scan3A_208, %scan3A_209 : i32
    %scan3A_211 = arith.constant 1 : i32
    scf.for %scan3A_214 = %scan3A_208 to %scan3A_210 step %scan3A_211  : i32 {
      %mul3A_215 = arith.constant 2 : i32
      %mul3A_216 = arith.muli %mul3A_215, %scan3A_214 : i32
      %add3A_217 = arith.constant 1 : i32
      %add3A_218 = arith.addi %mul3A_216, %add3A_217 : i32
      %get3A_219 = arith.index_cast %add3A_218 : i32 to index
      %get3A_220 = arith.constant 0 : index
      %get3A_221 = tpu.vector_load %arg5[%get3A_219, %get3A_220] {strides = array<i32>} : memref<80x128xi32, #tpu.memory_space<vmem>>, vector<1x16xi32>,
      %get3A_222 = vector.shape_cast %get3A_221 : vector<1x16xi32> to vector<16xi32>
      %shift_right_logical3A_223 = arith.constant 14 : i32
      %shift_right_logical3A_224 = vector.broadcast %shift_right_logical3A_223 : i32 to vector<16xi32>
      %shift_right_logical3A_225 = arith.shrui %get3A_222, %shift_right_logical3A_224 : vector<16xi32>
      %swap3A_226 = arith.constant 1 : i32
      %swap3A_227 = arith.index_cast %swap3A_226 : i32 to index
      %swap3A_228 = arith.constant 0 : index
      %swap3A_229 = tpu.vector_load %arg6[%swap3A_227, %swap3A_228] {strides = array<i32>} : memref<2x128xi32, #tpu.memory_space<vmem>>, vector<1x16xi32>,
      %swap3A_230 = vector.shape_cast %swap3A_229 : vector<1x16xi32> to vector<16xi32>
      %swap3A_231 = vector.shape_cast %shift_right_logical3A_225 : vector<16xi32> to vector<1x16xi32>
      tpu.vector_store %arg6[%swap3A_227, %swap3A_228], %swap3A_231 {strides = array<i32>} : memref<2x128xi32, #tpu.memory_space<vmem>>, vector<1x16xi32>,
      %and3A_232 = arith.constant 16383 : i32
      %and3A_233 = vector.broadcast %and3A_232 : i32 to vector<16xi32>
      %and3A_234 = arith.andi %get3A_222, %and3A_233 : vector<16xi32>
      %swap3A_235 = arith.constant 1 : i32
      %swap3A_236 = arith.index_cast %swap3A_235 : i32 to index
      %swap3A_237 = arith.constant 0 : index
      %swap3A_238 = tpu.vector_load %arg7[%swap3A_236, %swap3A_237] {strides = array<i32>} : memref<2x128xi32, #tpu.memory_space<vmem>>, vector<1x16xi32>,
      %swap3A_239 = vector.shape_cast %swap3A_238 : vector<1x16xi32> to vector<16xi32>
      %swap3A_240 = vector.shape_cast %and3A_234 : vector<16xi32> to vector<1x16xi32>
      tpu.vector_store %arg7[%swap3A_236, %swap3A_237], %swap3A_240 {strides = array<i32>} : memref<2x128xi32, #tpu.memory_space<vmem>>, vector<1x16xi32>,
      %get3A_241 = arith.index_cast %add3A_218 : i32 to index
      %get3A_242 = arith.constant 16 : index
      %get3A_243 = tpu.vector_load %arg5[%get3A_241, %get3A_242] {strides = array<i32>} : memref<80x128xi32, #tpu.memory_space<vmem>>, vector<1x16xi32>,
      %get3A_244 = vector.shape_cast %get3A_243 : vector<1x16xi32> to vector<16xi32>
      %shift_right_logical3A_245 = arith.constant 14 : i32
      %shift_right_logical3A_246 = vector.broadcast %shift_right_logical3A_245 : i32 to vector<16xi32>
      %shift_right_logical3A_247 = arith.shrui %get3A_244, %shift_right_logical3A_246 : vector<16xi32>
      %swap3A_248 = arith.constant 1 : i32
      %swap3A_249 = arith.index_cast %swap3A_248 : i32 to index
      %swap3A_250 = arith.constant 16 : index
      %swap3A_251 = tpu.vector_load %arg6[%swap3A_249, %swap3A_250] {strides = array<i32>} : memref<2x128xi32, #tpu.memory_space<vmem>>, vector<1x16xi32>,
      %swap3A_252 = vector.shape_cast %swap3A_251 : vector<1x16xi32> to vector<16xi32>
      %swap3A_253 = vector.shape_cast %shift_right_logical3A_247 : vector<16xi32> to vector<1x16xi32>
      tpu.vector_store %arg6[%swap3A_249, %swap3A_250], %swap3A_253 {strides = array<i32>} : memref<2x128xi32, #tpu.memory_space<vmem>>, vector<1x16xi32>,
      %and3A_254 = arith.constant 16383 : i32
      %and3A_255 = vector.broadcast %and3A_254 : i32 to vector<16xi32>
      %and3A_256 = arith.andi %get3A_244, %and3A_255 : vector<16xi32>
      %swap3A_257 = arith.constant 1 : i32
      %swap3A_258 = arith.index_cast %swap3A_257 : i32 to index
      %swap3A_259 = arith.constant 16 : index
      %swap3A_260 = tpu.vector_load %arg7[%swap3A_258, %swap3A_259] {strides = array<i32>} : memref<2x128xi32, #tpu.memory_space<vmem>>, vector<1x16xi32>,
      %swap3A_261 = vector.shape_cast %swap3A_260 : vector<1x16xi32> to vector<16xi32>
      %swap3A_262 = vector.shape_cast %and3A_256 : vector<16xi32> to vector<1x16xi32>
      tpu.vector_store %arg7[%swap3A_258, %swap3A_259], %swap3A_262 {strides = array<i32>} : memref<2x128xi32, #tpu.memory_space<vmem>>, vector<1x16xi32>,
      %get3A_263 = arith.index_cast %add3A_218 : i32 to index
      %get3A_264 = arith.constant 32 : index
      %get3A_265 = tpu.vector_load %arg5[%get3A_263, %get3A_264] {strides = array<i32>} : memref<80x128xi32, #tpu.memory_space<vmem>>, vector<1x16xi32>,
      %get3A_266 = vector.shape_cast %get3A_265 : vector<1x16xi32> to vector<16xi32>
      %shift_right_logical3A_267 = arith.constant 14 : i32
      %shift_right_logical3A_268 = vector.broadcast %shift_right_logical3A_267 : i32 to vector<16xi32>
      %shift_right_logical3A_269 = arith.shrui %get3A_266, %shift_right_logical3A_268 : vector<16xi32>
      %swap3A_270 = arith.constant 1 : i32
      %swap3A_271 = arith.index_cast %swap3A_270 : i32 to index
      %swap3A_272 = arith.constant 32 : index
      %swap3A_273 = tpu.vector_load %arg6[%swap3A_271, %swap3A_272] {strides = array<i32>} : memref<2x128xi32, #tpu.memory_space<vmem>>, vector<1x16xi32>,
      %swap3A_274 = vector.shape_cast %swap3A_273 : vector<1x16xi32> to vector<16xi32>
      %swap3A_275 = vector.shape_cast %shift_right_logical3A_269 : vector<16xi32> to vector<1x16xi32>
      tpu.vector_store %arg6[%swap3A_271, %swap3A_272], %swap3A_275 {strides = array<i32>} : memref<2x128xi32, #tpu.memory_space<vmem>>, vector<1x16xi32>,
      %and3A_276 = arith.constant 16383 : i32
      %and3A_277 = vector.broadcast %and3A_276 : i32 to vector<16xi32>
      %and3A_278 = arith.andi %get3A_266, %and3A_277 : vector<16xi32>
      %swap3A_279 = arith.constant 1 : i32
      %swap3A_280 = arith.index_cast %swap3A_279 : i32 to index
      %swap3A_281 = arith.constant 32 : index
      %swap3A_282 = tpu.vector_load %arg7[%swap3A_280, %swap3A_281] {strides = array<i32>} : memref<2x128xi32, #tpu.memory_space<vmem>>, vector<1x16xi32>,
      %swap3A_283 = vector.shape_cast %swap3A_282 : vector<1x16xi32> to vector<16xi32>
      %swap3A_284 = vector.shape_cast %and3A_278 : vector<16xi32> to vector<1x16xi32>
      tpu.vector_store %arg7[%swap3A_280, %swap3A_281], %swap3A_284 {strides = array<i32>} : memref<2x128xi32, #tpu.memory_space<vmem>>, vector<1x16xi32>,
      %get3A_285 = arith.index_cast %add3A_218 : i32 to index
      %get3A_286 = arith.constant 48 : index
      %get3A_287 = tpu.vector_load %arg5[%get3A_285, %get3A_286] {strides = array<i32>} : memref<80x128xi32, #tpu.memory_space<vmem>>, vector<1x16xi32>,
      %get3A_288 = vector.shape_cast %get3A_287 : vector<1x16xi32> to vector<16xi32>
      %shift_right_logical3A_289 = arith.constant 14 : i32
      %shift_right_logical3A_290 = vector.broadcast %shift_right_logical3A_289 : i32 to vector<16xi32>
      %shift_right_logical3A_291 = arith.shrui %get3A_288, %shift_right_logical3A_290 : vector<16xi32>
      %swap3A_292 = arith.constant 1 : i32
      %swap3A_293 = arith.index_cast %swap3A_292 : i32 to index
      %swap3A_294 = arith.constant 48 : index
      %swap3A_295 = tpu.vector_load %arg6[%swap3A_293, %swap3A_294] {strides = array<i32>} : memref<2x128xi32, #tpu.memory_space<vmem>>, vector<1x16xi32>,
      %swap3A_296 = vector.shape_cast %swap3A_295 : vector<1x16xi32> to vector<16xi32>
      %swap3A_297 = vector.shape_cast %shift_right_logical3A_291 : vector<16xi32> to vector<1x16xi32>
      tpu.vector_store %arg6[%swap3A_293, %swap3A_294], %swap3A_297 {strides = array<i32>} : memref<2x128xi32, #tpu.memory_space<vmem>>, vector<1x16xi32>,
      %and3A_298 = arith.constant 16383 : i32
      %and3A_299 = vector.broadcast %and3A_298 : i32 to vector<16xi32>
      %and3A_300 = arith.andi %get3A_288, %and3A_299 : vector<16xi32>
      %swap3A_301 = arith.constant 1 : i32
      %swap3A_302 = arith.index_cast %swap3A_301 : i32 to index
      %swap3A_303 = arith.constant 48 : index
      %swap3A_304 = tpu.vector_load %arg7[%swap3A_302, %swap3A_303] {strides = array<i32>} : memref<2x128xi32, #tpu.memory_space<vmem>>, vector<1x16xi32>,
      %swap3A_305 = vector.shape_cast %swap3A_304 : vector<1x16xi32> to vector<16xi32>
      %swap3A_306 = vector.shape_cast %and3A_300 : vector<16xi32> to vector<1x16xi32>
      tpu.vector_store %arg7[%swap3A_302, %swap3A_303], %swap3A_306 {strides = array<i32>} : memref<2x128xi32, #tpu.memory_space<vmem>>, vector<1x16xi32>,
      %get3A_307 = arith.index_cast %add3A_218 : i32 to index
      %get3A_308 = arith.constant 64 : index
      %get3A_309 = tpu.vector_load %arg5[%get3A_307, %get3A_308] {strides = array<i32>} : memref<80x128xi32, #tpu.memory_space<vmem>>, vector<1x16xi32>,
      %get3A_310 = vector.shape_cast %get3A_309 : vector<1x16xi32> to vector<16xi32>
      %shift_right_logical3A_311 = arith.constant 14 : i32
      %shift_right_logical3A_312 = vector.broadcast %shift_right_logical3A_311 : i32 to vector<16xi32>
      %shift_right_logical3A_313 = arith.shrui %get3A_310, %shift_right_logical3A_312 : vector<16xi32>
      %swap3A_314 = arith.constant 1 : i32
      %swap3A_315 = arith.index_cast %swap3A_314 : i32 to index
      %swap3A_316 = arith.constant 64 : index
      %swap3A_317 = tpu.vector_load %arg6[%swap3A_315, %swap3A_316] {strides = array<i32>} : memref<2x128xi32, #tpu.memory_space<vmem>>, vector<1x16xi32>,
      %swap3A_318 = vector.shape_cast %swap3A_317 : vector<1x16xi32> to vector<16xi32>
      %swap3A_319 = vector.shape_cast %shift_right_logical3A_313 : vector<16xi32> to vector<1x16xi32>
      tpu.vector_store %arg6[%swap3A_315, %swap3A_316], %swap3A_319 {strides = array<i32>} : memref<2x128xi32, #tpu.memory_space<vmem>>, vector<1x16xi32>,
      %and3A_320 = arith.constant 16383 : i32
      %and3A_321 = vector.broadcast %and3A_320 : i32 to vector<16xi32>
      %and3A_322 = arith.andi %get3A_310, %and3A_321 : vector<16xi32>
      %swap3A_323 = arith.constant 1 : i32
      %swap3A_324 = arith.index_cast %swap3A_323 : i32 to index
      %swap3A_325 = arith.constant 64 : index
      %swap3A_326 = tpu.vector_load %arg7[%swap3A_324, %swap3A_325] {strides = array<i32>} : memref<2x128xi32, #tpu.memory_space<vmem>>, vector<1x16xi32>,
      %swap3A_327 = vector.shape_cast %swap3A_326 : vector<1x16xi32> to vector<16xi32>
      %swap3A_328 = vector.shape_cast %and3A_322 : vector<16xi32> to vector<1x16xi32>
      tpu.vector_store %arg7[%swap3A_324, %swap3A_325], %swap3A_328 {strides = array<i32>} : memref<2x128xi32, #tpu.memory_space<vmem>>, vector<1x16xi32>,
      %get3A_329 = arith.index_cast %add3A_218 : i32 to index
      %get3A_330 = arith.constant 80 : index
      %get3A_331 = tpu.vector_load %arg5[%get3A_329, %get3A_330] {strides = array<i32>} : memref<80x128xi32, #tpu.memory_space<vmem>>, vector<1x16xi32>,
      %get3A_332 = vector.shape_cast %get3A_331 : vector<1x16xi32> to vector<16xi32>
      %shift_right_logical3A_333 = arith.constant 14 : i32
      %shift_right_logical3A_334 = vector.broadcast %shift_right_logical3A_333 : i32 to vector<16xi32>
      %shift_right_logical3A_335 = arith.shrui %get3A_332, %shift_right_logical3A_334 : vector<16xi32>
      %swap3A_336 = arith.constant 1 : i32
      %swap3A_337 = arith.index_cast %swap3A_336 : i32 to index
      %swap3A_338 = arith.constant 80 : index
      %swap3A_339 = tpu.vector_load %arg6[%swap3A_337, %swap3A_338] {strides = array<i32>} : memref<2x128xi32, #tpu.memory_space<vmem>>, vector<1x16xi32>,
      %swap3A_340 = vector.shape_cast %swap3A_339 : vector<1x16xi32> to vector<16xi32>
      %swap3A_341 = vector.shape_cast %shift_right_logical3A_335 : vector<16xi32> to vector<1x16xi32>
      tpu.vector_store %arg6[%swap3A_337, %swap3A_338], %swap3A_341 {strides = array<i32>} : memref<2x128xi32, #tpu.memory_space<vmem>>, vector<1x16xi32>,
      %and3A_342 = arith.constant 16383 : i32
      %and3A_343 = vector.broadcast %and3A_342 : i32 to vector<16xi32>
      %and3A_344 = arith.andi %get3A_332, %and3A_343 : vector<16xi32>
      %swap3A_345 = arith.constant 1 : i32
      %swap3A_346 = arith.index_cast %swap3A_345 : i32 to index
      %swap3A_347 = arith.constant 80 : index
      %swap3A_348 = tpu.vector_load %arg7[%swap3A_346, %swap3A_347] {strides = array<i32>} : memref<2x128xi32, #tpu.memory_space<vmem>>, vector<1x16xi32>,
      %swap3A_349 = vector.shape_cast %swap3A_348 : vector<1x16xi32> to vector<16xi32>
      %swap3A_350 = vector.shape_cast %and3A_344 : vector<16xi32> to vector<1x16xi32>
      tpu.vector_store %arg7[%swap3A_346, %swap3A_347], %swap3A_350 {strides = array<i32>} : memref<2x128xi32, #tpu.memory_space<vmem>>, vector<1x16xi32>,
      %get3A_351 = arith.index_cast %add3A_218 : i32 to index
      %get3A_352 = arith.constant 96 : index
      %get3A_353 = tpu.vector_load %arg5[%get3A_351, %get3A_352] {strides = array<i32>} : memref<80x128xi32, #tpu.memory_space<vmem>>, vector<1x16xi32>,
      %get3A_354 = vector.shape_cast %get3A_353 : vector<1x16xi32> to vector<16xi32>
      %shift_right_logical3A_355 = arith.constant 14 : i32
      %shift_right_logical3A_356 = vector.broadcast %shift_right_logical3A_355 : i32 to vector<16xi32>
      %shift_right_logical3A_357 = arith.shrui %get3A_354, %shift_right_logical3A_356 : vector<16xi32>
      %swap3A_358 = arith.constant 1 : i32
      %swap3A_359 = arith.index_cast %swap3A_358 : i32 to index
      %swap3A_360 = arith.constant 96 : index
      %swap3A_361 = tpu.vector_load %arg6[%swap3A_359, %swap3A_360] {strides = array<i32>} : memref<2x128xi32, #tpu.memory_space<vmem>>, vector<1x16xi32>,
      %swap3A_362 = vector.shape_cast %swap3A_361 : vector<1x16xi32> to vector<16xi32>
      %swap3A_363 = vector.shape_cast %shift_right_logical3A_357 : vector<16xi32> to vector<1x16xi32>
      tpu.vector_store %arg6[%swap3A_359, %swap3A_360], %swap3A_363 {strides = array<i32>} : memref<2x128xi32, #tpu.memory_space<vmem>>, vector<1x16xi32>,
      %and3A_364 = arith.constant 16383 : i32
      %and3A_365 = vector.broadcast %and3A_364 : i32 to vector<16xi32>
      %and3A_366 = arith.andi %get3A_354, %and3A_365 : vector<16xi32>
      %swap3A_367 = arith.constant 1 : i32
      %swap3A_368 = arith.index_cast %swap3A_367 : i32 to index
      %swap3A_369 = arith.constant 96 : index
      %swap3A_370 = tpu.vector_load %arg7[%swap3A_368, %swap3A_369] {strides = array<i32>} : memref<2x128xi32, #tpu.memory_space<vmem>>, vector<1x16xi32>,
      %swap3A_371 = vector.shape_cast %swap3A_370 : vector<1x16xi32> to vector<16xi32>
      %swap3A_372 = vector.shape_cast %and3A_366 : vector<16xi32> to vector<1x16xi32>
      tpu.vector_store %arg7[%swap3A_368, %swap3A_369], %swap3A_372 {strides = array<i32>} : memref<2x128xi32, #tpu.memory_space<vmem>>, vector<1x16xi32>,
      %get3A_373 = arith.index_cast %add3A_218 : i32 to index
      %get3A_374 = arith.constant 112 : index
      %get3A_375 = tpu.vector_load %arg5[%get3A_373, %get3A_374] {strides = array<i32>} : memref<80x128xi32, #tpu.memory_space<vmem>>, vector<1x16xi32>,
      %get3A_376 = vector.shape_cast %get3A_375 : vector<1x16xi32> to vector<16xi32>
      %shift_right_logical3A_377 = arith.constant 14 : i32
      %shift_right_logical3A_378 = vector.broadcast %shift_right_logical3A_377 : i32 to vector<16xi32>
      %shift_right_logical3A_379 = arith.shrui %get3A_376, %shift_right_logical3A_378 : vector<16xi32>
      %swap3A_380 = arith.constant 1 : i32
      %swap3A_381 = arith.index_cast %swap3A_380 : i32 to index
      %swap3A_382 = arith.constant 112 : index
      %swap3A_383 = tpu.vector_load %arg6[%swap3A_381, %swap3A_382] {strides = array<i32>} : memref<2x128xi32, #tpu.memory_space<vmem>>, vector<1x16xi32>,
      %swap3A_384 = vector.shape_cast %swap3A_383 : vector<1x16xi32> to vector<16xi32>
      %swap3A_385 = vector.shape_cast %shift_right_logical3A_379 : vector<16xi32> to vector<1x16xi32>
      tpu.vector_store %arg6[%swap3A_381, %swap3A_382], %swap3A_385 {strides = array<i32>} : memref<2x128xi32, #tpu.memory_space<vmem>>, vector<1x16xi32>,
      %and3A_386 = arith.constant 16383 : i32
      %and3A_387 = vector.broadcast %and3A_386 : i32 to vector<16xi32>
      %and3A_388 = arith.andi %get3A_376, %and3A_387 : vector<16xi32>
      %swap3A_389 = arith.constant 1 : i32
      %swap3A_390 = arith.index_cast %swap3A_389 : i32 to index
      %swap3A_391 = arith.constant 112 : index
      %swap3A_392 = tpu.vector_load %arg7[%swap3A_390, %swap3A_391] {strides = array<i32>} : memref<2x128xi32, #tpu.memory_space<vmem>>, vector<1x16xi32>,
      %swap3A_393 = vector.shape_cast %swap3A_392 : vector<1x16xi32> to vector<16xi32>
      %swap3A_394 = vector.shape_cast %and3A_388 : vector<16xi32> to vector<1x16xi32>
      tpu.vector_store %arg7[%swap3A_390, %swap3A_391], %swap3A_394 {strides = array<i32>} : memref<2x128xi32, #tpu.memory_space<vmem>>, vector<1x16xi32>,
      %dma_start3A_395 = arith.constant 1 : i32
      %dma_start3A_396 = arith.constant 0 : i32
      %dma_start3A_397 = tpu.memref_slice %arg6[%dma_start3A_395, %dma_start3A_396] : memref<2x128xi32, #tpu.memory_space<vmem>> -> memref<1x128xi32, #tpu.memory_space<vmem>>
      %dma_start3A_398 = tpu.memref_squeeze %dma_start3A_397 : memref<1x128xi32, #tpu.memory_space<vmem>> -> memref<128xi32, #tpu.memory_space<vmem>>
      %dma_start3A_399 = arith.constant 0 : i32
      %dma_start3A_400 = arith.constant 0 : i32
      %dma_start3A_401 = tpu.memref_slice %arg2[%arg0, %dma_start3A_399, %dma_start3A_400] : memref<2x10000x128xf32, #tpu.memory_space<hbm>> -> memref<1x10000x128xf32, #tpu.memory_space<hbm>>
      %dma_start3A_402 = tpu.memref_squeeze %dma_start3A_401 : memref<1x10000x128xf32, #tpu.memory_space<hbm>> -> memref<10000x128xf32, #tpu.memory_space<hbm>>
      %dma_start3A_403 = arith.constant 0 : i32
      %dma_start3A_404 = arith.constant 0 : i32
      %dma_start3A_405 = tpu.memref_slice %dma_start3A_402[%dma_start3A_403, %dma_start3A_404] : memref<10000x128xf32, #tpu.memory_space<hbm>> -> memref<10000x128xf32, #tpu.memory_space<hbm>>
      tpu.enqueue_indirect_dma source(%dma_start3A_405 : memref<10000x128xf32, #tpu.memory_space<hbm>>) target(%arg9 : memref<128x128xf32, #tpu.memory_space<vmem>>) offsets(%dma_start3A_398 : memref<128xi32, #tpu.memory_space<vmem>>) semaphore(%arg12 : memref<!tpu.dma_semaphore, #tpu.memory_space<semaphore_mem>>)
      %dma_wait3A = arith.constant 0 : i32
      %dma_wait3A_406 = arith.constant 0 : i32
      %dma_wait3A_407 = tpu.memref_slice %arg6[%dma_wait3A, %dma_wait3A_406] : memref<2x128xi32, #tpu.memory_space<vmem>> -> memref<1x128xi32, #tpu.memory_space<vmem>>
      %dma_wait3A_408 = tpu.memref_squeeze %dma_wait3A_407 : memref<1x128xi32, #tpu.memory_space<vmem>> -> memref<128xi32, #tpu.memory_space<vmem>>
      %dma_wait3A_409 = arith.constant 0 : i32
      %dma_wait3A_410 = arith.constant 0 : i32
      %dma_wait3A_411 = tpu.memref_slice %arg2[%arg0, %dma_wait3A_409, %dma_wait3A_410] : memref<2x10000x128xf32, #tpu.memory_space<hbm>> -> memref<1x10000x128xf32, #tpu.memory_space<hbm>>
      %dma_wait3A_412 = tpu.memref_squeeze %dma_wait3A_411 : memref<1x10000x128xf32, #tpu.memory_space<hbm>> -> memref<10000x128xf32, #tpu.memory_space<hbm>>
      %dma_wait3A_413 = arith.constant 0 : i32
      %dma_wait3A_414 = arith.constant 0 : i32
      %dma_wait3A_415 = tpu.memref_slice %dma_wait3A_412[%dma_wait3A_413, %dma_wait3A_414] : memref<10000x128xf32, #tpu.memory_space<hbm>> -> memref<10000x128xf32, #tpu.memory_space<hbm>>
      tpu.wait_indirect_dma semaphore(%arg11 : memref<!tpu.dma_semaphore, #tpu.memory_space<semaphore_mem>>) src(%dma_wait3A_415 : memref<10000x128xf32, #tpu.memory_space<hbm>>) dst(%arg8 : memref<128x128xf32, #tpu.memory_space<vmem>>)
      %run_scoped3A = arith.constant 0 : i32
      "tpu.region"() ({
        %run_scoped3A_432 = tpu.sem_alloc : memref<!tpu.dma_semaphore, #tpu.memory_space<semaphore_mem>>
        %dma_start3A_433 = arith.constant 0 : i32
        %dma_start3A_434 = tpu.memref_slice %arg7[%run_scoped3A, %dma_start3A_433] : memref<2x128xi32, #tpu.memory_space<vmem>> -> memref<1x128xi32, #tpu.memory_space<vmem>>
        %dma_start3A_435 = tpu.memref_squeeze %dma_start3A_434 : memref<1x128xi32, #tpu.memory_space<vmem>> -> memref<128xi32, #tpu.memory_space<vmem>>
        %dma_start3A_436 = arith.constant 0 : i32
        %dma_start3A_437 = arith.constant 0 : i32
        %dma_start3A_438 = tpu.memref_slice %arg10[%dma_start3A_436, %dma_start3A_437] : memref<10112x128xf32, #tpu.memory_space<vmem_shared>> -> memref<10112x128xf32, #tpu.memory_space<vmem_shared>>
        tpu.enqueue_indirect_dma source(%arg8 : memref<128x128xf32, #tpu.memory_space<vmem>>) target(%dma_start3A_438 : memref<10112x128xf32, #tpu.memory_space<vmem_shared>>) offsets(%dma_start3A_435 : memref<128xi32, #tpu.memory_space<vmem>>) semaphore(%run_scoped3A_432 : memref<!tpu.dma_semaphore, #tpu.memory_space<semaphore_mem>>) {add = true}
        %dma_wait3A_439 = arith.constant 0 : i32
        %dma_wait3A_440 = tpu.memref_slice %arg7[%run_scoped3A, %dma_wait3A_439] : memref<2x128xi32, #tpu.memory_space<vmem>> -> memref<1x128xi32, #tpu.memory_space<vmem>>
        %dma_wait3A_441 = tpu.memref_squeeze %dma_wait3A_440 : memref<1x128xi32, #tpu.memory_space<vmem>> -> memref<128xi32, #tpu.memory_space<vmem>>
        %dma_wait3A_442 = arith.constant 0 : i32
        %dma_wait3A_443 = arith.constant 0 : i32
        %dma_wait3A_444 = tpu.memref_slice %arg10[%dma_wait3A_442, %dma_wait3A_443] : memref<10112x128xf32, #tpu.memory_space<vmem_shared>> -> memref<10112x128xf32, #tpu.memory_space<vmem_shared>>
        tpu.wait_indirect_dma semaphore(%run_scoped3A_432 : memref<!tpu.dma_semaphore, #tpu.memory_space<semaphore_mem>>) src(%arg8 : memref<128x128xf32, #tpu.memory_space<vmem>>) dst(%dma_wait3A_444 : memref<10112x128xf32, #tpu.memory_space<vmem_shared>>)
        tpu.yield
      }) : () -> ()
      %add3A_416 = arith.constant 2 : i32
      %add3A_417 = arith.addi %mul3A_216, %add3A_416 : i32
      %lt3A = arith.constant 80 : i32
      %lt3A_418 = arith.cmpi slt, %add3A_417, %lt3A : i32
      %convert_element_type3A = arith.extui %lt3A_418 : i1 to i32
      %cond3A = arith.constant 0 : i32
      %cond3A_419 = arith.cmpi ne, %convert_element_type3A, %cond3A : i32
      scf.if %cond3A_419 {
        %add3A_432 = arith.constant 2 : i32
        %add3A_433 = arith.addi %mul3A_216, %add3A_432 : i32
        %get3A_434 = arith.index_cast %add3A_433 : i32 to index
        %get3A_435 = arith.constant 0 : index
        %get3A_436 = tpu.vector_load %arg5[%get3A_434, %get3A_435] {strides = array<i32>} : memref<80x128xi32, #tpu.memory_space<vmem>>, vector<1x16xi32>,
        %get3A_437 = vector.shape_cast %get3A_436 : vector<1x16xi32> to vector<16xi32>
        %shift_right_logical3A_438 = arith.constant 14 : i32
        %shift_right_logical3A_439 = vector.broadcast %shift_right_logical3A_438 : i32 to vector<16xi32>
        %shift_right_logical3A_440 = arith.shrui %get3A_437, %shift_right_logical3A_439 : vector<16xi32>
        %swap3A_441 = arith.constant 0 : i32
        %swap3A_442 = arith.index_cast %swap3A_441 : i32 to index
        %swap3A_443 = arith.constant 0 : index
        %swap3A_444 = tpu.vector_load %arg6[%swap3A_442, %swap3A_443] {strides = array<i32>} : memref<2x128xi32, #tpu.memory_space<vmem>>, vector<1x16xi32>,
        %swap3A_445 = vector.shape_cast %swap3A_444 : vector<1x16xi32> to vector<16xi32>
        %swap3A_446 = vector.shape_cast %shift_right_logical3A_440 : vector<16xi32> to vector<1x16xi32>
        tpu.vector_store %arg6[%swap3A_442, %swap3A_443], %swap3A_446 {strides = array<i32>} : memref<2x128xi32, #tpu.memory_space<vmem>>, vector<1x16xi32>,
        %and3A_447 = arith.constant 16383 : i32
        %and3A_448 = vector.broadcast %and3A_447 : i32 to vector<16xi32>
        %and3A_449 = arith.andi %get3A_437, %and3A_448 : vector<16xi32>
        %swap3A_450 = arith.constant 0 : i32
        %swap3A_451 = arith.index_cast %swap3A_450 : i32 to index
        %swap3A_452 = arith.constant 0 : index
        %swap3A_453 = tpu.vector_load %arg7[%swap3A_451, %swap3A_452] {strides = array<i32>} : memref<2x128xi32, #tpu.memory_space<vmem>>, vector<1x16xi32>,
        %swap3A_454 = vector.shape_cast %swap3A_453 : vector<1x16xi32> to vector<16xi32>
        %swap3A_455 = vector.shape_cast %and3A_449 : vector<16xi32> to vector<1x16xi32>
        tpu.vector_store %arg7[%swap3A_451, %swap3A_452], %swap3A_455 {strides = array<i32>} : memref<2x128xi32, #tpu.memory_space<vmem>>, vector<1x16xi32>,
        %get3A_456 = arith.index_cast %add3A_433 : i32 to index
        %get3A_457 = arith.constant 16 : index
        %get3A_458 = tpu.vector_load %arg5[%get3A_456, %get3A_457] {strides = array<i32>} : memref<80x128xi32, #tpu.memory_space<vmem>>, vector<1x16xi32>,
        %get3A_459 = vector.shape_cast %get3A_458 : vector<1x16xi32> to vector<16xi32>
        %shift_right_logical3A_460 = arith.constant 14 : i32
        %shift_right_logical3A_461 = vector.broadcast %shift_right_logical3A_460 : i32 to vector<16xi32>
        %shift_right_logical3A_462 = arith.shrui %get3A_459, %shift_right_logical3A_461 : vector<16xi32>
        %swap3A_463 = arith.constant 0 : i32
        %swap3A_464 = arith.index_cast %swap3A_463 : i32 to index
        %swap3A_465 = arith.constant 16 : index
        %swap3A_466 = tpu.vector_load %arg6[%swap3A_464, %swap3A_465] {strides = array<i32>} : memref<2x128xi32, #tpu.memory_space<vmem>>, vector<1x16xi32>,
        %swap3A_467 = vector.shape_cast %swap3A_466 : vector<1x16xi32> to vector<16xi32>
        %swap3A_468 = vector.shape_cast %shift_right_logical3A_462 : vector<16xi32> to vector<1x16xi32>
        tpu.vector_store %arg6[%swap3A_464, %swap3A_465], %swap3A_468 {strides = array<i32>} : memref<2x128xi32, #tpu.memory_space<vmem>>, vector<1x16xi32>,
        %and3A_469 = arith.constant 16383 : i32
        %and3A_470 = vector.broadcast %and3A_469 : i32 to vector<16xi32>
        %and3A_471 = arith.andi %get3A_459, %and3A_470 : vector<16xi32>
        %swap3A_472 = arith.constant 0 : i32
        %swap3A_473 = arith.index_cast %swap3A_472 : i32 to index
        %swap3A_474 = arith.constant 16 : index
        %swap3A_475 = tpu.vector_load %arg7[%swap3A_473, %swap3A_474] {strides = array<i32>} : memref<2x128xi32, #tpu.memory_space<vmem>>, vector<1x16xi32>,
        %swap3A_476 = vector.shape_cast %swap3A_475 : vector<1x16xi32> to vector<16xi32>
        %swap3A_477 = vector.shape_cast %and3A_471 : vector<16xi32> to vector<1x16xi32>
        tpu.vector_store %arg7[%swap3A_473, %swap3A_474], %swap3A_477 {strides = array<i32>} : memref<2x128xi32, #tpu.memory_space<vmem>>, vector<1x16xi32>,
        %get3A_478 = arith.index_cast %add3A_433 : i32 to index
        %get3A_479 = arith.constant 32 : index
        %get3A_480 = tpu.vector_load %arg5[%get3A_478, %get3A_479] {strides = array<i32>} : memref<80x128xi32, #tpu.memory_space<vmem>>, vector<1x16xi32>,
        %get3A_481 = vector.shape_cast %get3A_480 : vector<1x16xi32> to vector<16xi32>
        %shift_right_logical3A_482 = arith.constant 14 : i32
        %shift_right_logical3A_483 = vector.broadcast %shift_right_logical3A_482 : i32 to vector<16xi32>
        %shift_right_logical3A_484 = arith.shrui %get3A_481, %shift_right_logical3A_483 : vector<16xi32>
        %swap3A_485 = arith.constant 0 : i32
        %swap3A_486 = arith.index_cast %swap3A_485 : i32 to index
        %swap3A_487 = arith.constant 32 : index
        %swap3A_488 = tpu.vector_load %arg6[%swap3A_486, %swap3A_487] {strides = array<i32>} : memref<2x128xi32, #tpu.memory_space<vmem>>, vector<1x16xi32>,
        %swap3A_489 = vector.shape_cast %swap3A_488 : vector<1x16xi32> to vector<16xi32>
        %swap3A_490 = vector.shape_cast %shift_right_logical3A_484 : vector<16xi32> to vector<1x16xi32>
        tpu.vector_store %arg6[%swap3A_486, %swap3A_487], %swap3A_490 {strides = array<i32>} : memref<2x128xi32, #tpu.memory_space<vmem>>, vector<1x16xi32>,
        %and3A_491 = arith.constant 16383 : i32
        %and3A_492 = vector.broadcast %and3A_491 : i32 to vector<16xi32>
        %and3A_493 = arith.andi %get3A_481, %and3A_492 : vector<16xi32>
        %swap3A_494 = arith.constant 0 : i32
        %swap3A_495 = arith.index_cast %swap3A_494 : i32 to index
        %swap3A_496 = arith.constant 32 : index
        %swap3A_497 = tpu.vector_load %arg7[%swap3A_495, %swap3A_496] {strides = array<i32>} : memref<2x128xi32, #tpu.memory_space<vmem>>, vector<1x16xi32>,
        %swap3A_498 = vector.shape_cast %swap3A_497 : vector<1x16xi32> to vector<16xi32>
        %swap3A_499 = vector.shape_cast %and3A_493 : vector<16xi32> to vector<1x16xi32>
        tpu.vector_store %arg7[%swap3A_495, %swap3A_496], %swap3A_499 {strides = array<i32>} : memref<2x128xi32, #tpu.memory_space<vmem>>, vector<1x16xi32>,
        %get3A_500 = arith.index_cast %add3A_433 : i32 to index
        %get3A_501 = arith.constant 48 : index
        %get3A_502 = tpu.vector_load %arg5[%get3A_500, %get3A_501] {strides = array<i32>} : memref<80x128xi32, #tpu.memory_space<vmem>>, vector<1x16xi32>,
        %get3A_503 = vector.shape_cast %get3A_502 : vector<1x16xi32> to vector<16xi32>
        %shift_right_logical3A_504 = arith.constant 14 : i32
        %shift_right_logical3A_505 = vector.broadcast %shift_right_logical3A_504 : i32 to vector<16xi32>
        %shift_right_logical3A_506 = arith.shrui %get3A_503, %shift_right_logical3A_505 : vector<16xi32>
        %swap3A_507 = arith.constant 0 : i32
        %swap3A_508 = arith.index_cast %swap3A_507 : i32 to index
        %swap3A_509 = arith.constant 48 : index
        %swap3A_510 = tpu.vector_load %arg6[%swap3A_508, %swap3A_509] {strides = array<i32>} : memref<2x128xi32, #tpu.memory_space<vmem>>, vector<1x16xi32>,
        %swap3A_511 = vector.shape_cast %swap3A_510 : vector<1x16xi32> to vector<16xi32>
        %swap3A_512 = vector.shape_cast %shift_right_logical3A_506 : vector<16xi32> to vector<1x16xi32>
        tpu.vector_store %arg6[%swap3A_508, %swap3A_509], %swap3A_512 {strides = array<i32>} : memref<2x128xi32, #tpu.memory_space<vmem>>, vector<1x16xi32>,
        %and3A_513 = arith.constant 16383 : i32
        %and3A_514 = vector.broadcast %and3A_513 : i32 to vector<16xi32>
        %and3A_515 = arith.andi %get3A_503, %and3A_514 : vector<16xi32>
        %swap3A_516 = arith.constant 0 : i32
        %swap3A_517 = arith.index_cast %swap3A_516 : i32 to index
        %swap3A_518 = arith.constant 48 : index
        %swap3A_519 = tpu.vector_load %arg7[%swap3A_517, %swap3A_518] {strides = array<i32>} : memref<2x128xi32, #tpu.memory_space<vmem>>, vector<1x16xi32>,
        %swap3A_520 = vector.shape_cast %swap3A_519 : vector<1x16xi32> to vector<16xi32>
        %swap3A_521 = vector.shape_cast %and3A_515 : vector<16xi32> to vector<1x16xi32>
        tpu.vector_store %arg7[%swap3A_517, %swap3A_518], %swap3A_521 {strides = array<i32>} : memref<2x128xi32, #tpu.memory_space<vmem>>, vector<1x16xi32>,
        %get3A_522 = arith.index_cast %add3A_433 : i32 to index
        %get3A_523 = arith.constant 64 : index
        %get3A_524 = tpu.vector_load %arg5[%get3A_522, %get3A_523] {strides = array<i32>} : memref<80x128xi32, #tpu.memory_space<vmem>>, vector<1x16xi32>,
        %get3A_525 = vector.shape_cast %get3A_524 : vector<1x16xi32> to vector<16xi32>
        %shift_right_logical3A_526 = arith.constant 14 : i32
        %shift_right_logical3A_527 = vector.broadcast %shift_right_logical3A_526 : i32 to vector<16xi32>
        %shift_right_logical3A_528 = arith.shrui %get3A_525, %shift_right_logical3A_527 : vector<16xi32>
        %swap3A_529 = arith.constant 0 : i32
        %swap3A_530 = arith.index_cast %swap3A_529 : i32 to index
        %swap3A_531 = arith.constant 64 : index
        %swap3A_532 = tpu.vector_load %arg6[%swap3A_530, %swap3A_531] {strides = array<i32>} : memref<2x128xi32, #tpu.memory_space<vmem>>, vector<1x16xi32>,
        %swap3A_533 = vector.shape_cast %swap3A_532 : vector<1x16xi32> to vector<16xi32>
        %swap3A_534 = vector.shape_cast %shift_right_logical3A_528 : vector<16xi32> to vector<1x16xi32>
        tpu.vector_store %arg6[%swap3A_530, %swap3A_531], %swap3A_534 {strides = array<i32>} : memref<2x128xi32, #tpu.memory_space<vmem>>, vector<1x16xi32>,
        %and3A_535 = arith.constant 16383 : i32
        %and3A_536 = vector.broadcast %and3A_535 : i32 to vector<16xi32>
        %and3A_537 = arith.andi %get3A_525, %and3A_536 : vector<16xi32>
        %swap3A_538 = arith.constant 0 : i32
        %swap3A_539 = arith.index_cast %swap3A_538 : i32 to index
        %swap3A_540 = arith.constant 64 : index
        %swap3A_541 = tpu.vector_load %arg7[%swap3A_539, %swap3A_540] {strides = array<i32>} : memref<2x128xi32, #tpu.memory_space<vmem>>, vector<1x16xi32>,
        %swap3A_542 = vector.shape_cast %swap3A_541 : vector<1x16xi32> to vector<16xi32>
        %swap3A_543 = vector.shape_cast %and3A_537 : vector<16xi32> to vector<1x16xi32>
        tpu.vector_store %arg7[%swap3A_539, %swap3A_540], %swap3A_543 {strides = array<i32>} : memref<2x128xi32, #tpu.memory_space<vmem>>, vector<1x16xi32>,
        %get3A_544 = arith.index_cast %add3A_433 : i32 to index
        %get3A_545 = arith.constant 80 : index
        %get3A_546 = tpu.vector_load %arg5[%get3A_544, %get3A_545] {strides = array<i32>} : memref<80x128xi32, #tpu.memory_space<vmem>>, vector<1x16xi32>,
        %get3A_547 = vector.shape_cast %get3A_546 : vector<1x16xi32> to vector<16xi32>
        %shift_right_logical3A_548 = arith.constant 14 : i32
        %shift_right_logical3A_549 = vector.broadcast %shift_right_logical3A_548 : i32 to vector<16xi32>
        %shift_right_logical3A_550 = arith.shrui %get3A_547, %shift_right_logical3A_549 : vector<16xi32>
        %swap3A_551 = arith.constant 0 : i32
        %swap3A_552 = arith.index_cast %swap3A_551 : i32 to index
        %swap3A_553 = arith.constant 80 : index
        %swap3A_554 = tpu.vector_load %arg6[%swap3A_552, %swap3A_553] {strides = array<i32>} : memref<2x128xi32, #tpu.memory_space<vmem>>, vector<1x16xi32>,
        %swap3A_555 = vector.shape_cast %swap3A_554 : vector<1x16xi32> to vector<16xi32>
        %swap3A_556 = vector.shape_cast %shift_right_logical3A_550 : vector<16xi32> to vector<1x16xi32>
        tpu.vector_store %arg6[%swap3A_552, %swap3A_553], %swap3A_556 {strides = array<i32>} : memref<2x128xi32, #tpu.memory_space<vmem>>, vector<1x16xi32>,
        %and3A_557 = arith.constant 16383 : i32
        %and3A_558 = vector.broadcast %and3A_557 : i32 to vector<16xi32>
        %and3A_559 = arith.andi %get3A_547, %and3A_558 : vector<16xi32>
        %swap3A_560 = arith.constant 0 : i32
        %swap3A_561 = arith.index_cast %swap3A_560 : i32 to index
        %swap3A_562 = arith.constant 80 : index
        %swap3A_563 = tpu.vector_load %arg7[%swap3A_561, %swap3A_562] {strides = array<i32>} : memref<2x128xi32, #tpu.memory_space<vmem>>, vector<1x16xi32>,
        %swap3A_564 = vector.shape_cast %swap3A_563 : vector<1x16xi32> to vector<16xi32>
        %swap3A_565 = vector.shape_cast %and3A_559 : vector<16xi32> to vector<1x16xi32>
        tpu.vector_store %arg7[%swap3A_561, %swap3A_562], %swap3A_565 {strides = array<i32>} : memref<2x128xi32, #tpu.memory_space<vmem>>, vector<1x16xi32>,
        %get3A_566 = arith.index_cast %add3A_433 : i32 to index
        %get3A_567 = arith.constant 96 : index
        %get3A_568 = tpu.vector_load %arg5[%get3A_566, %get3A_567] {strides = array<i32>} : memref<80x128xi32, #tpu.memory_space<vmem>>, vector<1x16xi32>,
        %get3A_569 = vector.shape_cast %get3A_568 : vector<1x16xi32> to vector<16xi32>
        %shift_right_logical3A_570 = arith.constant 14 : i32
        %shift_right_logical3A_571 = vector.broadcast %shift_right_logical3A_570 : i32 to vector<16xi32>
        %shift_right_logical3A_572 = arith.shrui %get3A_569, %shift_right_logical3A_571 : vector<16xi32>
        %swap3A_573 = arith.constant 0 : i32
        %swap3A_574 = arith.index_cast %swap3A_573 : i32 to index
        %swap3A_575 = arith.constant 96 : index
        %swap3A_576 = tpu.vector_load %arg6[%swap3A_574, %swap3A_575] {strides = array<i32>} : memref<2x128xi32, #tpu.memory_space<vmem>>, vector<1x16xi32>,
        %swap3A_577 = vector.shape_cast %swap3A_576 : vector<1x16xi32> to vector<16xi32>
        %swap3A_578 = vector.shape_cast %shift_right_logical3A_572 : vector<16xi32> to vector<1x16xi32>
        tpu.vector_store %arg6[%swap3A_574, %swap3A_575], %swap3A_578 {strides = array<i32>} : memref<2x128xi32, #tpu.memory_space<vmem>>, vector<1x16xi32>,
        %and3A_579 = arith.constant 16383 : i32
        %and3A_580 = vector.broadcast %and3A_579 : i32 to vector<16xi32>
        %and3A_581 = arith.andi %get3A_569, %and3A_580 : vector<16xi32>
        %swap3A_582 = arith.constant 0 : i32
        %swap3A_583 = arith.index_cast %swap3A_582 : i32 to index
        %swap3A_584 = arith.constant 96 : index
        %swap3A_585 = tpu.vector_load %arg7[%swap3A_583, %swap3A_584] {strides = array<i32>} : memref<2x128xi32, #tpu.memory_space<vmem>>, vector<1x16xi32>,
        %swap3A_586 = vector.shape_cast %swap3A_585 : vector<1x16xi32> to vector<16xi32>
        %swap3A_587 = vector.shape_cast %and3A_581 : vector<16xi32> to vector<1x16xi32>
        tpu.vector_store %arg7[%swap3A_583, %swap3A_584], %swap3A_587 {strides = array<i32>} : memref<2x128xi32, #tpu.memory_space<vmem>>, vector<1x16xi32>,
        %get3A_588 = arith.index_cast %add3A_433 : i32 to index
        %get3A_589 = arith.constant 112 : index
        %get3A_590 = tpu.vector_load %arg5[%get3A_588, %get3A_589] {strides = array<i32>} : memref<80x128xi32, #tpu.memory_space<vmem>>, vector<1x16xi32>,
        %get3A_591 = vector.shape_cast %get3A_590 : vector<1x16xi32> to vector<16xi32>
        %shift_right_logical3A_592 = arith.constant 14 : i32
        %shift_right_logical3A_593 = vector.broadcast %shift_right_logical3A_592 : i32 to vector<16xi32>
        %shift_right_logical3A_594 = arith.shrui %get3A_591, %shift_right_logical3A_593 : vector<16xi32>
        %swap3A_595 = arith.constant 0 : i32
        %swap3A_596 = arith.index_cast %swap3A_595 : i32 to index
        %swap3A_597 = arith.constant 112 : index
        %swap3A_598 = tpu.vector_load %arg6[%swap3A_596, %swap3A_597] {strides = array<i32>} : memref<2x128xi32, #tpu.memory_space<vmem>>, vector<1x16xi32>,
        %swap3A_599 = vector.shape_cast %swap3A_598 : vector<1x16xi32> to vector<16xi32>
        %swap3A_600 = vector.shape_cast %shift_right_logical3A_594 : vector<16xi32> to vector<1x16xi32>
        tpu.vector_store %arg6[%swap3A_596, %swap3A_597], %swap3A_600 {strides = array<i32>} : memref<2x128xi32, #tpu.memory_space<vmem>>, vector<1x16xi32>,
        %and3A_601 = arith.constant 16383 : i32
        %and3A_602 = vector.broadcast %and3A_601 : i32 to vector<16xi32>
        %and3A_603 = arith.andi %get3A_591, %and3A_602 : vector<16xi32>
        %swap3A_604 = arith.constant 0 : i32
        %swap3A_605 = arith.index_cast %swap3A_604 : i32 to index
        %swap3A_606 = arith.constant 112 : index
        %swap3A_607 = tpu.vector_load %arg7[%swap3A_605, %swap3A_606] {strides = array<i32>} : memref<2x128xi32, #tpu.memory_space<vmem>>, vector<1x16xi32>,
        %swap3A_608 = vector.shape_cast %swap3A_607 : vector<1x16xi32> to vector<16xi32>
        %swap3A_609 = vector.shape_cast %and3A_603 : vector<16xi32> to vector<1x16xi32>
        tpu.vector_store %arg7[%swap3A_605, %swap3A_606], %swap3A_609 {strides = array<i32>} : memref<2x128xi32, #tpu.memory_space<vmem>>, vector<1x16xi32>,
        %dma_start3A_610 = arith.constant 0 : i32
        %dma_start3A_611 = arith.constant 0 : i32
        %dma_start3A_612 = tpu.memref_slice %arg6[%dma_start3A_610, %dma_start3A_611] : memref<2x128xi32, #tpu.memory_space<vmem>> -> memref<1x128xi32, #tpu.memory_space<vmem>>
        %dma_start3A_613 = tpu.memref_squeeze %dma_start3A_612 : memref<1x128xi32, #tpu.memory_space<vmem>> -> memref<128xi32, #tpu.memory_space<vmem>>
        %dma_start3A_614 = arith.constant 0 : i32
        %dma_start3A_615 = arith.constant 0 : i32
        %dma_start3A_616 = tpu.memref_slice %arg2[%arg0, %dma_start3A_614, %dma_start3A_615] : memref<2x10000x128xf32, #tpu.memory_space<hbm>> -> memref<1x10000x128xf32, #tpu.memory_space<hbm>>
        %dma_start3A_617 = tpu.memref_squeeze %dma_start3A_616 : memref<1x10000x128xf32, #tpu.memory_space<hbm>> -> memref<10000x128xf32, #tpu.memory_space<hbm>>
        %dma_start3A_618 = arith.constant 0 : i32
        %dma_start3A_619 = arith.constant 0 : i32
        %dma_start3A_620 = tpu.memref_slice %dma_start3A_617[%dma_start3A_618, %dma_start3A_619] : memref<10000x128xf32, #tpu.memory_space<hbm>> -> memref<10000x128xf32, #tpu.memory_space<hbm>>
        tpu.enqueue_indirect_dma source(%dma_start3A_620 : memref<10000x128xf32, #tpu.memory_space<hbm>>) target(%arg8 : memref<128x128xf32, #tpu.memory_space<vmem>>) offsets(%dma_start3A_613 : memref<128xi32, #tpu.memory_space<vmem>>) semaphore(%arg11 : memref<!tpu.dma_semaphore, #tpu.memory_space<semaphore_mem>>)
      } else {
      }
      %dma_wait3A_420 = arith.constant 1 : i32
      %dma_wait3A_421 = arith.constant 0 : i32
      %dma_wait3A_422 = tpu.memref_slice %arg6[%dma_wait3A_420, %dma_wait3A_421] : memref<2x128xi32, #tpu.memory_space<vmem>> -> memref<1x128xi32, #tpu.memory_space<vmem>>
      %dma_wait3A_423 = tpu.memref_squeeze %dma_wait3A_422 : memref<1x128xi32, #tpu.memory_space<vmem>> -> memref<128xi32, #tpu.memory_space<vmem>>
      %dma_wait3A_424 = arith.constant 0 : i32
      %dma_wait3A_425 = arith.constant 0 : i32
      %dma_wait3A_426 = tpu.memref_slice %arg2[%arg0, %dma_wait3A_424, %dma_wait3A_425] : memref<2x10000x128xf32, #tpu.memory_space<hbm>> -> memref<1x10000x128xf32, #tpu.memory_space<hbm>>
      %dma_wait3A_427 = tpu.memref_squeeze %dma_wait3A_426 : memref<1x10000x128xf32, #tpu.memory_space<hbm>> -> memref<10000x128xf32, #tpu.memory_space<hbm>>
      %dma_wait3A_428 = arith.constant 0 : i32
      %dma_wait3A_429 = arith.constant 0 : i32
      %dma_wait3A_430 = tpu.memref_slice %dma_wait3A_427[%dma_wait3A_428, %dma_wait3A_429] : memref<10000x128xf32, #tpu.memory_space<hbm>> -> memref<10000x128xf32, #tpu.memory_space<hbm>>
      tpu.wait_indirect_dma semaphore(%arg12 : memref<!tpu.dma_semaphore, #tpu.memory_space<semaphore_mem>>) src(%dma_wait3A_430 : memref<10000x128xf32, #tpu.memory_space<hbm>>) dst(%arg9 : memref<128x128xf32, #tpu.memory_space<vmem>>)
      %run_scoped3A_431 = arith.constant 1 : i32
      "tpu.region"() ({
        %run_scoped3A_432 = tpu.sem_alloc : memref<!tpu.dma_semaphore, #tpu.memory_space<semaphore_mem>>
        %dma_start3A_433 = arith.constant 0 : i32
        %dma_start3A_434 = tpu.memref_slice %arg7[%run_scoped3A_431, %dma_start3A_433] : memref<2x128xi32, #tpu.memory_space<vmem>> -> memref<1x128xi32, #tpu.memory_space<vmem>>
        %dma_start3A_435 = tpu.memref_squeeze %dma_start3A_434 : memref<1x128xi32, #tpu.memory_space<vmem>> -> memref<128xi32, #tpu.memory_space<vmem>>
        %dma_start3A_436 = arith.constant 0 : i32
        %dma_start3A_437 = arith.constant 0 : i32
        %dma_start3A_438 = tpu.memref_slice %arg10[%dma_start3A_436, %dma_start3A_437] : memref<10112x128xf32, #tpu.memory_space<vmem_shared>> -> memref<10112x128xf32, #tpu.memory_space<vmem_shared>>
        tpu.enqueue_indirect_dma source(%arg9 : memref<128x128xf32, #tpu.memory_space<vmem>>) target(%dma_start3A_438 : memref<10112x128xf32, #tpu.memory_space<vmem_shared>>) offsets(%dma_start3A_435 : memref<128xi32, #tpu.memory_space<vmem>>) semaphore(%run_scoped3A_432 : memref<!tpu.dma_semaphore, #tpu.memory_space<semaphore_mem>>) {add = true}
        %dma_wait3A_439 = arith.constant 0 : i32
        %dma_wait3A_440 = tpu.memref_slice %arg7[%run_scoped3A_431, %dma_wait3A_439] : memref<2x128xi32, #tpu.memory_space<vmem>> -> memref<1x128xi32, #tpu.memory_space<vmem>>
        %dma_wait3A_441 = tpu.memref_squeeze %dma_wait3A_440 : memref<1x128xi32, #tpu.memory_space<vmem>> -> memref<128xi32, #tpu.memory_space<vmem>>
        %dma_wait3A_442 = arith.constant 0 : i32
        %dma_wait3A_443 = arith.constant 0 : i32
        %dma_wait3A_444 = tpu.memref_slice %arg10[%dma_wait3A_442, %dma_wait3A_443] : memref<10112x128xf32, #tpu.memory_space<vmem_shared>> -> memref<10112x128xf32, #tpu.memory_space<vmem_shared>>
        tpu.wait_indirect_dma semaphore(%run_scoped3A_432 : memref<!tpu.dma_semaphore, #tpu.memory_space<semaphore_mem>>) src(%arg9 : memref<128x128xf32, #tpu.memory_space<vmem>>) dst(%dma_wait3A_444 : memref<10112x128xf32, #tpu.memory_space<vmem_shared>>)
        tpu.yield
      }) : () -> ()
    }
    %scan3A_212 = arith.constant 40 : i32
    %barrier3A_213 = arith.constant 0 : index
    tpu.barrier barrier_id(%barrier3A_213)
    "tpu.region"() ({
      %run_scoped3A = tpu.sem_alloc : memref<!tpu.dma_semaphore, #tpu.memory_space<semaphore_mem>>
      %dma_start3A_214 = arith.constant 0 : i32
      %dma_start3A_215 = tpu.memref_slice %arg4[%arg0, %mul3A_0, %dma_start3A_214] : memref<2x10112x128xf32, #tpu.memory_space<hbm>> -> memref<1x632x128xf32, #tpu.memory_space<hbm>>
      %dma_start3A_216 = tpu.memref_squeeze %dma_start3A_215 : memref<1x632x128xf32, #tpu.memory_space<hbm>> -> memref<632x128xf32, #tpu.memory_space<hbm>>
      %dma_start3A_217 = arith.constant 0 : i32
      %dma_start3A_218 = tpu.memref_slice %arg10[%mul3A_0, %dma_start3A_217] : memref<10112x128xf32, #tpu.memory_space<vmem_shared>> -> memref<632x128xf32, #tpu.memory_space<vmem_shared>>
      tpu.enqueue_dma source(%dma_start3A_218 : memref<632x128xf32, #tpu.memory_space<vmem_shared>>) target(%dma_start3A_216 : memref<632x128xf32, #tpu.memory_space<hbm>>) target_semaphore(%run_scoped3A : memref<!tpu.dma_semaphore, #tpu.memory_space<semaphore_mem>>)
      %dma_wait3A = arith.constant 0 : i32
      %dma_wait3A_219 = tpu.memref_slice %arg4[%arg0, %mul3A_0, %dma_wait3A] : memref<2x10112x128xf32, #tpu.memory_space<hbm>> -> memref<1x632x128xf32, #tpu.memory_space<hbm>>
      %dma_wait3A_220 = tpu.memref_squeeze %dma_wait3A_219 : memref<1x632x128xf32, #tpu.memory_space<hbm>> -> memref<632x128xf32, #tpu.memory_space<hbm>>
      %dma_wait3A_221 = arith.constant 0 : i32
      %dma_wait3A_222 = tpu.memref_slice %arg10[%mul3A_0, %dma_wait3A_221] : memref<10112x128xf32, #tpu.memory_space<vmem_shared>> -> memref<632x128xf32, #tpu.memory_space<vmem_shared>>
      tpu.wait_dma2 semaphore(%run_scoped3A : memref<!tpu.dma_semaphore, #tpu.memory_space<semaphore_mem>>) src(%dma_wait3A_222 : memref<632x128xf32, #tpu.memory_space<vmem_shared>>) dst(%dma_wait3A_220 : memref<632x128xf32, #tpu.memory_space<hbm>>)
      tpu.yield
    }) : () -> ()
    return
  }
}

module attributes {stable_mosaic.version = 14 : i64} {
  func.func @_mm_first_body(%arg0: i32, %arg1: memref<1000x256xf32, #tpu.memory_space<vmem>>, %arg2: memref<256x256xf32, #tpu.memory_space<vmem>>, %arg3: memref<1000x1xf32, #tpu.memory_space<vmem>>, %arg4: memref<2x1000x128xf32, #tpu.memory_space<vmem>>) attributes {dimension_semantics = [#tpu.dimension_semantics<arbitrary>], iteration_bounds = array<i64: 10>, scalar_prefetch = 0 : i64, scratch_operands = 0 : i64, tpu.core_type = #tpu.core_type<tc>, window_params = [{transform_indices = @transform_0, window_bounds = array<i64: 1000, 256>}, {pipeline_mode = #tpu.pipeline_mode<synchronous>, transform_indices = @transform_1, window_bounds = array<i64: 256, 256>}, {transform_indices = @transform_2, window_bounds = array<i64: 1000, 1>}, {transform_indices = @transform_3, window_bounds = array<i64: 2, 1000, 128>}]} {
    %get3A = arith.constant 0 : index
    %get3A_0 = arith.constant 0 : index
    %get3A_1 = vector.load %arg1[%get3A, %get3A_0] : memref<1000x256xf32, #tpu.memory_space<vmem>>, vector<1000x256xf32>
    %get3A_2 = arith.constant 0 : index
    %get3A_3 = arith.constant 0 : index
    %get3A_4 = vector.load %arg2[%get3A_2, %get3A_3] : memref<256x256xf32, #tpu.memory_space<vmem>>, vector<256x256xf32>
    %dot_general3A = arith.constant dense<0.000000e+00> : vector<1000x256xf32>
    %dot_general3A_5 = tpu.matmul %get3A_1, %get3A_4, %dot_general3A {dimension_numbers = #tpu.dot_dimension_numbers<[1], [0], [0], [1], [0, 0, 1, 1], [], []>, transpose_lhs_hint = false} : vector<1000x256xf32>, vector<256x256xf32>, vector<1000x256xf32> -> vector<1000x256xf32>
    %get3A_6 = arith.constant 0 : index
    %get3A_7 = arith.constant 0 : index
    %get3A_8 = vector.load %arg3[%get3A_6, %get3A_7] : memref<1000x1xf32, #tpu.memory_space<vmem>>, vector<1000x1xf32>
    %gt3A = arith.constant 0.000000e+00 : f32
    %gt3A_9 = vector.broadcast %gt3A : f32 to vector<1000x1xf32>
    %gt3A_10 = arith.cmpf ogt, %get3A_8, %gt3A_9 : vector<1000x1xf32>
    %gt3A_11 = arith.constant 0.000000e+00 : f32
    %gt3A_12 = vector.broadcast %gt3A_11 : f32 to vector<1000x1xf32>
    %gt3A_13 = arith.cmpf ogt, %get3A_8, %gt3A_12 : vector<1000x1xf32>
    %jit3A = arith.constant 1.000000e+00 : f32
    %broadcast_in_dim3A = vector.broadcast %jit3A : f32 to vector<1000x1xf32>
    %select_n3A = arith.select %gt3A_13, %get3A_8, %broadcast_in_dim3A : vector<1000x1xi1>, vector<1000x1xf32>
    %rsqrt3A = math.rsqrt %select_n3A : vector<1000x1xf32>
    %jit3A_14 = arith.constant 0.000000e+00 : f32
    %broadcast_in_dim3A_15 = vector.broadcast %jit3A_14 : f32 to vector<1000x1xf32>
    %select_n3A_16 = arith.select %gt3A_10, %rsqrt3A, %broadcast_in_dim3A_15 : vector<1000x1xi1>, vector<1000x1xf32>
    %mul3A = vector.broadcast %select_n3A_16 : vector<1000x1xf32> to vector<1000x256xf32>
    %mul3A_17 = arith.mulf %dot_general3A_5, %mul3A : vector<1000x256xf32>
    %slice3A = vector.extract_strided_slice %mul3A_17 {offsets = [0, 0], sizes = [1000, 128], strides = [1, 1]} : vector<1000x256xf32> to vector<1000x128xf32>
    %swap3A = arith.constant 0 : index
    %swap3A_18 = arith.constant 0 : index
    %swap3A_19 = arith.constant 0 : index
    %swap3A_20 = vector.load %arg4[%swap3A, %swap3A_18, %swap3A_19] : memref<2x1000x128xf32, #tpu.memory_space<vmem>>, vector<1x1000x128xf32>
    %swap3A_21 = vector.shape_cast %swap3A_20 : vector<1x1000x128xf32> to vector<1000x128xf32>
    %swap3A_22 = vector.shape_cast %slice3A : vector<1000x128xf32> to vector<1x1000x128xf32>
    tpu.vector_store %arg4[%swap3A, %swap3A_18, %swap3A_19], %swap3A_22 {strides = array<i32>} : memref<2x1000x128xf32, #tpu.memory_space<vmem>>, vector<1x1000x128xf32>,
    %slice3A_23 = vector.extract_strided_slice %mul3A_17 {offsets = [0, 128], sizes = [1000, 128], strides = [1, 1]} : vector<1000x256xf32> to vector<1000x128xf32>
    %swap3A_24 = arith.constant 1 : index
    %swap3A_25 = arith.constant 0 : index
    %swap3A_26 = arith.constant 0 : index
    %swap3A_27 = vector.load %arg4[%swap3A_24, %swap3A_25, %swap3A_26] : memref<2x1000x128xf32, #tpu.memory_space<vmem>>, vector<1x1000x128xf32>
    %swap3A_28 = vector.shape_cast %swap3A_27 : vector<1x1000x128xf32> to vector<1000x128xf32>
    %swap3A_29 = vector.shape_cast %slice3A_23 : vector<1000x128xf32> to vector<1x1000x128xf32>
    tpu.vector_store %arg4[%swap3A_24, %swap3A_25, %swap3A_26], %swap3A_29 {strides = array<i32>} : memref<2x1000x128xf32, #tpu.memory_space<vmem>>, vector<1x1000x128xf32>,
    return
  }
  func.func @transform_0(%arg0: i32) -> (i32, i32) {
    %c0_i32 = arith.constant 0 : i32
    %c0_i32_0 = arith.constant 0 : i32
    return %arg0, %c0_i32 : i32, i32
  }
  func.func @transform_1(%arg0: i32) -> (i32, i32) {
    %c0_i32 = arith.constant 0 : i32
    %c0_i32_0 = arith.constant 0 : i32
    %c0_i32_1 = arith.constant 0 : i32
    return %c0_i32, %c0_i32_0 : i32, i32
  }
  func.func @transform_2(%arg0: i32) -> (i32, i32) {
    %c0_i32 = arith.constant 0 : i32
    %c0_i32_0 = arith.constant 0 : i32
    return %arg0, %c0_i32 : i32, i32
  }
  func.func @transform_3(%arg0: i32) -> (i32, i32, i32) {
    %c0_i32 = arith.constant 0 : i32
    %c0_i32_0 = arith.constant 0 : i32
    %c0_i32_1 = arith.constant 0 : i32
    return %c0_i32, %arg0, %c0_i32_0 : i32, i32, i32
  }
}

module attributes {stable_mosaic.version = 14 : i64} {
  func.func @_mm_mid_body(%arg0: i32, %arg1: memref<2x1000x128xf32, #tpu.memory_space<vmem>>, %arg2: memref<1000x1xf32, #tpu.memory_space<vmem>>, %arg3: memref<1x256xf32, #tpu.memory_space<vmem>>, %arg4: memref<256x256xf32, #tpu.memory_space<vmem>>, %arg5: memref<1000x1xf32, #tpu.memory_space<vmem>>, %arg6: memref<2x1000x128xf32, #tpu.memory_space<vmem>>) attributes {dimension_semantics = [#tpu.dimension_semantics<arbitrary>], iteration_bounds = array<i64: 10>, scalar_prefetch = 0 : i64, scratch_operands = 0 : i64, tpu.core_type = #tpu.core_type<tc>, window_params = [{transform_indices = @transform_0, window_bounds = array<i64: 2, 1000, 128>}, {transform_indices = @transform_1, window_bounds = array<i64: 1000, 1>}, {pipeline_mode = #tpu.pipeline_mode<synchronous>, transform_indices = @transform_2, window_bounds = array<i64: 1, 256>}, {pipeline_mode = #tpu.pipeline_mode<synchronous>, transform_indices = @transform_3, window_bounds = array<i64: 256, 256>}, {transform_indices = @transform_4, window_bounds = array<i64: 1000, 1>}, {transform_indices = @transform_5, window_bounds = array<i64: 2, 1000, 128>}]} {
    %get3A = arith.constant 0 : index
    %get3A_0 = arith.constant 0 : index
    %get3A_1 = arith.constant 0 : index
    %get3A_2 = vector.load %arg1[%get3A, %get3A_0, %get3A_1] : memref<2x1000x128xf32, #tpu.memory_space<vmem>>, vector<1x1000x128xf32>
    %get3A_3 = vector.shape_cast %get3A_2 : vector<1x1000x128xf32> to vector<1000x128xf32>
    %get3A_4 = arith.constant 1 : index
    %get3A_5 = arith.constant 0 : index
    %get3A_6 = arith.constant 0 : index
    %get3A_7 = vector.load %arg1[%get3A_4, %get3A_5, %get3A_6] : memref<2x1000x128xf32, #tpu.memory_space<vmem>>, vector<1x1000x128xf32>
    %get3A_8 = vector.shape_cast %get3A_7 : vector<1x1000x128xf32> to vector<1000x128xf32>
    %concatenate3A = tpu.concatenate %get3A_3, %get3A_8 in 1 : vector<1000x128xf32>, vector<1000x128xf32> -> vector<1000x256xf32>
    %get3A_9 = arith.constant 0 : index
    %get3A_10 = arith.constant 0 : index
    %get3A_11 = vector.load %arg2[%get3A_9, %get3A_10] : memref<1000x1xf32, #tpu.memory_space<vmem>>, vector<1000x1xf32>
    %gt3A = arith.constant 0.000000e+00 : f32
    %gt3A_12 = vector.broadcast %gt3A : f32 to vector<1000x1xf32>
    %gt3A_13 = arith.cmpf ogt, %get3A_11, %gt3A_12 : vector<1000x1xf32>
    %gt3A_14 = arith.constant 0.000000e+00 : f32
    %gt3A_15 = vector.broadcast %gt3A_14 : f32 to vector<1000x1xf32>
    %gt3A_16 = arith.cmpf ogt, %get3A_11, %gt3A_15 : vector<1000x1xf32>
    %jit3A = arith.constant 1.000000e+00 : f32
    %broadcast_in_dim3A = vector.broadcast %jit3A : f32 to vector<1000x1xf32>
    %select_n3A = arith.select %gt3A_16, %get3A_11, %broadcast_in_dim3A : vector<1000x1xi1>, vector<1000x1xf32>
    %rsqrt3A = math.rsqrt %select_n3A : vector<1000x1xf32>
    %jit3A_17 = arith.constant 0.000000e+00 : f32
    %broadcast_in_dim3A_18 = vector.broadcast %jit3A_17 : f32 to vector<1000x1xf32>
    %select_n3A_19 = arith.select %gt3A_13, %rsqrt3A, %broadcast_in_dim3A_18 : vector<1000x1xi1>, vector<1000x1xf32>
    %mul3A = vector.broadcast %select_n3A_19 : vector<1000x1xf32> to vector<1000x256xf32>
    %mul3A_20 = arith.mulf %concatenate3A, %mul3A : vector<1000x256xf32>
    %get3A_21 = arith.constant 0 : index
    %get3A_22 = arith.constant 0 : index
    %get3A_23 = vector.load %arg3[%get3A_21, %get3A_22] : memref<1x256xf32, #tpu.memory_space<vmem>>, vector<1x256xf32>
    %add3A = vector.broadcast %get3A_23 : vector<1x256xf32> to vector<1000x256xf32>
    %add3A_24 = arith.addf %mul3A_20, %add3A : vector<1000x256xf32>
    %max3A = arith.constant 0.000000e+00 : f32
    %max3A_25 = vector.broadcast %max3A : f32 to vector<1000x256xf32>
    %max3A_26 = arith.maximumf %add3A_24, %max3A_25 : vector<1000x256xf32>
    %get3A_27 = arith.constant 0 : index
    %get3A_28 = arith.constant 0 : index
    %get3A_29 = vector.load %arg4[%get3A_27, %get3A_28] : memref<256x256xf32, #tpu.memory_space<vmem>>, vector<256x256xf32>
    %dot_general3A = arith.constant dense<0.000000e+00> : vector<1000x256xf32>
    %dot_general3A_30 = tpu.matmul %max3A_26, %get3A_29, %dot_general3A {dimension_numbers = #tpu.dot_dimension_numbers<[1], [0], [0], [1], [0, 0, 1, 1], [], []>, transpose_lhs_hint = false} : vector<1000x256xf32>, vector<256x256xf32>, vector<1000x256xf32> -> vector<1000x256xf32>
    %get3A_31 = arith.constant 0 : index
    %get3A_32 = arith.constant 0 : index
    %get3A_33 = vector.load %arg5[%get3A_31, %get3A_32] : memref<1000x1xf32, #tpu.memory_space<vmem>>, vector<1000x1xf32>
    %gt3A_34 = arith.constant 0.000000e+00 : f32
    %gt3A_35 = vector.broadcast %gt3A_34 : f32 to vector<1000x1xf32>
    %gt3A_36 = arith.cmpf ogt, %get3A_33, %gt3A_35 : vector<1000x1xf32>
    %gt3A_37 = arith.constant 0.000000e+00 : f32
    %gt3A_38 = vector.broadcast %gt3A_37 : f32 to vector<1000x1xf32>
    %gt3A_39 = arith.cmpf ogt, %get3A_33, %gt3A_38 : vector<1000x1xf32>
    %jit3A_40 = arith.constant 1.000000e+00 : f32
    %broadcast_in_dim3A_41 = vector.broadcast %jit3A_40 : f32 to vector<1000x1xf32>
    %select_n3A_42 = arith.select %gt3A_39, %get3A_33, %broadcast_in_dim3A_41 : vector<1000x1xi1>, vector<1000x1xf32>
    %rsqrt3A_43 = math.rsqrt %select_n3A_42 : vector<1000x1xf32>
    %jit3A_44 = arith.constant 0.000000e+00 : f32
    %broadcast_in_dim3A_45 = vector.broadcast %jit3A_44 : f32 to vector<1000x1xf32>
    %select_n3A_46 = arith.select %gt3A_36, %rsqrt3A_43, %broadcast_in_dim3A_45 : vector<1000x1xi1>, vector<1000x1xf32>
    %mul3A_47 = vector.broadcast %select_n3A_46 : vector<1000x1xf32> to vector<1000x256xf32>
    %mul3A_48 = arith.mulf %dot_general3A_30, %mul3A_47 : vector<1000x256xf32>
    %slice3A = vector.extract_strided_slice %mul3A_48 {offsets = [0, 0], sizes = [1000, 128], strides = [1, 1]} : vector<1000x256xf32> to vector<1000x128xf32>
    %swap3A = arith.constant 0 : index
    %swap3A_49 = arith.constant 0 : index
    %swap3A_50 = arith.constant 0 : index
    %swap3A_51 = vector.load %arg6[%swap3A, %swap3A_49, %swap3A_50] : memref<2x1000x128xf32, #tpu.memory_space<vmem>>, vector<1x1000x128xf32>
    %swap3A_52 = vector.shape_cast %swap3A_51 : vector<1x1000x128xf32> to vector<1000x128xf32>
    %swap3A_53 = vector.shape_cast %slice3A : vector<1000x128xf32> to vector<1x1000x128xf32>
    tpu.vector_store %arg6[%swap3A, %swap3A_49, %swap3A_50], %swap3A_53 {strides = array<i32>} : memref<2x1000x128xf32, #tpu.memory_space<vmem>>, vector<1x1000x128xf32>,
    %slice3A_54 = vector.extract_strided_slice %mul3A_48 {offsets = [0, 128], sizes = [1000, 128], strides = [1, 1]} : vector<1000x256xf32> to vector<1000x128xf32>
    %swap3A_55 = arith.constant 1 : index
    %swap3A_56 = arith.constant 0 : index
    %swap3A_57 = arith.constant 0 : index
    %swap3A_58 = vector.load %arg6[%swap3A_55, %swap3A_56, %swap3A_57] : memref<2x1000x128xf32, #tpu.memory_space<vmem>>, vector<1x1000x128xf32>
    %swap3A_59 = vector.shape_cast %swap3A_58 : vector<1x1000x128xf32> to vector<1000x128xf32>
    %swap3A_60 = vector.shape_cast %slice3A_54 : vector<1000x128xf32> to vector<1x1000x128xf32>
    tpu.vector_store %arg6[%swap3A_55, %swap3A_56, %swap3A_57], %swap3A_60 {strides = array<i32>} : memref<2x1000x128xf32, #tpu.memory_space<vmem>>, vector<1x1000x128xf32>,
    return
  }
  func.func @transform_0(%arg0: i32) -> (i32, i32, i32) {
    %c0_i32 = arith.constant 0 : i32
    %c0_i32_0 = arith.constant 0 : i32
    %c0_i32_1 = arith.constant 0 : i32
    return %c0_i32, %arg0, %c0_i32_0 : i32, i32, i32
  }
  func.func @transform_1(%arg0: i32) -> (i32, i32) {
    %c0_i32 = arith.constant 0 : i32
    %c0_i32_0 = arith.constant 0 : i32
    return %arg0, %c0_i32 : i32, i32
  }
  func.func @transform_2(%arg0: i32) -> (i32, i32) {
    %c0_i32 = arith.constant 0 : i32
    %c0_i32_0 = arith.constant 0 : i32
    %c0_i32_1 = arith.constant 0 : i32
    return %c0_i32, %c0_i32_0 : i32, i32
  }
  func.func @transform_3(%arg0: i32) -> (i32, i32) {
    %c0_i32 = arith.constant 0 : i32
    %c0_i32_0 = arith.constant 0 : i32
    %c0_i32_1 = arith.constant 0 : i32
    return %c0_i32, %c0_i32_0 : i32, i32
  }
  func.func @transform_4(%arg0: i32) -> (i32, i32) {
    %c0_i32 = arith.constant 0 : i32
    %c0_i32_0 = arith.constant 0 : i32
    return %arg0, %c0_i32 : i32, i32
  }
  func.func @transform_5(%arg0: i32) -> (i32, i32, i32) {
    %c0_i32 = arith.constant 0 : i32
    %c0_i32_0 = arith.constant 0 : i32
    %c0_i32_1 = arith.constant 0 : i32
    return %c0_i32, %arg0, %c0_i32_0 : i32, i32, i32
  }
}

module attributes {stable_mosaic.version = 14 : i64} {
  func.func @_post_body(%arg0: i32, %arg1: memref<2x1000x128xf32, #tpu.memory_space<vmem>>, %arg2: memref<1000x1xf32, #tpu.memory_space<vmem>>, %arg3: memref<1x256xf32, #tpu.memory_space<vmem>>, %arg4: memref<1000x256xf32, #tpu.memory_space<vmem>>) attributes {dimension_semantics = [#tpu.dimension_semantics<arbitrary>], iteration_bounds = array<i64: 10>, scalar_prefetch = 0 : i64, scratch_operands = 0 : i64, tpu.core_type = #tpu.core_type<tc>, window_params = [{transform_indices = @transform_0, window_bounds = array<i64: 2, 1000, 128>}, {transform_indices = @transform_1, window_bounds = array<i64: 1000, 1>}, {pipeline_mode = #tpu.pipeline_mode<synchronous>, transform_indices = @transform_2, window_bounds = array<i64: 1, 256>}, {transform_indices = @transform_3, window_bounds = array<i64: 1000, 256>}]} {
    %get3A = arith.constant 0 : index
    %get3A_0 = arith.constant 0 : index
    %get3A_1 = arith.constant 0 : index
    %get3A_2 = vector.load %arg1[%get3A, %get3A_0, %get3A_1] : memref<2x1000x128xf32, #tpu.memory_space<vmem>>, vector<1x1000x128xf32>
    %get3A_3 = vector.shape_cast %get3A_2 : vector<1x1000x128xf32> to vector<1000x128xf32>
    %get3A_4 = arith.constant 1 : index
    %get3A_5 = arith.constant 0 : index
    %get3A_6 = arith.constant 0 : index
    %get3A_7 = vector.load %arg1[%get3A_4, %get3A_5, %get3A_6] : memref<2x1000x128xf32, #tpu.memory_space<vmem>>, vector<1x1000x128xf32>
    %get3A_8 = vector.shape_cast %get3A_7 : vector<1x1000x128xf32> to vector<1000x128xf32>
    %concatenate3A = tpu.concatenate %get3A_3, %get3A_8 in 1 : vector<1000x128xf32>, vector<1000x128xf32> -> vector<1000x256xf32>
    %get3A_9 = arith.constant 0 : index
    %get3A_10 = arith.constant 0 : index
    %get3A_11 = vector.load %arg2[%get3A_9, %get3A_10] : memref<1000x1xf32, #tpu.memory_space<vmem>>, vector<1000x1xf32>
    %gt3A = arith.constant 0.000000e+00 : f32
    %gt3A_12 = vector.broadcast %gt3A : f32 to vector<1000x1xf32>
    %gt3A_13 = arith.cmpf ogt, %get3A_11, %gt3A_12 : vector<1000x1xf32>
    %gt3A_14 = arith.constant 0.000000e+00 : f32
    %gt3A_15 = vector.broadcast %gt3A_14 : f32 to vector<1000x1xf32>
    %gt3A_16 = arith.cmpf ogt, %get3A_11, %gt3A_15 : vector<1000x1xf32>
    %jit3A = arith.constant 1.000000e+00 : f32
    %broadcast_in_dim3A = vector.broadcast %jit3A : f32 to vector<1000x1xf32>
    %select_n3A = arith.select %gt3A_16, %get3A_11, %broadcast_in_dim3A : vector<1000x1xi1>, vector<1000x1xf32>
    %rsqrt3A = math.rsqrt %select_n3A : vector<1000x1xf32>
    %jit3A_17 = arith.constant 0.000000e+00 : f32
    %broadcast_in_dim3A_18 = vector.broadcast %jit3A_17 : f32 to vector<1000x1xf32>
    %select_n3A_19 = arith.select %gt3A_13, %rsqrt3A, %broadcast_in_dim3A_18 : vector<1000x1xi1>, vector<1000x1xf32>
    %mul3A = vector.broadcast %select_n3A_19 : vector<1000x1xf32> to vector<1000x256xf32>
    %mul3A_20 = arith.mulf %concatenate3A, %mul3A : vector<1000x256xf32>
    %get3A_21 = arith.constant 0 : index
    %get3A_22 = arith.constant 0 : index
    %get3A_23 = vector.load %arg3[%get3A_21, %get3A_22] : memref<1x256xf32, #tpu.memory_space<vmem>>, vector<1x256xf32>
    %add3A = vector.broadcast %get3A_23 : vector<1x256xf32> to vector<1000x256xf32>
    %add3A_24 = arith.addf %mul3A_20, %add3A : vector<1000x256xf32>
    %swap3A = arith.constant 0 : index
    %swap3A_25 = arith.constant 0 : index
    %swap3A_26 = vector.load %arg4[%swap3A, %swap3A_25] : memref<1000x256xf32, #tpu.memory_space<vmem>>, vector<1000x256xf32>
    tpu.vector_store %arg4[%swap3A, %swap3A_25], %add3A_24 {strides = array<i32>} : memref<1000x256xf32, #tpu.memory_space<vmem>>, vector<1000x256xf32>,
    return
  }
  func.func @transform_0(%arg0: i32) -> (i32, i32, i32) {
    %c0_i32 = arith.constant 0 : i32
    %c0_i32_0 = arith.constant 0 : i32
    %c0_i32_1 = arith.constant 0 : i32
    return %c0_i32, %arg0, %c0_i32_0 : i32, i32, i32
  }
  func.func @transform_1(%arg0: i32) -> (i32, i32) {
    %c0_i32 = arith.constant 0 : i32
    %c0_i32_0 = arith.constant 0 : i32
    return %arg0, %c0_i32 : i32, i32
  }
  func.func @transform_2(%arg0: i32) -> (i32, i32) {
    %c0_i32 = arith.constant 0 : i32
    %c0_i32_0 = arith.constant 0 : i32
    %c0_i32_1 = arith.constant 0 : i32
    return %c0_i32, %c0_i32_0 : i32, i32
  }
  func.func @transform_3(%arg0: i32) -> (i32, i32) {
    %c0_i32 = arith.constant 0 : i32
    %c0_i32_0 = arith.constant 0 : i32
    return %arg0, %c0_i32 : i32, i32
  }
}

</mosaic_0001>

<sc_bundles>
// kernel: kernel.13.cloned.1.call-start
scs
__scs_entry_jumppad:
0x0: {  	(pc) =	sbr.rel $0x88, $3  }
0x1: {  	(tag) =	ssettag $0x0;
	lr =	simm.s32 $0x1  }
0x2: {  	[smem:$0x3F95] =	sst lr;
	_ =	strace $0xD0000000  }
0x3: {  	_ = 	snop  }
0x4: {  	_ = 	snop  }
0x5: {  	_ = 	snop  }
0x6: {  	_ = 	snop  }
0x7: {  	_ = 	snop  }
__scs_overlays_trampoline_lowered:
0x8: {  	[smem:$0x3FA4] =	sst s0  }
0x9: {  	[smem:$0x3FA5] =	sst s1  }
0xa: {  	[smem:$0x3FA6] =	sst s2  }
0xb: {  	[smem:$0x3FA7] =	sst s3  }
0xc: {  	[smem:$0x3FA8] =	sst s4  }
0xd: {  	[smem:$0x3FA9] =	sst s5  }
0xe: {  	[smem:$0x3FAA] =	sst s6  }
0xf: {  	[smem:$0x3FAB] =	sst s7  }
0x10: {  	[smem:$0x3FAC] =	sst s8  }
0x11: {  	[smem:$0x3FAD] =	sst s9;
	s0 =	simm.s32 @!p0 $0x0  }
0x12: {  	s1 =	sld [smem:$0x3F93];
	s0 =	simm.s32 @p0 $0x1  }
0x13: {  	[smem:$0x3FAE] =	sst s0;
	s0 =	simm.s32 @!p1 $0x0  }
0x14: {  	s2 =	sld [smem:$0x3F92];
	s0 =	simm.s32 @p1 $0x1  }
0x15: {  	[smem:$0x3FAF] =	sst s0;
	s0 =	simm.s32 @!p2 $0x0  }
0x16: {  	s3 =	sld [smem:$0x3FDB];
	s0 =	simm.s32 @p2 $0x1  }
0x17: {  	s4 =	simm.s32 $0x1BF5;
	[smem:$0x3FB1] =	sst s0  }
0x18: {  	s0 =	sld [smem:$0x3F94];
	_ =	swait.ge [sflag:s4], $0x0  }
0x19: {  	s7 =	sld [smem:$0x3F95]  }
0x1a: {  	s8 =	sadd.s32 $0xFFFFE003, lr  }
0x1b: {  	s9 =	sadd.s32 $0xFFFFFEF7, lr;
	s5 =	simm.s32 $0xFFFFFFFF;
	p2 =	slt.u32 s8, $0xFFFFF086  }
0x1c: {  	p1 =	slt.u32 s9, $0xF7A;
	s5 =	simm.s32 @!p2 $0x0  }
0x1d: {  	s5 =	simm.s32 @p1 $0x1;
	p0 =	seq.s32 s7, s2  }
0x1e: {  	s7 =	smul.u32 @!p0 $0xF7A, s2;
	p2 =	seq.s32 @!p0 s5, $0x0  }
0x1f: {  	s9 =	smul.u32 $0xF7A, s1;
	s8 =	simm.s32 @!p0 $0x1BF5;
	p2 =	por !p2, p0  }
0x20: {  	[sflag:s8] =	ssyncset.s32 @!p0 $0xFFFFF086;
	s6 =	sadd.s32 @!p0 s3, s7;
	s7 =	simm.s32 @!p0 $0x108  }
0x21: {  	s3 =	sadd.s32 s3, s9;
	s6 =	sadd.s32 @!p0 $0x88, s6;
	s7 =	simm.s32 @p2 $0x1082  }
0x22: {  	[simem:s7], [sflag:s8] =	dma.local @!p0 [hbm:s6], $0xF7A  }
0x23: {  	s9 =	sor.u32 $0xD0000000, s2;
	s6 =	simm.s32 $0x108;
	_ =	swait.ge @!p0 [sflag:s8], $0x0  }
0x24: {  	s3 =	sadd.s32 $0x88, s3;
	s6 =	simm.s32 @!p1 $0x1082;
	[sflag:s4] =	ssyncset.s32 $0xFFFFF086  }
0x25: {  	[simem:s6], [sflag:s4] =	dma.local [hbm:s3], $0xF7A  }
0x26: {  	[smem:$0x3F95] =	sst s1;
	(tag) =	ssettag s2;
	_ =	strace s9  }
0x27: {  	s1 =	sld [smem:$0x3FA5]  }
0x28: {  	s2 =	sld [smem:$0x3FA6]  }
0x29: {  	s4 =	sld [smem:$0x3FA8]  }
0x2a: {  	p0 =	seq.s32 s5, $0x0;
	s5 =	sld [smem:$0x3FA9]  }
0x2b: {  	s6 =	sld [smem:$0x3FAA]  }
0x2c: {  	s7 =	sld [smem:$0x3FAB]  }
0x2d: {  	s3 =	simm.s32 $0x108;
	s8 =	sld [smem:$0x3FAC]  }
0x2e: {  	s3 =	simm.s32 @!p0 $0x1082;
	s9 =	sld [smem:$0x3FAD]  }
0x2f: {  	lr =	sadd.s32 s0, s3;
	s0 =	sld [smem:$0x3FA4]  }
0x30: {  	s3 =	sld [smem:$0x3FA7]  }
0x31: {  	[smem:$0x3FB0] =	sst s10  }
0x32: {  	s10 =	sld [smem:$0x3FAE];
	_ =	sdelay $0x3  }
0x33: {  	p0 =	seq.s32 s10, $0x1;
	s10 =	sld [smem:$0x3FB0];
	_ =	sdelay $0x3  }
0x34: {  	[smem:$0x3FB0] =	sst s10  }
0x35: {  	s10 =	sld [smem:$0x3FAF];
	_ =	sdelay $0x3  }
0x36: {  	p1 =	seq.s32 s10, $0x1;
	s10 =	sld [smem:$0x3FB0];
	_ =	sdelay $0x3  }
0x37: {  	[smem:$0x3FB0] =	sst s10  }
0x38: {  	s10 =	sld [smem:$0x3FB1]  }
0x39: {  	_ = 	snop;
	(pc) =	sbr.ind lr, $3  }
0x3a: {  	_ = 	snop  }
0x3b: {  	_ = 	snop  }
0x3c: {  	p2 =	seq.s32 s10, $0x1;
	s10 =	sld [smem:$0x3FB0]  }
0x3d: {  	_ =	shalt  }
0x3e: {  	_ =	shalt  }
0x3f: {  	_ =	shalt  }
0x40: {  	_ =	shalt  }
0x41: {  	_ =	shalt  }
0x42: {  	_ =	shalt  }
0x43: {  	_ =	shalt  }
0x44: {  	_ =	shalt  }
0x45: {  	_ =	shalt  }
0x46: {  	_ =	shalt  }
0x47: {  	_ =	shalt  }
0x48: {  	_ =	shalt  }
0x49: {  	_ =	shalt  }
0x4a: {  	_ =	shalt  }
0x4b: {  	_ =	shalt  }
0x4c: {  	_ =	shalt  }
0x4d: {  	_ =	shalt  }
0x4e: {  	_ =	shalt  }
0x4f: {  	_ =	shalt  }
0x50: {  	_ =	shalt  }
0x51: {  	_ =	shalt  }
0x52: {  	_ =	shalt  }
0x53: {  	_ =	shalt  }
0x54: {  	_ =	shalt  }
0x55: {  	_ =	shalt  }
0x56: {  	_ =	shalt  }
0x57: {  	_ =	shalt  }
0x58: {  	_ =	shalt  }
0x59: {  	_ =	shalt  }
0x5a: {  	_ =	shalt  }
0x5b: {  	_ =	shalt  }
0x5c: {  	_ =	shalt  }
0x5d: {  	_ =	shalt  }
0x5e: {  	_ =	shalt  }
0x5f: {  	_ =	shalt  }
0x60: {  	_ =	shalt  }
0x61: {  	_ =	shalt  }
0x62: {  	_ =	shalt  }
0x63: {  	_ =	shalt  }
0x64: {  	_ =	shalt  }
0x65: {  	_ =	shalt  }
0x66: {  	_ =	shalt  }
0x67: {  	_ =	shalt  }
0x68: {  	_ =	shalt  }
0x69: {  	_ =	shalt  }
0x6a: {  	_ =	shalt  }
0x6b: {  	_ =	shalt  }
0x6c: {  	_ =	shalt  }
0x6d: {  	_ =	shalt  }
0x6e: {  	_ =	shalt  }
0x6f: {  	_ =	shalt  }
0x70: {  	_ =	shalt  }
0x71: {  	_ =	shalt  }
0x72: {  	_ =	shalt  }
0x73: {  	_ =	shalt  }
0x74: {  	_ =	shalt  }
0x75: {  	_ =	shalt  }
0x76: {  	_ =	shalt  }
0x77: {  	_ =	shalt  }
0x78: {  	_ =	shalt  }
0x79: {  	_ =	shalt  }
0x7a: {  	_ =	shalt  }
0x7b: {  	_ =	shalt  }
0x7c: {  	_ =	shalt  }
0x7d: {  	_ =	shalt  }
0x7e: {  	_ =	shalt  }
0x7f: {  	_ =	shalt  }
0x80: {  	_ =	shalt  }
0x81: {  	_ =	shalt  }
0x82: {  	_ =	shalt  }
0x83: {  	_ =	shalt  }
0x84: {  	_ =	shalt  }
0x85: {  	_ =	shalt  }
0x86: {  	_ =	shalt  }
0x87: {  	_ =	shalt  }
.Lfunc_end0:
.L_simem_size_0:
called_computation_lowered:
.L_overlay_start_0:
0x88: {  	s2 =	sld [smem:$0x3FD9]  }
0x89: {  	s3 =	sld [smem:$0x3FFE];
	_ =	sdelay $0x1  }
0x8a: {  	s1 =	srdreg.scid  }
0x8b: {  	s0 =	sand.u32 $0x1, s1  }
0x8c: {  	s14 =	sshll.u32 s0, $0xA;
	s2 =	sadd.s32 s3, s2  }
0x8d: {  	s2 =	sadd.s32 s2, s14  }
0x8e: {  	[smem:$0x3FBC] =	sst s2  }
0x8f: {  	_ = 	snop  }
0x90: {  	s2 =	sld [smem:$0x3FD0];
	_ =	sdelay $0x2  }
0x91: {  	s15 =	simm.s32 $0xB;
	s4 =	simm.s32 $0x10  }
0x92: {  	[smem:s4], [sflag:s15] =	dma.local [hbm:s2], $0x1  }
0x93: {  	_ =	swait.eq [sflag:s15], $0x1  }
0x94: {  	[sflag:s15] =	ssyncset.done $0x0  }
0x95: {  	[sflag:s15] =	ssyncadd.s32 $0xFFFFFFFF  }
0x96: {  	s16 =	sld [smem:$0x11];
	(tm) =	ssettm $0x1  }
0x97: {  	s17 =	sld [smem:$0x3FFB];
	_ =	sdelay $0x3  }
0x98: {  	_ =	strace s17  }
0x99: {  	s3 =	sld [smem:$0x3FFC];
	_ =	sdelay $0x3  }
0x9a: {  	_ =	strace s3  }
0x9b: {  	s3 =	sld [smem:$0x3FFD];
	_ =	sdelay $0x3  }
0x9c: {  	_ =	strace s3  }
0x9d: {  	_ =	strace $0x8FFFFFFF  }
0x9e: {  	s18 =	sld [smem:$0x3FDB];
	_ =	sdelay $0x1  }
0x9f: {  	s19 =	simm.s32 $_scs_section_size  }
0xa0: {  	s5 =	simm.s32 $_size__tile_overlayer_lowered;
	s6 =	simm.s32 $_tile_overlayer_lowered  }
0xa1: {  	s22 =	simm.s32 $0x1BFF;
	s21 =	sshll.u32 s6, $0x1;
	s3 =	sadd.s32 s19, s18  }
0xa2: {  	s7 =	simm.s32 $0x0;
	s20 =	sshll.u32 s5, $0x1;
	s5 =	sadd.s32 s21, s3  }
0xa3: {  	[timem:s7], [sflag:s22] =	dma.local [hbm:s5], s20  }
0xa4: {  	_ =	swait.ge [sflag:s22], s20  }
0xa5: {  	s4 =	ssub.s32 $0x0, s20;
	[sflag:s22] =	ssyncset.done $0x0  }
0xa6: {  	[sflag:s22] =	ssyncadd.s32 s4;
	_ =	sdelay $0x1  }
0xa7: {  	s23 =	simm.s32 $0x1B8B  }
0xa8: {  	_ =	swait.ge [sflag:s23], $0x1  }
0xa9: {  	[sflag:s23] =	ssyncset.done $0x0  }
0xaa: {  	s25 =	simm.s32 $0x1B8E;
	s24 =	sld [smem:$0x3FFE];
	[sflag:s23] =	ssyncadd.s32 $0xFFFFFFFF  }
0xab: {  	s26 =	simm.s32 $execute0_lowered;
	[smem:$0x3FD2] =	sst s25  }
0xac: {  	s5 =	sshll.u32 s26, $0x1;
	_ =	strace $0x80000046;
	[dreg:$0x1] =	wrdreg $0xFFFFFFFF  }
0xad: {  	s28 =	simm.s32 $_size_execute0_lowered;
	s3 =	sadd.s32 s3, s5;
	[dreg:$0x0] =	wrdreg $0x0  }
0xae: {  	s5 =	sshll.u32 s28, $0x1;
	[dreg:$0x2] =	wrdreg s3  }
0xaf: {  	[dreg:$0x3] =	wrdreg s5  }
0xb0: {  	[dreg:$0x4] =	wrdreg $0xC0  }
0xb1: {  	_ =	task [dreg:s7], $0x5FFFF  }
0xb2: {  	[dreg:$0x1] =	wrdreg $0xFFFFFFFF  }
0xb3: {  	[dreg:$0x0] =	wrdreg $0x60  }
0xb4: {  	[dreg:$0x2] =	wrdreg s16  }
0xb5: {  	[dreg:$0x3] =	wrdreg s24  }
0xb6: {  	[dreg:$0x4] =	wrdreg $0x68800  }
0xb7: {  	[dreg:$0x5] =	wrdreg $0x9  }
0xb8: {  	_ =	task.clear_ibuf [dreg:s7], $0x6FFFF;
	_ =	strace $0x90000046  }
0xb9: {  	s29 =	simm.s32 $0x9;
	_ =	strace $0x80000048  }
0xba: {  	_ =	swait.ge [sflag:s29], $0x1  }
0xbb: {  	[sflag:s29] =	ssyncadd.s32 $0xFFFFFFFF  }
0xbc: {  	_ =	strace $0x90000048  }
0xbd: {  	_ =	sfence  }
0xbe: {  	s30 =	sld [smem:$0x0];
	_ =	sdelay $0x2  }
0xbf: {  	s31 =	sshll.u32 s1, $0xD;
	s1 =	sshrl.u32 s1, $0x2  }
0xc0: {  	s3 =	sand.u32 $0x4000, s31;
	s1 =	sadd.s32 s1, s30  }
0xc1: {  	s0 =	sor.u32 s3, s0;
	s1 =	sshll.u32 s1, $0x11  }
0xc2: {  	s0 =	sor.u32 s1, s0  }
0xc3: {  	s0 =	sadd.s32 $0x8F2B, s0  }
0xc4: {  	[sflag:s0] =	ssyncadd.remote.s32 $0x1  }
0xc5: {  	_ =	sfence.sel $0xFFFF  }
0xc6: {  	[dreg:$0x0] =	wrdreg $0xFFFFFFFF;
	(pc) =	sbr.abs _section_cstart, $3  }
0xc7: {  	[dreg:$0x1] =	wrdreg $0xFFFFFFFF  }
0xc8: {  	_ =	task.clear_ibuf [dreg:s7], $0x2FFFF;
	_ =	strace $0x9FFFFFFF  }
0xc9: {  	(tm) =	ssettm $0x7FFFFFFF  }
tec
execute0_lowered:
.L_overlay_start_1:
0x0: {  	(tag) =	ssettag $0x1  }
0x1: {  	s5 =	rddreg [dreg:$0x0]  }
0x2: {  	s0 =	srdreg.scid;
	s4 =	rddreg [dreg:$0x1]  }
0x3: {  	s2 =	rddreg [dreg:$0x2];
	s6 =	sand.u32 $0x1, s0  }
0x4: {  	s0 =	stileid.u32;
	s7 =	smul.u32 $0x13C000, s6  }
0x5: {  	s1 =	rddreg [dreg:$0x3];
	s3 =	simm.s32 $0x0;
	s8 =	smul.u32 $0x13C00, s0  }
0x6: {  	s13 =	simm.s32 $0x2880;
	s14 =	simm.s32 $0x80;
	s9 =	smul.u32 $0x28000, s6  }
0x7: {  	s15 =	simm.s32 $0x2800;
	s18 =	simm.s32 $0x0;
	s26 =	smul.u32 $0x2800, s0  }
0x8: {  	[smem:$0x7FF] =	sst s3;
	s10 =	smul.u32 $0x4F000, s0;
	s28 =	ssub.s32 $0x2, s6  }
0x9: {  	_ =	strace $0x80000047;
	s16 =	sshll.u32 s0, $0x6;
	s6 =	sshrl.u32 s28, $0x1  }
0xa: {  	s16 =	sor.u32 $0x1C01, s16;
	s7 =	sadd.s32 s8, s7;
	s29 =	sadd.s32 s26, s9  }
0xb: {  	s30 =	sshrl.u32 s10, $0x2;
	s12 =	ssub.s32 s28, s6;
	s7 =	sshrl.u32 s7, $0x3  }
0xc: {  	s31 =	sshrl.u32 s29, $0x3;
	s11 =	sadd.s32 s7, s4;
	s4 =	sadd.s32 s30, s2  }
0xd: {  	s5 =	sadd.s32 s5, s31;
	s6 =	sadd.s32 $0x4000, s4;
	s7 =	sadd.s32 $0x8000, s4  }
0xe: {  	s8 =	sadd.s32 $0xC000, s4;
	s9 =	sadd.s32 $0x10000, s4;
	s10 =	sadd.s32 $0xD000, s11  }
0xf: {  	v0 =	vimm.f32 $0.0e+00;
	v1 =	vimm.f32 $1.000000000e+00;
	s11 =	smax.u32 s12, $0x1;
	s12 =	simm.s32 $0x1;
	s17 =	sshrl.u32 s4, $0x3  }
.LBB2_1:
0x10: {  	[tilespmem:s3], [sflag:$0x1] =	stream.linear.gather [hbm4b:s5+s3], $0x2800, $0x38;
	[tilespmem:$0x1A480] =	vst v63  }
0x11: {  	s19 =	sand.u32 $0xFE00, s3;
	s20 =	sand.u32 $0x70, s3;
	_ =	swait.ge [sflag:s12], $0x2800  }
0x12: {  	s21 =	sshrl.u32 s19, $0x2;
	s19 =	simm.s32 $0x40;
	[sflag:s12] =	ssyncset.done $0x0  }
0x13: {  	s21 =	sor.u32 s20, s21;
	s20 =	simm.s32 $0x0;
	[sflag:s12] =	ssyncadd.s32 $0xFFFFD800  }
.LBB2_2:
0x14: {  	p0 =	sne.s32 s19, $0xFFC0  }
0x15: {  	[tilespmem:s21+$0x2880] =	vst v0;
	s20 =	sadd.s32 $0x10, s20;
	s21 =	smov.u32 s19;
	s19 =	sadd.s32 $0x40, s19  }
.Ltmp0:
0x16: {  	(pc) =	sbr.rel @p0 .LBB2_2-.Ltmp0, $4  }
0x17: {  	_ = 	snop  }
0x18: {  	s21 =	sand.u32 $0xFE00, s21  }
0x19: {  	s22 =	sand.u32 $0x70, s20;
	s21 =	sshrl.u32 s21, $0x2  }
0x1a: {  	s21 =	sor.u32 s22, s21  }
0x1b: {  	[tilespmem:s21+$0x2880] =	vst v0  }
0x1c: {  	[spmem:s4] =	stream.linear.scatter [tilespmem:s13], [sflag:$0x1], $0x4000, $0x38;
	[tilespmem:$0x1A480] =	vst v63  }
0x1d: {  	_ =	swait.ge [sflag:s12], $0x4000  }
0x1e: {  	[sflag:s12] =	ssyncset.done $0x0  }
0x1f: {  	[sflag:s12] =	ssyncadd.s32 $0xFFFFC000  }
0x20: {  	[spmem:s6] =	stream.linear.scatter [tilespmem:s13], [sflag:$0x1], $0x4000, $0x38;
	[tilespmem:$0x1A480] =	vst v63  }
0x21: {  	_ =	swait.ge [sflag:s12], $0x4000  }
0x22: {  	[sflag:s12] =	ssyncset.done $0x0  }
0x23: {  	[sflag:s12] =	ssyncadd.s32 $0xFFFFC000  }
0x24: {  	[spmem:s7] =	stream.linear.scatter [tilespmem:s13], [sflag:$0x1], $0x4000, $0x38;
	[tilespmem:$0x1A480] =	vst v63  }
0x25: {  	_ =	swait.ge [sflag:s12], $0x4000  }
0x26: {  	[sflag:s12] =	ssyncset.done $0x0  }
0x27: {  	[sflag:s12] =	ssyncadd.s32 $0xFFFFC000  }
0x28: {  	[spmem:s8] =	stream.linear.scatter [tilespmem:s13], [sflag:$0x1], $0x4000, $0x38;
	[tilespmem:$0x1A480] =	vst v63  }
0x29: {  	_ =	swait.ge [sflag:s12], $0x4000  }
0x2a: {  	[sflag:s12] =	ssyncset.done $0x0  }
0x2b: {  	s19 =	simm.s32 $0x0;
	[sflag:s12] =	ssyncadd.s32 $0xFFFFC000  }
0x2c: {  	[spmem:s9] =	stream.linear.scatter [tilespmem:s13], [sflag:$0x1], $0x3C00, $0x38;
	[tilespmem:$0x1A480] =	vst v63  }
0x2d: {  	s20 =	sand.u32 $0xFE00, s19;
	_ =	swait.ge [sflag:s12], $0x3C00  }
0x2e: {  	s31 =	sand.u32 $0x70, s19;
	s22 =	sshrl.u32 s20, $0x2;
	[sflag:s12] =	ssyncset.done $0x0  }
0x2f: {  	s20 =	simm.s32 $0x40;
	s21 =	sor.u32 s31, s22;
	[sflag:s12] =	ssyncadd.s32 $0xFFFFC400  }
.LBB2_4:
0x30: {  	p0 =	sne.s32 s20, $0xFFC0  }
0x31: {  	[tilespmem:s21+$0x2880] =	vst v1;
	s19 =	sadd.s32 $0x10, s19;
	s21 =	smov.u32 s20;
	s20 =	sadd.s32 $0x40, s20  }
.Ltmp1:
0x32: {  	(pc) =	sbr.rel @p0 .LBB2_4-.Ltmp1, $4  }
0x33: {  	_ = 	snop  }
0x34: {  	s21 =	sand.u32 $0xFE00, s21  }
0x35: {  	s22 =	sand.u32 $0x70, s19;
	s21 =	sshrl.u32 s21, $0x2  }
0x36: {  	s21 =	sor.u32 s22, s21  }
0x37: {  	[tilespmem:s21+$0x2880] =	vst v1  }
0x38: {  	s19 =	simm.s32 $0x0;
	[bflag:$0x0] =	sbarrier.arrive $0xFFFF  }
0x39: {  	v2 =	vld [tilespmem:s19+$0x0];
	_ =	sdelay $0x4  }
0x3a: {  	v2 =	vand.u32 $0x3FFF, v2  }
0x3b: {  	[tilespmem:$0x2800] =	vst v2  }
0x3c: {  	v2 =	vld [tilespmem:s19+$0x10];
	_ =	sdelay $0x4  }
0x3d: {  	v2 =	vand.u32 $0x3FFF, v2  }
0x3e: {  	[tilespmem:$0x2810] =	vst v2  }
0x3f: {  	v2 =	vld [tilespmem:s19+$0x20];
	_ =	sdelay $0x4  }
0x40: {  	v2 =	vand.u32 $0x3FFF, v2  }
0x41: {  	[tilespmem:$0x2820] =	vst v2  }
0x42: {  	v2 =	vld [tilespmem:s19+$0x30];
	_ =	sdelay $0x4  }
0x43: {  	v2 =	vand.u32 $0x3FFF, v2  }
0x44: {  	[tilespmem:$0x2830] =	vst v2  }
0x45: {  	v2 =	vld [tilespmem:s19+$0x40];
	_ =	sdelay $0x4  }
0x46: {  	v2 =	vand.u32 $0x3FFF, v2  }
0x47: {  	[tilespmem:$0x2840] =	vst v2  }
0x48: {  	v2 =	vld [tilespmem:s19+$0x50];
	_ =	sdelay $0x4  }
0x49: {  	v2 =	vand.u32 $0x3FFF, v2  }
0x4a: {  	[tilespmem:$0x2850] =	vst v2  }
0x4b: {  	v2 =	vld [tilespmem:s19+$0x60];
	_ =	sdelay $0x4  }
0x4c: {  	v2 =	vand.u32 $0x3FFF, v2  }
0x4d: {  	[tilespmem:$0x2860] =	vst v2  }
0x4e: {  	v2 =	vld [tilespmem:s19+$0x70];
	_ =	sdelay $0x4  }
0x4f: {  	v2 =	vand.u32 $0x3FFF, v2  }
0x50: {  	[tilespmem:$0x2870] =	vst v2  }
0x51: {  	[spmem:s2] =	stream.indirect.scatter.add.f32 [tilespmem:s13], [sflag:$0x1], $0x80, s15, s14, $0xb8;
	[tilespmem:$0x1A480] =	vst v63  }
0x52: {  	_ =	swait.ge [sflag:s12], $0x4000  }
0x53: {  	s22 =	simm.s32 $0x400;
	s19 =	simm.s32 $0x200;
	[sflag:s12] =	ssyncset.done $0x0  }
.LBB2_6:
0x54: {  	s21 =	sshra.s32 s19, $0x2  }
0x55: {  	[sflag:s12] =	ssyncadd.s32 $0xFFFFC000;
	s19 =	smov.u32 s22;
	s20 =	sadd.s32 $0x200, s22  }
0x56: {  	p0 =	sne.s32 s22, $0x9E00;
	v2 =	vld [tilespmem:s21+$0x0];
	_ =	sdelay $0x4  }
0x57: {  	v2 =	vand.u32 $0x3FFF, v2  }
0x58: {  	[tilespmem:$0x2800] =	vst v2  }
0x59: {  	v2 =	vld [tilespmem:s21+$0x10];
	_ =	sdelay $0x4  }
0x5a: {  	v2 =	vand.u32 $0x3FFF, v2  }
0x5b: {  	[tilespmem:$0x2810] =	vst v2  }
0x5c: {  	v2 =	vld [tilespmem:s21+$0x20];
	_ =	sdelay $0x4  }
0x5d: {  	v2 =	vand.u32 $0x3FFF, v2  }
0x5e: {  	[tilespmem:$0x2820] =	vst v2  }
0x5f: {  	v2 =	vld [tilespmem:s21+$0x30];
	_ =	sdelay $0x4  }
0x60: {  	v2 =	vand.u32 $0x3FFF, v2  }
0x61: {  	[tilespmem:$0x2830] =	vst v2  }
0x62: {  	v2 =	vld [tilespmem:s21+$0x40];
	_ =	sdelay $0x4  }
0x63: {  	v2 =	vand.u32 $0x3FFF, v2  }
0x64: {  	[tilespmem:$0x2840] =	vst v2  }
0x65: {  	v2 =	vld [tilespmem:s21+$0x50];
	_ =	sdelay $0x4  }
0x66: {  	v2 =	vand.u32 $0x3FFF, v2  }
0x67: {  	[tilespmem:$0x2850] =	vst v2  }
0x68: {  	v2 =	vld [tilespmem:s21+$0x60];
	_ =	sdelay $0x4  }
0x69: {  	v2 =	vand.u32 $0x3FFF, v2  }
0x6a: {  	[tilespmem:$0x2860] =	vst v2  }
0x6b: {  	v2 =	vld [tilespmem:s21+$0x70];
	_ =	sdelay $0x4  }
.Ltmp2:
0x6c: {  	v2 =	vand.u32 $0x3FFF, v2;
	(pc) =	sbr.rel @p0 .LBB2_6-.Ltmp2, $4  }
0x6d: {  	[tilespmem:$0x2870] =	vst v2  }
0x6e: {  	[spmem:s2] =	stream.indirect.scatter.add.f32 [tilespmem:s13], [sflag:$0x1], $0x80, s15, s14, $0xb8;
	[tilespmem:$0x1A480] =	vst v63  }
0x6f: {  	_ =	swait.ge [sflag:s12], $0x4000  }
0x70: {  	s22 =	smov.u32 s20;
	[sflag:s12] =	ssyncset.done $0x0  }
0x71: {  	s19 =	sshra.s32 s19, $0x2;
	[sflag:s12] =	ssyncadd.s32 $0xFFFFC000  }
0x72: {  	v2 =	vld [tilespmem:s19+$0x0];
	_ =	sdelay $0x4  }
0x73: {  	v2 =	vand.u32 $0x3FFF, v2  }
0x74: {  	[tilespmem:$0x2800] =	vst v2  }
0x75: {  	v2 =	vld [tilespmem:s19+$0x10];
	_ =	sdelay $0x4  }
0x76: {  	v2 =	vand.u32 $0x3FFF, v2  }
0x77: {  	[tilespmem:$0x2810] =	vst v2  }
0x78: {  	v2 =	vld [tilespmem:s19+$0x20];
	_ =	sdelay $0x4  }
0x79: {  	v2 =	vand.u32 $0x3FFF, v2  }
0x7a: {  	[tilespmem:$0x2820] =	vst v2  }
0x7b: {  	v2 =	vld [tilespmem:s19+$0x30];
	_ =	sdelay $0x4  }
0x7c: {  	v2 =	vand.u32 $0x3FFF, v2  }
0x7d: {  	[tilespmem:$0x2830] =	vst v2  }
0x7e: {  	v2 =	vld [tilespmem:s19+$0x40];
	_ =	sdelay $0x4  }
0x7f: {  	v2 =	vand.u32 $0x3FFF, v2  }
0x80: {  	[tilespmem:$0x2840] =	vst v2  }
0x81: {  	v2 =	vld [tilespmem:s19+$0x50];
	_ =	sdelay $0x4  }
0x82: {  	v2 =	vand.u32 $0x3FFF, v2  }
0x83: {  	[tilespmem:$0x2850] =	vst v2  }
0x84: {  	v2 =	vld [tilespmem:s19+$0x60];
	_ =	sdelay $0x4  }
0x85: {  	v2 =	vand.u32 $0x3FFF, v2  }
0x86: {  	[tilespmem:$0x2860] =	vst v2  }
0x87: {  	v2 =	vld [tilespmem:s19+$0x70];
	_ =	sdelay $0x4  }
0x88: {  	v2 =	vand.u32 $0x3FFF, v2  }
0x89: {  	[tilespmem:$0x2870] =	vst v2  }
0x8a: {  	[spmem:s2] =	stream.indirect.scatter.add.f32 [tilespmem:s13], [sflag:$0x1], $0x80, s15, s14, $0xb8;
	[tilespmem:$0x1A480] =	vst v63  }
0x8b: {  	_ =	swait.ge [sflag:s12], $0x4000  }
0x8c: {  	s18 =	sadd.s32 $0x1, s18;
	[sflag:s12] =	ssyncset.done $0x0  }
0x8d: {  	p0 =	sne.s32 s18, s11;
	[sflag:s12] =	ssyncadd.s32 $0xFFFFC000  }
.Ltmp3:
0x8e: {  	[bflag:$0x0] =	sbarrier.arrive $0xFFFF;
	(pc) =	sbr.rel @p0 .LBB2_1-.Ltmp3, $4  }
0x8f: {  	[hbm:s10], [sflag:s16] =	dma.local [spmem:s17], $0x2780  }
0x90: {  	_ =	swait.ge [sflag:s12], $0x2780  }
0x91: {  	[sflag:s12] =	ssyncset.done $0x0  }
0x92: {  	[sflag:s12] =	ssyncadd.s32 $0xFFFFD880  }
0x93: {  	_ =	sfence.sel $0x180000  }
0x94: {  	[bflag:$0x0] =	sbarrier.arrive $0xFFFF  }
0x95: {  	p0 =	sne.s32 s0, $0x0;
	_ =	strace $0x90000047  }
0x96: {  	s0 =	sadd.s32 @!p0 $0x100000, s1;
	[bflag:$0x2] =	sbarrier.arrive $0xFFFF  }
0x97: {  	[sflag:s0] =	ssyncadd.tile.s32 @!p0 $0x1;
	_ =	shalt  }
.Lfunc_end2:
_tile_overlayer_lowered:
.L_overlay_start_2:
0x98: {  	(tag) =	ssettag $0x2  }
0x99: {  	s0 =	rddreg [dreg:$0x0];
	s2 =	stileid.u32  }
0x9a: {  	s1 =	rddreg [dreg:$0x1];
	p0 =	sne.s32 s2, $0x0  }
0x9b: {  	s3 =	rddreg [dreg:$0x2];
	[bflag:$0x3] =	sbarrier.arrive $0xFFFF;
	s2 =	simm.s32 @!p0 $0x1C01  }
0x9c: {  	[timem:s3], [sflag:s2] =	dma.local @!p0 [hbm:s0], s1  }
0x9d: {  	s0 =	simm.s32 @!p0 $0x1  }
0x9e: {  	_ =	swait.ge @!p0 [sflag:s0], s1  }
0x9f: {  	s1 =	ssub.s32 @!p0 $0x0, s1;
	[sflag:s0] =	ssyncset.done @!p0 $0x0  }
0xa0: {  	[sflag:s0] =	ssyncadd.s32 @!p0 s1  }
0xa1: {  	[bflag:$0x3] =	sbarrier.arrive $0xFFFF  }
0xa2: {  	_ =	shalt  }

// kernel: kernel.16.cloned.1.call-start
scs
__scs_entry_jumppad:
0x0: {  	(pc) =	sbr.rel $0x88, $3  }
0x1: {  	(tag) =	ssettag $0x0;
	lr =	simm.s32 $0x1  }
0x2: {  	[smem:$0x3F95] =	sst lr;
	_ =	strace $0xD0000000  }
0x3: {  	_ = 	snop  }
0x4: {  	_ = 	snop  }
0x5: {  	_ = 	snop  }
0x6: {  	_ = 	snop  }
0x7: {  	_ = 	snop  }
__scs_overlays_trampoline_lowered:
0x8: {  	[smem:$0x3FA4] =	sst s0  }
0x9: {  	[smem:$0x3FA5] =	sst s1  }
0xa: {  	[smem:$0x3FA6] =	sst s2  }
0xb: {  	[smem:$0x3FA7] =	sst s3  }
0xc: {  	[smem:$0x3FA8] =	sst s4  }
0xd: {  	[smem:$0x3FA9] =	sst s5  }
0xe: {  	[smem:$0x3FAA] =	sst s6  }
0xf: {  	[smem:$0x3FAB] =	sst s7  }
0x10: {  	[smem:$0x3FAC] =	sst s8  }
0x11: {  	[smem:$0x3FAD] =	sst s9;
	s0 =	simm.s32 @!p0 $0x0  }
0x12: {  	s1 =	sld [smem:$0x3F93];
	s0 =	simm.s32 @p0 $0x1  }
0x13: {  	[smem:$0x3FAE] =	sst s0;
	s0 =	simm.s32 @!p1 $0x0  }
0x14: {  	s2 =	sld [smem:$0x3F92];
	s0 =	simm.s32 @p1 $0x1  }
0x15: {  	[smem:$0x3FAF] =	sst s0;
	s0 =	simm.s32 @!p2 $0x0  }
0x16: {  	s3 =	sld [smem:$0x3FDB];
	s0 =	simm.s32 @p2 $0x1  }
0x17: {  	s4 =	simm.s32 $0x1BF5;
	[smem:$0x3FB1] =	sst s0  }
0x18: {  	s0 =	sld [smem:$0x3F94];
	_ =	swait.ge [sflag:s4], $0x0  }
0x19: {  	s7 =	sld [smem:$0x3F95]  }
0x1a: {  	s8 =	sadd.s32 $0xFFFFE003, lr  }
0x1b: {  	s9 =	sadd.s32 $0xFFFFFEF7, lr;
	s5 =	simm.s32 $0xFFFFFFFF;
	p2 =	slt.u32 s8, $0xFFFFF086  }
0x1c: {  	p1 =	slt.u32 s9, $0xF7A;
	s5 =	simm.s32 @!p2 $0x0  }
0x1d: {  	s5 =	simm.s32 @p1 $0x1;
	p0 =	seq.s32 s7, s2  }
0x1e: {  	s7 =	smul.u32 @!p0 $0xF7A, s2;
	p2 =	seq.s32 @!p0 s5, $0x0  }
0x1f: {  	s9 =	smul.u32 $0xF7A, s1;
	s8 =	simm.s32 @!p0 $0x1BF5;
	p2 =	por !p2, p0  }
0x20: {  	[sflag:s8] =	ssyncset.s32 @!p0 $0xFFFFF086;
	s6 =	sadd.s32 @!p0 s3, s7;
	s7 =	simm.s32 @!p0 $0x108  }
0x21: {  	s3 =	sadd.s32 s3, s9;
	s6 =	sadd.s32 @!p0 $0x88, s6;
	s7 =	simm.s32 @p2 $0x1082  }
0x22: {  	[simem:s7], [sflag:s8] =	dma.local @!p0 [hbm:s6], $0xF7A  }
0x23: {  	s9 =	sor.u32 $0xD0000000, s2;
	s6 =	simm.s32 $0x108;
	_ =	swait.ge @!p0 [sflag:s8], $0x0  }
0x24: {  	s3 =	sadd.s32 $0x88, s3;
	s6 =	simm.s32 @!p1 $0x1082;
	[sflag:s4] =	ssyncset.s32 $0xFFFFF086  }
0x25: {  	[simem:s6], [sflag:s4] =	dma.local [hbm:s3], $0xF7A  }
0x26: {  	[smem:$0x3F95] =	sst s1;
	(tag) =	ssettag s2;
	_ =	strace s9  }
0x27: {  	s1 =	sld [smem:$0x3FA5]  }
0x28: {  	s2 =	sld [smem:$0x3FA6]  }
0x29: {  	s4 =	sld [smem:$0x3FA8]  }
0x2a: {  	p0 =	seq.s32 s5, $0x0;
	s5 =	sld [smem:$0x3FA9]  }
0x2b: {  	s6 =	sld [smem:$0x3FAA]  }
0x2c: {  	s7 =	sld [smem:$0x3FAB]  }
0x2d: {  	s3 =	simm.s32 $0x108;
	s8 =	sld [smem:$0x3FAC]  }
0x2e: {  	s3 =	simm.s32 @!p0 $0x1082;
	s9 =	sld [smem:$0x3FAD]  }
0x2f: {  	lr =	sadd.s32 s0, s3;
	s0 =	sld [smem:$0x3FA4]  }
0x30: {  	s3 =	sld [smem:$0x3FA7]  }
0x31: {  	[smem:$0x3FB0] =	sst s10  }
0x32: {  	s10 =	sld [smem:$0x3FAE];
	_ =	sdelay $0x3  }
0x33: {  	p0 =	seq.s32 s10, $0x1;
	s10 =	sld [smem:$0x3FB0];
	_ =	sdelay $0x3  }
0x34: {  	[smem:$0x3FB0] =	sst s10  }
0x35: {  	s10 =	sld [smem:$0x3FAF];
	_ =	sdelay $0x3  }
0x36: {  	p1 =	seq.s32 s10, $0x1;
	s10 =	sld [smem:$0x3FB0];
	_ =	sdelay $0x3  }
0x37: {  	[smem:$0x3FB0] =	sst s10  }
0x38: {  	s10 =	sld [smem:$0x3FB1]  }
0x39: {  	_ = 	snop;
	(pc) =	sbr.ind lr, $3  }
0x3a: {  	_ = 	snop  }
0x3b: {  	_ = 	snop  }
0x3c: {  	p2 =	seq.s32 s10, $0x1;
	s10 =	sld [smem:$0x3FB0]  }
0x3d: {  	_ =	shalt  }
0x3e: {  	_ =	shalt  }
0x3f: {  	_ =	shalt  }
0x40: {  	_ =	shalt  }
0x41: {  	_ =	shalt  }
0x42: {  	_ =	shalt  }
0x43: {  	_ =	shalt  }
0x44: {  	_ =	shalt  }
0x45: {  	_ =	shalt  }
0x46: {  	_ =	shalt  }
0x47: {  	_ =	shalt  }
0x48: {  	_ =	shalt  }
0x49: {  	_ =	shalt  }
0x4a: {  	_ =	shalt  }
0x4b: {  	_ =	shalt  }
0x4c: {  	_ =	shalt  }
0x4d: {  	_ =	shalt  }
0x4e: {  	_ =	shalt  }
0x4f: {  	_ =	shalt  }
0x50: {  	_ =	shalt  }
0x51: {  	_ =	shalt  }
0x52: {  	_ =	shalt  }
0x53: {  	_ =	shalt  }
0x54: {  	_ =	shalt  }
0x55: {  	_ =	shalt  }
0x56: {  	_ =	shalt  }
0x57: {  	_ =	shalt  }
0x58: {  	_ =	shalt  }
0x59: {  	_ =	shalt  }
0x5a: {  	_ =	shalt  }
0x5b: {  	_ =	shalt  }
0x5c: {  	_ =	shalt  }
0x5d: {  	_ =	shalt  }
0x5e: {  	_ =	shalt  }
0x5f: {  	_ =	shalt  }
0x60: {  	_ =	shalt  }
0x61: {  	_ =	shalt  }
0x62: {  	_ =	shalt  }
0x63: {  	_ =	shalt  }
0x64: {  	_ =	shalt  }
0x65: {  	_ =	shalt  }
0x66: {  	_ =	shalt  }
0x67: {  	_ =	shalt  }
0x68: {  	_ =	shalt  }
0x69: {  	_ =	shalt  }
0x6a: {  	_ =	shalt  }
0x6b: {  	_ =	shalt  }
0x6c: {  	_ =	shalt  }
0x6d: {  	_ =	shalt  }
0x6e: {  	_ =	shalt  }
0x6f: {  	_ =	shalt  }
0x70: {  	_ =	shalt  }
0x71: {  	_ =	shalt  }
0x72: {  	_ =	shalt  }
0x73: {  	_ =	shalt  }
0x74: {  	_ =	shalt  }
0x75: {  	_ =	shalt  }
0x76: {  	_ =	shalt  }
0x77: {  	_ =	shalt  }
0x78: {  	_ =	shalt  }
0x79: {  	_ =	shalt  }
0x7a: {  	_ =	shalt  }
0x7b: {  	_ =	shalt  }
0x7c: {  	_ =	shalt  }
0x7d: {  	_ =	shalt  }
0x7e: {  	_ =	shalt  }
0x7f: {  	_ =	shalt  }
0x80: {  	_ =	shalt  }
0x81: {  	_ =	shalt  }
0x82: {  	_ =	shalt  }
0x83: {  	_ =	shalt  }
0x84: {  	_ =	shalt  }
0x85: {  	_ =	shalt  }
0x86: {  	_ =	shalt  }
0x87: {  	_ =	shalt  }
.Lfunc_end0:
.L_simem_size_0:
called_computation.1_lowered:
.L_overlay_start_0:
0x88: {  	s2 =	sld [smem:$0x3FD9]  }
0x89: {  	s3 =	sld [smem:$0x3FFE];
	_ =	sdelay $0x1  }
0x8a: {  	s1 =	srdreg.scid  }
0x8b: {  	s0 =	sand.u32 $0x1, s1  }
0x8c: {  	s14 =	sshll.u32 s0, $0xA;
	s2 =	sadd.s32 s3, s2  }
0x8d: {  	s2 =	sadd.s32 s2, s14  }
0x8e: {  	[smem:$0x3FBC] =	sst s2  }
0x8f: {  	_ = 	snop  }
0x90: {  	s2 =	sld [smem:$0x3FD0];
	_ =	sdelay $0x2  }
0x91: {  	s15 =	simm.s32 $0xB;
	s4 =	simm.s32 $0x10  }
0x92: {  	[smem:s4], [sflag:s15] =	dma.local [hbm:s2], $0x1  }
0x93: {  	_ =	swait.eq [sflag:s15], $0x1  }
0x94: {  	[sflag:s15] =	ssyncset.done $0x0  }
0x95: {  	[sflag:s15] =	ssyncadd.s32 $0xFFFFFFFF  }
0x96: {  	s16 =	sld [smem:$0x11];
	(tm) =	ssettm $0x1  }
0x97: {  	s17 =	sld [smem:$0x3FFB];
	_ =	sdelay $0x3  }
0x98: {  	_ =	strace s17  }
0x99: {  	s3 =	sld [smem:$0x3FFC];
	_ =	sdelay $0x3  }
0x9a: {  	_ =	strace s3  }
0x9b: {  	s3 =	sld [smem:$0x3FFD];
	_ =	sdelay $0x3  }
0x9c: {  	_ =	strace s3  }
0x9d: {  	_ =	strace $0x8FFFFFFF  }
0x9e: {  	s18 =	sld [smem:$0x3FDB];
	_ =	sdelay $0x1  }
0x9f: {  	s19 =	simm.s32 $_scs_section_size  }
0xa0: {  	s5 =	simm.s32 $_size__tile_overlayer_lowered;
	s6 =	simm.s32 $_tile_overlayer_lowered  }
0xa1: {  	s22 =	simm.s32 $0x1BFF;
	s21 =	sshll.u32 s6, $0x1;
	s3 =	sadd.s32 s19, s18  }
0xa2: {  	s7 =	simm.s32 $0x0;
	s20 =	sshll.u32 s5, $0x1;
	s5 =	sadd.s32 s21, s3  }
0xa3: {  	[timem:s7], [sflag:s22] =	dma.local [hbm:s5], s20  }
0xa4: {  	_ =	swait.ge [sflag:s22], s20  }
0xa5: {  	s4 =	ssub.s32 $0x0, s20;
	[sflag:s22] =	ssyncset.done $0x0  }
0xa6: {  	[sflag:s22] =	ssyncadd.s32 s4;
	_ =	sdelay $0x1  }
0xa7: {  	s23 =	simm.s32 $0x1B8B  }
0xa8: {  	_ =	swait.ge [sflag:s23], $0x1  }
0xa9: {  	[sflag:s23] =	ssyncset.done $0x0  }
0xaa: {  	s25 =	simm.s32 $0x1B8E;
	s24 =	sld [smem:$0x3FFE];
	[sflag:s23] =	ssyncadd.s32 $0xFFFFFFFF  }
0xab: {  	s26 =	simm.s32 $execute0_lowered;
	[smem:$0x3FD2] =	sst s25  }
0xac: {  	s5 =	sshll.u32 s26, $0x1;
	_ =	strace $0x80000049;
	[dreg:$0x1] =	wrdreg $0xFFFFFFFF  }
0xad: {  	s28 =	simm.s32 $_size_execute0_lowered;
	s3 =	sadd.s32 s3, s5;
	[dreg:$0x0] =	wrdreg $0x0  }
0xae: {  	s5 =	sshll.u32 s28, $0x1;
	[dreg:$0x2] =	wrdreg s3  }
0xaf: {  	[dreg:$0x3] =	wrdreg s5  }
0xb0: {  	[dreg:$0x4] =	wrdreg $0xC0  }
0xb1: {  	_ =	task [dreg:s7], $0x5FFFF  }
0xb2: {  	[dreg:$0x1] =	wrdreg $0xFFFFFFFF  }
0xb3: {  	[dreg:$0x0] =	wrdreg $0x60  }
0xb4: {  	[dreg:$0x2] =	wrdreg s16  }
0xb5: {  	[dreg:$0x3] =	wrdreg s24  }
0xb6: {  	[dreg:$0x4] =	wrdreg $0xAA000  }
0xb7: {  	[dreg:$0x5] =	wrdreg $0xA  }
0xb8: {  	_ =	task.clear_ibuf [dreg:s7], $0x6FFFF;
	_ =	strace $0x90000049  }
0xb9: {  	s29 =	simm.s32 $0xA;
	_ =	strace $0x8000004B  }
0xba: {  	_ =	swait.ge [sflag:s29], $0x1  }
0xbb: {  	[sflag:s29] =	ssyncadd.s32 $0xFFFFFFFF  }
0xbc: {  	_ =	strace $0x9000004B  }
0xbd: {  	_ =	sfence  }
0xbe: {  	s30 =	sld [smem:$0x0];
	_ =	sdelay $0x2  }
0xbf: {  	s31 =	sshll.u32 s1, $0xD;
	s1 =	sshrl.u32 s1, $0x2  }
0xc0: {  	s3 =	sand.u32 $0x4000, s31;
	s1 =	sadd.s32 s1, s30  }
0xc1: {  	s0 =	sor.u32 s3, s0;
	s1 =	sshll.u32 s1, $0x11  }
0xc2: {  	s0 =	sor.u32 s1, s0  }
0xc3: {  	s0 =	sadd.s32 $0x8F2B, s0  }
0xc4: {  	[sflag:s0] =	ssyncadd.remote.s32 $0x1  }
0xc5: {  	_ =	sfence.sel $0xFFFF  }
0xc6: {  	[dreg:$0x0] =	wrdreg $0xFFFFFFFF;
	(pc) =	sbr.abs _section_cstart, $3  }
0xc7: {  	[dreg:$0x1] =	wrdreg $0xFFFFFFFF  }
0xc8: {  	_ =	task.clear_ibuf [dreg:s7], $0x2FFFF;
	_ =	strace $0x9FFFFFFF  }
0xc9: {  	(tm) =	ssettm $0x7FFFFFFF  }
tec
execute0_lowered:
.L_overlay_start_1:
0x0: {  	(tag) =	ssettag $0x1  }
0x1: {  	s10 =	rddreg [dreg:$0x0]  }
0x2: {  	s4 =	rddreg [dreg:$0x1]  }
0x3: {  	s1 =	rddreg [dreg:$0x2];
	s2 =	srdreg.scid  }
0x4: {  	s0 =	rddreg [dreg:$0x3];
	s3 =	simm.s32 $0x0;
	s14 =	simm.s32 $0x2A00  }
0x5: {  	s15 =	simm.s32 $0x80;
	s16 =	simm.s32 $0x2800;
	s17 =	simm.s32 $0x2880  }
0x6: {  	s18 =	simm.s32 $0x6A00;
	s19 =	simm.s32 $0x1;
	s6 =	sand.u32 $0x1, s2  }
0x7: {  	s20 =	simm.s32 $0x2900;
	s2 =	stileid.u32;
	s5 =	smul.u32 $0x13C000, s6  }
0x8: {  	s21 =	simm.s32 $0x2;
	s22 =	simm.s32 $0x2980;
	s7 =	smul.u32 $0x13C00, s2  }
0x9: {  	s23 =	simm.s32 $0x0;
	[smem:$0x7FF] =	sst s3;
	s8 =	smul.u32 $0x500, s2  }
0xa: {  	_ =	strace $0x8000004A;
	s29 =	ssub.s32 $0x2, s6;
	s9 =	smul.u32 $0x4F000, s2  }
0xb: {  	s31 =	smul.u32 $0x27100, s6;
	s11 =	sshrl.u32 s29, $0x1;
	s5 =	sadd.s32 s7, s5  }
0xc: {  	s8 =	sadd.s32 s8, s4;
	s30 =	sshrl.u32 s9, $0x2;
	s5 =	sshrl.u32 s5, $0x3  }
0xd: {  	s13 =	ssub.s32 s29, s11;
	s12 =	sadd.s32 s5, s4;
	s5 =	sadd.s32 s30, s1  }
0xe: {  	s10 =	sadd.s32 s10, s31;
	s4 =	sadd.s32 $0x3000, s8;
	s6 =	sadd.s32 $0x4000, s5  }
0xf: {  	s7 =	sadd.s32 $0x8000, s5;
	s8 =	sadd.s32 $0xC000, s5;
	s9 =	sadd.s32 $0x10000, s5  }
0x10: {  	v0 =	vimm.f32 $0.0e+00;
	s11 =	sadd.s32 $0xD000, s12;
	s12 =	smax.u32 s13, $0x1;
	s13 =	simm.s32 $0x3  }
.LBB2_1:
0x11: {  	[tilespmem:s3], [sflag:$0x3] =	stream.linear.gather [hbm4b:s4+s3], $0x2800, $0x38;
	[tilespmem:$0x1E600] =	vst v63  }
0x12: {  	s24 =	sand.u32 $0xFE00, s3;
	s25 =	sand.u32 $0x70, s3;
	_ =	swait.ge [sflag:s13], $0x2800  }
0x13: {  	s26 =	sshrl.u32 s24, $0x2;
	s24 =	simm.s32 $0x40;
	[sflag:s13] =	ssyncset.done $0x0  }
0x14: {  	s26 =	sor.u32 s25, s26;
	s25 =	simm.s32 $0x0;
	[sflag:s13] =	ssyncadd.s32 $0xFFFFD800  }
.LBB2_2:
0x15: {  	p0 =	sne.s32 s24, $0xFFC0  }
0x16: {  	[tilespmem:s26+$0x2A00] =	vst v0;
	s25 =	sadd.s32 $0x10, s25;
	s26 =	smov.u32 s24;
	s24 =	sadd.s32 $0x40, s24  }
.Ltmp0:
0x17: {  	(pc) =	sbr.rel @p0 .LBB2_2-.Ltmp0, $4  }
0x18: {  	_ = 	snop  }
0x19: {  	s26 =	sand.u32 $0xFE00, s26  }
0x1a: {  	s28 =	sand.u32 $0x70, s25;
	s26 =	sshrl.u32 s26, $0x2  }
0x1b: {  	s26 =	sor.u32 s28, s26  }
0x1c: {  	[tilespmem:s26+$0x2A00] =	vst v0  }
0x1d: {  	[spmem:s5] =	stream.linear.scatter [tilespmem:s14], [sflag:$0x3], $0x4000, $0x38;
	[tilespmem:$0x1E600] =	vst v63  }
0x1e: {  	_ =	swait.ge [sflag:s13], $0x4000  }
0x1f: {  	[sflag:s13] =	ssyncset.done $0x0  }
0x20: {  	[sflag:s13] =	ssyncadd.s32 $0xFFFFC000  }
0x21: {  	[spmem:s6] =	stream.linear.scatter [tilespmem:s14], [sflag:$0x3], $0x4000, $0x38;
	[tilespmem:$0x1E600] =	vst v63  }
0x22: {  	_ =	swait.ge [sflag:s13], $0x4000  }
0x23: {  	[sflag:s13] =	ssyncset.done $0x0  }
0x24: {  	[sflag:s13] =	ssyncadd.s32 $0xFFFFC000  }
0x25: {  	[spmem:s7] =	stream.linear.scatter [tilespmem:s14], [sflag:$0x3], $0x4000, $0x38;
	[tilespmem:$0x1E600] =	vst v63  }
0x26: {  	_ =	swait.ge [sflag:s13], $0x4000  }
0x27: {  	[sflag:s13] =	ssyncset.done $0x0  }
0x28: {  	[sflag:s13] =	ssyncadd.s32 $0xFFFFC000  }
0x29: {  	[spmem:s8] =	stream.linear.scatter [tilespmem:s14], [sflag:$0x3], $0x4000, $0x38;
	[tilespmem:$0x1E600] =	vst v63  }
0x2a: {  	_ =	swait.ge [sflag:s13], $0x4000  }
0x2b: {  	[sflag:s13] =	ssyncset.done $0x0  }
0x2c: {  	[sflag:s13] =	ssyncadd.s32 $0xFFFFC000  }
0x2d: {  	[spmem:s9] =	stream.linear.scatter [tilespmem:s14], [sflag:$0x3], $0x3C00, $0x38;
	[tilespmem:$0x1E600] =	vst v63  }
0x2e: {  	_ =	swait.ge [sflag:s13], $0x3C00  }
0x2f: {  	[sflag:s13] =	ssyncset.done $0x0  }
0x30: {  	[sflag:s13] =	ssyncadd.s32 $0xFFFFC400  }
0x31: {  	[bflag:$0x0] =	sbarrier.arrive $0xFFFF  }
0x32: {  	v1 =	vld [tilespmem:$0x0];
	_ =	sdelay $0x1  }
0x33: {  	v2 =	vld [tilespmem:$0x10];
	_ =	sdelay $0x1  }
0x34: {  	v3 =	vld [tilespmem:$0x20]  }
0x35: {  	v4 =	vshrl.u32 v1, $0xE  }
0x36: {  	v62 =	vld [tilespmem:$0x30];
	v1 =	vand.u32 $0x3FFF, v1;
	[tilespmem:$0x2800] =	vst v4  }
0x37: {  	[tilespmem:$0x2900] =	vst v1;
	v1 =	vshrl.u32 v2, $0xE  }
0x38: {  	[tilespmem:$0x2810] =	vst v1;
	v1 =	vand.u32 $0x3FFF, v2;
	v2 =	vld [tilespmem:$0x40]  }
0x39: {  	[tilespmem:$0x2910] =	vst v1;
	v1 =	vshrl.u32 v3, $0xE  }
0x3a: {  	[tilespmem:$0x2820] =	vst v1;
	v1 =	vand.u32 $0x3FFF, v3;
	v3 =	vld [tilespmem:$0x50]  }
0x3b: {  	[tilespmem:$0x2920] =	vst v1;
	v1 =	vshrl.u32 v62, $0xE  }
0x3c: {  	v63 =	vld [tilespmem:$0x60];
	[tilespmem:$0x2830] =	vst v1;
	v1 =	vand.u32 $0x3FFF, v62  }
0x3d: {  	[tilespmem:$0x2930] =	vst v1;
	v1 =	vshrl.u32 v2, $0xE  }
0x3e: {  	[tilespmem:$0x2840] =	vst v1;
	v1 =	vand.u32 $0x3FFF, v2;
	v2 =	vld [tilespmem:$0x70]  }
0x3f: {  	[tilespmem:$0x2940] =	vst v1;
	v1 =	vshrl.u32 v3, $0xE  }
0x40: {  	[tilespmem:$0x2850] =	vst v1;
	v1 =	vand.u32 $0x3FFF, v3  }
0x41: {  	[tilespmem:$0x2950] =	vst v1;
	v1 =	vshrl.u32 v63, $0xE  }
0x42: {  	[tilespmem:$0x2860] =	vst v1;
	v1 =	vand.u32 $0x3FFF, v63  }
0x43: {  	[tilespmem:$0x2960] =	vst v1;
	v1 =	vshrl.u32 v2, $0xE  }
0x44: {  	[tilespmem:$0x2870] =	vst v1;
	v1 =	vand.u32 $0x3FFF, v2  }
0x45: {  	s24 =	simm.s32 $0x0;
	[tilespmem:$0x2970] =	vst v1  }
0x46: {  	[tilespmem:s14], [sflag:$0x1] =	stream.indirect.gather [hbm4b:s10+s15], $0x80, s16, s15, $0xb8;
	[tilespmem:$0x1E600] =	vst v63  }
0x47: {  	v1 =	vld [tilespmem:s24+$0x80];
	_ =	sdelay $0x4  }
0x48: {  	v2 =	vshrl.u32 v1, $0xE  }
0x49: {  	v1 =	vand.u32 $0x3FFF, v1;
	[tilespmem:$0x2880] =	vst v2  }
0x4a: {  	[tilespmem:$0x2980] =	vst v1  }
0x4b: {  	v1 =	vld [tilespmem:s24+$0x90];
	_ =	sdelay $0x4  }
0x4c: {  	v2 =	vshrl.u32 v1, $0xE  }
0x4d: {  	v1 =	vand.u32 $0x3FFF, v1;
	[tilespmem:$0x2890] =	vst v2  }
0x4e: {  	[tilespmem:$0x2990] =	vst v1  }
0x4f: {  	v1 =	vld [tilespmem:s24+$0xA0];
	_ =	sdelay $0x4  }
0x50: {  	v2 =	vshrl.u32 v1, $0xE  }
0x51: {  	v1 =	vand.u32 $0x3FFF, v1;
	[tilespmem:$0x28A0] =	vst v2  }
0x52: {  	[tilespmem:$0x29A0] =	vst v1  }
0x53: {  	v1 =	vld [tilespmem:s24+$0xB0];
	_ =	sdelay $0x4  }
0x54: {  	v2 =	vshrl.u32 v1, $0xE  }
0x55: {  	v1 =	vand.u32 $0x3FFF, v1;
	[tilespmem:$0x28B0] =	vst v2  }
0x56: {  	[tilespmem:$0x29B0] =	vst v1  }
0x57: {  	v1 =	vld [tilespmem:s24+$0xC0];
	_ =	sdelay $0x4  }
0x58: {  	v2 =	vshrl.u32 v1, $0xE  }
0x59: {  	v1 =	vand.u32 $0x3FFF, v1;
	[tilespmem:$0x28C0] =	vst v2  }
0x5a: {  	[tilespmem:$0x29C0] =	vst v1  }
0x5b: {  	v1 =	vld [tilespmem:s24+$0xD0];
	_ =	sdelay $0x4  }
0x5c: {  	v2 =	vshrl.u32 v1, $0xE  }
0x5d: {  	v1 =	vand.u32 $0x3FFF, v1;
	[tilespmem:$0x28D0] =	vst v2  }
0x5e: {  	[tilespmem:$0x29D0] =	vst v1  }
0x5f: {  	v1 =	vld [tilespmem:s24+$0xE0];
	_ =	sdelay $0x4  }
0x60: {  	v2 =	vshrl.u32 v1, $0xE  }
0x61: {  	v1 =	vand.u32 $0x3FFF, v1;
	[tilespmem:$0x28E0] =	vst v2  }
0x62: {  	[tilespmem:$0x29E0] =	vst v1  }
0x63: {  	v1 =	vld [tilespmem:s24+$0xF0];
	_ =	sdelay $0x4  }
0x64: {  	v2 =	vshrl.u32 v1, $0xE  }
0x65: {  	v1 =	vand.u32 $0x3FFF, v1;
	[tilespmem:$0x28F0] =	vst v2  }
0x66: {  	[tilespmem:$0x29F0] =	vst v1  }
0x67: {  	[tilespmem:s18], [sflag:$0x2] =	stream.indirect.gather [hbm4b:s10+s15], $0x80, s17, s15, $0xb8;
	[tilespmem:$0x1E600] =	vst v63  }
0x68: {  	_ =	swait.ge [sflag:s19], $0x4000  }
0x69: {  	[sflag:s19] =	ssyncset.done $0x0  }
0x6a: {  	[sflag:s19] =	ssyncadd.s32 $0xFFFFC000  }
0x6b: {  	[spmem:s1] =	stream.indirect.scatter.add.f32 [tilespmem:s14], [sflag:$0x3], $0x80, s20, s15, $0xb8;
	[tilespmem:$0x1E600] =	vst v63  }
0x6c: {  	_ =	swait.ge [sflag:s13], $0x4000  }
0x6d: {  	p1 =	por $0x0, $0x0;
	[sflag:s13] =	ssyncset.done $0x0  }
0x6e: {  	s25 =	simm.s32 @!p1 $0x0;
	[sflag:s13] =	ssyncadd.s32 $0xFFFFC000  }
0x6f: {  	v1 =	vld @!p1 [tilespmem:s25+$0x100];
	_ =	sdelay $0x4  }
0x70: {  	v2 =	vshrl.u32 @!p1 v1, $0xE  }
0x71: {  	v1 =	vand.u32 @!p1 $0x3FFF, v1;
	[tilespmem:$0x2800] =	vst @!p1 v2  }
0x72: {  	[tilespmem:$0x2900] =	vst @!p1 v1  }
0x73: {  	v1 =	vld @!p1 [tilespmem:s25+$0x110];
	_ =	sdelay $0x4  }
0x74: {  	v2 =	vshrl.u32 @!p1 v1, $0xE  }
0x75: {  	v1 =	vand.u32 @!p1 $0x3FFF, v1;
	[tilespmem:$0x2810] =	vst @!p1 v2  }
0x76: {  	[tilespmem:$0x2910] =	vst @!p1 v1  }
0x77: {  	v1 =	vld @!p1 [tilespmem:s25+$0x120];
	_ =	sdelay $0x4  }
0x78: {  	v2 =	vshrl.u32 @!p1 v1, $0xE  }
0x79: {  	v1 =	vand.u32 @!p1 $0x3FFF, v1;
	[tilespmem:$0x2820] =	vst @!p1 v2  }
0x7a: {  	[tilespmem:$0x2920] =	vst @!p1 v1  }
0x7b: {  	v1 =	vld @!p1 [tilespmem:s25+$0x130];
	_ =	sdelay $0x4  }
0x7c: {  	v2 =	vshrl.u32 @!p1 v1, $0xE  }
0x7d: {  	v1 =	vand.u32 @!p1 $0x3FFF, v1;
	[tilespmem:$0x2830] =	vst @!p1 v2  }
0x7e: {  	[tilespmem:$0x2930] =	vst @!p1 v1  }
0x7f: {  	v1 =	vld @!p1 [tilespmem:s25+$0x140];
	_ =	sdelay $0x4  }
0x80: {  	v2 =	vshrl.u32 @!p1 v1, $0xE  }
0x81: {  	v1 =	vand.u32 @!p1 $0x3FFF, v1;
	[tilespmem:$0x2840] =	vst @!p1 v2  }
0x82: {  	[tilespmem:$0x2940] =	vst @!p1 v1  }
0x83: {  	v1 =	vld @!p1 [tilespmem:s25+$0x150];
	_ =	sdelay $0x4  }
0x84: {  	v2 =	vshrl.u32 @!p1 v1, $0xE  }
0x85: {  	v1 =	vand.u32 @!p1 $0x3FFF, v1;
	[tilespmem:$0x2850] =	vst @!p1 v2  }
0x86: {  	[tilespmem:$0x2950] =	vst @!p1 v1  }
0x87: {  	v1 =	vld @!p1 [tilespmem:s25+$0x160];
	_ =	sdelay $0x4  }
0x88: {  	s28 =	simm.s32 @!p1 $0x80;
	v2 =	vshrl.u32 @!p1 v1, $0xE  }
0x89: {  	s29 =	simm.s32 @!p1 $0x2800;
	s30 =	simm.s32 @!p1 $0x2A00;
	s24 =	simm.s32 $0x400;
	v1 =	vand.u32 @!p1 $0x3FFF, v1;
	[tilespmem:$0x2860] =	vst @!p1 v2  }
.LBB2_4:
0x8a: {  	[tilespmem:$0x2960] =	vst @!p1 v1;
	s26 =	smov.u32 s24;
	s24 =	sadd.s32 $0x400, s24  }
0x8b: {  	p0 =	sne.s32 s24, $0xA000;
	v1 =	vld @!p1 [tilespmem:s25+$0x170];
	_ =	sdelay $0x4  }
0x8c: {  	v2 =	vshrl.u32 @!p1 v1, $0xE;
	v1 =	vand.u32 @!p1 $0x3FFF, v1  }
0x8d: {  	[tilespmem:$0x2870] =	vst @!p1 v2  }
0x8e: {  	[tilespmem:$0x2970] =	vst @!p1 v1  }
0x8f: {  	[tilespmem:s30], [sflag:$0x1] =	stream.indirect.gather @!p1 [hbm4b:s10+s28], $0x80, s29, s28, $0xb8;
	[tilespmem:$0x1E600] =	vst v63  }
0x90: {  	_ =	swait.ge [sflag:s21], $0x4000  }
0x91: {  	[sflag:s21] =	ssyncset.done $0x0  }
0x92: {  	[sflag:s21] =	ssyncadd.s32 $0xFFFFC000  }
0x93: {  	[spmem:s1] =	stream.indirect.scatter.add.f32 [tilespmem:s18], [sflag:$0x3], $0x80, s22, s15, $0xb8;
	[tilespmem:$0x1E600] =	vst v63  }
0x94: {  	_ =	swait.ge [sflag:s13], $0x4000  }
0x95: {  	[sflag:s13] =	ssyncset.done $0x0  }
0x96: {  	s25 =	sshra.s32 s26, $0x2;
	[sflag:s13] =	ssyncadd.s32 $0xFFFFC000  }
0x97: {  	v1 =	vld [tilespmem:s25+$0x80];
	_ =	sdelay $0x4  }
0x98: {  	v2 =	vshrl.u32 v1, $0xE;
	v1 =	vand.u32 $0x3FFF, v1  }
0x99: {  	[tilespmem:$0x2880] =	vst v2  }
0x9a: {  	[tilespmem:$0x2980] =	vst v1  }
0x9b: {  	v1 =	vld [tilespmem:s25+$0x90];
	_ =	sdelay $0x4  }
0x9c: {  	v2 =	vshrl.u32 v1, $0xE;
	v1 =	vand.u32 $0x3FFF, v1  }
0x9d: {  	[tilespmem:$0x2890] =	vst v2  }
0x9e: {  	[tilespmem:$0x2990] =	vst v1  }
0x9f: {  	v1 =	vld [tilespmem:s25+$0xA0];
	_ =	sdelay $0x4  }
0xa0: {  	v2 =	vshrl.u32 v1, $0xE;
	v1 =	vand.u32 $0x3FFF, v1  }
0xa1: {  	[tilespmem:$0x28A0] =	vst v2  }
0xa2: {  	[tilespmem:$0x29A0] =	vst v1  }
0xa3: {  	v1 =	vld [tilespmem:s25+$0xB0];
	_ =	sdelay $0x4  }
0xa4: {  	v2 =	vshrl.u32 v1, $0xE;
	v1 =	vand.u32 $0x3FFF, v1  }
0xa5: {  	[tilespmem:$0x28B0] =	vst v2  }
0xa6: {  	[tilespmem:$0x29B0] =	vst v1  }
0xa7: {  	v1 =	vld [tilespmem:s25+$0xC0];
	_ =	sdelay $0x4  }
0xa8: {  	v2 =	vshrl.u32 v1, $0xE;
	v1 =	vand.u32 $0x3FFF, v1  }
0xa9: {  	[tilespmem:$0x28C0] =	vst v2  }
0xaa: {  	[tilespmem:$0x29C0] =	vst v1  }
0xab: {  	v1 =	vld [tilespmem:s25+$0xD0];
	_ =	sdelay $0x4  }
0xac: {  	v2 =	vshrl.u32 v1, $0xE;
	v1 =	vand.u32 $0x3FFF, v1  }
0xad: {  	[tilespmem:$0x28D0] =	vst v2  }
0xae: {  	[tilespmem:$0x29D0] =	vst v1  }
0xaf: {  	v1 =	vld [tilespmem:s25+$0xE0];
	_ =	sdelay $0x4  }
0xb0: {  	v2 =	vshrl.u32 v1, $0xE;
	v1 =	vand.u32 $0x3FFF, v1  }
0xb1: {  	[tilespmem:$0x28E0] =	vst v2  }
0xb2: {  	[tilespmem:$0x29E0] =	vst v1  }
0xb3: {  	v1 =	vld [tilespmem:s25+$0xF0];
	_ =	sdelay $0x4  }
0xb4: {  	v2 =	vshrl.u32 v1, $0xE;
	v1 =	vand.u32 $0x3FFF, v1  }
0xb5: {  	p1 =	seq.s32 s26, $0x9C00;
	[tilespmem:$0x28F0] =	vst v2  }
0xb6: {  	s25 =	sshra.s32 @!p1 s26, $0x2;
	[tilespmem:$0x29F0] =	vst v1  }
0xb7: {  	[tilespmem:s18], [sflag:$0x2] =	stream.indirect.gather [hbm4b:s10+s15], $0x80, s17, s15, $0xb8;
	[tilespmem:$0x1E600] =	vst v63  }
0xb8: {  	_ =	swait.ge [sflag:s19], $0x4000  }
0xb9: {  	[sflag:s19] =	ssyncset.done $0x0  }
0xba: {  	[sflag:s19] =	ssyncadd.s32 $0xFFFFC000  }
0xbb: {  	[spmem:s1] =	stream.indirect.scatter.add.f32 [tilespmem:s14], [sflag:$0x3], $0x80, s20, s15, $0xb8;
	[tilespmem:$0x1E600] =	vst v63  }
0xbc: {  	_ =	swait.ge [sflag:s13], $0x4000  }
0xbd: {  	[sflag:s13] =	ssyncset.done $0x0  }
0xbe: {  	[sflag:s13] =	ssyncadd.s32 $0xFFFFC000  }
0xbf: {  	v1 =	vld @!p1 [tilespmem:s25+$0x100];
	_ =	sdelay $0x4  }
0xc0: {  	v2 =	vshrl.u32 @!p1 v1, $0xE;
	v1 =	vand.u32 @!p1 $0x3FFF, v1  }
0xc1: {  	[tilespmem:$0x2800] =	vst @!p1 v2  }
0xc2: {  	[tilespmem:$0x2900] =	vst @!p1 v1  }
0xc3: {  	v1 =	vld @!p1 [tilespmem:s25+$0x110];
	_ =	sdelay $0x4  }
0xc4: {  	v2 =	vshrl.u32 @!p1 v1, $0xE;
	v1 =	vand.u32 @!p1 $0x3FFF, v1  }
0xc5: {  	[tilespmem:$0x2810] =	vst @!p1 v2  }
0xc6: {  	[tilespmem:$0x2910] =	vst @!p1 v1  }
0xc7: {  	v1 =	vld @!p1 [tilespmem:s25+$0x120];
	_ =	sdelay $0x4  }
0xc8: {  	v2 =	vshrl.u32 @!p1 v1, $0xE;
	v1 =	vand.u32 @!p1 $0x3FFF, v1  }
0xc9: {  	[tilespmem:$0x2820] =	vst @!p1 v2  }
0xca: {  	[tilespmem:$0x2920] =	vst @!p1 v1  }
0xcb: {  	v1 =	vld @!p1 [tilespmem:s25+$0x130];
	_ =	sdelay $0x4  }
0xcc: {  	v2 =	vshrl.u32 @!p1 v1, $0xE;
	v1 =	vand.u32 @!p1 $0x3FFF, v1  }
0xcd: {  	[tilespmem:$0x2830] =	vst @!p1 v2  }
0xce: {  	[tilespmem:$0x2930] =	vst @!p1 v1  }
0xcf: {  	v1 =	vld @!p1 [tilespmem:s25+$0x140];
	_ =	sdelay $0x4  }
0xd0: {  	v2 =	vshrl.u32 @!p1 v1, $0xE;
	v1 =	vand.u32 @!p1 $0x3FFF, v1  }
0xd1: {  	[tilespmem:$0x2840] =	vst @!p1 v2  }
0xd2: {  	[tilespmem:$0x2940] =	vst @!p1 v1  }
0xd3: {  	v1 =	vld @!p1 [tilespmem:s25+$0x150];
	_ =	sdelay $0x4  }
0xd4: {  	v2 =	vshrl.u32 @!p1 v1, $0xE;
	v1 =	vand.u32 @!p1 $0x3FFF, v1  }
0xd5: {  	[tilespmem:$0x2850] =	vst @!p1 v2  }
0xd6: {  	s28 =	simm.s32 @!p1 $0x80;
	s29 =	simm.s32 @!p1 $0x2800;
	s30 =	simm.s32 @!p1 $0x2A00;
	[tilespmem:$0x2950] =	vst @!p1 v1  }
0xd7: {  	v1 =	vld @!p1 [tilespmem:s25+$0x160];
	_ =	sdelay $0x1  }
.Ltmp1:
0xd8: {  	(pc) =	sbr.rel @p0 .LBB2_4-.Ltmp1, $3  }
0xd9: {  	_ =	sdelay $0x1  }
0xda: {  	v2 =	vshrl.u32 @!p1 v1, $0xE;
	v1 =	vand.u32 @!p1 $0x3FFF, v1  }
0xdb: {  	[tilespmem:$0x2860] =	vst @!p1 v2  }
0xdc: {  	[tilespmem:$0x2960] =	vst @!p1 v1  }
0xdd: {  	v1 =	vld @!p1 [tilespmem:s25+$0x170];
	_ =	sdelay $0x4  }
0xde: {  	v2 =	vshrl.u32 @!p1 v1, $0xE  }
0xdf: {  	v1 =	vand.u32 @!p1 $0x3FFF, v1;
	[tilespmem:$0x2870] =	vst @!p1 v2  }
0xe0: {  	[tilespmem:$0x2970] =	vst @!p1 v1  }
0xe1: {  	[tilespmem:s30], [sflag:$0x1] =	stream.indirect.gather @!p1 [hbm4b:s10+s28], $0x80, s29, s28, $0xb8;
	[tilespmem:$0x1E600] =	vst v63  }
0xe2: {  	_ =	swait.ge [sflag:s21], $0x4000  }
0xe3: {  	[sflag:s21] =	ssyncset.done $0x0  }
0xe4: {  	[sflag:s21] =	ssyncadd.s32 $0xFFFFC000  }
0xe5: {  	[spmem:s1] =	stream.indirect.scatter.add.f32 [tilespmem:s18], [sflag:$0x3], $0x80, s22, s15, $0xb8;
	[tilespmem:$0x1E600] =	vst v63  }
0xe6: {  	_ =	swait.ge [sflag:s13], $0x4000  }
0xe7: {  	s24 =	sshll.u32 s2, $0x6;
	s23 =	sadd.s32 $0x1, s23;
	[sflag:s13] =	ssyncset.done $0x0  }
0xe8: {  	s31 =	sshrl.u32 s5, $0x3;
	p0 =	sne.s32 s23, s12;
	[sflag:s13] =	ssyncadd.s32 $0xFFFFC000  }
.Ltmp2:
0xe9: {  	s24 =	sor.u32 $0x1C03, s24;
	[bflag:$0x0] =	sbarrier.arrive $0xFFFF;
	(pc) =	sbr.rel @p0 .LBB2_1-.Ltmp2, $4  }
0xea: {  	[hbm:s11], [sflag:s24] =	dma.local [spmem:s31], $0x2780  }
0xeb: {  	_ =	swait.ge [sflag:s13], $0x2780  }
0xec: {  	[sflag:s13] =	ssyncset.done $0x0  }
0xed: {  	[sflag:s13] =	ssyncadd.s32 $0xFFFFD880  }
0xee: {  	_ =	sfence.sel $0x180000  }
0xef: {  	[bflag:$0x0] =	sbarrier.arrive $0xFFFF  }
0xf0: {  	p0 =	sne.s32 s2, $0x0;
	_ =	strace $0x9000004A  }
0xf1: {  	s0 =	sadd.s32 @!p0 $0x100000, s0;
	[bflag:$0x2] =	sbarrier.arrive $0xFFFF  }
0xf2: {  	[sflag:s0] =	ssyncadd.tile.s32 @!p0 $0x1;
	_ =	shalt  }
.Lfunc_end2:
_tile_overlayer_lowered:
.L_overlay_start_2:
0xf3: {  	(tag) =	ssettag $0x2  }
0xf4: {  	s0 =	rddreg [dreg:$0x0];
	s2 =	stileid.u32  }
0xf5: {  	s1 =	rddreg [dreg:$0x1];
	p0 =	sne.s32 s2, $0x0  }
0xf6: {  	s3 =	rddreg [dreg:$0x2];
	[bflag:$0x3] =	sbarrier.arrive $0xFFFF;
	s2 =	simm.s32 @!p0 $0x1C03  }
0xf7: {  	[timem:s3], [sflag:s2] =	dma.local @!p0 [hbm:s0], s1  }
0xf8: {  	s0 =	simm.s32 @!p0 $0x3  }
0xf9: {  	_ =	swait.ge @!p0 [sflag:s0], s1  }
0xfa: {  	s1 =	ssub.s32 @!p0 $0x0, s1;
	[sflag:s0] =	ssyncset.done @!p0 $0x0  }
0xfb: {  	[sflag:s0] =	ssyncadd.s32 @!p0 s1  }
0xfc: {  	[bflag:$0x3] =	sbarrier.arrive $0xFFFF  }
0xfd: {  	_ =	shalt  }

// kernel: kernel.19.cloned.1.call-start
scs
__scs_entry_jumppad:
0x0: {  	(pc) =	sbr.rel $0x88, $3  }
0x1: {  	(tag) =	ssettag $0x0;
	lr =	simm.s32 $0x1  }
0x2: {  	[smem:$0x3F95] =	sst lr;
	_ =	strace $0xD0000000  }
0x3: {  	_ = 	snop  }
0x4: {  	_ = 	snop  }
0x5: {  	_ = 	snop  }
0x6: {  	_ = 	snop  }
0x7: {  	_ = 	snop  }
__scs_overlays_trampoline_lowered:
0x8: {  	[smem:$0x3FA4] =	sst s0  }
0x9: {  	[smem:$0x3FA5] =	sst s1  }
0xa: {  	[smem:$0x3FA6] =	sst s2  }
0xb: {  	[smem:$0x3FA7] =	sst s3  }
0xc: {  	[smem:$0x3FA8] =	sst s4  }
0xd: {  	[smem:$0x3FA9] =	sst s5  }
0xe: {  	[smem:$0x3FAA] =	sst s6  }
0xf: {  	[smem:$0x3FAB] =	sst s7  }
0x10: {  	[smem:$0x3FAC] =	sst s8  }
0x11: {  	[smem:$0x3FAD] =	sst s9;
	s0 =	simm.s32 @!p0 $0x0  }
0x12: {  	s1 =	sld [smem:$0x3F93];
	s0 =	simm.s32 @p0 $0x1  }
0x13: {  	[smem:$0x3FAE] =	sst s0;
	s0 =	simm.s32 @!p1 $0x0  }
0x14: {  	s2 =	sld [smem:$0x3F92];
	s0 =	simm.s32 @p1 $0x1  }
0x15: {  	[smem:$0x3FAF] =	sst s0;
	s0 =	simm.s32 @!p2 $0x0  }
0x16: {  	s3 =	sld [smem:$0x3FDB];
	s0 =	simm.s32 @p2 $0x1  }
0x17: {  	s4 =	simm.s32 $0x1BF5;
	[smem:$0x3FB1] =	sst s0  }
0x18: {  	s0 =	sld [smem:$0x3F94];
	_ =	swait.ge [sflag:s4], $0x0  }
0x19: {  	s7 =	sld [smem:$0x3F95]  }
0x1a: {  	s8 =	sadd.s32 $0xFFFFE003, lr  }
0x1b: {  	s9 =	sadd.s32 $0xFFFFFEF7, lr;
	s5 =	simm.s32 $0xFFFFFFFF;
	p2 =	slt.u32 s8, $0xFFFFF086  }
0x1c: {  	p1 =	slt.u32 s9, $0xF7A;
	s5 =	simm.s32 @!p2 $0x0  }
0x1d: {  	s5 =	simm.s32 @p1 $0x1;
	p0 =	seq.s32 s7, s2  }
0x1e: {  	s7 =	smul.u32 @!p0 $0xF7A, s2;
	p2 =	seq.s32 @!p0 s5, $0x0  }
0x1f: {  	s9 =	smul.u32 $0xF7A, s1;
	s8 =	simm.s32 @!p0 $0x1BF5;
	p2 =	por !p2, p0  }
0x20: {  	[sflag:s8] =	ssyncset.s32 @!p0 $0xFFFFF086;
	s6 =	sadd.s32 @!p0 s3, s7;
	s7 =	simm.s32 @!p0 $0x108  }
0x21: {  	s3 =	sadd.s32 s3, s9;
	s6 =	sadd.s32 @!p0 $0x88, s6;
	s7 =	simm.s32 @p2 $0x1082  }
0x22: {  	[simem:s7], [sflag:s8] =	dma.local @!p0 [hbm:s6], $0xF7A  }
0x23: {  	s9 =	sor.u32 $0xD0000000, s2;
	s6 =	simm.s32 $0x108;
	_ =	swait.ge @!p0 [sflag:s8], $0x0  }
0x24: {  	s3 =	sadd.s32 $0x88, s3;
	s6 =	simm.s32 @!p1 $0x1082;
	[sflag:s4] =	ssyncset.s32 $0xFFFFF086  }
0x25: {  	[simem:s6], [sflag:s4] =	dma.local [hbm:s3], $0xF7A  }
0x26: {  	[smem:$0x3F95] =	sst s1;
	(tag) =	ssettag s2;
	_ =	strace s9  }
0x27: {  	s1 =	sld [smem:$0x3FA5]  }
0x28: {  	s2 =	sld [smem:$0x3FA6]  }
0x29: {  	s4 =	sld [smem:$0x3FA8]  }
0x2a: {  	p0 =	seq.s32 s5, $0x0;
	s5 =	sld [smem:$0x3FA9]  }
0x2b: {  	s6 =	sld [smem:$0x3FAA]  }
0x2c: {  	s7 =	sld [smem:$0x3FAB]  }
0x2d: {  	s3 =	simm.s32 $0x108;
	s8 =	sld [smem:$0x3FAC]  }
0x2e: {  	s3 =	simm.s32 @!p0 $0x1082;
	s9 =	sld [smem:$0x3FAD]  }
0x2f: {  	lr =	sadd.s32 s0, s3;
	s0 =	sld [smem:$0x3FA4]  }
0x30: {  	s3 =	sld [smem:$0x3FA7]  }
0x31: {  	[smem:$0x3FB0] =	sst s10  }
0x32: {  	s10 =	sld [smem:$0x3FAE];
	_ =	sdelay $0x3  }
0x33: {  	p0 =	seq.s32 s10, $0x1;
	s10 =	sld [smem:$0x3FB0];
	_ =	sdelay $0x3  }
0x34: {  	[smem:$0x3FB0] =	sst s10  }
0x35: {  	s10 =	sld [smem:$0x3FAF];
	_ =	sdelay $0x3  }
0x36: {  	p1 =	seq.s32 s10, $0x1;
	s10 =	sld [smem:$0x3FB0];
	_ =	sdelay $0x3  }
0x37: {  	[smem:$0x3FB0] =	sst s10  }
0x38: {  	s10 =	sld [smem:$0x3FB1]  }
0x39: {  	_ = 	snop;
	(pc) =	sbr.ind lr, $3  }
0x3a: {  	_ = 	snop  }
0x3b: {  	_ = 	snop  }
0x3c: {  	p2 =	seq.s32 s10, $0x1;
	s10 =	sld [smem:$0x3FB0]  }
0x3d: {  	_ =	shalt  }
0x3e: {  	_ =	shalt  }
0x3f: {  	_ =	shalt  }
0x40: {  	_ =	shalt  }
0x41: {  	_ =	shalt  }
0x42: {  	_ =	shalt  }
0x43: {  	_ =	shalt  }
0x44: {  	_ =	shalt  }
0x45: {  	_ =	shalt  }
0x46: {  	_ =	shalt  }
0x47: {  	_ =	shalt  }
0x48: {  	_ =	shalt  }
0x49: {  	_ =	shalt  }
0x4a: {  	_ =	shalt  }
0x4b: {  	_ =	shalt  }
0x4c: {  	_ =	shalt  }
0x4d: {  	_ =	shalt  }
0x4e: {  	_ =	shalt  }
0x4f: {  	_ =	shalt  }
0x50: {  	_ =	shalt  }
0x51: {  	_ =	shalt  }
0x52: {  	_ =	shalt  }
0x53: {  	_ =	shalt  }
0x54: {  	_ =	shalt  }
0x55: {  	_ =	shalt  }
0x56: {  	_ =	shalt  }
0x57: {  	_ =	shalt  }
0x58: {  	_ =	shalt  }
0x59: {  	_ =	shalt  }
0x5a: {  	_ =	shalt  }
0x5b: {  	_ =	shalt  }
0x5c: {  	_ =	shalt  }
0x5d: {  	_ =	shalt  }
0x5e: {  	_ =	shalt  }
0x5f: {  	_ =	shalt  }
0x60: {  	_ =	shalt  }
0x61: {  	_ =	shalt  }
0x62: {  	_ =	shalt  }
0x63: {  	_ =	shalt  }
0x64: {  	_ =	shalt  }
0x65: {  	_ =	shalt  }
0x66: {  	_ =	shalt  }
0x67: {  	_ =	shalt  }
0x68: {  	_ =	shalt  }
0x69: {  	_ =	shalt  }
0x6a: {  	_ =	shalt  }
0x6b: {  	_ =	shalt  }
0x6c: {  	_ =	shalt  }
0x6d: {  	_ =	shalt  }
0x6e: {  	_ =	shalt  }
0x6f: {  	_ =	shalt  }
0x70: {  	_ =	shalt  }
0x71: {  	_ =	shalt  }
0x72: {  	_ =	shalt  }
0x73: {  	_ =	shalt  }
0x74: {  	_ =	shalt  }
0x75: {  	_ =	shalt  }
0x76: {  	_ =	shalt  }
0x77: {  	_ =	shalt  }
0x78: {  	_ =	shalt  }
0x79: {  	_ =	shalt  }
0x7a: {  	_ =	shalt  }
0x7b: {  	_ =	shalt  }
0x7c: {  	_ =	shalt  }
0x7d: {  	_ =	shalt  }
0x7e: {  	_ =	shalt  }
0x7f: {  	_ =	shalt  }
0x80: {  	_ =	shalt  }
0x81: {  	_ =	shalt  }
0x82: {  	_ =	shalt  }
0x83: {  	_ =	shalt  }
0x84: {  	_ =	shalt  }
0x85: {  	_ =	shalt  }
0x86: {  	_ =	shalt  }
0x87: {  	_ =	shalt  }
.Lfunc_end0:
.L_simem_size_0:
called_computation.2_lowered:
.L_overlay_start_0:
0x88: {  	s2 =	sld [smem:$0x3FD9]  }
0x89: {  	s3 =	sld [smem:$0x3FFE];
	_ =	sdelay $0x1  }
0x8a: {  	s1 =	srdreg.scid  }
0x8b: {  	s0 =	sand.u32 $0x1, s1  }
0x8c: {  	s15 =	sshll.u32 s0, $0xA;
	s2 =	sadd.s32 s3, s2  }
0x8d: {  	s2 =	sadd.s32 s2, s15  }
0x8e: {  	[smem:$0x3FBC] =	sst s2  }
0x8f: {  	_ = 	snop  }
0x90: {  	s2 =	sld [smem:$0x3FD0];
	_ =	sdelay $0x2  }
0x91: {  	s16 =	simm.s32 $0xB;
	s4 =	simm.s32 $0x10  }
0x92: {  	[smem:s4], [sflag:s16] =	dma.local [hbm:s2], $0x1  }
0x93: {  	_ =	swait.eq [sflag:s16], $0x1  }
0x94: {  	[sflag:s16] =	ssyncset.done $0x0  }
0x95: {  	[sflag:s16] =	ssyncadd.s32 $0xFFFFFFFF  }
0x96: {  	s17 =	sld [smem:$0x10];
	(tm) =	ssettm $0x1  }
0x97: {  	s18 =	sld [smem:$0x3FFB];
	_ =	sdelay $0x3  }
0x98: {  	_ =	strace s18  }
0x99: {  	s2 =	sld [smem:$0x3FFC];
	_ =	sdelay $0x3  }
0x9a: {  	_ =	strace s2  }
0x9b: {  	s2 =	sld [smem:$0x3FFD];
	_ =	sdelay $0x3  }
0x9c: {  	_ =	strace s2  }
0x9d: {  	_ =	strace $0x8FFFFFFF  }
0x9e: {  	s19 =	sld [smem:$0x3FDB];
	_ =	sdelay $0x1  }
0x9f: {  	s20 =	simm.s32 $_scs_section_size  }
0xa0: {  	s5 =	simm.s32 $_size__tile_overlayer_lowered;
	s6 =	simm.s32 $_tile_overlayer_lowered  }
0xa1: {  	s7 =	simm.s32 $0x1BFF;
	s21 =	sshll.u32 s6, $0x1;
	s4 =	sadd.s32 s20, s19  }
0xa2: {  	s22 =	simm.s32 $0x0;
	s5 =	sshll.u32 s5, $0x1;
	s6 =	sadd.s32 s21, s4  }
0xa3: {  	[timem:s22], [sflag:s7] =	dma.local [hbm:s6], s5  }
0xa4: {  	_ =	swait.ge [sflag:s7], s5  }
0xa5: {  	s5 =	ssub.s32 $0x0, s5;
	[sflag:s7] =	ssyncset.done $0x0  }
0xa6: {  	[sflag:s7] =	ssyncadd.s32 s5;
	_ =	sdelay $0x1  }
0xa7: {  	s23 =	simm.s32 $0x1B8B  }
0xa8: {  	_ =	swait.ge [sflag:s23], $0x1  }
0xa9: {  	[sflag:s23] =	ssyncset.done $0x0  }
0xaa: {  	[sflag:s23] =	ssyncadd.s32 $0xFFFFFFFF  }
0xab: {  	s5 =	sld [smem:$0x0]  }
0xac: {  	s6 =	sand.u32 $0xFFFFFFFE, s1  }
0xad: {  	p0 =	sne.s32 s1, s6  }
0xae: {  	s6 =	sshll.u32 @p0 s6, $0xE  }
0xaf: {  	s6 =	sadd.s32 @p0 $0x11B8D, s6;
	s7 =	sshll.u32 @p0 s5, $0x11  }
0xb0: {  	s6 =	sor.u32 @p0 s7, s6  }
0xb1: {  	[sflag:s6] =	ssyncadd.remote.s32 @p0 $0x1;
	_ =	sdelay $0x1  }
0xb2: {  	s6 =	simm.s32 @p0 $0x1B8D  }
0xb3: {  	_ =	swait.eq @p0 [sflag:s6], $0x1  }
0xb4: {  	[sflag:s6] =	ssyncadd.s32 @p0 $0xFFFFFFFF  }
0xb5: {  	s7 =	sshll.u32 @!p0 s1, $0xE  }
0xb6: {  	s7 =	sor.u32 @!p0 $0x4000, s7;
	s6 =	simm.s32 @!p0 $0x1B8D  }
0xb7: {  	s5 =	sshll.u32 @!p0 s5, $0x11;
	s7 =	sadd.s32 @!p0 $0x11B8D, s7;
	_ =	swait.eq @!p0 [sflag:s6], $0x1  }
0xb8: {  	s5 =	sor.u32 @!p0 s5, s7;
	[sflag:s6] =	ssyncadd.s32 @!p0 $0xFFFFFFFF  }
0xb9: {  	s25 =	simm.s32 $0x1B8E;
	s24 =	sld [smem:$0x3FFE];
	[sflag:s5] =	ssyncadd.remote.s32 @!p0 $0x1  }
0xba: {  	s26 =	simm.s32 $execute0_lowered;
	[smem:$0x3FD2] =	sst s25  }
0xbb: {  	s6 =	sshll.u32 s26, $0x1;
	_ =	strace $0x8000004C;
	[dreg:$0x1] =	wrdreg $0xFFFFFFFF  }
0xbc: {  	s28 =	simm.s32 $_size_execute0_lowered;
	s4 =	sadd.s32 s4, s6;
	[dreg:$0x0] =	wrdreg $0x0  }
0xbd: {  	s6 =	sshll.u32 s28, $0x1;
	[dreg:$0x2] =	wrdreg s4  }
0xbe: {  	[dreg:$0x3] =	wrdreg s6  }
0xbf: {  	[dreg:$0x4] =	wrdreg $0xC0  }
0xc0: {  	_ =	task [dreg:s22], $0x5FFFF  }
0xc1: {  	[dreg:$0x1] =	wrdreg $0xFFFFFFFF  }
0xc2: {  	[dreg:$0x0] =	wrdreg $0x60  }
0xc3: {  	[dreg:$0x2] =	wrdreg s17  }
0xc4: {  	[dreg:$0x3] =	wrdreg s24  }
0xc5: {  	[dreg:$0x4] =	wrdreg $0xAA000  }
0xc6: {  	[dreg:$0x5] =	wrdreg $0x9  }
0xc7: {  	_ =	task.clear_ibuf [dreg:s22], $0x6FFFF;
	_ =	strace $0x9000004C  }
0xc8: {  	s29 =	simm.s32 $0x9;
	_ =	strace $0x8000004E  }
0xc9: {  	_ =	swait.ge [sflag:s29], $0x1  }
0xca: {  	[sflag:s29] =	ssyncadd.s32 $0xFFFFFFFF  }
0xcb: {  	_ =	strace $0x9000004E  }
0xcc: {  	_ =	sfence  }
0xcd: {  	s30 =	sld [smem:$0x0];
	_ =	sdelay $0x2  }
0xce: {  	s31 =	sshll.u32 s1, $0xD;
	s1 =	sshrl.u32 s1, $0x2  }
0xcf: {  	s4 =	sand.u32 $0x4000, s31;
	s1 =	sadd.s32 s1, s30  }
0xd0: {  	s0 =	sor.u32 s4, s0;
	s1 =	sshll.u32 s1, $0x11  }
0xd1: {  	s0 =	sor.u32 s1, s0  }
0xd2: {  	s0 =	sadd.s32 $0x8F2B, s0  }
0xd3: {  	[sflag:s0] =	ssyncadd.remote.s32 $0x1  }
0xd4: {  	_ =	sfence.sel $0xFFFF  }
0xd5: {  	[dreg:$0x0] =	wrdreg $0xFFFFFFFF;
	(pc) =	sbr.abs _section_cstart, $3  }
0xd6: {  	[dreg:$0x1] =	wrdreg $0xFFFFFFFF  }
0xd7: {  	_ =	task.clear_ibuf [dreg:s22], $0x2FFFF;
	_ =	strace $0x9FFFFFFF  }
0xd8: {  	(tm) =	ssettm $0x7FFFFFFF  }
0xd9: {  	_ =	shalt  }
tec
execute0_lowered:
.L_overlay_start_1:
0x0: {  	(tag) =	ssettag $0x1  }
0x1: {  	s10 =	rddreg [dreg:$0x0]  }
0x2: {  	s4 =	rddreg [dreg:$0x1]  }
0x3: {  	s1 =	rddreg [dreg:$0x2];
	s2 =	srdreg.scid  }
0x4: {  	s0 =	rddreg [dreg:$0x3];
	s3 =	simm.s32 $0x0;
	s14 =	simm.s32 $0x2A00  }
0x5: {  	s15 =	simm.s32 $0x80;
	s16 =	simm.s32 $0x2800;
	s17 =	simm.s32 $0x2880  }
0x6: {  	s18 =	simm.s32 $0x6A00;
	s19 =	simm.s32 $0x1;
	s6 =	sand.u32 $0x1, s2  }
0x7: {  	s20 =	simm.s32 $0x2900;
	s2 =	stileid.u32;
	s5 =	smul.u32 $0x13C000, s6  }
0x8: {  	s21 =	simm.s32 $0x2;
	s22 =	simm.s32 $0x2980;
	s7 =	smul.u32 $0x13C00, s2  }
0x9: {  	s23 =	simm.s32 $0x0;
	[smem:$0x7FF] =	sst s3;
	s8 =	smul.u32 $0x500, s2  }
0xa: {  	_ =	strace $0x8000004D;
	s29 =	ssub.s32 $0x2, s6;
	s9 =	smul.u32 $0x4F000, s2  }
0xb: {  	s31 =	smul.u32 $0x27100, s6;
	s11 =	sshrl.u32 s29, $0x1;
	s5 =	sadd.s32 s7, s5  }
0xc: {  	s8 =	sadd.s32 s8, s4;
	s30 =	sshrl.u32 s9, $0x2;
	s5 =	sshrl.u32 s5, $0x3  }
0xd: {  	s13 =	ssub.s32 s29, s11;
	s12 =	sadd.s32 s5, s4;
	s5 =	sadd.s32 s30, s1  }
0xe: {  	s10 =	sadd.s32 s10, s31;
	s4 =	sadd.s32 $0x8000, s8;
	s6 =	sadd.s32 $0x4000, s5  }
0xf: {  	s7 =	sadd.s32 $0x8000, s5;
	s8 =	sadd.s32 $0xC000, s5;
	s9 =	sadd.s32 $0x10000, s5  }
0x10: {  	v0 =	vimm.f32 $0.0e+00;
	s11 =	sadd.s32 $0x5C000, s12;
	s12 =	smax.u32 s13, $0x1;
	s13 =	simm.s32 $0x3  }
.LBB2_1:
0x11: {  	[tilespmem:s3], [sflag:$0x3] =	stream.linear.gather [hbm4b:s4+s3], $0x2800, $0x38;
	[tilespmem:$0x1E600] =	vst v63  }
0x12: {  	s24 =	sand.u32 $0xFE00, s3;
	s25 =	sand.u32 $0x70, s3;
	_ =	swait.ge [sflag:s13], $0x2800  }
0x13: {  	s26 =	sshrl.u32 s24, $0x2;
	s24 =	simm.s32 $0x40;
	[sflag:s13] =	ssyncset.done $0x0  }
0x14: {  	s26 =	sor.u32 s25, s26;
	s25 =	simm.s32 $0x0;
	[sflag:s13] =	ssyncadd.s32 $0xFFFFD800  }
.LBB2_2:
0x15: {  	p0 =	sne.s32 s24, $0xFFC0  }
0x16: {  	[tilespmem:s26+$0x2A00] =	vst v0;
	s25 =	sadd.s32 $0x10, s25;
	s26 =	smov.u32 s24;
	s24 =	sadd.s32 $0x40, s24  }
.Ltmp0:
0x17: {  	(pc) =	sbr.rel @p0 .LBB2_2-.Ltmp0, $4  }
0x18: {  	_ = 	snop  }
0x19: {  	s26 =	sand.u32 $0xFE00, s26  }
0x1a: {  	s28 =	sand.u32 $0x70, s25;
	s26 =	sshrl.u32 s26, $0x2  }
0x1b: {  	s26 =	sor.u32 s28, s26  }
0x1c: {  	[tilespmem:s26+$0x2A00] =	vst v0  }
0x1d: {  	[spmem:s5] =	stream.linear.scatter [tilespmem:s14], [sflag:$0x3], $0x4000, $0x38;
	[tilespmem:$0x1E600] =	vst v63  }
0x1e: {  	_ =	swait.ge [sflag:s13], $0x4000  }
0x1f: {  	[sflag:s13] =	ssyncset.done $0x0  }
0x20: {  	[sflag:s13] =	ssyncadd.s32 $0xFFFFC000  }
0x21: {  	[spmem:s6] =	stream.linear.scatter [tilespmem:s14], [sflag:$0x3], $0x4000, $0x38;
	[tilespmem:$0x1E600] =	vst v63  }
0x22: {  	_ =	swait.ge [sflag:s13], $0x4000  }
0x23: {  	[sflag:s13] =	ssyncset.done $0x0  }
0x24: {  	[sflag:s13] =	ssyncadd.s32 $0xFFFFC000  }
0x25: {  	[spmem:s7] =	stream.linear.scatter [tilespmem:s14], [sflag:$0x3], $0x4000, $0x38;
	[tilespmem:$0x1E600] =	vst v63  }
0x26: {  	_ =	swait.ge [sflag:s13], $0x4000  }
0x27: {  	[sflag:s13] =	ssyncset.done $0x0  }
0x28: {  	[sflag:s13] =	ssyncadd.s32 $0xFFFFC000  }
0x29: {  	[spmem:s8] =	stream.linear.scatter [tilespmem:s14], [sflag:$0x3], $0x4000, $0x38;
	[tilespmem:$0x1E600] =	vst v63  }
0x2a: {  	_ =	swait.ge [sflag:s13], $0x4000  }
0x2b: {  	[sflag:s13] =	ssyncset.done $0x0  }
0x2c: {  	[sflag:s13] =	ssyncadd.s32 $0xFFFFC000  }
0x2d: {  	[spmem:s9] =	stream.linear.scatter [tilespmem:s14], [sflag:$0x3], $0x3C00, $0x38;
	[tilespmem:$0x1E600] =	vst v63  }
0x2e: {  	_ =	swait.ge [sflag:s13], $0x3C00  }
0x2f: {  	[sflag:s13] =	ssyncset.done $0x0  }
0x30: {  	[sflag:s13] =	ssyncadd.s32 $0xFFFFC400  }
0x31: {  	[bflag:$0x0] =	sbarrier.arrive $0xFFFF  }
0x32: {  	v1 =	vld [tilespmem:$0x0];
	_ =	sdelay $0x1  }
0x33: {  	v2 =	vld [tilespmem:$0x10];
	_ =	sdelay $0x1  }
0x34: {  	v3 =	vld [tilespmem:$0x20]  }
0x35: {  	v4 =	vshrl.u32 v1, $0xE  }
0x36: {  	v62 =	vld [tilespmem:$0x30];
	v1 =	vand.u32 $0x3FFF, v1;
	[tilespmem:$0x2800] =	vst v4  }
0x37: {  	[tilespmem:$0x2900] =	vst v1;
	v1 =	vshrl.u32 v2, $0xE  }
0x38: {  	[tilespmem:$0x2810] =	vst v1;
	v1 =	vand.u32 $0x3FFF, v2;
	v2 =	vld [tilespmem:$0x40]  }
0x39: {  	[tilespmem:$0x2910] =	vst v1;
	v1 =	vshrl.u32 v3, $0xE  }
0x3a: {  	[tilespmem:$0x2820] =	vst v1;
	v1 =	vand.u32 $0x3FFF, v3;
	v3 =	vld [tilespmem:$0x50]  }
0x3b: {  	[tilespmem:$0x2920] =	vst v1;
	v1 =	vshrl.u32 v62, $0xE  }
0x3c: {  	v63 =	vld [tilespmem:$0x60];
	[tilespmem:$0x2830] =	vst v1;
	v1 =	vand.u32 $0x3FFF, v62  }
0x3d: {  	[tilespmem:$0x2930] =	vst v1;
	v1 =	vshrl.u32 v2, $0xE  }
0x3e: {  	[tilespmem:$0x2840] =	vst v1;
	v1 =	vand.u32 $0x3FFF, v2;
	v2 =	vld [tilespmem:$0x70]  }
0x3f: {  	[tilespmem:$0x2940] =	vst v1;
	v1 =	vshrl.u32 v3, $0xE  }
0x40: {  	[tilespmem:$0x2850] =	vst v1;
	v1 =	vand.u32 $0x3FFF, v3  }
0x41: {  	[tilespmem:$0x2950] =	vst v1;
	v1 =	vshrl.u32 v63, $0xE  }
0x42: {  	[tilespmem:$0x2860] =	vst v1;
	v1 =	vand.u32 $0x3FFF, v63  }
0x43: {  	[tilespmem:$0x2960] =	vst v1;
	v1 =	vshrl.u32 v2, $0xE  }
0x44: {  	[tilespmem:$0x2870] =	vst v1;
	v1 =	vand.u32 $0x3FFF, v2  }
0x45: {  	s24 =	simm.s32 $0x0;
	[tilespmem:$0x2970] =	vst v1  }
0x46: {  	[tilespmem:s14], [sflag:$0x1] =	stream.indirect.gather [hbm4b:s10+s15], $0x80, s16, s15, $0xb8;
	[tilespmem:$0x1E600] =	vst v63  }
0x47: {  	v1 =	vld [tilespmem:s24+$0x80];
	_ =	sdelay $0x4  }
0x48: {  	v2 =	vshrl.u32 v1, $0xE  }
0x49: {  	v1 =	vand.u32 $0x3FFF, v1;
	[tilespmem:$0x2880] =	vst v2  }
0x4a: {  	[tilespmem:$0x2980] =	vst v1  }
0x4b: {  	v1 =	vld [tilespmem:s24+$0x90];
	_ =	sdelay $0x4  }
0x4c: {  	v2 =	vshrl.u32 v1, $0xE  }
0x4d: {  	v1 =	vand.u32 $0x3FFF, v1;
	[tilespmem:$0x2890] =	vst v2  }
0x4e: {  	[tilespmem:$0x2990] =	vst v1  }
0x4f: {  	v1 =	vld [tilespmem:s24+$0xA0];
	_ =	sdelay $0x4  }
0x50: {  	v2 =	vshrl.u32 v1, $0xE  }
0x51: {  	v1 =	vand.u32 $0x3FFF, v1;
	[tilespmem:$0x28A0] =	vst v2  }
0x52: {  	[tilespmem:$0x29A0] =	vst v1  }
0x53: {  	v1 =	vld [tilespmem:s24+$0xB0];
	_ =	sdelay $0x4  }
0x54: {  	v2 =	vshrl.u32 v1, $0xE  }
0x55: {  	v1 =	vand.u32 $0x3FFF, v1;
	[tilespmem:$0x28B0] =	vst v2  }
0x56: {  	[tilespmem:$0x29B0] =	vst v1  }
0x57: {  	v1 =	vld [tilespmem:s24+$0xC0];
	_ =	sdelay $0x4  }
0x58: {  	v2 =	vshrl.u32 v1, $0xE  }
0x59: {  	v1 =	vand.u32 $0x3FFF, v1;
	[tilespmem:$0x28C0] =	vst v2  }
0x5a: {  	[tilespmem:$0x29C0] =	vst v1  }
0x5b: {  	v1 =	vld [tilespmem:s24+$0xD0];
	_ =	sdelay $0x4  }
0x5c: {  	v2 =	vshrl.u32 v1, $0xE  }
0x5d: {  	v1 =	vand.u32 $0x3FFF, v1;
	[tilespmem:$0x28D0] =	vst v2  }
0x5e: {  	[tilespmem:$0x29D0] =	vst v1  }
0x5f: {  	v1 =	vld [tilespmem:s24+$0xE0];
	_ =	sdelay $0x4  }
0x60: {  	v2 =	vshrl.u32 v1, $0xE  }
0x61: {  	v1 =	vand.u32 $0x3FFF, v1;
	[tilespmem:$0x28E0] =	vst v2  }
0x62: {  	[tilespmem:$0x29E0] =	vst v1  }
0x63: {  	v1 =	vld [tilespmem:s24+$0xF0];
	_ =	sdelay $0x4  }
0x64: {  	v2 =	vshrl.u32 v1, $0xE  }
0x65: {  	v1 =	vand.u32 $0x3FFF, v1;
	[tilespmem:$0x28F0] =	vst v2  }
0x66: {  	[tilespmem:$0x29F0] =	vst v1  }
0x67: {  	[tilespmem:s18], [sflag:$0x2] =	stream.indirect.gather [hbm4b:s10+s15], $0x80, s17, s15, $0xb8;
	[tilespmem:$0x1E600] =	vst v63  }
0x68: {  	_ =	swait.ge [sflag:s19], $0x4000  }
0x69: {  	[sflag:s19] =	ssyncset.done $0x0  }
0x6a: {  	[sflag:s19] =	ssyncadd.s32 $0xFFFFC000  }
0x6b: {  	[spmem:s1] =	stream.indirect.scatter.add.f32 [tilespmem:s14], [sflag:$0x3], $0x80, s20, s15, $0xb8;
	[tilespmem:$0x1E600] =	vst v63  }
0x6c: {  	_ =	swait.ge [sflag:s13], $0x4000  }
0x6d: {  	p1 =	por $0x0, $0x0;
	[sflag:s13] =	ssyncset.done $0x0  }
0x6e: {  	s25 =	simm.s32 @!p1 $0x0;
	[sflag:s13] =	ssyncadd.s32 $0xFFFFC000  }
0x6f: {  	v1 =	vld @!p1 [tilespmem:s25+$0x100];
	_ =	sdelay $0x4  }
0x70: {  	v2 =	vshrl.u32 @!p1 v1, $0xE  }
0x71: {  	v1 =	vand.u32 @!p1 $0x3FFF, v1;
	[tilespmem:$0x2800] =	vst @!p1 v2  }
0x72: {  	[tilespmem:$0x2900] =	vst @!p1 v1  }
0x73: {  	v1 =	vld @!p1 [tilespmem:s25+$0x110];
	_ =	sdelay $0x4  }
0x74: {  	v2 =	vshrl.u32 @!p1 v1, $0xE  }
0x75: {  	v1 =	vand.u32 @!p1 $0x3FFF, v1;
	[tilespmem:$0x2810] =	vst @!p1 v2  }
0x76: {  	[tilespmem:$0x2910] =	vst @!p1 v1  }
0x77: {  	v1 =	vld @!p1 [tilespmem:s25+$0x120];
	_ =	sdelay $0x4  }
0x78: {  	v2 =	vshrl.u32 @!p1 v1, $0xE  }
0x79: {  	v1 =	vand.u32 @!p1 $0x3FFF, v1;
	[tilespmem:$0x2820] =	vst @!p1 v2  }
0x7a: {  	[tilespmem:$0x2920] =	vst @!p1 v1  }
0x7b: {  	v1 =	vld @!p1 [tilespmem:s25+$0x130];
	_ =	sdelay $0x4  }
0x7c: {  	v2 =	vshrl.u32 @!p1 v1, $0xE  }
0x7d: {  	v1 =	vand.u32 @!p1 $0x3FFF, v1;
	[tilespmem:$0x2830] =	vst @!p1 v2  }
0x7e: {  	[tilespmem:$0x2930] =	vst @!p1 v1  }
0x7f: {  	v1 =	vld @!p1 [tilespmem:s25+$0x140];
	_ =	sdelay $0x4  }
0x80: {  	v2 =	vshrl.u32 @!p1 v1, $0xE  }
0x81: {  	v1 =	vand.u32 @!p1 $0x3FFF, v1;
	[tilespmem:$0x2840] =	vst @!p1 v2  }
0x82: {  	[tilespmem:$0x2940] =	vst @!p1 v1  }
0x83: {  	v1 =	vld @!p1 [tilespmem:s25+$0x150];
	_ =	sdelay $0x4  }
0x84: {  	v2 =	vshrl.u32 @!p1 v1, $0xE  }
0x85: {  	v1 =	vand.u32 @!p1 $0x3FFF, v1;
	[tilespmem:$0x2850] =	vst @!p1 v2  }
0x86: {  	[tilespmem:$0x2950] =	vst @!p1 v1  }
0x87: {  	v1 =	vld @!p1 [tilespmem:s25+$0x160];
	_ =	sdelay $0x4  }
0x88: {  	s28 =	simm.s32 @!p1 $0x80;
	v2 =	vshrl.u32 @!p1 v1, $0xE  }
0x89: {  	s29 =	simm.s32 @!p1 $0x2800;
	s30 =	simm.s32 @!p1 $0x2A00;
	s24 =	simm.s32 $0x400;
	v1 =	vand.u32 @!p1 $0x3FFF, v1;
	[tilespmem:$0x2860] =	vst @!p1 v2  }
.LBB2_4:
0x8a: {  	[tilespmem:$0x2960] =	vst @!p1 v1;
	s26 =	smov.u32 s24;
	s24 =	sadd.s32 $0x400, s24  }
0x8b: {  	p0 =	sne.s32 s24, $0xA000;
	v1 =	vld @!p1 [tilespmem:s25+$0x170];
	_ =	sdelay $0x4  }
0x8c: {  	v2 =	vshrl.u32 @!p1 v1, $0xE;
	v1 =	vand.u32 @!p1 $0x3FFF, v1  }
0x8d: {  	[tilespmem:$0x2870] =	vst @!p1 v2  }
0x8e: {  	[tilespmem:$0x2970] =	vst @!p1 v1  }
0x8f: {  	[tilespmem:s30], [sflag:$0x1] =	stream.indirect.gather @!p1 [hbm4b:s10+s28], $0x80, s29, s28, $0xb8;
	[tilespmem:$0x1E600] =	vst v63  }
0x90: {  	_ =	swait.ge [sflag:s21], $0x4000  }
0x91: {  	[sflag:s21] =	ssyncset.done $0x0  }
0x92: {  	[sflag:s21] =	ssyncadd.s32 $0xFFFFC000  }
0x93: {  	[spmem:s1] =	stream.indirect.scatter.add.f32 [tilespmem:s18], [sflag:$0x3], $0x80, s22, s15, $0xb8;
	[tilespmem:$0x1E600] =	vst v63  }
0x94: {  	_ =	swait.ge [sflag:s13], $0x4000  }
0x95: {  	[sflag:s13] =	ssyncset.done $0x0  }
0x96: {  	s25 =	sshra.s32 s26, $0x2;
	[sflag:s13] =	ssyncadd.s32 $0xFFFFC000  }
0x97: {  	v1 =	vld [tilespmem:s25+$0x80];
	_ =	sdelay $0x4  }
0x98: {  	v2 =	vshrl.u32 v1, $0xE;
	v1 =	vand.u32 $0x3FFF, v1  }
0x99: {  	[tilespmem:$0x2880] =	vst v2  }
0x9a: {  	[tilespmem:$0x2980] =	vst v1  }
0x9b: {  	v1 =	vld [tilespmem:s25+$0x90];
	_ =	sdelay $0x4  }
0x9c: {  	v2 =	vshrl.u32 v1, $0xE;
	v1 =	vand.u32 $0x3FFF, v1  }
0x9d: {  	[tilespmem:$0x2890] =	vst v2  }
0x9e: {  	[tilespmem:$0x2990] =	vst v1  }
0x9f: {  	v1 =	vld [tilespmem:s25+$0xA0];
	_ =	sdelay $0x4  }
0xa0: {  	v2 =	vshrl.u32 v1, $0xE;
	v1 =	vand.u32 $0x3FFF, v1  }
0xa1: {  	[tilespmem:$0x28A0] =	vst v2  }
0xa2: {  	[tilespmem:$0x29A0] =	vst v1  }
0xa3: {  	v1 =	vld [tilespmem:s25+$0xB0];
	_ =	sdelay $0x4  }
0xa4: {  	v2 =	vshrl.u32 v1, $0xE;
	v1 =	vand.u32 $0x3FFF, v1  }
0xa5: {  	[tilespmem:$0x28B0] =	vst v2  }
0xa6: {  	[tilespmem:$0x29B0] =	vst v1  }
0xa7: {  	v1 =	vld [tilespmem:s25+$0xC0];
	_ =	sdelay $0x4  }
0xa8: {  	v2 =	vshrl.u32 v1, $0xE;
	v1 =	vand.u32 $0x3FFF, v1  }
0xa9: {  	[tilespmem:$0x28C0] =	vst v2  }
0xaa: {  	[tilespmem:$0x29C0] =	vst v1  }
0xab: {  	v1 =	vld [tilespmem:s25+$0xD0];
	_ =	sdelay $0x4  }
0xac: {  	v2 =	vshrl.u32 v1, $0xE;
	v1 =	vand.u32 $0x3FFF, v1  }
0xad: {  	[tilespmem:$0x28D0] =	vst v2  }
0xae: {  	[tilespmem:$0x29D0] =	vst v1  }
0xaf: {  	v1 =	vld [tilespmem:s25+$0xE0];
	_ =	sdelay $0x4  }
0xb0: {  	v2 =	vshrl.u32 v1, $0xE;
	v1 =	vand.u32 $0x3FFF, v1  }
0xb1: {  	[tilespmem:$0x28E0] =	vst v2  }
0xb2: {  	[tilespmem:$0x29E0] =	vst v1  }
0xb3: {  	v1 =	vld [tilespmem:s25+$0xF0];
	_ =	sdelay $0x4  }
0xb4: {  	v2 =	vshrl.u32 v1, $0xE;
	v1 =	vand.u32 $0x3FFF, v1  }
0xb5: {  	p1 =	seq.s32 s26, $0x9C00;
	[tilespmem:$0x28F0] =	vst v2  }
0xb6: {  	s25 =	sshra.s32 @!p1 s26, $0x2;
	[tilespmem:$0x29F0] =	vst v1  }
0xb7: {  	[tilespmem:s18], [sflag:$0x2] =	stream.indirect.gather [hbm4b:s10+s15], $0x80, s17, s15, $0xb8;
	[tilespmem:$0x1E600] =	vst v63  }
0xb8: {  	_ =	swait.ge [sflag:s19], $0x4000  }
0xb9: {  	[sflag:s19] =	ssyncset.done $0x0  }
0xba: {  	[sflag:s19] =	ssyncadd.s32 $0xFFFFC000  }
0xbb: {  	[spmem:s1] =	stream.indirect.scatter.add.f32 [tilespmem:s14], [sflag:$0x3], $0x80, s20, s15, $0xb8;
	[tilespmem:$0x1E600] =	vst v63  }
0xbc: {  	_ =	swait.ge [sflag:s13], $0x4000  }
0xbd: {  	[sflag:s13] =	ssyncset.done $0x0  }
0xbe: {  	[sflag:s13] =	ssyncadd.s32 $0xFFFFC000  }
0xbf: {  	v1 =	vld @!p1 [tilespmem:s25+$0x100];
	_ =	sdelay $0x4  }
0xc0: {  	v2 =	vshrl.u32 @!p1 v1, $0xE;
	v1 =	vand.u32 @!p1 $0x3FFF, v1  }
0xc1: {  	[tilespmem:$0x2800] =	vst @!p1 v2  }
0xc2: {  	[tilespmem:$0x2900] =	vst @!p1 v1  }
0xc3: {  	v1 =	vld @!p1 [tilespmem:s25+$0x110];
	_ =	sdelay $0x4  }
0xc4: {  	v2 =	vshrl.u32 @!p1 v1, $0xE;
	v1 =	vand.u32 @!p1 $0x3FFF, v1  }
0xc5: {  	[tilespmem:$0x2810] =	vst @!p1 v2  }
0xc6: {  	[tilespmem:$0x2910] =	vst @!p1 v1  }
0xc7: {  	v1 =	vld @!p1 [tilespmem:s25+$0x120];
	_ =	sdelay $0x4  }
0xc8: {  	v2 =	vshrl.u32 @!p1 v1, $0xE;
	v1 =	vand.u32 @!p1 $0x3FFF, v1  }
0xc9: {  	[tilespmem:$0x2820] =	vst @!p1 v2  }
0xca: {  	[tilespmem:$0x2920] =	vst @!p1 v1  }
0xcb: {  	v1 =	vld @!p1 [tilespmem:s25+$0x130];
	_ =	sdelay $0x4  }
0xcc: {  	v2 =	vshrl.u32 @!p1 v1, $0xE;
	v1 =	vand.u32 @!p1 $0x3FFF, v1  }
0xcd: {  	[tilespmem:$0x2830] =	vst @!p1 v2  }
0xce: {  	[tilespmem:$0x2930] =	vst @!p1 v1  }
0xcf: {  	v1 =	vld @!p1 [tilespmem:s25+$0x140];
	_ =	sdelay $0x4  }
0xd0: {  	v2 =	vshrl.u32 @!p1 v1, $0xE;
	v1 =	vand.u32 @!p1 $0x3FFF, v1  }
0xd1: {  	[tilespmem:$0x2840] =	vst @!p1 v2  }
0xd2: {  	[tilespmem:$0x2940] =	vst @!p1 v1  }
0xd3: {  	v1 =	vld @!p1 [tilespmem:s25+$0x150];
	_ =	sdelay $0x4  }
0xd4: {  	v2 =	vshrl.u32 @!p1 v1, $0xE;
	v1 =	vand.u32 @!p1 $0x3FFF, v1  }
0xd5: {  	[tilespmem:$0x2850] =	vst @!p1 v2  }
0xd6: {  	s28 =	simm.s32 @!p1 $0x80;
	s29 =	simm.s32 @!p1 $0x2800;
	s30 =	simm.s32 @!p1 $0x2A00;
	[tilespmem:$0x2950] =	vst @!p1 v1  }
0xd7: {  	v1 =	vld @!p1 [tilespmem:s25+$0x160];
	_ =	sdelay $0x1  }
.Ltmp1:
0xd8: {  	(pc) =	sbr.rel @p0 .LBB2_4-.Ltmp1, $3  }
0xd9: {  	_ =	sdelay $0x1  }
0xda: {  	v2 =	vshrl.u32 @!p1 v1, $0xE;
	v1 =	vand.u32 @!p1 $0x3FFF, v1  }
0xdb: {  	[tilespmem:$0x2860] =	vst @!p1 v2  }
0xdc: {  	[tilespmem:$0x2960] =	vst @!p1 v1  }
0xdd: {  	v1 =	vld @!p1 [tilespmem:s25+$0x170];
	_ =	sdelay $0x4  }
0xde: {  	v2 =	vshrl.u32 @!p1 v1, $0xE  }
0xdf: {  	v1 =	vand.u32 @!p1 $0x3FFF, v1;
	[tilespmem:$0x2870] =	vst @!p1 v2  }
0xe0: {  	[tilespmem:$0x2970] =	vst @!p1 v1  }
0xe1: {  	[tilespmem:s30], [sflag:$0x1] =	stream.indirect.gather @!p1 [hbm4b:s10+s28], $0x80, s29, s28, $0xb8;
	[tilespmem:$0x1E600] =	vst v63  }
0xe2: {  	_ =	swait.ge [sflag:s21], $0x4000  }
0xe3: {  	[sflag:s21] =	ssyncset.done $0x0  }
0xe4: {  	[sflag:s21] =	ssyncadd.s32 $0xFFFFC000  }
0xe5: {  	[spmem:s1] =	stream.indirect.scatter.add.f32 [tilespmem:s18], [sflag:$0x3], $0x80, s22, s15, $0xb8;
	[tilespmem:$0x1E600] =	vst v63  }
0xe6: {  	_ =	swait.ge [sflag:s13], $0x4000  }
0xe7: {  	s24 =	sshll.u32 s2, $0x6;
	s23 =	sadd.s32 $0x1, s23;
	[sflag:s13] =	ssyncset.done $0x0  }
0xe8: {  	s31 =	sshrl.u32 s5, $0x3;
	p0 =	sne.s32 s23, s12;
	[sflag:s13] =	ssyncadd.s32 $0xFFFFC000  }
.Ltmp2:
0xe9: {  	s24 =	sor.u32 $0x1C03, s24;
	[bflag:$0x0] =	sbarrier.arrive $0xFFFF;
	(pc) =	sbr.rel @p0 .LBB2_1-.Ltmp2, $4  }
0xea: {  	[hbm:s11], [sflag:s24] =	dma.local [spmem:s31], $0x2780  }
0xeb: {  	_ =	swait.ge [sflag:s13], $0x2780  }
0xec: {  	[sflag:s13] =	ssyncset.done $0x0  }
0xed: {  	[sflag:s13] =	ssyncadd.s32 $0xFFFFD880  }
0xee: {  	_ =	sfence.sel $0x180000  }
0xef: {  	[bflag:$0x0] =	sbarrier.arrive $0xFFFF  }
0xf0: {  	p0 =	sne.s32 s2, $0x0;
	_ =	strace $0x9000004D  }
0xf1: {  	s0 =	sadd.s32 @!p0 $0x100000, s0;
	[bflag:$0x2] =	sbarrier.arrive $0xFFFF  }
0xf2: {  	[sflag:s0] =	ssyncadd.tile.s32 @!p0 $0x1;
	_ =	shalt  }
.Lfunc_end2:
_tile_overlayer_lowered:
.L_overlay_start_2:
0xf3: {  	(tag) =	ssettag $0x2  }
0xf4: {  	s0 =	rddreg [dreg:$0x0];
	s2 =	stileid.u32  }
0xf5: {  	s1 =	rddreg [dreg:$0x1];
	p0 =	sne.s32 s2, $0x0  }
0xf6: {  	s3 =	rddreg [dreg:$0x2];
	[bflag:$0x3] =	sbarrier.arrive $0xFFFF;
	s2 =	simm.s32 @!p0 $0x1C03  }
0xf7: {  	[timem:s3], [sflag:s2] =	dma.local @!p0 [hbm:s0], s1  }
0xf8: {  	s0 =	simm.s32 @!p0 $0x3  }
0xf9: {  	_ =	swait.ge @!p0 [sflag:s0], s1  }
0xfa: {  	s1 =	ssub.s32 @!p0 $0x0, s1;
	[sflag:s0] =	ssyncset.done @!p0 $0x0  }
0xfb: {  	[sflag:s0] =	ssyncadd.s32 @!p0 s1  }
0xfc: {  	[bflag:$0x3] =	sbarrier.arrive $0xFFFF  }
0xfd: {  	_ =	shalt  }

// kernel: kernel.22.cloned.1.call-start
scs
__scs_entry_jumppad:
0x0: {  	(pc) =	sbr.rel $0x88, $3  }
0x1: {  	(tag) =	ssettag $0x0;
	lr =	simm.s32 $0x1  }
0x2: {  	[smem:$0x3F95] =	sst lr;
	_ =	strace $0xD0000000  }
0x3: {  	_ = 	snop  }
0x4: {  	_ = 	snop  }
0x5: {  	_ = 	snop  }
0x6: {  	_ = 	snop  }
0x7: {  	_ = 	snop  }
__scs_overlays_trampoline_lowered:
0x8: {  	[smem:$0x3FA4] =	sst s0  }
0x9: {  	[smem:$0x3FA5] =	sst s1  }
0xa: {  	[smem:$0x3FA6] =	sst s2  }
0xb: {  	[smem:$0x3FA7] =	sst s3  }
0xc: {  	[smem:$0x3FA8] =	sst s4  }
0xd: {  	[smem:$0x3FA9] =	sst s5  }
0xe: {  	[smem:$0x3FAA] =	sst s6  }
0xf: {  	[smem:$0x3FAB] =	sst s7  }
0x10: {  	[smem:$0x3FAC] =	sst s8  }
0x11: {  	[smem:$0x3FAD] =	sst s9;
	s0 =	simm.s32 @!p0 $0x0  }
0x12: {  	s1 =	sld [smem:$0x3F93];
	s0 =	simm.s32 @p0 $0x1  }
0x13: {  	[smem:$0x3FAE] =	sst s0;
	s0 =	simm.s32 @!p1 $0x0  }
0x14: {  	s2 =	sld [smem:$0x3F92];
	s0 =	simm.s32 @p1 $0x1  }
0x15: {  	[smem:$0x3FAF] =	sst s0;
	s0 =	simm.s32 @!p2 $0x0  }
0x16: {  	s3 =	sld [smem:$0x3FDB];
	s0 =	simm.s32 @p2 $0x1  }
0x17: {  	s4 =	simm.s32 $0x1BF5;
	[smem:$0x3FB1] =	sst s0  }
0x18: {  	s0 =	sld [smem:$0x3F94];
	_ =	swait.ge [sflag:s4], $0x0  }
0x19: {  	s7 =	sld [smem:$0x3F95]  }
0x1a: {  	s8 =	sadd.s32 $0xFFFFE003, lr  }
0x1b: {  	s9 =	sadd.s32 $0xFFFFFEF7, lr;
	s5 =	simm.s32 $0xFFFFFFFF;
	p2 =	slt.u32 s8, $0xFFFFF086  }
0x1c: {  	p1 =	slt.u32 s9, $0xF7A;
	s5 =	simm.s32 @!p2 $0x0  }
0x1d: {  	s5 =	simm.s32 @p1 $0x1;
	p0 =	seq.s32 s7, s2  }
0x1e: {  	s7 =	smul.u32 @!p0 $0xF7A, s2;
	p2 =	seq.s32 @!p0 s5, $0x0  }
0x1f: {  	s9 =	smul.u32 $0xF7A, s1;
	s8 =	simm.s32 @!p0 $0x1BF5;
	p2 =	por !p2, p0  }
0x20: {  	[sflag:s8] =	ssyncset.s32 @!p0 $0xFFFFF086;
	s6 =	sadd.s32 @!p0 s3, s7;
	s7 =	simm.s32 @!p0 $0x108  }
0x21: {  	s3 =	sadd.s32 s3, s9;
	s6 =	sadd.s32 @!p0 $0x88, s6;
	s7 =	simm.s32 @p2 $0x1082  }
0x22: {  	[simem:s7], [sflag:s8] =	dma.local @!p0 [hbm:s6], $0xF7A  }
0x23: {  	s9 =	sor.u32 $0xD0000000, s2;
	s6 =	simm.s32 $0x108;
	_ =	swait.ge @!p0 [sflag:s8], $0x0  }
0x24: {  	s3 =	sadd.s32 $0x88, s3;
	s6 =	simm.s32 @!p1 $0x1082;
	[sflag:s4] =	ssyncset.s32 $0xFFFFF086  }
0x25: {  	[simem:s6], [sflag:s4] =	dma.local [hbm:s3], $0xF7A  }
0x26: {  	[smem:$0x3F95] =	sst s1;
	(tag) =	ssettag s2;
	_ =	strace s9  }
0x27: {  	s1 =	sld [smem:$0x3FA5]  }
0x28: {  	s2 =	sld [smem:$0x3FA6]  }
0x29: {  	s4 =	sld [smem:$0x3FA8]  }
0x2a: {  	p0 =	seq.s32 s5, $0x0;
	s5 =	sld [smem:$0x3FA9]  }
0x2b: {  	s6 =	sld [smem:$0x3FAA]  }
0x2c: {  	s7 =	sld [smem:$0x3FAB]  }
0x2d: {  	s3 =	simm.s32 $0x108;
	s8 =	sld [smem:$0x3FAC]  }
0x2e: {  	s3 =	simm.s32 @!p0 $0x1082;
	s9 =	sld [smem:$0x3FAD]  }
0x2f: {  	lr =	sadd.s32 s0, s3;
	s0 =	sld [smem:$0x3FA4]  }
0x30: {  	s3 =	sld [smem:$0x3FA7]  }
0x31: {  	[smem:$0x3FB0] =	sst s10  }
0x32: {  	s10 =	sld [smem:$0x3FAE];
	_ =	sdelay $0x3  }
0x33: {  	p0 =	seq.s32 s10, $0x1;
	s10 =	sld [smem:$0x3FB0];
	_ =	sdelay $0x3  }
0x34: {  	[smem:$0x3FB0] =	sst s10  }
0x35: {  	s10 =	sld [smem:$0x3FAF];
	_ =	sdelay $0x3  }
0x36: {  	p1 =	seq.s32 s10, $0x1;
	s10 =	sld [smem:$0x3FB0];
	_ =	sdelay $0x3  }
0x37: {  	[smem:$0x3FB0] =	sst s10  }
0x38: {  	s10 =	sld [smem:$0x3FB1]  }
0x39: {  	_ = 	snop;
	(pc) =	sbr.ind lr, $3  }
0x3a: {  	_ = 	snop  }
0x3b: {  	_ = 	snop  }
0x3c: {  	p2 =	seq.s32 s10, $0x1;
	s10 =	sld [smem:$0x3FB0]  }
0x3d: {  	_ =	shalt  }
0x3e: {  	_ =	shalt  }
0x3f: {  	_ =	shalt  }
0x40: {  	_ =	shalt  }
0x41: {  	_ =	shalt  }
0x42: {  	_ =	shalt  }
0x43: {  	_ =	shalt  }
0x44: {  	_ =	shalt  }
0x45: {  	_ =	shalt  }
0x46: {  	_ =	shalt  }
0x47: {  	_ =	shalt  }
0x48: {  	_ =	shalt  }
0x49: {  	_ =	shalt  }
0x4a: {  	_ =	shalt  }
0x4b: {  	_ =	shalt  }
0x4c: {  	_ =	shalt  }
0x4d: {  	_ =	shalt  }
0x4e: {  	_ =	shalt  }
0x4f: {  	_ =	shalt  }
0x50: {  	_ =	shalt  }
0x51: {  	_ =	shalt  }
0x52: {  	_ =	shalt  }
0x53: {  	_ =	shalt  }
0x54: {  	_ =	shalt  }
0x55: {  	_ =	shalt  }
0x56: {  	_ =	shalt  }
0x57: {  	_ =	shalt  }
0x58: {  	_ =	shalt  }
0x59: {  	_ =	shalt  }
0x5a: {  	_ =	shalt  }
0x5b: {  	_ =	shalt  }
0x5c: {  	_ =	shalt  }
0x5d: {  	_ =	shalt  }
0x5e: {  	_ =	shalt  }
0x5f: {  	_ =	shalt  }
0x60: {  	_ =	shalt  }
0x61: {  	_ =	shalt  }
0x62: {  	_ =	shalt  }
0x63: {  	_ =	shalt  }
0x64: {  	_ =	shalt  }
0x65: {  	_ =	shalt  }
0x66: {  	_ =	shalt  }
0x67: {  	_ =	shalt  }
0x68: {  	_ =	shalt  }
0x69: {  	_ =	shalt  }
0x6a: {  	_ =	shalt  }
0x6b: {  	_ =	shalt  }
0x6c: {  	_ =	shalt  }
0x6d: {  	_ =	shalt  }
0x6e: {  	_ =	shalt  }
0x6f: {  	_ =	shalt  }
0x70: {  	_ =	shalt  }
0x71: {  	_ =	shalt  }
0x72: {  	_ =	shalt  }
0x73: {  	_ =	shalt  }
0x74: {  	_ =	shalt  }
0x75: {  	_ =	shalt  }
0x76: {  	_ =	shalt  }
0x77: {  	_ =	shalt  }
0x78: {  	_ =	shalt  }
0x79: {  	_ =	shalt  }
0x7a: {  	_ =	shalt  }
0x7b: {  	_ =	shalt  }
0x7c: {  	_ =	shalt  }
0x7d: {  	_ =	shalt  }
0x7e: {  	_ =	shalt  }
0x7f: {  	_ =	shalt  }
0x80: {  	_ =	shalt  }
0x81: {  	_ =	shalt  }
0x82: {  	_ =	shalt  }
0x83: {  	_ =	shalt  }
0x84: {  	_ =	shalt  }
0x85: {  	_ =	shalt  }
0x86: {  	_ =	shalt  }
0x87: {  	_ =	shalt  }
.Lfunc_end0:
.L_simem_size_0:
called_computation.3_lowered:
.L_overlay_start_0:
0x88: {  	s2 =	sld [smem:$0x3FD9]  }
0x89: {  	s3 =	sld [smem:$0x3FFE];
	_ =	sdelay $0x1  }
0x8a: {  	s1 =	srdreg.scid  }
0x8b: {  	s0 =	sand.u32 $0x1, s1  }
0x8c: {  	s17 =	sshll.u32 s0, $0xA;
	s2 =	sadd.s32 s3, s2  }
0x8d: {  	s2 =	sadd.s32 s2, s17  }
0x8e: {  	[smem:$0x3FBC] =	sst s2  }
0x8f: {  	_ = 	snop  }
0x90: {  	(tm) =	ssettm $0x1  }
0x91: {  	s18 =	sld [smem:$0x3FFB];
	_ =	sdelay $0x3  }
0x92: {  	_ =	strace s18  }
0x93: {  	s2 =	sld [smem:$0x3FFC];
	_ =	sdelay $0x3  }
0x94: {  	_ =	strace s2  }
0x95: {  	s2 =	sld [smem:$0x3FFD];
	_ =	sdelay $0x3  }
0x96: {  	_ =	strace s2  }
0x97: {  	_ =	strace $0x8FFFFFFF  }
0x98: {  	s19 =	sld [smem:$0x3FDB];
	_ =	sdelay $0x1  }
0x99: {  	s20 =	simm.s32 $_scs_section_size  }
0x9a: {  	s4 =	simm.s32 $_size__tile_overlayer_lowered;
	s5 =	simm.s32 $_tile_overlayer_lowered  }
0x9b: {  	s6 =	simm.s32 $0x1BFF;
	s21 =	sshll.u32 s5, $0x1;
	s3 =	sadd.s32 s20, s19  }
0x9c: {  	s22 =	simm.s32 $0x0;
	s4 =	sshll.u32 s4, $0x1;
	s5 =	sadd.s32 s21, s3  }
0x9d: {  	[timem:s22], [sflag:s6] =	dma.local [hbm:s5], s4  }
0x9e: {  	_ =	swait.ge [sflag:s6], s4  }
0x9f: {  	s4 =	ssub.s32 $0x0, s4;
	[sflag:s6] =	ssyncset.done $0x0  }
0xa0: {  	[sflag:s6] =	ssyncadd.s32 s4;
	_ =	sdelay $0x1  }
0xa1: {  	s23 =	simm.s32 $0x1B8B  }
0xa2: {  	_ =	swait.ge [sflag:s23], $0x1  }
0xa3: {  	[sflag:s23] =	ssyncset.done $0x0  }
0xa4: {  	[sflag:s23] =	ssyncadd.s32 $0xFFFFFFFF  }
0xa5: {  	s4 =	sld [smem:$0x0]  }
0xa6: {  	s5 =	sand.u32 $0xFFFFFFFE, s1  }
0xa7: {  	p0 =	sne.s32 s1, s5  }
0xa8: {  	s5 =	sshll.u32 @p0 s5, $0xE  }
0xa9: {  	s5 =	sadd.s32 @p0 $0x11B8D, s5;
	s6 =	sshll.u32 @p0 s4, $0x11  }
0xaa: {  	s5 =	sor.u32 @p0 s6, s5  }
0xab: {  	[sflag:s5] =	ssyncadd.remote.s32 @p0 $0x1;
	_ =	sdelay $0x1  }
0xac: {  	s5 =	simm.s32 @p0 $0x1B8D  }
0xad: {  	_ =	swait.eq @p0 [sflag:s5], $0x1  }
0xae: {  	[sflag:s5] =	ssyncadd.s32 @p0 $0xFFFFFFFF  }
0xaf: {  	s6 =	sshll.u32 @!p0 s1, $0xE  }
0xb0: {  	s6 =	sor.u32 @!p0 $0x4000, s6;
	s5 =	simm.s32 @!p0 $0x1B8D  }
0xb1: {  	s4 =	sshll.u32 @!p0 s4, $0x11;
	s6 =	sadd.s32 @!p0 $0x11B8D, s6;
	_ =	swait.eq @!p0 [sflag:s5], $0x1  }
0xb2: {  	s4 =	sor.u32 @!p0 s4, s6;
	[sflag:s5] =	ssyncadd.s32 @!p0 $0xFFFFFFFF  }
0xb3: {  	s25 =	simm.s32 $0x1B8E;
	s24 =	sld [smem:$0x3FFE];
	[sflag:s4] =	ssyncadd.remote.s32 @!p0 $0x1  }
0xb4: {  	s26 =	simm.s32 $execute0_lowered;
	[smem:$0x3FD2] =	sst s25  }
0xb5: {  	s5 =	sshll.u32 s26, $0x1;
	_ =	strace $0x80000052;
	[dreg:$0x1] =	wrdreg $0xFFFFFFFF  }
0xb6: {  	s28 =	simm.s32 $_size_execute0_lowered;
	s3 =	sadd.s32 s3, s5;
	[dreg:$0x0] =	wrdreg $0x0  }
0xb7: {  	s5 =	sshll.u32 s28, $0x1;
	[dreg:$0x2] =	wrdreg s3  }
0xb8: {  	[dreg:$0x3] =	wrdreg s5  }
0xb9: {  	[dreg:$0x4] =	wrdreg $0xC0  }
0xba: {  	_ =	task [dreg:s22], $0x5FFFF  }
0xbb: {  	[dreg:$0x1] =	wrdreg $0xFFFFFFFF  }
0xbc: {  	[dreg:$0x0] =	wrdreg $0x60  }
0xbd: {  	[dreg:$0x2] =	wrdreg s24  }
0xbe: {  	[dreg:$0x3] =	wrdreg $0xAA000  }
0xbf: {  	[dreg:$0x4] =	wrdreg $0x9  }
0xc0: {  	_ =	task.clear_ibuf [dreg:s22], $0x5FFFF;
	_ =	strace $0x90000052  }
0xc1: {  	s29 =	simm.s32 $0x9;
	_ =	strace $0x80000054  }
0xc2: {  	_ =	swait.ge [sflag:s29], $0x1  }
0xc3: {  	[sflag:s29] =	ssyncadd.s32 $0xFFFFFFFF  }
0xc4: {  	_ =	strace $0x90000054  }
0xc5: {  	_ =	sfence  }
0xc6: {  	s30 =	sld [smem:$0x0];
	_ =	sdelay $0x2  }
0xc7: {  	s31 =	sshll.u32 s1, $0xD;
	s1 =	sshrl.u32 s1, $0x2  }
0xc8: {  	s4 =	sand.u32 $0x4000, s31;
	s1 =	sadd.s32 s1, s30  }
0xc9: {  	s0 =	sor.u32 s4, s0;
	s1 =	sshll.u32 s1, $0x11  }
0xca: {  	s0 =	sor.u32 s1, s0  }
0xcb: {  	s0 =	sadd.s32 $0x8F2B, s0  }
0xcc: {  	[sflag:s0] =	ssyncadd.remote.s32 $0x1  }
0xcd: {  	_ =	sfence.sel $0xFFFF  }
0xce: {  	[dreg:$0x0] =	wrdreg $0xFFFFFFFF;
	(pc) =	sbr.abs _section_cstart, $3  }
0xcf: {  	[dreg:$0x1] =	wrdreg $0xFFFFFFFF  }
0xd0: {  	_ =	task.clear_ibuf [dreg:s22], $0x2FFFF;
	_ =	strace $0x9FFFFFFF  }
0xd1: {  	(tm) =	ssettm $0x7FFFFFFF  }
tec
execute0_lowered:
.L_overlay_start_1:
0x0: {  	(tag) =	ssettag $0x1  }
0x1: {  	s4 =	rddreg [dreg:$0x0]  }
0x2: {  	s0 =	srdreg.scid;
	s1 =	rddreg [dreg:$0x1];
	s3 =	simm.s32 $0x0  }
0x3: {  	s2 =	stileid.u32;
	s13 =	simm.s32 $0x3;
	s14 =	simm.s32 $0x2A00  }
0x4: {  	s15 =	simm.s32 $0x80;
	s16 =	simm.s32 $0x2800;
	s17 =	simm.s32 $0x2880  }
0x5: {  	s18 =	simm.s32 $0x6A00;
	s19 =	simm.s32 $0x1;
	s8 =	smul.u32 $0x13C00, s2  }
0x6: {  	s20 =	simm.s32 $0x2900;
	s21 =	simm.s32 $0x2;
	s9 =	smul.u32 $0x500, s2  }
0x7: {  	s22 =	simm.s32 $0x2980;
	s5 =	sand.u32 $0x1, s0;
	s28 =	smul.u32 $0x4F000, s2  }
0x8: {  	s23 =	simm.s32 $0x0;
	s0 =	rddreg [dreg:$0x2];
	s6 =	smul.u32 $0x27100, s5  }
0x9: {  	[smem:$0x7FF] =	sst s3;
	s7 =	smul.u32 $0x13C000, s5;
	s5 =	ssub.s32 $0x2, s5  }
0xa: {  	_ =	strace $0x80000053;
	s29 =	sadd.s32 s9, s4;
	s30 =	sshrl.u32 s5, $0x1  }
0xb: {  	s31 =	sshrl.u32 s28, $0x2;
	s10 =	sadd.s32 s6, s4;
	s26 =	sadd.s32 s8, s7  }
0xc: {  	s12 =	ssub.s32 s5, s30;
	s5 =	sadd.s32 s31, s1;
	s6 =	sshrl.u32 s26, $0x3  }
0xd: {  	s7 =	sadd.s32 $0x8000, s5;
	s8 =	sadd.s32 $0xC000, s5;
	s9 =	sadd.s32 $0x10000, s5  }
0xe: {  	s10 =	sadd.s32 $0x5C000, s10;
	s12 =	smax.u32 s12, $0x1;
	s11 =	sadd.s32 s6, s4  }
0xf: {  	v0 =	vimm.f32 $0.0e+00;
	s4 =	sadd.s32 $0x3000, s29;
	s6 =	sadd.s32 $0x4000, s5;
	s11 =	sadd.s32 $0xAA200, s11  }
.LBB2_1:
0x10: {  	[tilespmem:s3], [sflag:$0x3] =	stream.linear.gather [hbm4b:s4+s3], $0x2800, $0x38;
	[tilespmem:$0x1E600] =	vst v63  }
0x11: {  	s24 =	sand.u32 $0xFE00, s3;
	s25 =	sand.u32 $0x70, s3;
	_ =	swait.ge [sflag:s13], $0x2800  }
0x12: {  	s26 =	sshrl.u32 s24, $0x2;
	s24 =	simm.s32 $0x40;
	[sflag:s13] =	ssyncset.done $0x0  }
0x13: {  	s26 =	sor.u32 s25, s26;
	s25 =	simm.s32 $0x0;
	[sflag:s13] =	ssyncadd.s32 $0xFFFFD800  }
.LBB2_2:
0x14: {  	p0 =	sne.s32 s24, $0xFFC0  }
0x15: {  	[tilespmem:s26+$0x2A00] =	vst v0;
	s25 =	sadd.s32 $0x10, s25;
	s26 =	smov.u32 s24;
	s24 =	sadd.s32 $0x40, s24  }
.Ltmp0:
0x16: {  	(pc) =	sbr.rel @p0 .LBB2_2-.Ltmp0, $4  }
0x17: {  	_ = 	snop  }
0x18: {  	s26 =	sand.u32 $0xFE00, s26  }
0x19: {  	s28 =	sand.u32 $0x70, s25;
	s26 =	sshrl.u32 s26, $0x2  }
0x1a: {  	s26 =	sor.u32 s28, s26  }
0x1b: {  	[tilespmem:s26+$0x2A00] =	vst v0  }
0x1c: {  	[spmem:s5] =	stream.linear.scatter [tilespmem:s14], [sflag:$0x3], $0x4000, $0x38;
	[tilespmem:$0x1E600] =	vst v63  }
0x1d: {  	_ =	swait.ge [sflag:s13], $0x4000  }
0x1e: {  	[sflag:s13] =	ssyncset.done $0x0  }
0x1f: {  	[sflag:s13] =	ssyncadd.s32 $0xFFFFC000  }
0x20: {  	[spmem:s6] =	stream.linear.scatter [tilespmem:s14], [sflag:$0x3], $0x4000, $0x38;
	[tilespmem:$0x1E600] =	vst v63  }
0x21: {  	_ =	swait.ge [sflag:s13], $0x4000  }
0x22: {  	[sflag:s13] =	ssyncset.done $0x0  }
0x23: {  	[sflag:s13] =	ssyncadd.s32 $0xFFFFC000  }
0x24: {  	[spmem:s7] =	stream.linear.scatter [tilespmem:s14], [sflag:$0x3], $0x4000, $0x38;
	[tilespmem:$0x1E600] =	vst v63  }
0x25: {  	_ =	swait.ge [sflag:s13], $0x4000  }
0x26: {  	[sflag:s13] =	ssyncset.done $0x0  }
0x27: {  	[sflag:s13] =	ssyncadd.s32 $0xFFFFC000  }
0x28: {  	[spmem:s8] =	stream.linear.scatter [tilespmem:s14], [sflag:$0x3], $0x4000, $0x38;
	[tilespmem:$0x1E600] =	vst v63  }
0x29: {  	_ =	swait.ge [sflag:s13], $0x4000  }
0x2a: {  	[sflag:s13] =	ssyncset.done $0x0  }
0x2b: {  	[sflag:s13] =	ssyncadd.s32 $0xFFFFC000  }
0x2c: {  	[spmem:s9] =	stream.linear.scatter [tilespmem:s14], [sflag:$0x3], $0x3C00, $0x38;
	[tilespmem:$0x1E600] =	vst v63  }
0x2d: {  	_ =	swait.ge [sflag:s13], $0x3C00  }
0x2e: {  	[sflag:s13] =	ssyncset.done $0x0  }
0x2f: {  	[sflag:s13] =	ssyncadd.s32 $0xFFFFC400  }
0x30: {  	[bflag:$0x0] =	sbarrier.arrive $0xFFFF  }
0x31: {  	v1 =	vld [tilespmem:$0x0];
	_ =	sdelay $0x1  }
0x32: {  	v2 =	vld [tilespmem:$0x10];
	_ =	sdelay $0x1  }
0x33: {  	v3 =	vld [tilespmem:$0x20]  }
0x34: {  	v4 =	vshrl.u32 v1, $0xE  }
0x35: {  	v62 =	vld [tilespmem:$0x30];
	v1 =	vand.u32 $0x3FFF, v1;
	[tilespmem:$0x2800] =	vst v4  }
0x36: {  	[tilespmem:$0x2900] =	vst v1;
	v1 =	vshrl.u32 v2, $0xE  }
0x37: {  	[tilespmem:$0x2810] =	vst v1;
	v1 =	vand.u32 $0x3FFF, v2;
	v2 =	vld [tilespmem:$0x40]  }
0x38: {  	[tilespmem:$0x2910] =	vst v1;
	v1 =	vshrl.u32 v3, $0xE  }
0x39: {  	[tilespmem:$0x2820] =	vst v1;
	v1 =	vand.u32 $0x3FFF, v3;
	v3 =	vld [tilespmem:$0x50]  }
0x3a: {  	[tilespmem:$0x2920] =	vst v1;
	v1 =	vshrl.u32 v62, $0xE  }
0x3b: {  	v63 =	vld [tilespmem:$0x60];
	[tilespmem:$0x2830] =	vst v1;
	v1 =	vand.u32 $0x3FFF, v62  }
0x3c: {  	[tilespmem:$0x2930] =	vst v1;
	v1 =	vshrl.u32 v2, $0xE  }
0x3d: {  	[tilespmem:$0x2840] =	vst v1;
	v1 =	vand.u32 $0x3FFF, v2;
	v2 =	vld [tilespmem:$0x70]  }
0x3e: {  	[tilespmem:$0x2940] =	vst v1;
	v1 =	vshrl.u32 v3, $0xE  }
0x3f: {  	[tilespmem:$0x2850] =	vst v1;
	v1 =	vand.u32 $0x3FFF, v3  }
0x40: {  	[tilespmem:$0x2950] =	vst v1;
	v1 =	vshrl.u32 v63, $0xE  }
0x41: {  	[tilespmem:$0x2860] =	vst v1;
	v1 =	vand.u32 $0x3FFF, v63  }
0x42: {  	[tilespmem:$0x2960] =	vst v1;
	v1 =	vshrl.u32 v2, $0xE  }
0x43: {  	[tilespmem:$0x2870] =	vst v1;
	v1 =	vand.u32 $0x3FFF, v2  }
0x44: {  	s24 =	simm.s32 $0x0;
	[tilespmem:$0x2970] =	vst v1  }
0x45: {  	[tilespmem:s14], [sflag:$0x1] =	stream.indirect.gather [hbm4b:s10+s15], $0x80, s16, s15, $0xb8;
	[tilespmem:$0x1E600] =	vst v63  }
0x46: {  	v1 =	vld [tilespmem:s24+$0x80];
	_ =	sdelay $0x4  }
0x47: {  	v2 =	vshrl.u32 v1, $0xE  }
0x48: {  	v1 =	vand.u32 $0x3FFF, v1;
	[tilespmem:$0x2880] =	vst v2  }
0x49: {  	[tilespmem:$0x2980] =	vst v1  }
0x4a: {  	v1 =	vld [tilespmem:s24+$0x90];
	_ =	sdelay $0x4  }
0x4b: {  	v2 =	vshrl.u32 v1, $0xE  }
0x4c: {  	v1 =	vand.u32 $0x3FFF, v1;
	[tilespmem:$0x2890] =	vst v2  }
0x4d: {  	[tilespmem:$0x2990] =	vst v1  }
0x4e: {  	v1 =	vld [tilespmem:s24+$0xA0];
	_ =	sdelay $0x4  }
0x4f: {  	v2 =	vshrl.u32 v1, $0xE  }
0x50: {  	v1 =	vand.u32 $0x3FFF, v1;
	[tilespmem:$0x28A0] =	vst v2  }
0x51: {  	[tilespmem:$0x29A0] =	vst v1  }
0x52: {  	v1 =	vld [tilespmem:s24+$0xB0];
	_ =	sdelay $0x4  }
0x53: {  	v2 =	vshrl.u32 v1, $0xE  }
0x54: {  	v1 =	vand.u32 $0x3FFF, v1;
	[tilespmem:$0x28B0] =	vst v2  }
0x55: {  	[tilespmem:$0x29B0] =	vst v1  }
0x56: {  	v1 =	vld [tilespmem:s24+$0xC0];
	_ =	sdelay $0x4  }
0x57: {  	v2 =	vshrl.u32 v1, $0xE  }
0x58: {  	v1 =	vand.u32 $0x3FFF, v1;
	[tilespmem:$0x28C0] =	vst v2  }
0x59: {  	[tilespmem:$0x29C0] =	vst v1  }
0x5a: {  	v1 =	vld [tilespmem:s24+$0xD0];
	_ =	sdelay $0x4  }
0x5b: {  	v2 =	vshrl.u32 v1, $0xE  }
0x5c: {  	v1 =	vand.u32 $0x3FFF, v1;
	[tilespmem:$0x28D0] =	vst v2  }
0x5d: {  	[tilespmem:$0x29D0] =	vst v1  }
0x5e: {  	v1 =	vld [tilespmem:s24+$0xE0];
	_ =	sdelay $0x4  }
0x5f: {  	v2 =	vshrl.u32 v1, $0xE  }
0x60: {  	v1 =	vand.u32 $0x3FFF, v1;
	[tilespmem:$0x28E0] =	vst v2  }
0x61: {  	[tilespmem:$0x29E0] =	vst v1  }
0x62: {  	v1 =	vld [tilespmem:s24+$0xF0];
	_ =	sdelay $0x4  }
0x63: {  	v2 =	vshrl.u32 v1, $0xE  }
0x64: {  	v1 =	vand.u32 $0x3FFF, v1;
	[tilespmem:$0x28F0] =	vst v2  }
0x65: {  	[tilespmem:$0x29F0] =	vst v1  }
0x66: {  	[tilespmem:s18], [sflag:$0x2] =	stream.indirect.gather [hbm4b:s10+s15], $0x80, s17, s15, $0xb8;
	[tilespmem:$0x1E600] =	vst v63  }
0x67: {  	_ =	swait.ge [sflag:s19], $0x4000  }
0x68: {  	[sflag:s19] =	ssyncset.done $0x0  }
0x69: {  	[sflag:s19] =	ssyncadd.s32 $0xFFFFC000  }
0x6a: {  	[spmem:s1] =	stream.indirect.scatter.add.f32 [tilespmem:s14], [sflag:$0x3], $0x80, s20, s15, $0xb8;
	[tilespmem:$0x1E600] =	vst v63  }
0x6b: {  	_ =	swait.ge [sflag:s13], $0x4000  }
0x6c: {  	p1 =	por $0x0, $0x0;
	[sflag:s13] =	ssyncset.done $0x0  }
0x6d: {  	s25 =	simm.s32 @!p1 $0x0;
	[sflag:s13] =	ssyncadd.s32 $0xFFFFC000  }
0x6e: {  	v1 =	vld @!p1 [tilespmem:s25+$0x100];
	_ =	sdelay $0x4  }
0x6f: {  	v2 =	vshrl.u32 @!p1 v1, $0xE  }
0x70: {  	v1 =	vand.u32 @!p1 $0x3FFF, v1;
	[tilespmem:$0x2800] =	vst @!p1 v2  }
0x71: {  	[tilespmem:$0x2900] =	vst @!p1 v1  }
0x72: {  	v1 =	vld @!p1 [tilespmem:s25+$0x110];
	_ =	sdelay $0x4  }
0x73: {  	v2 =	vshrl.u32 @!p1 v1, $0xE  }
0x74: {  	v1 =	vand.u32 @!p1 $0x3FFF, v1;
	[tilespmem:$0x2810] =	vst @!p1 v2  }
0x75: {  	[tilespmem:$0x2910] =	vst @!p1 v1  }
0x76: {  	v1 =	vld @!p1 [tilespmem:s25+$0x120];
	_ =	sdelay $0x4  }
0x77: {  	v2 =	vshrl.u32 @!p1 v1, $0xE  }
0x78: {  	v1 =	vand.u32 @!p1 $0x3FFF, v1;
	[tilespmem:$0x2820] =	vst @!p1 v2  }
0x79: {  	[tilespmem:$0x2920] =	vst @!p1 v1  }
0x7a: {  	v1 =	vld @!p1 [tilespmem:s25+$0x130];
	_ =	sdelay $0x4  }
0x7b: {  	v2 =	vshrl.u32 @!p1 v1, $0xE  }
0x7c: {  	v1 =	vand.u32 @!p1 $0x3FFF, v1;
	[tilespmem:$0x2830] =	vst @!p1 v2  }
0x7d: {  	[tilespmem:$0x2930] =	vst @!p1 v1  }
0x7e: {  	v1 =	vld @!p1 [tilespmem:s25+$0x140];
	_ =	sdelay $0x4  }
0x7f: {  	v2 =	vshrl.u32 @!p1 v1, $0xE  }
0x80: {  	v1 =	vand.u32 @!p1 $0x3FFF, v1;
	[tilespmem:$0x2840] =	vst @!p1 v2  }
0x81: {  	[tilespmem:$0x2940] =	vst @!p1 v1  }
0x82: {  	v1 =	vld @!p1 [tilespmem:s25+$0x150];
	_ =	sdelay $0x4  }
0x83: {  	v2 =	vshrl.u32 @!p1 v1, $0xE  }
0x84: {  	v1 =	vand.u32 @!p1 $0x3FFF, v1;
	[tilespmem:$0x2850] =	vst @!p1 v2  }
0x85: {  	[tilespmem:$0x2950] =	vst @!p1 v1  }
0x86: {  	v1 =	vld @!p1 [tilespmem:s25+$0x160];
	_ =	sdelay $0x4  }
0x87: {  	s28 =	simm.s32 @!p1 $0x80;
	v2 =	vshrl.u32 @!p1 v1, $0xE  }
0x88: {  	s29 =	simm.s32 @!p1 $0x2800;
	s30 =	simm.s32 @!p1 $0x2A00;
	s24 =	simm.s32 $0x400;
	v1 =	vand.u32 @!p1 $0x3FFF, v1;
	[tilespmem:$0x2860] =	vst @!p1 v2  }
.LBB2_4:
0x89: {  	[tilespmem:$0x2960] =	vst @!p1 v1;
	s26 =	smov.u32 s24;
	s24 =	sadd.s32 $0x400, s24  }
0x8a: {  	p0 =	sne.s32 s24, $0xA000;
	v1 =	vld @!p1 [tilespmem:s25+$0x170];
	_ =	sdelay $0x4  }
0x8b: {  	v2 =	vshrl.u32 @!p1 v1, $0xE;
	v1 =	vand.u32 @!p1 $0x3FFF, v1  }
0x8c: {  	[tilespmem:$0x2870] =	vst @!p1 v2  }
0x8d: {  	[tilespmem:$0x2970] =	vst @!p1 v1  }
0x8e: {  	[tilespmem:s30], [sflag:$0x1] =	stream.indirect.gather @!p1 [hbm4b:s10+s28], $0x80, s29, s28, $0xb8;
	[tilespmem:$0x1E600] =	vst v63  }
0x8f: {  	_ =	swait.ge [sflag:s21], $0x4000  }
0x90: {  	[sflag:s21] =	ssyncset.done $0x0  }
0x91: {  	[sflag:s21] =	ssyncadd.s32 $0xFFFFC000  }
0x92: {  	[spmem:s1] =	stream.indirect.scatter.add.f32 [tilespmem:s18], [sflag:$0x3], $0x80, s22, s15, $0xb8;
	[tilespmem:$0x1E600] =	vst v63  }
0x93: {  	_ =	swait.ge [sflag:s13], $0x4000  }
0x94: {  	[sflag:s13] =	ssyncset.done $0x0  }
0x95: {  	s25 =	sshra.s32 s26, $0x2;
	[sflag:s13] =	ssyncadd.s32 $0xFFFFC000  }
0x96: {  	v1 =	vld [tilespmem:s25+$0x80];
	_ =	sdelay $0x4  }
0x97: {  	v2 =	vshrl.u32 v1, $0xE;
	v1 =	vand.u32 $0x3FFF, v1  }
0x98: {  	[tilespmem:$0x2880] =	vst v2  }
0x99: {  	[tilespmem:$0x2980] =	vst v1  }
0x9a: {  	v1 =	vld [tilespmem:s25+$0x90];
	_ =	sdelay $0x4  }
0x9b: {  	v2 =	vshrl.u32 v1, $0xE;
	v1 =	vand.u32 $0x3FFF, v1  }
0x9c: {  	[tilespmem:$0x2890] =	vst v2  }
0x9d: {  	[tilespmem:$0x2990] =	vst v1  }
0x9e: {  	v1 =	vld [tilespmem:s25+$0xA0];
	_ =	sdelay $0x4  }
0x9f: {  	v2 =	vshrl.u32 v1, $0xE;
	v1 =	vand.u32 $0x3FFF, v1  }
0xa0: {  	[tilespmem:$0x28A0] =	vst v2  }
0xa1: {  	[tilespmem:$0x29A0] =	vst v1  }
0xa2: {  	v1 =	vld [tilespmem:s25+$0xB0];
	_ =	sdelay $0x4  }
0xa3: {  	v2 =	vshrl.u32 v1, $0xE;
	v1 =	vand.u32 $0x3FFF, v1  }
0xa4: {  	[tilespmem:$0x28B0] =	vst v2  }
0xa5: {  	[tilespmem:$0x29B0] =	vst v1  }
0xa6: {  	v1 =	vld [tilespmem:s25+$0xC0];
	_ =	sdelay $0x4  }
0xa7: {  	v2 =	vshrl.u32 v1, $0xE;
	v1 =	vand.u32 $0x3FFF, v1  }
0xa8: {  	[tilespmem:$0x28C0] =	vst v2  }
0xa9: {  	[tilespmem:$0x29C0] =	vst v1  }
0xaa: {  	v1 =	vld [tilespmem:s25+$0xD0];
	_ =	sdelay $0x4  }
0xab: {  	v2 =	vshrl.u32 v1, $0xE;
	v1 =	vand.u32 $0x3FFF, v1  }
0xac: {  	[tilespmem:$0x28D0] =	vst v2  }
0xad: {  	[tilespmem:$0x29D0] =	vst v1  }
0xae: {  	v1 =	vld [tilespmem:s25+$0xE0];
	_ =	sdelay $0x4  }
0xaf: {  	v2 =	vshrl.u32 v1, $0xE;
	v1 =	vand.u32 $0x3FFF, v1  }
0xb0: {  	[tilespmem:$0x28E0] =	vst v2  }
0xb1: {  	[tilespmem:$0x29E0] =	vst v1  }
0xb2: {  	v1 =	vld [tilespmem:s25+$0xF0];
	_ =	sdelay $0x4  }
0xb3: {  	v2 =	vshrl.u32 v1, $0xE;
	v1 =	vand.u32 $0x3FFF, v1  }
0xb4: {  	p1 =	seq.s32 s26, $0x9C00;
	[tilespmem:$0x28F0] =	vst v2  }
0xb5: {  	s25 =	sshra.s32 @!p1 s26, $0x2;
	[tilespmem:$0x29F0] =	vst v1  }
0xb6: {  	[tilespmem:s18], [sflag:$0x2] =	stream.indirect.gather [hbm4b:s10+s15], $0x80, s17, s15, $0xb8;
	[tilespmem:$0x1E600] =	vst v63  }
0xb7: {  	_ =	swait.ge [sflag:s19], $0x4000  }
0xb8: {  	[sflag:s19] =	ssyncset.done $0x0  }
0xb9: {  	[sflag:s19] =	ssyncadd.s32 $0xFFFFC000  }
0xba: {  	[spmem:s1] =	stream.indirect.scatter.add.f32 [tilespmem:s14], [sflag:$0x3], $0x80, s20, s15, $0xb8;
	[tilespmem:$0x1E600] =	vst v63  }
0xbb: {  	_ =	swait.ge [sflag:s13], $0x4000  }
0xbc: {  	[sflag:s13] =	ssyncset.done $0x0  }
0xbd: {  	[sflag:s13] =	ssyncadd.s32 $0xFFFFC000  }
0xbe: {  	v1 =	vld @!p1 [tilespmem:s25+$0x100];
	_ =	sdelay $0x4  }
0xbf: {  	v2 =	vshrl.u32 @!p1 v1, $0xE;
	v1 =	vand.u32 @!p1 $0x3FFF, v1  }
0xc0: {  	[tilespmem:$0x2800] =	vst @!p1 v2  }
0xc1: {  	[tilespmem:$0x2900] =	vst @!p1 v1  }
0xc2: {  	v1 =	vld @!p1 [tilespmem:s25+$0x110];
	_ =	sdelay $0x4  }
0xc3: {  	v2 =	vshrl.u32 @!p1 v1, $0xE;
	v1 =	vand.u32 @!p1 $0x3FFF, v1  }
0xc4: {  	[tilespmem:$0x2810] =	vst @!p1 v2  }
0xc5: {  	[tilespmem:$0x2910] =	vst @!p1 v1  }
0xc6: {  	v1 =	vld @!p1 [tilespmem:s25+$0x120];
	_ =	sdelay $0x4  }
0xc7: {  	v2 =	vshrl.u32 @!p1 v1, $0xE;
	v1 =	vand.u32 @!p1 $0x3FFF, v1  }
0xc8: {  	[tilespmem:$0x2820] =	vst @!p1 v2  }
0xc9: {  	[tilespmem:$0x2920] =	vst @!p1 v1  }
0xca: {  	v1 =	vld @!p1 [tilespmem:s25+$0x130];
	_ =	sdelay $0x4  }
0xcb: {  	v2 =	vshrl.u32 @!p1 v1, $0xE;
	v1 =	vand.u32 @!p1 $0x3FFF, v1  }
0xcc: {  	[tilespmem:$0x2830] =	vst @!p1 v2  }
0xcd: {  	[tilespmem:$0x2930] =	vst @!p1 v1  }
0xce: {  	v1 =	vld @!p1 [tilespmem:s25+$0x140];
	_ =	sdelay $0x4  }
0xcf: {  	v2 =	vshrl.u32 @!p1 v1, $0xE;
	v1 =	vand.u32 @!p1 $0x3FFF, v1  }
0xd0: {  	[tilespmem:$0x2840] =	vst @!p1 v2  }
0xd1: {  	[tilespmem:$0x2940] =	vst @!p1 v1  }
0xd2: {  	v1 =	vld @!p1 [tilespmem:s25+$0x150];
	_ =	sdelay $0x4  }
0xd3: {  	v2 =	vshrl.u32 @!p1 v1, $0xE;
	v1 =	vand.u32 @!p1 $0x3FFF, v1  }
0xd4: {  	[tilespmem:$0x2850] =	vst @!p1 v2  }
0xd5: {  	s28 =	simm.s32 @!p1 $0x80;
	s29 =	simm.s32 @!p1 $0x2800;
	s30 =	simm.s32 @!p1 $0x2A00;
	[tilespmem:$0x2950] =	vst @!p1 v1  }
0xd6: {  	v1 =	vld @!p1 [tilespmem:s25+$0x160];
	_ =	sdelay $0x1  }
.Ltmp1:
0xd7: {  	(pc) =	sbr.rel @p0 .LBB2_4-.Ltmp1, $3  }
0xd8: {  	_ =	sdelay $0x1  }
0xd9: {  	v2 =	vshrl.u32 @!p1 v1, $0xE;
	v1 =	vand.u32 @!p1 $0x3FFF, v1  }
0xda: {  	[tilespmem:$0x2860] =	vst @!p1 v2  }
0xdb: {  	[tilespmem:$0x2960] =	vst @!p1 v1  }
0xdc: {  	v1 =	vld @!p1 [tilespmem:s25+$0x170];
	_ =	sdelay $0x4  }
0xdd: {  	v2 =	vshrl.u32 @!p1 v1, $0xE  }
0xde: {  	v1 =	vand.u32 @!p1 $0x3FFF, v1;
	[tilespmem:$0x2870] =	vst @!p1 v2  }
0xdf: {  	[tilespmem:$0x2970] =	vst @!p1 v1  }
0xe0: {  	[tilespmem:s30], [sflag:$0x1] =	stream.indirect.gather @!p1 [hbm4b:s10+s28], $0x80, s29, s28, $0xb8;
	[tilespmem:$0x1E600] =	vst v63  }
0xe1: {  	_ =	swait.ge [sflag:s21], $0x4000  }
0xe2: {  	[sflag:s21] =	ssyncset.done $0x0  }
0xe3: {  	[sflag:s21] =	ssyncadd.s32 $0xFFFFC000  }
0xe4: {  	[spmem:s1] =	stream.indirect.scatter.add.f32 [tilespmem:s18], [sflag:$0x3], $0x80, s22, s15, $0xb8;
	[tilespmem:$0x1E600] =	vst v63  }
0xe5: {  	_ =	swait.ge [sflag:s13], $0x4000  }
0xe6: {  	s24 =	sshll.u32 s2, $0x6;
	s23 =	sadd.s32 $0x1, s23;
	[sflag:s13] =	ssyncset.done $0x0  }
0xe7: {  	s31 =	sshrl.u32 s5, $0x3;
	p0 =	sne.s32 s23, s12;
	[sflag:s13] =	ssyncadd.s32 $0xFFFFC000  }
.Ltmp2:
0xe8: {  	s24 =	sor.u32 $0x1C03, s24;
	[bflag:$0x0] =	sbarrier.arrive $0xFFFF;
	(pc) =	sbr.rel @p0 .LBB2_1-.Ltmp2, $4  }
0xe9: {  	[hbm:s11], [sflag:s24] =	dma.local [spmem:s31], $0x2780  }
0xea: {  	_ =	swait.ge [sflag:s13], $0x2780  }
0xeb: {  	[sflag:s13] =	ssyncset.done $0x0  }
0xec: {  	[sflag:s13] =	ssyncadd.s32 $0xFFFFD880  }
0xed: {  	_ =	sfence.sel $0x180000  }
0xee: {  	[bflag:$0x0] =	sbarrier.arrive $0xFFFF  }
0xef: {  	p0 =	sne.s32 s2, $0x0;
	_ =	strace $0x90000053  }
0xf0: {  	s0 =	sadd.s32 @!p0 $0x100000, s0;
	[bflag:$0x2] =	sbarrier.arrive $0xFFFF  }
0xf1: {  	[sflag:s0] =	ssyncadd.tile.s32 @!p0 $0x1;
	_ =	shalt  }
.Lfunc_end2:
_tile_overlayer_lowered:
.L_overlay_start_2:
0xf2: {  	(tag) =	ssettag $0x2  }
0xf3: {  	s0 =	rddreg [dreg:$0x0];
	s2 =	stileid.u32  }
0xf4: {  	s1 =	rddreg [dreg:$0x1];
	p0 =	sne.s32 s2, $0x0  }
0xf5: {  	s3 =	rddreg [dreg:$0x2];
	[bflag:$0x3] =	sbarrier.arrive $0xFFFF;
	s2 =	simm.s32 @!p0 $0x1C03  }
0xf6: {  	[timem:s3], [sflag:s2] =	dma.local @!p0 [hbm:s0], s1  }
0xf7: {  	s0 =	simm.s32 @!p0 $0x3  }
0xf8: {  	_ =	swait.ge @!p0 [sflag:s0], s1  }
0xf9: {  	s1 =	ssub.s32 @!p0 $0x0, s1;
	[sflag:s0] =	ssyncset.done @!p0 $0x0  }
0xfa: {  	[sflag:s0] =	ssyncadd.s32 @!p0 s1  }
0xfb: {  	[bflag:$0x3] =	sbarrier.arrive $0xFFFF  }
0xfc: {  	_ =	shalt  }

// kernel: kernel.25.cloned.1.call-start
scs
__scs_entry_jumppad:
0x0: {  	(pc) =	sbr.rel $0x88, $3  }
0x1: {  	(tag) =	ssettag $0x0;
	lr =	simm.s32 $0x1  }
0x2: {  	[smem:$0x3F95] =	sst lr;
	_ =	strace $0xD0000000  }
0x3: {  	_ = 	snop  }
0x4: {  	_ = 	snop  }
0x5: {  	_ = 	snop  }
0x6: {  	_ = 	snop  }
0x7: {  	_ = 	snop  }
__scs_overlays_trampoline_lowered:
0x8: {  	[smem:$0x3FA4] =	sst s0  }
0x9: {  	[smem:$0x3FA5] =	sst s1  }
0xa: {  	[smem:$0x3FA6] =	sst s2  }
0xb: {  	[smem:$0x3FA7] =	sst s3  }
0xc: {  	[smem:$0x3FA8] =	sst s4  }
0xd: {  	[smem:$0x3FA9] =	sst s5  }
0xe: {  	[smem:$0x3FAA] =	sst s6  }
0xf: {  	[smem:$0x3FAB] =	sst s7  }
0x10: {  	[smem:$0x3FAC] =	sst s8  }
0x11: {  	[smem:$0x3FAD] =	sst s9;
	s0 =	simm.s32 @!p0 $0x0  }
0x12: {  	s1 =	sld [smem:$0x3F93];
	s0 =	simm.s32 @p0 $0x1  }
0x13: {  	[smem:$0x3FAE] =	sst s0;
	s0 =	simm.s32 @!p1 $0x0  }
0x14: {  	s2 =	sld [smem:$0x3F92];
	s0 =	simm.s32 @p1 $0x1  }
0x15: {  	[smem:$0x3FAF] =	sst s0;
	s0 =	simm.s32 @!p2 $0x0  }
0x16: {  	s3 =	sld [smem:$0x3FDB];
	s0 =	simm.s32 @p2 $0x1  }
0x17: {  	s4 =	simm.s32 $0x1BF5;
	[smem:$0x3FB1] =	sst s0  }
0x18: {  	s0 =	sld [smem:$0x3F94];
	_ =	swait.ge [sflag:s4], $0x0  }
0x19: {  	s7 =	sld [smem:$0x3F95]  }
0x1a: {  	s8 =	sadd.s32 $0xFFFFE003, lr  }
0x1b: {  	s9 =	sadd.s32 $0xFFFFFEF7, lr;
	s5 =	simm.s32 $0xFFFFFFFF;
	p2 =	slt.u32 s8, $0xFFFFF086  }
0x1c: {  	p1 =	slt.u32 s9, $0xF7A;
	s5 =	simm.s32 @!p2 $0x0  }
0x1d: {  	s5 =	simm.s32 @p1 $0x1;
	p0 =	seq.s32 s7, s2  }
0x1e: {  	s7 =	smul.u32 @!p0 $0xF7A, s2;
	p2 =	seq.s32 @!p0 s5, $0x0  }
0x1f: {  	s9 =	smul.u32 $0xF7A, s1;
	s8 =	simm.s32 @!p0 $0x1BF5;
	p2 =	por !p2, p0  }
0x20: {  	[sflag:s8] =	ssyncset.s32 @!p0 $0xFFFFF086;
	s6 =	sadd.s32 @!p0 s3, s7;
	s7 =	simm.s32 @!p0 $0x108  }
0x21: {  	s3 =	sadd.s32 s3, s9;
	s6 =	sadd.s32 @!p0 $0x88, s6;
	s7 =	simm.s32 @p2 $0x1082  }
0x22: {  	[simem:s7], [sflag:s8] =	dma.local @!p0 [hbm:s6], $0xF7A  }
0x23: {  	s9 =	sor.u32 $0xD0000000, s2;
	s6 =	simm.s32 $0x108;
	_ =	swait.ge @!p0 [sflag:s8], $0x0  }
0x24: {  	s3 =	sadd.s32 $0x88, s3;
	s6 =	simm.s32 @!p1 $0x1082;
	[sflag:s4] =	ssyncset.s32 $0xFFFFF086  }
0x25: {  	[simem:s6], [sflag:s4] =	dma.local [hbm:s3], $0xF7A  }
0x26: {  	[smem:$0x3F95] =	sst s1;
	(tag) =	ssettag s2;
	_ =	strace s9  }
0x27: {  	s1 =	sld [smem:$0x3FA5]  }
0x28: {  	s2 =	sld [smem:$0x3FA6]  }
0x29: {  	s4 =	sld [smem:$0x3FA8]  }
0x2a: {  	p0 =	seq.s32 s5, $0x0;
	s5 =	sld [smem:$0x3FA9]  }
0x2b: {  	s6 =	sld [smem:$0x3FAA]  }
0x2c: {  	s7 =	sld [smem:$0x3FAB]  }
0x2d: {  	s3 =	simm.s32 $0x108;
	s8 =	sld [smem:$0x3FAC]  }
0x2e: {  	s3 =	simm.s32 @!p0 $0x1082;
	s9 =	sld [smem:$0x3FAD]  }
0x2f: {  	lr =	sadd.s32 s0, s3;
	s0 =	sld [smem:$0x3FA4]  }
0x30: {  	s3 =	sld [smem:$0x3FA7]  }
0x31: {  	[smem:$0x3FB0] =	sst s10  }
0x32: {  	s10 =	sld [smem:$0x3FAE];
	_ =	sdelay $0x3  }
0x33: {  	p0 =	seq.s32 s10, $0x1;
	s10 =	sld [smem:$0x3FB0];
	_ =	sdelay $0x3  }
0x34: {  	[smem:$0x3FB0] =	sst s10  }
0x35: {  	s10 =	sld [smem:$0x3FAF];
	_ =	sdelay $0x3  }
0x36: {  	p1 =	seq.s32 s10, $0x1;
	s10 =	sld [smem:$0x3FB0];
	_ =	sdelay $0x3  }
0x37: {  	[smem:$0x3FB0] =	sst s10  }
0x38: {  	s10 =	sld [smem:$0x3FB1]  }
0x39: {  	_ = 	snop;
	(pc) =	sbr.ind lr, $3  }
0x3a: {  	_ = 	snop  }
0x3b: {  	_ = 	snop  }
0x3c: {  	p2 =	seq.s32 s10, $0x1;
	s10 =	sld [smem:$0x3FB0]  }
0x3d: {  	_ =	shalt  }
0x3e: {  	_ =	shalt  }
0x3f: {  	_ =	shalt  }
0x40: {  	_ =	shalt  }
0x41: {  	_ =	shalt  }
0x42: {  	_ =	shalt  }
0x43: {  	_ =	shalt  }
0x44: {  	_ =	shalt  }
0x45: {  	_ =	shalt  }
0x46: {  	_ =	shalt  }
0x47: {  	_ =	shalt  }
0x48: {  	_ =	shalt  }
0x49: {  	_ =	shalt  }
0x4a: {  	_ =	shalt  }
0x4b: {  	_ =	shalt  }
0x4c: {  	_ =	shalt  }
0x4d: {  	_ =	shalt  }
0x4e: {  	_ =	shalt  }
0x4f: {  	_ =	shalt  }
0x50: {  	_ =	shalt  }
0x51: {  	_ =	shalt  }
0x52: {  	_ =	shalt  }
0x53: {  	_ =	shalt  }
0x54: {  	_ =	shalt  }
0x55: {  	_ =	shalt  }
0x56: {  	_ =	shalt  }
0x57: {  	_ =	shalt  }
0x58: {  	_ =	shalt  }
0x59: {  	_ =	shalt  }
0x5a: {  	_ =	shalt  }
0x5b: {  	_ =	shalt  }
0x5c: {  	_ =	shalt  }
0x5d: {  	_ =	shalt  }
0x5e: {  	_ =	shalt  }
0x5f: {  	_ =	shalt  }
0x60: {  	_ =	shalt  }
0x61: {  	_ =	shalt  }
0x62: {  	_ =	shalt  }
0x63: {  	_ =	shalt  }
0x64: {  	_ =	shalt  }
0x65: {  	_ =	shalt  }
0x66: {  	_ =	shalt  }
0x67: {  	_ =	shalt  }
0x68: {  	_ =	shalt  }
0x69: {  	_ =	shalt  }
0x6a: {  	_ =	shalt  }
0x6b: {  	_ =	shalt  }
0x6c: {  	_ =	shalt  }
0x6d: {  	_ =	shalt  }
0x6e: {  	_ =	shalt  }
0x6f: {  	_ =	shalt  }
0x70: {  	_ =	shalt  }
0x71: {  	_ =	shalt  }
0x72: {  	_ =	shalt  }
0x73: {  	_ =	shalt  }
0x74: {  	_ =	shalt  }
0x75: {  	_ =	shalt  }
0x76: {  	_ =	shalt  }
0x77: {  	_ =	shalt  }
0x78: {  	_ =	shalt  }
0x79: {  	_ =	shalt  }
0x7a: {  	_ =	shalt  }
0x7b: {  	_ =	shalt  }
0x7c: {  	_ =	shalt  }
0x7d: {  	_ =	shalt  }
0x7e: {  	_ =	shalt  }
0x7f: {  	_ =	shalt  }
0x80: {  	_ =	shalt  }
0x81: {  	_ =	shalt  }
0x82: {  	_ =	shalt  }
0x83: {  	_ =	shalt  }
0x84: {  	_ =	shalt  }
0x85: {  	_ =	shalt  }
0x86: {  	_ =	shalt  }
0x87: {  	_ =	shalt  }
.Lfunc_end0:
.L_simem_size_0:
called_computation.4_lowered:
.L_overlay_start_0:
0x88: {  	s2 =	sld [smem:$0x3FD9]  }
0x89: {  	s3 =	sld [smem:$0x3FFE];
	_ =	sdelay $0x1  }
0x8a: {  	s1 =	srdreg.scid  }
0x8b: {  	s0 =	sand.u32 $0x1, s1  }
0x8c: {  	s15 =	sshll.u32 s0, $0xA;
	s2 =	sadd.s32 s3, s2  }
0x8d: {  	s2 =	sadd.s32 s2, s15  }
0x8e: {  	[smem:$0x3FBC] =	sst s2  }
0x8f: {  	_ = 	snop  }
0x90: {  	s2 =	sld [smem:$0x3FD0];
	_ =	sdelay $0x2  }
0x91: {  	s16 =	simm.s32 $0xB;
	s4 =	simm.s32 $0x10  }
0x92: {  	[smem:s4], [sflag:s16] =	dma.local [hbm:s2], $0x1  }
0x93: {  	_ =	swait.eq [sflag:s16], $0x1  }
0x94: {  	[sflag:s16] =	ssyncset.done $0x0  }
0x95: {  	[sflag:s16] =	ssyncadd.s32 $0xFFFFFFFF  }
0x96: {  	s17 =	sld [smem:$0x11];
	(tm) =	ssettm $0x1  }
0x97: {  	s18 =	sld [smem:$0x3FFB];
	_ =	sdelay $0x3  }
0x98: {  	_ =	strace s18  }
0x99: {  	s2 =	sld [smem:$0x3FFC];
	_ =	sdelay $0x3  }
0x9a: {  	_ =	strace s2  }
0x9b: {  	s2 =	sld [smem:$0x3FFD];
	_ =	sdelay $0x3  }
0x9c: {  	_ =	strace s2  }
0x9d: {  	_ =	strace $0x8FFFFFFF  }
0x9e: {  	s19 =	sld [smem:$0x3FDB];
	_ =	sdelay $0x1  }
0x9f: {  	s20 =	simm.s32 $_scs_section_size  }
0xa0: {  	s5 =	simm.s32 $_size__tile_overlayer_lowered;
	s6 =	simm.s32 $_tile_overlayer_lowered  }
0xa1: {  	s7 =	simm.s32 $0x1BFF;
	s21 =	sshll.u32 s6, $0x1;
	s4 =	sadd.s32 s20, s19  }
0xa2: {  	s22 =	simm.s32 $0x0;
	s5 =	sshll.u32 s5, $0x1;
	s6 =	sadd.s32 s21, s4  }
0xa3: {  	[timem:s22], [sflag:s7] =	dma.local [hbm:s6], s5  }
0xa4: {  	_ =	swait.ge [sflag:s7], s5  }
0xa5: {  	s5 =	ssub.s32 $0x0, s5;
	[sflag:s7] =	ssyncset.done $0x0  }
0xa6: {  	[sflag:s7] =	ssyncadd.s32 s5;
	_ =	sdelay $0x1  }
0xa7: {  	s23 =	simm.s32 $0x1B8B  }
0xa8: {  	_ =	swait.ge [sflag:s23], $0x1  }
0xa9: {  	[sflag:s23] =	ssyncset.done $0x0  }
0xaa: {  	[sflag:s23] =	ssyncadd.s32 $0xFFFFFFFF  }
0xab: {  	s5 =	sld [smem:$0x0]  }
0xac: {  	s6 =	sand.u32 $0xFFFFFFFE, s1  }
0xad: {  	p0 =	sne.s32 s1, s6  }
0xae: {  	s6 =	sshll.u32 @p0 s6, $0xE  }
0xaf: {  	s6 =	sadd.s32 @p0 $0x11B8D, s6;
	s7 =	sshll.u32 @p0 s5, $0x11  }
0xb0: {  	s6 =	sor.u32 @p0 s7, s6  }
0xb1: {  	[sflag:s6] =	ssyncadd.remote.s32 @p0 $0x1;
	_ =	sdelay $0x1  }
0xb2: {  	s6 =	simm.s32 @p0 $0x1B8D  }
0xb3: {  	_ =	swait.eq @p0 [sflag:s6], $0x1  }
0xb4: {  	[sflag:s6] =	ssyncadd.s32 @p0 $0xFFFFFFFF  }
0xb5: {  	s7 =	sshll.u32 @!p0 s1, $0xE  }
0xb6: {  	s7 =	sor.u32 @!p0 $0x4000, s7;
	s6 =	simm.s32 @!p0 $0x1B8D  }
0xb7: {  	s5 =	sshll.u32 @!p0 s5, $0x11;
	s7 =	sadd.s32 @!p0 $0x11B8D, s7;
	_ =	swait.eq @!p0 [sflag:s6], $0x1  }
0xb8: {  	s5 =	sor.u32 @!p0 s5, s7;
	[sflag:s6] =	ssyncadd.s32 @!p0 $0xFFFFFFFF  }
0xb9: {  	s25 =	simm.s32 $0x1B8E;
	s24 =	sld [smem:$0x3FFE];
	[sflag:s5] =	ssyncadd.remote.s32 @!p0 $0x1  }
0xba: {  	s26 =	simm.s32 $execute0_lowered;
	[smem:$0x3FD2] =	sst s25  }
0xbb: {  	s6 =	sshll.u32 s26, $0x1;
	_ =	strace $0x8000004F;
	[dreg:$0x1] =	wrdreg $0xFFFFFFFF  }
0xbc: {  	s28 =	simm.s32 $_size_execute0_lowered;
	s4 =	sadd.s32 s4, s6;
	[dreg:$0x0] =	wrdreg $0x0  }
0xbd: {  	s6 =	sshll.u32 s28, $0x1;
	[dreg:$0x2] =	wrdreg s4  }
0xbe: {  	[dreg:$0x3] =	wrdreg s6  }
0xbf: {  	[dreg:$0x4] =	wrdreg $0xC0  }
0xc0: {  	_ =	task [dreg:s22], $0x5FFFF  }
0xc1: {  	[dreg:$0x1] =	wrdreg $0xFFFFFFFF  }
0xc2: {  	[dreg:$0x0] =	wrdreg $0x60  }
0xc3: {  	[dreg:$0x2] =	wrdreg s17  }
0xc4: {  	[dreg:$0x3] =	wrdreg s24  }
0xc5: {  	[dreg:$0x4] =	wrdreg $0xAA000  }
0xc6: {  	[dreg:$0x5] =	wrdreg $0xA  }
0xc7: {  	_ =	task.clear_ibuf [dreg:s22], $0x6FFFF;
	_ =	strace $0x9000004F  }
0xc8: {  	s29 =	simm.s32 $0xA;
	_ =	strace $0x80000051  }
0xc9: {  	_ =	swait.ge [sflag:s29], $0x1  }
0xca: {  	[sflag:s29] =	ssyncadd.s32 $0xFFFFFFFF  }
0xcb: {  	_ =	strace $0x90000051  }
0xcc: {  	_ =	sfence  }
0xcd: {  	s30 =	sld [smem:$0x0];
	_ =	sdelay $0x2  }
0xce: {  	s31 =	sshll.u32 s1, $0xD;
	s1 =	sshrl.u32 s1, $0x2  }
0xcf: {  	s4 =	sand.u32 $0x4000, s31;
	s1 =	sadd.s32 s1, s30  }
0xd0: {  	s0 =	sor.u32 s4, s0;
	s1 =	sshll.u32 s1, $0x11  }
0xd1: {  	s0 =	sor.u32 s1, s0  }
0xd2: {  	s0 =	sadd.s32 $0x8F2B, s0  }
0xd3: {  	[sflag:s0] =	ssyncadd.remote.s32 $0x1  }
0xd4: {  	_ =	sfence.sel $0xFFFF  }
0xd5: {  	[dreg:$0x0] =	wrdreg $0xFFFFFFFF;
	(pc) =	sbr.abs _section_cstart, $3  }
0xd6: {  	[dreg:$0x1] =	wrdreg $0xFFFFFFFF  }
0xd7: {  	_ =	task.clear_ibuf [dreg:s22], $0x2FFFF;
	_ =	strace $0x9FFFFFFF  }
0xd8: {  	(tm) =	ssettm $0x7FFFFFFF  }
0xd9: {  	_ =	shalt  }
tec
execute0_lowered:
.L_overlay_start_1:
0x0: {  	(tag) =	ssettag $0x1  }
0x1: {  	s10 =	rddreg [dreg:$0x0]  }
0x2: {  	s4 =	rddreg [dreg:$0x1]  }
0x3: {  	s1 =	rddreg [dreg:$0x2];
	s2 =	srdreg.scid  }
0x4: {  	s0 =	rddreg [dreg:$0x3];
	s3 =	simm.s32 $0x0;
	s14 =	simm.s32 $0x2A00  }
0x5: {  	s15 =	simm.s32 $0x80;
	s16 =	simm.s32 $0x2800;
	s17 =	simm.s32 $0x2880  }
0x6: {  	s18 =	simm.s32 $0x6A00;
	s19 =	simm.s32 $0x1;
	s6 =	sand.u32 $0x1, s2  }
0x7: {  	s20 =	simm.s32 $0x2900;
	s2 =	stileid.u32;
	s5 =	smul.u32 $0x13C000, s6  }
0x8: {  	s21 =	simm.s32 $0x2;
	s22 =	simm.s32 $0x2980;
	s7 =	smul.u32 $0x13C00, s2  }
0x9: {  	s23 =	simm.s32 $0x0;
	[smem:$0x7FF] =	sst s3;
	s8 =	smul.u32 $0x500, s2  }
0xa: {  	_ =	strace $0x80000050;
	s29 =	ssub.s32 $0x2, s6;
	s9 =	smul.u32 $0x4F000, s2  }
0xb: {  	s31 =	smul.u32 $0x27100, s6;
	s11 =	sshrl.u32 s29, $0x1;
	s5 =	sadd.s32 s7, s5  }
0xc: {  	s8 =	sadd.s32 s8, s4;
	s30 =	sshrl.u32 s9, $0x2;
	s5 =	sshrl.u32 s5, $0x3  }
0xd: {  	s13 =	ssub.s32 s29, s11;
	s12 =	sadd.s32 s5, s4;
	s5 =	sadd.s32 s30, s1  }
0xe: {  	s10 =	sadd.s32 s10, s31;
	s4 =	sadd.s32 $0x8000, s8;
	s6 =	sadd.s32 $0x4000, s5  }
0xf: {  	s7 =	sadd.s32 $0x8000, s5;
	s8 =	sadd.s32 $0xC000, s5;
	s9 =	sadd.s32 $0x10000, s5  }
0x10: {  	v0 =	vimm.f32 $0.0e+00;
	s11 =	sadd.s32 $0xD000, s12;
	s12 =	smax.u32 s13, $0x1;
	s13 =	simm.s32 $0x3  }
.LBB2_1:
0x11: {  	[tilespmem:s3], [sflag:$0x3] =	stream.linear.gather [hbm4b:s4+s3], $0x2800, $0x38;
	[tilespmem:$0x1E600] =	vst v63  }
0x12: {  	s24 =	sand.u32 $0xFE00, s3;
	s25 =	sand.u32 $0x70, s3;
	_ =	swait.ge [sflag:s13], $0x2800  }
0x13: {  	s26 =	sshrl.u32 s24, $0x2;
	s24 =	simm.s32 $0x40;
	[sflag:s13] =	ssyncset.done $0x0  }
0x14: {  	s26 =	sor.u32 s25, s26;
	s25 =	simm.s32 $0x0;
	[sflag:s13] =	ssyncadd.s32 $0xFFFFD800  }
.LBB2_2:
0x15: {  	p0 =	sne.s32 s24, $0xFFC0  }
0x16: {  	[tilespmem:s26+$0x2A00] =	vst v0;
	s25 =	sadd.s32 $0x10, s25;
	s26 =	smov.u32 s24;
	s24 =	sadd.s32 $0x40, s24  }
.Ltmp0:
0x17: {  	(pc) =	sbr.rel @p0 .LBB2_2-.Ltmp0, $4  }
0x18: {  	_ = 	snop  }
0x19: {  	s26 =	sand.u32 $0xFE00, s26  }
0x1a: {  	s28 =	sand.u32 $0x70, s25;
	s26 =	sshrl.u32 s26, $0x2  }
0x1b: {  	s26 =	sor.u32 s28, s26  }
0x1c: {  	[tilespmem:s26+$0x2A00] =	vst v0  }
0x1d: {  	[spmem:s5] =	stream.linear.scatter [tilespmem:s14], [sflag:$0x3], $0x4000, $0x38;
	[tilespmem:$0x1E600] =	vst v63  }
0x1e: {  	_ =	swait.ge [sflag:s13], $0x4000  }
0x1f: {  	[sflag:s13] =	ssyncset.done $0x0  }
0x20: {  	[sflag:s13] =	ssyncadd.s32 $0xFFFFC000  }
0x21: {  	[spmem:s6] =	stream.linear.scatter [tilespmem:s14], [sflag:$0x3], $0x4000, $0x38;
	[tilespmem:$0x1E600] =	vst v63  }
0x22: {  	_ =	swait.ge [sflag:s13], $0x4000  }
0x23: {  	[sflag:s13] =	ssyncset.done $0x0  }
0x24: {  	[sflag:s13] =	ssyncadd.s32 $0xFFFFC000  }
0x25: {  	[spmem:s7] =	stream.linear.scatter [tilespmem:s14], [sflag:$0x3], $0x4000, $0x38;
	[tilespmem:$0x1E600] =	vst v63  }
0x26: {  	_ =	swait.ge [sflag:s13], $0x4000  }
0x27: {  	[sflag:s13] =	ssyncset.done $0x0  }
0x28: {  	[sflag:s13] =	ssyncadd.s32 $0xFFFFC000  }
0x29: {  	[spmem:s8] =	stream.linear.scatter [tilespmem:s14], [sflag:$0x3], $0x4000, $0x38;
	[tilespmem:$0x1E600] =	vst v63  }
0x2a: {  	_ =	swait.ge [sflag:s13], $0x4000  }
0x2b: {  	[sflag:s13] =	ssyncset.done $0x0  }
0x2c: {  	[sflag:s13] =	ssyncadd.s32 $0xFFFFC000  }
0x2d: {  	[spmem:s9] =	stream.linear.scatter [tilespmem:s14], [sflag:$0x3], $0x3C00, $0x38;
	[tilespmem:$0x1E600] =	vst v63  }
0x2e: {  	_ =	swait.ge [sflag:s13], $0x3C00  }
0x2f: {  	[sflag:s13] =	ssyncset.done $0x0  }
0x30: {  	[sflag:s13] =	ssyncadd.s32 $0xFFFFC400  }
0x31: {  	[bflag:$0x0] =	sbarrier.arrive $0xFFFF  }
0x32: {  	v1 =	vld [tilespmem:$0x0];
	_ =	sdelay $0x1  }
0x33: {  	v2 =	vld [tilespmem:$0x10];
	_ =	sdelay $0x1  }
0x34: {  	v3 =	vld [tilespmem:$0x20]  }
0x35: {  	v4 =	vshrl.u32 v1, $0xE  }
0x36: {  	v62 =	vld [tilespmem:$0x30];
	v1 =	vand.u32 $0x3FFF, v1;
	[tilespmem:$0x2800] =	vst v4  }
0x37: {  	[tilespmem:$0x2900] =	vst v1;
	v1 =	vshrl.u32 v2, $0xE  }
0x38: {  	[tilespmem:$0x2810] =	vst v1;
	v1 =	vand.u32 $0x3FFF, v2;
	v2 =	vld [tilespmem:$0x40]  }
0x39: {  	[tilespmem:$0x2910] =	vst v1;
	v1 =	vshrl.u32 v3, $0xE  }
0x3a: {  	[tilespmem:$0x2820] =	vst v1;
	v1 =	vand.u32 $0x3FFF, v3;
	v3 =	vld [tilespmem:$0x50]  }
0x3b: {  	[tilespmem:$0x2920] =	vst v1;
	v1 =	vshrl.u32 v62, $0xE  }
0x3c: {  	v63 =	vld [tilespmem:$0x60];
	[tilespmem:$0x2830] =	vst v1;
	v1 =	vand.u32 $0x3FFF, v62  }
0x3d: {  	[tilespmem:$0x2930] =	vst v1;
	v1 =	vshrl.u32 v2, $0xE  }
0x3e: {  	[tilespmem:$0x2840] =	vst v1;
	v1 =	vand.u32 $0x3FFF, v2;
	v2 =	vld [tilespmem:$0x70]  }
0x3f: {  	[tilespmem:$0x2940] =	vst v1;
	v1 =	vshrl.u32 v3, $0xE  }
0x40: {  	[tilespmem:$0x2850] =	vst v1;
	v1 =	vand.u32 $0x3FFF, v3  }
0x41: {  	[tilespmem:$0x2950] =	vst v1;
	v1 =	vshrl.u32 v63, $0xE  }
0x42: {  	[tilespmem:$0x2860] =	vst v1;
	v1 =	vand.u32 $0x3FFF, v63  }
0x43: {  	[tilespmem:$0x2960] =	vst v1;
	v1 =	vshrl.u32 v2, $0xE  }
0x44: {  	[tilespmem:$0x2870] =	vst v1;
	v1 =	vand.u32 $0x3FFF, v2  }
0x45: {  	s24 =	simm.s32 $0x0;
	[tilespmem:$0x2970] =	vst v1  }
0x46: {  	[tilespmem:s14], [sflag:$0x1] =	stream.indirect.gather [hbm4b:s10+s15], $0x80, s16, s15, $0xb8;
	[tilespmem:$0x1E600] =	vst v63  }
0x47: {  	v1 =	vld [tilespmem:s24+$0x80];
	_ =	sdelay $0x4  }
0x48: {  	v2 =	vshrl.u32 v1, $0xE  }
0x49: {  	v1 =	vand.u32 $0x3FFF, v1;
	[tilespmem:$0x2880] =	vst v2  }
0x4a: {  	[tilespmem:$0x2980] =	vst v1  }
0x4b: {  	v1 =	vld [tilespmem:s24+$0x90];
	_ =	sdelay $0x4  }
0x4c: {  	v2 =	vshrl.u32 v1, $0xE  }
0x4d: {  	v1 =	vand.u32 $0x3FFF, v1;
	[tilespmem:$0x2890] =	vst v2  }
0x4e: {  	[tilespmem:$0x2990] =	vst v1  }
0x4f: {  	v1 =	vld [tilespmem:s24+$0xA0];
	_ =	sdelay $0x4  }
0x50: {  	v2 =	vshrl.u32 v1, $0xE  }
0x51: {  	v1 =	vand.u32 $0x3FFF, v1;
	[tilespmem:$0x28A0] =	vst v2  }
0x52: {  	[tilespmem:$0x29A0] =	vst v1  }
0x53: {  	v1 =	vld [tilespmem:s24+$0xB0];
	_ =	sdelay $0x4  }
0x54: {  	v2 =	vshrl.u32 v1, $0xE  }
0x55: {  	v1 =	vand.u32 $0x3FFF, v1;
	[tilespmem:$0x28B0] =	vst v2  }
0x56: {  	[tilespmem:$0x29B0] =	vst v1  }
0x57: {  	v1 =	vld [tilespmem:s24+$0xC0];
	_ =	sdelay $0x4  }
0x58: {  	v2 =	vshrl.u32 v1, $0xE  }
0x59: {  	v1 =	vand.u32 $0x3FFF, v1;
	[tilespmem:$0x28C0] =	vst v2  }
0x5a: {  	[tilespmem:$0x29C0] =	vst v1  }
0x5b: {  	v1 =	vld [tilespmem:s24+$0xD0];
	_ =	sdelay $0x4  }
0x5c: {  	v2 =	vshrl.u32 v1, $0xE  }
0x5d: {  	v1 =	vand.u32 $0x3FFF, v1;
	[tilespmem:$0x28D0] =	vst v2  }
0x5e: {  	[tilespmem:$0x29D0] =	vst v1  }
0x5f: {  	v1 =	vld [tilespmem:s24+$0xE0];
	_ =	sdelay $0x4  }
0x60: {  	v2 =	vshrl.u32 v1, $0xE  }
0x61: {  	v1 =	vand.u32 $0x3FFF, v1;
	[tilespmem:$0x28E0] =	vst v2  }
0x62: {  	[tilespmem:$0x29E0] =	vst v1  }
0x63: {  	v1 =	vld [tilespmem:s24+$0xF0];
	_ =	sdelay $0x4  }
0x64: {  	v2 =	vshrl.u32 v1, $0xE  }
0x65: {  	v1 =	vand.u32 $0x3FFF, v1;
	[tilespmem:$0x28F0] =	vst v2  }
0x66: {  	[tilespmem:$0x29F0] =	vst v1  }
0x67: {  	[tilespmem:s18], [sflag:$0x2] =	stream.indirect.gather [hbm4b:s10+s15], $0x80, s17, s15, $0xb8;
	[tilespmem:$0x1E600] =	vst v63  }
0x68: {  	_ =	swait.ge [sflag:s19], $0x4000  }
0x69: {  	[sflag:s19] =	ssyncset.done $0x0  }
0x6a: {  	[sflag:s19] =	ssyncadd.s32 $0xFFFFC000  }
0x6b: {  	[spmem:s1] =	stream.indirect.scatter.add.f32 [tilespmem:s14], [sflag:$0x3], $0x80, s20, s15, $0xb8;
	[tilespmem:$0x1E600] =	vst v63  }
0x6c: {  	_ =	swait.ge [sflag:s13], $0x4000  }
0x6d: {  	p1 =	por $0x0, $0x0;
	[sflag:s13] =	ssyncset.done $0x0  }
0x6e: {  	s25 =	simm.s32 @!p1 $0x0;
	[sflag:s13] =	ssyncadd.s32 $0xFFFFC000  }
0x6f: {  	v1 =	vld @!p1 [tilespmem:s25+$0x100];
	_ =	sdelay $0x4  }
0x70: {  	v2 =	vshrl.u32 @!p1 v1, $0xE  }
0x71: {  	v1 =	vand.u32 @!p1 $0x3FFF, v1;
	[tilespmem:$0x2800] =	vst @!p1 v2  }
0x72: {  	[tilespmem:$0x2900] =	vst @!p1 v1  }
0x73: {  	v1 =	vld @!p1 [tilespmem:s25+$0x110];
	_ =	sdelay $0x4  }
0x74: {  	v2 =	vshrl.u32 @!p1 v1, $0xE  }
0x75: {  	v1 =	vand.u32 @!p1 $0x3FFF, v1;
	[tilespmem:$0x2810] =	vst @!p1 v2  }
0x76: {  	[tilespmem:$0x2910] =	vst @!p1 v1  }
0x77: {  	v1 =	vld @!p1 [tilespmem:s25+$0x120];
	_ =	sdelay $0x4  }
0x78: {  	v2 =	vshrl.u32 @!p1 v1, $0xE  }
0x79: {  	v1 =	vand.u32 @!p1 $0x3FFF, v1;
	[tilespmem:$0x2820] =	vst @!p1 v2  }
0x7a: {  	[tilespmem:$0x2920] =	vst @!p1 v1  }
0x7b: {  	v1 =	vld @!p1 [tilespmem:s25+$0x130];
	_ =	sdelay $0x4  }
0x7c: {  	v2 =	vshrl.u32 @!p1 v1, $0xE  }
0x7d: {  	v1 =	vand.u32 @!p1 $0x3FFF, v1;
	[tilespmem:$0x2830] =	vst @!p1 v2  }
0x7e: {  	[tilespmem:$0x2930] =	vst @!p1 v1  }
0x7f: {  	v1 =	vld @!p1 [tilespmem:s25+$0x140];
	_ =	sdelay $0x4  }
0x80: {  	v2 =	vshrl.u32 @!p1 v1, $0xE  }
0x81: {  	v1 =	vand.u32 @!p1 $0x3FFF, v1;
	[tilespmem:$0x2840] =	vst @!p1 v2  }
0x82: {  	[tilespmem:$0x2940] =	vst @!p1 v1  }
0x83: {  	v1 =	vld @!p1 [tilespmem:s25+$0x150];
	_ =	sdelay $0x4  }
0x84: {  	v2 =	vshrl.u32 @!p1 v1, $0xE  }
0x85: {  	v1 =	vand.u32 @!p1 $0x3FFF, v1;
	[tilespmem:$0x2850] =	vst @!p1 v2  }
0x86: {  	[tilespmem:$0x2950] =	vst @!p1 v1  }
0x87: {  	v1 =	vld @!p1 [tilespmem:s25+$0x160];
	_ =	sdelay $0x4  }
0x88: {  	s28 =	simm.s32 @!p1 $0x80;
	v2 =	vshrl.u32 @!p1 v1, $0xE  }
0x89: {  	s29 =	simm.s32 @!p1 $0x2800;
	s30 =	simm.s32 @!p1 $0x2A00;
	s24 =	simm.s32 $0x400;
	v1 =	vand.u32 @!p1 $0x3FFF, v1;
	[tilespmem:$0x2860] =	vst @!p1 v2  }
.LBB2_4:
0x8a: {  	[tilespmem:$0x2960] =	vst @!p1 v1;
	s26 =	smov.u32 s24;
	s24 =	sadd.s32 $0x400, s24  }
0x8b: {  	p0 =	sne.s32 s24, $0xA000;
	v1 =	vld @!p1 [tilespmem:s25+$0x170];
	_ =	sdelay $0x4  }
0x8c: {  	v2 =	vshrl.u32 @!p1 v1, $0xE;
	v1 =	vand.u32 @!p1 $0x3FFF, v1  }
0x8d: {  	[tilespmem:$0x2870] =	vst @!p1 v2  }
0x8e: {  	[tilespmem:$0x2970] =	vst @!p1 v1  }
0x8f: {  	[tilespmem:s30], [sflag:$0x1] =	stream.indirect.gather @!p1 [hbm4b:s10+s28], $0x80, s29, s28, $0xb8;
	[tilespmem:$0x1E600] =	vst v63  }
0x90: {  	_ =	swait.ge [sflag:s21], $0x4000  }
0x91: {  	[sflag:s21] =	ssyncset.done $0x0  }
0x92: {  	[sflag:s21] =	ssyncadd.s32 $0xFFFFC000  }
0x93: {  	[spmem:s1] =	stream.indirect.scatter.add.f32 [tilespmem:s18], [sflag:$0x3], $0x80, s22, s15, $0xb8;
	[tilespmem:$0x1E600] =	vst v63  }
0x94: {  	_ =	swait.ge [sflag:s13], $0x4000  }
0x95: {  	[sflag:s13] =	ssyncset.done $0x0  }
0x96: {  	s25 =	sshra.s32 s26, $0x2;
	[sflag:s13] =	ssyncadd.s32 $0xFFFFC000  }
0x97: {  	v1 =	vld [tilespmem:s25+$0x80];
	_ =	sdelay $0x4  }
0x98: {  	v2 =	vshrl.u32 v1, $0xE;
	v1 =	vand.u32 $0x3FFF, v1  }
0x99: {  	[tilespmem:$0x2880] =	vst v2  }
0x9a: {  	[tilespmem:$0x2980] =	vst v1  }
0x9b: {  	v1 =	vld [tilespmem:s25+$0x90];
	_ =	sdelay $0x4  }
0x9c: {  	v2 =	vshrl.u32 v1, $0xE;
	v1 =	vand.u32 $0x3FFF, v1  }
0x9d: {  	[tilespmem:$0x2890] =	vst v2  }
0x9e: {  	[tilespmem:$0x2990] =	vst v1  }
0x9f: {  	v1 =	vld [tilespmem:s25+$0xA0];
	_ =	sdelay $0x4  }
0xa0: {  	v2 =	vshrl.u32 v1, $0xE;
	v1 =	vand.u32 $0x3FFF, v1  }
0xa1: {  	[tilespmem:$0x28A0] =	vst v2  }
0xa2: {  	[tilespmem:$0x29A0] =	vst v1  }
0xa3: {  	v1 =	vld [tilespmem:s25+$0xB0];
	_ =	sdelay $0x4  }
0xa4: {  	v2 =	vshrl.u32 v1, $0xE;
	v1 =	vand.u32 $0x3FFF, v1  }
0xa5: {  	[tilespmem:$0x28B0] =	vst v2  }
0xa6: {  	[tilespmem:$0x29B0] =	vst v1  }
0xa7: {  	v1 =	vld [tilespmem:s25+$0xC0];
	_ =	sdelay $0x4  }
0xa8: {  	v2 =	vshrl.u32 v1, $0xE;
	v1 =	vand.u32 $0x3FFF, v1  }
0xa9: {  	[tilespmem:$0x28C0] =	vst v2  }
0xaa: {  	[tilespmem:$0x29C0] =	vst v1  }
0xab: {  	v1 =	vld [tilespmem:s25+$0xD0];
	_ =	sdelay $0x4  }
0xac: {  	v2 =	vshrl.u32 v1, $0xE;
	v1 =	vand.u32 $0x3FFF, v1  }
0xad: {  	[tilespmem:$0x28D0] =	vst v2  }
0xae: {  	[tilespmem:$0x29D0] =	vst v1  }
0xaf: {  	v1 =	vld [tilespmem:s25+$0xE0];
	_ =	sdelay $0x4  }
0xb0: {  	v2 =	vshrl.u32 v1, $0xE;
	v1 =	vand.u32 $0x3FFF, v1  }
0xb1: {  	[tilespmem:$0x28E0] =	vst v2  }
0xb2: {  	[tilespmem:$0x29E0] =	vst v1  }
0xb3: {  	v1 =	vld [tilespmem:s25+$0xF0];
	_ =	sdelay $0x4  }
0xb4: {  	v2 =	vshrl.u32 v1, $0xE;
	v1 =	vand.u32 $0x3FFF, v1  }
0xb5: {  	p1 =	seq.s32 s26, $0x9C00;
	[tilespmem:$0x28F0] =	vst v2  }
0xb6: {  	s25 =	sshra.s32 @!p1 s26, $0x2;
	[tilespmem:$0x29F0] =	vst v1  }
0xb7: {  	[tilespmem:s18], [sflag:$0x2] =	stream.indirect.gather [hbm4b:s10+s15], $0x80, s17, s15, $0xb8;
	[tilespmem:$0x1E600] =	vst v63  }
0xb8: {  	_ =	swait.ge [sflag:s19], $0x4000  }
0xb9: {  	[sflag:s19] =	ssyncset.done $0x0  }
0xba: {  	[sflag:s19] =	ssyncadd.s32 $0xFFFFC000  }
0xbb: {  	[spmem:s1] =	stream.indirect.scatter.add.f32 [tilespmem:s14], [sflag:$0x3], $0x80, s20, s15, $0xb8;
	[tilespmem:$0x1E600] =	vst v63  }
0xbc: {  	_ =	swait.ge [sflag:s13], $0x4000  }
0xbd: {  	[sflag:s13] =	ssyncset.done $0x0  }
0xbe: {  	[sflag:s13] =	ssyncadd.s32 $0xFFFFC000  }
0xbf: {  	v1 =	vld @!p1 [tilespmem:s25+$0x100];
	_ =	sdelay $0x4  }
0xc0: {  	v2 =	vshrl.u32 @!p1 v1, $0xE;
	v1 =	vand.u32 @!p1 $0x3FFF, v1  }
0xc1: {  	[tilespmem:$0x2800] =	vst @!p1 v2  }
0xc2: {  	[tilespmem:$0x2900] =	vst @!p1 v1  }
0xc3: {  	v1 =	vld @!p1 [tilespmem:s25+$0x110];
	_ =	sdelay $0x4  }
0xc4: {  	v2 =	vshrl.u32 @!p1 v1, $0xE;
	v1 =	vand.u32 @!p1 $0x3FFF, v1  }
0xc5: {  	[tilespmem:$0x2810] =	vst @!p1 v2  }
0xc6: {  	[tilespmem:$0x2910] =	vst @!p1 v1  }
0xc7: {  	v1 =	vld @!p1 [tilespmem:s25+$0x120];
	_ =	sdelay $0x4  }
0xc8: {  	v2 =	vshrl.u32 @!p1 v1, $0xE;
	v1 =	vand.u32 @!p1 $0x3FFF, v1  }
0xc9: {  	[tilespmem:$0x2820] =	vst @!p1 v2  }
0xca: {  	[tilespmem:$0x2920] =	vst @!p1 v1  }
0xcb: {  	v1 =	vld @!p1 [tilespmem:s25+$0x130];
	_ =	sdelay $0x4  }
0xcc: {  	v2 =	vshrl.u32 @!p1 v1, $0xE;
	v1 =	vand.u32 @!p1 $0x3FFF, v1  }
0xcd: {  	[tilespmem:$0x2830] =	vst @!p1 v2  }
0xce: {  	[tilespmem:$0x2930] =	vst @!p1 v1  }
0xcf: {  	v1 =	vld @!p1 [tilespmem:s25+$0x140];
	_ =	sdelay $0x4  }
0xd0: {  	v2 =	vshrl.u32 @!p1 v1, $0xE;
	v1 =	vand.u32 @!p1 $0x3FFF, v1  }
0xd1: {  	[tilespmem:$0x2840] =	vst @!p1 v2  }
0xd2: {  	[tilespmem:$0x2940] =	vst @!p1 v1  }
0xd3: {  	v1 =	vld @!p1 [tilespmem:s25+$0x150];
	_ =	sdelay $0x4  }
0xd4: {  	v2 =	vshrl.u32 @!p1 v1, $0xE;
	v1 =	vand.u32 @!p1 $0x3FFF, v1  }
0xd5: {  	[tilespmem:$0x2850] =	vst @!p1 v2  }
0xd6: {  	s28 =	simm.s32 @!p1 $0x80;
	s29 =	simm.s32 @!p1 $0x2800;
	s30 =	simm.s32 @!p1 $0x2A00;
	[tilespmem:$0x2950] =	vst @!p1 v1  }
0xd7: {  	v1 =	vld @!p1 [tilespmem:s25+$0x160];
	_ =	sdelay $0x1  }
.Ltmp1:
0xd8: {  	(pc) =	sbr.rel @p0 .LBB2_4-.Ltmp1, $3  }
0xd9: {  	_ =	sdelay $0x1  }
0xda: {  	v2 =	vshrl.u32 @!p1 v1, $0xE;
	v1 =	vand.u32 @!p1 $0x3FFF, v1  }
0xdb: {  	[tilespmem:$0x2860] =	vst @!p1 v2  }
0xdc: {  	[tilespmem:$0x2960] =	vst @!p1 v1  }
0xdd: {  	v1 =	vld @!p1 [tilespmem:s25+$0x170];
	_ =	sdelay $0x4  }
0xde: {  	v2 =	vshrl.u32 @!p1 v1, $0xE  }
0xdf: {  	v1 =	vand.u32 @!p1 $0x3FFF, v1;
	[tilespmem:$0x2870] =	vst @!p1 v2  }
0xe0: {  	[tilespmem:$0x2970] =	vst @!p1 v1  }
0xe1: {  	[tilespmem:s30], [sflag:$0x1] =	stream.indirect.gather @!p1 [hbm4b:s10+s28], $0x80, s29, s28, $0xb8;
	[tilespmem:$0x1E600] =	vst v63  }
0xe2: {  	_ =	swait.ge [sflag:s21], $0x4000  }
0xe3: {  	[sflag:s21] =	ssyncset.done $0x0  }
0xe4: {  	[sflag:s21] =	ssyncadd.s32 $0xFFFFC000  }
0xe5: {  	[spmem:s1] =	stream.indirect.scatter.add.f32 [tilespmem:s18], [sflag:$0x3], $0x80, s22, s15, $0xb8;
	[tilespmem:$0x1E600] =	vst v63  }
0xe6: {  	_ =	swait.ge [sflag:s13], $0x4000  }
0xe7: {  	s24 =	sshll.u32 s2, $0x6;
	s23 =	sadd.s32 $0x1, s23;
	[sflag:s13] =	ssyncset.done $0x0  }
0xe8: {  	s31 =	sshrl.u32 s5, $0x3;
	p0 =	sne.s32 s23, s12;
	[sflag:s13] =	ssyncadd.s32 $0xFFFFC000  }
.Ltmp2:
0xe9: {  	s24 =	sor.u32 $0x1C03, s24;
	[bflag:$0x0] =	sbarrier.arrive $0xFFFF;
	(pc) =	sbr.rel @p0 .LBB2_1-.Ltmp2, $4  }
0xea: {  	[hbm:s11], [sflag:s24] =	dma.local [spmem:s31], $0x2780  }
0xeb: {  	_ =	swait.ge [sflag:s13], $0x2780  }
0xec: {  	[sflag:s13] =	ssyncset.done $0x0  }
0xed: {  	[sflag:s13] =	ssyncadd.s32 $0xFFFFD880  }
0xee: {  	_ =	sfence.sel $0x180000  }
0xef: {  	[bflag:$0x0] =	sbarrier.arrive $0xFFFF  }
0xf0: {  	p0 =	sne.s32 s2, $0x0;
	_ =	strace $0x90000050  }
0xf1: {  	s0 =	sadd.s32 @!p0 $0x100000, s0;
	[bflag:$0x2] =	sbarrier.arrive $0xFFFF  }
0xf2: {  	[sflag:s0] =	ssyncadd.tile.s32 @!p0 $0x1;
	_ =	shalt  }
.Lfunc_end2:
_tile_overlayer_lowered:
.L_overlay_start_2:
0xf3: {  	(tag) =	ssettag $0x2  }
0xf4: {  	s0 =	rddreg [dreg:$0x0];
	s2 =	stileid.u32  }
0xf5: {  	s1 =	rddreg [dreg:$0x1];
	p0 =	sne.s32 s2, $0x0  }
0xf6: {  	s3 =	rddreg [dreg:$0x2];
	[bflag:$0x3] =	sbarrier.arrive $0xFFFF;
	s2 =	simm.s32 @!p0 $0x1C03  }
0xf7: {  	[timem:s3], [sflag:s2] =	dma.local @!p0 [hbm:s0], s1  }
0xf8: {  	s0 =	simm.s32 @!p0 $0x3  }
0xf9: {  	_ =	swait.ge @!p0 [sflag:s0], s1  }
0xfa: {  	s1 =	ssub.s32 @!p0 $0x0, s1;
	[sflag:s0] =	ssyncset.done @!p0 $0x0  }
0xfb: {  	[sflag:s0] =	ssyncadd.s32 @!p0 s1  }
0xfc: {  	[bflag:$0x3] =	sbarrier.arrive $0xFFFF  }
0xfd: {  	_ =	shalt  }

</sc_bundles>
